<compile_context>
chip_gen: v7x
topology: tpu7x:2x2x1
jax: 0.10.2.dev20260603
libtpu: 0.0.44.dev20260713+nightly
codegen_flags: <defaults>
</compile_context>

<pallas_src>
import functools

import jax
import jax.numpy as jnp
from jax import lax
from jax.experimental import pallas as pl
from jax.experimental.pallas import tpu as pltpu
from jax.experimental.pallas import tpu_sc as plsc

B = 16384
L = 200
D = 16
NC = 2
NS = 16
NW = NC * NS
BPW = B // NW
G = 8
NG = BPW // G
NBUF = 4
CHUNK = 128

_sc_mesh = plsc.VectorSubcoreMesh(core_axis_name="c", subcore_axis_name="s")


@functools.partial(
    pl.kernel,
    mesh=_sc_mesh,
    compiler_params=pltpu.CompilerParams(use_tc_tiling_on_sc=False),
    out_type=(
        jax.ShapeDtypeStruct((B, D), jnp.float32),
        jax.ShapeDtypeStruct((B, D), jnp.float32),
    ),
    scratch_types=(
        [pltpu.VMEM((G * L,), jnp.int32) for _ in range(NBUF)] +
        [pltpu.VMEM((G * L, D), jnp.float32) for _ in range(NBUF)] +
        [
            pltpu.VMEM((G, D), jnp.float32),
            pltpu.VMEM((BPW,), jnp.int32),
            pltpu.VMEM((BPW, D), jnp.float32),
        ] +
        [pltpu.SemaphoreType.DMA for _ in range(NBUF)]
    ),
)
def _sc_gather_pool(hist_flat, tgt_id, item_tab,
                    hist_sum_out, tgt_emb_out,
                    idx_0, idx_1, idx_2, idx_3,
                    rows_0, rows_1, rows_2, rows_3,
                    acc_v, uidx_v, urows_v,
                    sem_0, sem_1, sem_2, sem_3):
    idx_bufs = (idx_0, idx_1, idx_2, idx_3)
    rows_bufs = (rows_0, rows_1, rows_2, rows_3)
    sems = (sem_0, sem_1, sem_2, sem_3)
    sem_a = sem_0
    wid = lax.axis_index("s") * NC + lax.axis_index("c")
    base = wid * BPW

    def small_gather(ids_hbm, tab_hbm, out_hbm):
        pltpu.sync_copy(ids_hbm.at[pl.ds(base, BPW)], uidx_v)
        cps = [
            pltpu.async_copy(
                tab_hbm.at[uidx_v.at[pl.ds(c * CHUNK, CHUNK)]],
                urows_v.at[pl.ds(c * CHUNK, CHUNK)], sem_a)
            for c in range(BPW // CHUNK)
        ]
        for cp in cps:
            cp.wait()
        pltpu.sync_copy(urows_v, out_hbm.at[pl.ds(base, BPW)])

    small_gather(tgt_id, item_tab, tgt_emb_out)

    def load_idx(grp, idx_v):
        pltpu.sync_copy(hist_flat.at[pl.ds((base + grp * G) * L, G * L)],
                        idx_v)

    def fire(idx_v, rows_v, sem):
        nf, rem = (G * L) // CHUNK, (G * L) % CHUNK
        for c in range(nf):
            pltpu.async_copy(
                item_tab.at[idx_v.at[pl.ds(c * CHUNK, CHUNK)]],
                rows_v.at[pl.ds(c * CHUNK, CHUNK)], sem)
        if rem:
            pltpu.async_copy(
                item_tab.at[idx_v.at[pl.ds(nf * CHUNK, rem)]],
                rows_v.at[pl.ds(nf * CHUNK, rem)], sem)

    def drain(rows_v, sem):
        pltpu.make_async_copy(item_tab.at[pl.ds(0, G * L)], rows_v,
                              sem).wait()

    def reduce_store(rows_v, grp):
        for g in range(G):
            rbase = g * L

            def red(l, accs):
                a0, a1, a2, a3 = accs
                o = rbase + l * 8
                a0 = a0 + rows_v[o, :] + rows_v[o + 4, :]
                a1 = a1 + rows_v[o + 1, :] + rows_v[o + 5, :]
                a2 = a2 + rows_v[o + 2, :] + rows_v[o + 6, :]
                a3 = a3 + rows_v[o + 3, :] + rows_v[o + 7, :]
                return (a0, a1, a2, a3)

            z = jnp.zeros((D,), jnp.float32)
            a0, a1, a2, a3 = lax.fori_loop(0, L // 8, red, (z, z, z, z))
            acc_v[g, :] = (a0 + a1) + (a2 + a3)
        pltpu.sync_copy(acc_v, hist_sum_out.at[pl.ds(base + grp * G, G)])

    for j in range(NBUF - 1):
        load_idx(j, idx_bufs[j])
        fire(idx_bufs[j], rows_bufs[j], sems[j])

    def quad_body(q, carry):
        for j in range(NBUF):
            g = NBUF * q + j
            nxt = g + (NBUF - 1)

            @pl.when(nxt < NG)
            def _(j=j, nxt=nxt):
                b = (j + NBUF - 1) % NBUF
                load_idx(nxt, idx_bufs[b])
                fire(idx_bufs[b], rows_bufs[b], sems[b])

            drain(rows_bufs[j], sems[j])
            reduce_store(rows_bufs[j], g)
        return carry

    lax.fori_loop(0, NG // NBUF, quad_body, 0)


BLK = 2048


def _tc_mlp_body(hist_sum_ref, user_emb_ref, tgt_emb_ref, hlen_ref,
                 w1_ref, b1_ref, w2_ref, b2_ref,
                 user_out_ref, item_out_ref):
    denom = jnp.maximum(hlen_ref[...], 1).astype(jnp.float32)
    hist_mean = hist_sum_ref[...] / denom
    ui = jnp.concatenate([user_emb_ref[...], hist_mean], axis=-1)
    h = jnp.dot(ui, w1_ref[...], preferred_element_type=jnp.float32)
    h = jnp.maximum(h + b1_ref[...], 0.0)
    uv = jnp.dot(h, w2_ref[...], preferred_element_type=jnp.float32)
    uv = jnp.maximum(uv + b2_ref[...], 0.0)
    un = jnp.sqrt(jnp.sum(uv * uv, axis=-1, keepdims=True))
    user_out_ref[...] = uv / jnp.maximum(un, 1e-12)
    tv = tgt_emb_ref[...]
    tn = jnp.sqrt(jnp.sum(tv * tv, axis=-1, keepdims=True))
    item_out_ref[...] = tv / jnp.maximum(tn, 1e-12)


_tc_mlp = pl.pallas_call(
    _tc_mlp_body,
    grid=(B // BLK,),
    in_specs=[
        pl.BlockSpec((BLK, D), lambda i: (i, 0)),
        pl.BlockSpec((BLK, D), lambda i: (i, 0)),
        pl.BlockSpec((BLK, D), lambda i: (i, 0)),
        pl.BlockSpec((BLK, 1), lambda i: (i, 0)),
        pl.BlockSpec((2 * D, 64), lambda i: (0, 0)),
        pl.BlockSpec((1, 64), lambda i: (0, 0)),
        pl.BlockSpec((64, D), lambda i: (0, 0)),
        pl.BlockSpec((1, D), lambda i: (0, 0)),
    ],
    out_specs=[
        pl.BlockSpec((BLK, D), lambda i: (i, 0)),
        pl.BlockSpec((BLK, D), lambda i: (i, 0)),
    ],
    out_shape=[
        jax.ShapeDtypeStruct((B, D), jnp.float32),
        jax.ShapeDtypeStruct((B, D), jnp.float32),
    ],
)


def kernel(user_id, hist_item, hist_len, target_item, user_table, item_table,
           W1, b1, W2, b2):
    hist_sum, tgt_emb = _sc_gather_pool(hist_item.reshape(-1), target_item,
                                        item_table)
    user_emb = jnp.take(user_table, user_id, axis=0)
    user_vec, item_vec = _tc_mlp(
        hist_sum, user_emb, tgt_emb, hist_len.reshape(-1, 1),
        W1, b1.reshape(1, -1), W2, b2.reshape(1, -1))
    return (user_vec, item_vec)

# --- scband reference (transcript-rebuilt; emitter-appended) ---
"""Pipeline reference for scband-torch-youtube-dnn-30425548324908 (READ-ONLY COPY).

The authoritative reference and input builder live on the scoring server;
editing this copy changes nothing except your own understanding.
"""

import jax, jax.numpy as jnp
import numpy as np

USER_NUM = 1000000
ITEM_NUM = 1000000
EMB_DIM = 16
BATCH = 16384
HIST_LEN = 200


def setup_inputs(seed: int = 0) -> dict:
    key = jax.random.key(seed)
    ks = jax.random.split(key, 10)
    user_id = jax.random.randint(ks[0], (BATCH,), 0, USER_NUM)
    hist_item = jax.random.randint(ks[1], (BATCH, HIST_LEN), 0, ITEM_NUM)
    hist_len = jax.random.randint(ks[2], (BATCH,), 0, HIST_LEN)
    target_item = jax.random.randint(ks[3], (BATCH,), 0, ITEM_NUM)
    user_table = jax.random.normal(ks[4], (USER_NUM, EMB_DIM), dtype=jnp.float32) * 0.05
    item_table = jax.random.normal(ks[5], (ITEM_NUM, EMB_DIM), dtype=jnp.float32) * 0.05
    item_table = item_table.at[0].set(0.0)  # padding_idx=0
    W1 = jax.random.normal(ks[6], (2 * EMB_DIM, 64), dtype=jnp.float32) * (1.0 / np.sqrt(2 * EMB_DIM))
    b1 = jnp.zeros((64,), dtype=jnp.float32)
    W2 = jax.random.normal(ks[7], (64, 16), dtype=jnp.float32) * (1.0 / np.sqrt(64))
    b2 = jnp.zeros((16,), dtype=jnp.float32)
    return {
        "user_id": user_id,
        "hist_item": hist_item,
        "hist_len": hist_len,
        "target_item": target_item,
        "user_table": user_table,
        "item_table": item_table,
        "W1": W1,
        "b1": b1,
        "W2": W2,
        "b2": b2,
    }


def _l2_normalize(x):
    n = jnp.sqrt(jnp.sum(x * x, axis=-1, keepdims=True))
    return x / jnp.maximum(n, 1e-12)


def reference(user_id, hist_item, hist_len, target_item, user_table, item_table, W1, b1, W2, b2):
    # user tower
    user_emb = jnp.take(user_table, user_id, axis=0)              # [B, D]
    hist_emb = jnp.take(item_table, hist_item, axis=0)            # [B, L, D]
    mask = (hist_item != 0).astype(jnp.float32)[..., None]        # [B, L, 1]
    hist_sum = jnp.sum(hist_emb * mask, axis=1)                   # [B, D]
    denom = jnp.clip(hist_len, 1, None).astype(jnp.float32)[:, None]
    hist_mean = hist_sum / denom
    user_input = jnp.concatenate([user_emb, hist_mean], axis=-1)  # [B, 2D]
    h = jax.nn.relu(user_input @ W1 + b1)
    user_vec = jax.nn.relu(h @ W2 + b2)
    user_vec = _l2_normalize(user_vec)
    # item tower
    item_vec = _l2_normalize(jnp.take(item_table, target_item, axis=0))
    return (user_vec, item_vec)

if __name__ == "__main__":
    import jax
    _d = setup_inputs()
    print(jax.jit(kernel)(*tuple(_d.values())))

</pallas_src>

<mosaic_0001>
#map = affine_map<(d0, d1) -> (0)>
#map1 = affine_map<(d0, d1) -> (0, 0)>
module attributes {stable_mosaic.version = 14 : i64} {
  func.func @_sc_gather_pool(%arg0: i32, %arg1: i32, %arg2: memref<3276800xi32, #tpu.memory_space<hbm>>, %arg3: memref<16384xi32, #tpu.memory_space<hbm>>, %arg4: memref<1000000x16xf32, #tpu.memory_space<hbm>>, %arg5: memref<16384x16xf32, #tpu.memory_space<hbm>>, %arg6: memref<16384x16xf32, #tpu.memory_space<hbm>>, %arg7: memref<1600xi32, #tpu.memory_space<vmem>>, %arg8: memref<1600xi32, #tpu.memory_space<vmem>>, %arg9: memref<1600xi32, #tpu.memory_space<vmem>>, %arg10: memref<1600xi32, #tpu.memory_space<vmem>>, %arg11: memref<1600x16xf32, #tpu.memory_space<vmem>>, %arg12: memref<1600x16xf32, #tpu.memory_space<vmem>>, %arg13: memref<1600x16xf32, #tpu.memory_space<vmem>>, %arg14: memref<1600x16xf32, #tpu.memory_space<vmem>>, %arg15: memref<8x16xf32, #tpu.memory_space<vmem>>, %arg16: memref<512xi32, #tpu.memory_space<vmem>>, %arg17: memref<512x16xf32, #tpu.memory_space<vmem>>, %arg18: memref<!tpu.dma_semaphore, #tpu.memory_space<semaphore_mem>>, %arg19: memref<!tpu.dma_semaphore, #tpu.memory_space<semaphore_mem>>, %arg20: memref<!tpu.dma_semaphore, #tpu.memory_space<semaphore_mem>>, %arg21: memref<!tpu.dma_semaphore, #tpu.memory_space<semaphore_mem>>) attributes {dimension_semantics = [#tpu.dimension_semantics<core_parallel>, #tpu.dimension_semantics<subcore_parallel>], iteration_bounds = array<i64: 2, 16>, scalar_prefetch = 0 : i64, scratch_operands = 15 : i64, tpu.core_type = #tpu.core_type<sc_vector_subcore>, window_params = [{transform_indices = #map}, {transform_indices = #map}, {transform_indices = #map1}, {transform_indices = #map1}, {transform_indices = #map1}]} {
    %mul3A = arith.constant 2 : i32
    %mul3A_0 = arith.muli %arg1, %mul3A : i32
    %add3A = arith.addi %mul3A_0, %arg0 : i32
    %mul3A_1 = arith.constant 512 : i32
    %mul3A_2 = arith.muli %add3A, %mul3A_1 : i32
    "tpu.region"() ({
      %run_scoped3A = tpu.sem_alloc : memref<!tpu.dma_semaphore, #tpu.memory_space<semaphore_mem>>
      %dma_start3A_394 = tpu.memref_slice %arg3[%mul3A_2] : memref<16384xi32, #tpu.memory_space<hbm>> -> memref<512xi32, #tpu.memory_space<hbm>>
      %dma_start3A_395 = tpu.memref_slice %arg3[%mul3A_2] : memref<16384xi32, #tpu.memory_space<hbm>> -> memref<512xi32, #tpu.memory_space<hbm>>
      tpu.enqueue_dma source(%dma_start3A_395 : memref<512xi32, #tpu.memory_space<hbm>>) target(%arg16 : memref<512xi32, #tpu.memory_space<vmem>>) target_semaphore(%run_scoped3A : memref<!tpu.dma_semaphore, #tpu.memory_space<semaphore_mem>>)
      %dma_wait3A_396 = tpu.memref_slice %arg3[%mul3A_2] : memref<16384xi32, #tpu.memory_space<hbm>> -> memref<512xi32, #tpu.memory_space<hbm>>
      %dma_wait3A_397 = tpu.memref_slice %arg3[%mul3A_2] : memref<16384xi32, #tpu.memory_space<hbm>> -> memref<512xi32, #tpu.memory_space<hbm>>
      tpu.wait_dma2 semaphore(%run_scoped3A : memref<!tpu.dma_semaphore, #tpu.memory_space<semaphore_mem>>) src(%dma_wait3A_397 : memref<512xi32, #tpu.memory_space<hbm>>) dst(%arg16 : memref<512xi32, #tpu.memory_space<vmem>>)
      tpu.yield
    }) : () -> ()
    %dma_start3A = arith.constant 0 : i32
    %dma_start3A_3 = arith.constant 0 : i32
    %dma_start3A_4 = tpu.memref_slice %arg17[%dma_start3A, %dma_start3A_3] : memref<512x16xf32, #tpu.memory_space<vmem>> -> memref<128x16xf32, #tpu.memory_space<vmem>>
    %dma_start3A_5 = arith.constant 0 : i32
    %dma_start3A_6 = tpu.memref_slice %arg16[%dma_start3A_5] : memref<512xi32, #tpu.memory_space<vmem>> -> memref<128xi32, #tpu.memory_space<vmem>>
    %dma_start3A_7 = arith.constant 0 : i32
    %dma_start3A_8 = arith.constant 0 : i32
    %dma_start3A_9 = tpu.memref_slice %arg4[%dma_start3A_7, %dma_start3A_8] : memref<1000000x16xf32, #tpu.memory_space<hbm>> -> memref<1000000x16xf32, #tpu.memory_space<hbm>>
    tpu.enqueue_indirect_dma source(%dma_start3A_9 : memref<1000000x16xf32, #tpu.memory_space<hbm>>) target(%dma_start3A_4 : memref<128x16xf32, #tpu.memory_space<vmem>>) offsets(%dma_start3A_6 : memref<128xi32, #tpu.memory_space<vmem>>) semaphore(%arg18 : memref<!tpu.dma_semaphore, #tpu.memory_space<semaphore_mem>>)
    %dma_start3A_10 = arith.constant 128 : i32
    %dma_start3A_11 = arith.constant 0 : i32
    %dma_start3A_12 = tpu.memref_slice %arg17[%dma_start3A_10, %dma_start3A_11] : memref<512x16xf32, #tpu.memory_space<vmem>> -> memref<128x16xf32, #tpu.memory_space<vmem>>
    %dma_start3A_13 = arith.constant 128 : i32
    %dma_start3A_14 = tpu.memref_slice %arg16[%dma_start3A_13] : memref<512xi32, #tpu.memory_space<vmem>> -> memref<128xi32, #tpu.memory_space<vmem>>
    %dma_start3A_15 = arith.constant 0 : i32
    %dma_start3A_16 = arith.constant 0 : i32
    %dma_start3A_17 = tpu.memref_slice %arg4[%dma_start3A_15, %dma_start3A_16] : memref<1000000x16xf32, #tpu.memory_space<hbm>> -> memref<1000000x16xf32, #tpu.memory_space<hbm>>
    tpu.enqueue_indirect_dma source(%dma_start3A_17 : memref<1000000x16xf32, #tpu.memory_space<hbm>>) target(%dma_start3A_12 : memref<128x16xf32, #tpu.memory_space<vmem>>) offsets(%dma_start3A_14 : memref<128xi32, #tpu.memory_space<vmem>>) semaphore(%arg18 : memref<!tpu.dma_semaphore, #tpu.memory_space<semaphore_mem>>)
    %dma_start3A_18 = arith.constant 256 : i32
    %dma_start3A_19 = arith.constant 0 : i32
    %dma_start3A_20 = tpu.memref_slice %arg17[%dma_start3A_18, %dma_start3A_19] : memref<512x16xf32, #tpu.memory_space<vmem>> -> memref<128x16xf32, #tpu.memory_space<vmem>>
    %dma_start3A_21 = arith.constant 256 : i32
    %dma_start3A_22 = tpu.memref_slice %arg16[%dma_start3A_21] : memref<512xi32, #tpu.memory_space<vmem>> -> memref<128xi32, #tpu.memory_space<vmem>>
    %dma_start3A_23 = arith.constant 0 : i32
    %dma_start3A_24 = arith.constant 0 : i32
    %dma_start3A_25 = tpu.memref_slice %arg4[%dma_start3A_23, %dma_start3A_24] : memref<1000000x16xf32, #tpu.memory_space<hbm>> -> memref<1000000x16xf32, #tpu.memory_space<hbm>>
    tpu.enqueue_indirect_dma source(%dma_start3A_25 : memref<1000000x16xf32, #tpu.memory_space<hbm>>) target(%dma_start3A_20 : memref<128x16xf32, #tpu.memory_space<vmem>>) offsets(%dma_start3A_22 : memref<128xi32, #tpu.memory_space<vmem>>) semaphore(%arg18 : memref<!tpu.dma_semaphore, #tpu.memory_space<semaphore_mem>>)
    %dma_start3A_26 = arith.constant 384 : i32
    %dma_start3A_27 = arith.constant 0 : i32
    %dma_start3A_28 = tpu.memref_slice %arg17[%dma_start3A_26, %dma_start3A_27] : memref<512x16xf32, #tpu.memory_space<vmem>> -> memref<128x16xf32, #tpu.memory_space<vmem>>
    %dma_start3A_29 = arith.constant 384 : i32
    %dma_start3A_30 = tpu.memref_slice %arg16[%dma_start3A_29] : memref<512xi32, #tpu.memory_space<vmem>> -> memref<128xi32, #tpu.memory_space<vmem>>
    %dma_start3A_31 = arith.constant 0 : i32
    %dma_start3A_32 = arith.constant 0 : i32
    %dma_start3A_33 = tpu.memref_slice %arg4[%dma_start3A_31, %dma_start3A_32] : memref<1000000x16xf32, #tpu.memory_space<hbm>> -> memref<1000000x16xf32, #tpu.memory_space<hbm>>
    tpu.enqueue_indirect_dma source(%dma_start3A_33 : memref<1000000x16xf32, #tpu.memory_space<hbm>>) target(%dma_start3A_28 : memref<128x16xf32, #tpu.memory_space<vmem>>) offsets(%dma_start3A_30 : memref<128xi32, #tpu.memory_space<vmem>>) semaphore(%arg18 : memref<!tpu.dma_semaphore, #tpu.memory_space<semaphore_mem>>)
    %dma_wait3A = arith.constant 0 : i32
    %dma_wait3A_34 = arith.constant 0 : i32
    %dma_wait3A_35 = tpu.memref_slice %arg17[%dma_wait3A, %dma_wait3A_34] : memref<512x16xf32, #tpu.memory_space<vmem>> -> memref<128x16xf32, #tpu.memory_space<vmem>>
    %dma_wait3A_36 = arith.constant 0 : i32
    %dma_wait3A_37 = tpu.memref_slice %arg16[%dma_wait3A_36] : memref<512xi32, #tpu.memory_space<vmem>> -> memref<128xi32, #tpu.memory_space<vmem>>
    %dma_wait3A_38 = arith.constant 0 : i32
    %dma_wait3A_39 = arith.constant 0 : i32
    %dma_wait3A_40 = tpu.memref_slice %arg4[%dma_wait3A_38, %dma_wait3A_39] : memref<1000000x16xf32, #tpu.memory_space<hbm>> -> memref<1000000x16xf32, #tpu.memory_space<hbm>>
    tpu.wait_indirect_dma semaphore(%arg18 : memref<!tpu.dma_semaphore, #tpu.memory_space<semaphore_mem>>) src(%dma_wait3A_40 : memref<1000000x16xf32, #tpu.memory_space<hbm>>) dst(%dma_wait3A_35 : memref<128x16xf32, #tpu.memory_space<vmem>>)
    %dma_wait3A_41 = arith.constant 128 : i32
    %dma_wait3A_42 = arith.constant 0 : i32
    %dma_wait3A_43 = tpu.memref_slice %arg17[%dma_wait3A_41, %dma_wait3A_42] : memref<512x16xf32, #tpu.memory_space<vmem>> -> memref<128x16xf32, #tpu.memory_space<vmem>>
    %dma_wait3A_44 = arith.constant 128 : i32
    %dma_wait3A_45 = tpu.memref_slice %arg16[%dma_wait3A_44] : memref<512xi32, #tpu.memory_space<vmem>> -> memref<128xi32, #tpu.memory_space<vmem>>
    %dma_wait3A_46 = arith.constant 0 : i32
    %dma_wait3A_47 = arith.constant 0 : i32
    %dma_wait3A_48 = tpu.memref_slice %arg4[%dma_wait3A_46, %dma_wait3A_47] : memref<1000000x16xf32, #tpu.memory_space<hbm>> -> memref<1000000x16xf32, #tpu.memory_space<hbm>>
    tpu.wait_indirect_dma semaphore(%arg18 : memref<!tpu.dma_semaphore, #tpu.memory_space<semaphore_mem>>) src(%dma_wait3A_48 : memref<1000000x16xf32, #tpu.memory_space<hbm>>) dst(%dma_wait3A_43 : memref<128x16xf32, #tpu.memory_space<vmem>>)
    %dma_wait3A_49 = arith.constant 256 : i32
    %dma_wait3A_50 = arith.constant 0 : i32
    %dma_wait3A_51 = tpu.memref_slice %arg17[%dma_wait3A_49, %dma_wait3A_50] : memref<512x16xf32, #tpu.memory_space<vmem>> -> memref<128x16xf32, #tpu.memory_space<vmem>>
    %dma_wait3A_52 = arith.constant 256 : i32
    %dma_wait3A_53 = tpu.memref_slice %arg16[%dma_wait3A_52] : memref<512xi32, #tpu.memory_space<vmem>> -> memref<128xi32, #tpu.memory_space<vmem>>
    %dma_wait3A_54 = arith.constant 0 : i32
    %dma_wait3A_55 = arith.constant 0 : i32
    %dma_wait3A_56 = tpu.memref_slice %arg4[%dma_wait3A_54, %dma_wait3A_55] : memref<1000000x16xf32, #tpu.memory_space<hbm>> -> memref<1000000x16xf32, #tpu.memory_space<hbm>>
    tpu.wait_indirect_dma semaphore(%arg18 : memref<!tpu.dma_semaphore, #tpu.memory_space<semaphore_mem>>) src(%dma_wait3A_56 : memref<1000000x16xf32, #tpu.memory_space<hbm>>) dst(%dma_wait3A_51 : memref<128x16xf32, #tpu.memory_space<vmem>>)
    %dma_wait3A_57 = arith.constant 384 : i32
    %dma_wait3A_58 = arith.constant 0 : i32
    %dma_wait3A_59 = tpu.memref_slice %arg17[%dma_wait3A_57, %dma_wait3A_58] : memref<512x16xf32, #tpu.memory_space<vmem>> -> memref<128x16xf32, #tpu.memory_space<vmem>>
    %dma_wait3A_60 = arith.constant 384 : i32
    %dma_wait3A_61 = tpu.memref_slice %arg16[%dma_wait3A_60] : memref<512xi32, #tpu.memory_space<vmem>> -> memref<128xi32, #tpu.memory_space<vmem>>
    %dma_wait3A_62 = arith.constant 0 : i32
    %dma_wait3A_63 = arith.constant 0 : i32
    %dma_wait3A_64 = tpu.memref_slice %arg4[%dma_wait3A_62, %dma_wait3A_63] : memref<1000000x16xf32, #tpu.memory_space<hbm>> -> memref<1000000x16xf32, #tpu.memory_space<hbm>>
    tpu.wait_indirect_dma semaphore(%arg18 : memref<!tpu.dma_semaphore, #tpu.memory_space<semaphore_mem>>) src(%dma_wait3A_64 : memref<1000000x16xf32, #tpu.memory_space<hbm>>) dst(%dma_wait3A_59 : memref<128x16xf32, #tpu.memory_space<vmem>>)
    "tpu.region"() ({
      %run_scoped3A = tpu.sem_alloc : memref<!tpu.dma_semaphore, #tpu.memory_space<semaphore_mem>>
      %dma_start3A_394 = arith.constant 0 : i32
      %dma_start3A_395 = tpu.memref_slice %arg6[%mul3A_2, %dma_start3A_394] : memref<16384x16xf32, #tpu.memory_space<hbm>> -> memref<512x16xf32, #tpu.memory_space<hbm>>
      %dma_start3A_396 = arith.constant 0 : i32
      %dma_start3A_397 = tpu.memref_slice %arg6[%mul3A_2, %dma_start3A_396] : memref<16384x16xf32, #tpu.memory_space<hbm>> -> memref<512x16xf32, #tpu.memory_space<hbm>>
      tpu.enqueue_dma source(%arg17 : memref<512x16xf32, #tpu.memory_space<vmem>>) target(%dma_start3A_397 : memref<512x16xf32, #tpu.memory_space<hbm>>) target_semaphore(%run_scoped3A : memref<!tpu.dma_semaphore, #tpu.memory_space<semaphore_mem>>)
      %dma_wait3A_398 = arith.constant 0 : i32
      %dma_wait3A_399 = tpu.memref_slice %arg6[%mul3A_2, %dma_wait3A_398] : memref<16384x16xf32, #tpu.memory_space<hbm>> -> memref<512x16xf32, #tpu.memory_space<hbm>>
      %dma_wait3A_400 = arith.constant 0 : i32
      %dma_wait3A_401 = tpu.memref_slice %arg6[%mul3A_2, %dma_wait3A_400] : memref<16384x16xf32, #tpu.memory_space<hbm>> -> memref<512x16xf32, #tpu.memory_space<hbm>>
      tpu.wait_dma2 semaphore(%run_scoped3A : memref<!tpu.dma_semaphore, #tpu.memory_space<semaphore_mem>>) src(%arg17 : memref<512x16xf32, #tpu.memory_space<vmem>>) dst(%dma_wait3A_401 : memref<512x16xf32, #tpu.memory_space<hbm>>)
      tpu.yield
    }) : () -> ()
    %add3A_65 = arith.constant 0 : i32
    %add3A_66 = arith.addi %mul3A_2, %add3A_65 : i32
    %mul3A_67 = arith.constant 200 : i32
    %mul3A_68 = arith.muli %add3A_66, %mul3A_67 : i32
    "tpu.region"() ({
      %run_scoped3A = tpu.sem_alloc : memref<!tpu.dma_semaphore, #tpu.memory_space<semaphore_mem>>
      %dma_start3A_394 = tpu.memref_slice %arg2[%mul3A_68] : memref<3276800xi32, #tpu.memory_space<hbm>> -> memref<1600xi32, #tpu.memory_space<hbm>>
      %dma_start3A_395 = tpu.memref_slice %arg2[%mul3A_68] : memref<3276800xi32, #tpu.memory_space<hbm>> -> memref<1600xi32, #tpu.memory_space<hbm>>
      tpu.enqueue_dma source(%dma_start3A_395 : memref<1600xi32, #tpu.memory_space<hbm>>) target(%arg7 : memref<1600xi32, #tpu.memory_space<vmem>>) target_semaphore(%run_scoped3A : memref<!tpu.dma_semaphore, #tpu.memory_space<semaphore_mem>>)
      %dma_wait3A_396 = tpu.memref_slice %arg2[%mul3A_68] : memref<3276800xi32, #tpu.memory_space<hbm>> -> memref<1600xi32, #tpu.memory_space<hbm>>
      %dma_wait3A_397 = tpu.memref_slice %arg2[%mul3A_68] : memref<3276800xi32, #tpu.memory_space<hbm>> -> memref<1600xi32, #tpu.memory_space<hbm>>
      tpu.wait_dma2 semaphore(%run_scoped3A : memref<!tpu.dma_semaphore, #tpu.memory_space<semaphore_mem>>) src(%dma_wait3A_397 : memref<1600xi32, #tpu.memory_space<hbm>>) dst(%arg7 : memref<1600xi32, #tpu.memory_space<vmem>>)
      tpu.yield
    }) : () -> ()
    %dma_start3A_69 = arith.constant 0 : i32
    %dma_start3A_70 = arith.constant 0 : i32
    %dma_start3A_71 = tpu.memref_slice %arg11[%dma_start3A_69, %dma_start3A_70] : memref<1600x16xf32, #tpu.memory_space<vmem>> -> memref<128x16xf32, #tpu.memory_space<vmem>>
    %dma_start3A_72 = arith.constant 0 : i32
    %dma_start3A_73 = tpu.memref_slice %arg7[%dma_start3A_72] : memref<1600xi32, #tpu.memory_space<vmem>> -> memref<128xi32, #tpu.memory_space<vmem>>
    %dma_start3A_74 = arith.constant 0 : i32
    %dma_start3A_75 = arith.constant 0 : i32
    %dma_start3A_76 = tpu.memref_slice %arg4[%dma_start3A_74, %dma_start3A_75] : memref<1000000x16xf32, #tpu.memory_space<hbm>> -> memref<1000000x16xf32, #tpu.memory_space<hbm>>
    tpu.enqueue_indirect_dma source(%dma_start3A_76 : memref<1000000x16xf32, #tpu.memory_space<hbm>>) target(%dma_start3A_71 : memref<128x16xf32, #tpu.memory_space<vmem>>) offsets(%dma_start3A_73 : memref<128xi32, #tpu.memory_space<vmem>>) semaphore(%arg18 : memref<!tpu.dma_semaphore, #tpu.memory_space<semaphore_mem>>)
    %dma_start3A_77 = arith.constant 128 : i32
    %dma_start3A_78 = arith.constant 0 : i32
    %dma_start3A_79 = tpu.memref_slice %arg11[%dma_start3A_77, %dma_start3A_78] : memref<1600x16xf32, #tpu.memory_space<vmem>> -> memref<128x16xf32, #tpu.memory_space<vmem>>
    %dma_start3A_80 = arith.constant 128 : i32
    %dma_start3A_81 = tpu.memref_slice %arg7[%dma_start3A_80] : memref<1600xi32, #tpu.memory_space<vmem>> -> memref<128xi32, #tpu.memory_space<vmem>>
    %dma_start3A_82 = arith.constant 0 : i32
    %dma_start3A_83 = arith.constant 0 : i32
    %dma_start3A_84 = tpu.memref_slice %arg4[%dma_start3A_82, %dma_start3A_83] : memref<1000000x16xf32, #tpu.memory_space<hbm>> -> memref<1000000x16xf32, #tpu.memory_space<hbm>>
    tpu.enqueue_indirect_dma source(%dma_start3A_84 : memref<1000000x16xf32, #tpu.memory_space<hbm>>) target(%dma_start3A_79 : memref<128x16xf32, #tpu.memory_space<vmem>>) offsets(%dma_start3A_81 : memref<128xi32, #tpu.memory_space<vmem>>) semaphore(%arg18 : memref<!tpu.dma_semaphore, #tpu.memory_space<semaphore_mem>>)
    %dma_start3A_85 = arith.constant 256 : i32
    %dma_start3A_86 = arith.constant 0 : i32
    %dma_start3A_87 = tpu.memref_slice %arg11[%dma_start3A_85, %dma_start3A_86] : memref<1600x16xf32, #tpu.memory_space<vmem>> -> memref<128x16xf32, #tpu.memory_space<vmem>>
    %dma_start3A_88 = arith.constant 256 : i32
    %dma_start3A_89 = tpu.memref_slice %arg7[%dma_start3A_88] : memref<1600xi32, #tpu.memory_space<vmem>> -> memref<128xi32, #tpu.memory_space<vmem>>
    %dma_start3A_90 = arith.constant 0 : i32
    %dma_start3A_91 = arith.constant 0 : i32
    %dma_start3A_92 = tpu.memref_slice %arg4[%dma_start3A_90, %dma_start3A_91] : memref<1000000x16xf32, #tpu.memory_space<hbm>> -> memref<1000000x16xf32, #tpu.memory_space<hbm>>
    tpu.enqueue_indirect_dma source(%dma_start3A_92 : memref<1000000x16xf32, #tpu.memory_space<hbm>>) target(%dma_start3A_87 : memref<128x16xf32, #tpu.memory_space<vmem>>) offsets(%dma_start3A_89 : memref<128xi32, #tpu.memory_space<vmem>>) semaphore(%arg18 : memref<!tpu.dma_semaphore, #tpu.memory_space<semaphore_mem>>)
    %dma_start3A_93 = arith.constant 384 : i32
    %dma_start3A_94 = arith.constant 0 : i32
    %dma_start3A_95 = tpu.memref_slice %arg11[%dma_start3A_93, %dma_start3A_94] : memref<1600x16xf32, #tpu.memory_space<vmem>> -> memref<128x16xf32, #tpu.memory_space<vmem>>
    %dma_start3A_96 = arith.constant 384 : i32
    %dma_start3A_97 = tpu.memref_slice %arg7[%dma_start3A_96] : memref<1600xi32, #tpu.memory_space<vmem>> -> memref<128xi32, #tpu.memory_space<vmem>>
    %dma_start3A_98 = arith.constant 0 : i32
    %dma_start3A_99 = arith.constant 0 : i32
    %dma_start3A_100 = tpu.memref_slice %arg4[%dma_start3A_98, %dma_start3A_99] : memref<1000000x16xf32, #tpu.memory_space<hbm>> -> memref<1000000x16xf32, #tpu.memory_space<hbm>>
    tpu.enqueue_indirect_dma source(%dma_start3A_100 : memref<1000000x16xf32, #tpu.memory_space<hbm>>) target(%dma_start3A_95 : memref<128x16xf32, #tpu.memory_space<vmem>>) offsets(%dma_start3A_97 : memref<128xi32, #tpu.memory_space<vmem>>) semaphore(%arg18 : memref<!tpu.dma_semaphore, #tpu.memory_space<semaphore_mem>>)
    %dma_start3A_101 = arith.constant 512 : i32
    %dma_start3A_102 = arith.constant 0 : i32
    %dma_start3A_103 = tpu.memref_slice %arg11[%dma_start3A_101, %dma_start3A_102] : memref<1600x16xf32, #tpu.memory_space<vmem>> -> memref<128x16xf32, #tpu.memory_space<vmem>>
    %dma_start3A_104 = arith.constant 512 : i32
    %dma_start3A_105 = tpu.memref_slice %arg7[%dma_start3A_104] : memref<1600xi32, #tpu.memory_space<vmem>> -> memref<128xi32, #tpu.memory_space<vmem>>
    %dma_start3A_106 = arith.constant 0 : i32
    %dma_start3A_107 = arith.constant 0 : i32
    %dma_start3A_108 = tpu.memref_slice %arg4[%dma_start3A_106, %dma_start3A_107] : memref<1000000x16xf32, #tpu.memory_space<hbm>> -> memref<1000000x16xf32, #tpu.memory_space<hbm>>
    tpu.enqueue_indirect_dma source(%dma_start3A_108 : memref<1000000x16xf32, #tpu.memory_space<hbm>>) target(%dma_start3A_103 : memref<128x16xf32, #tpu.memory_space<vmem>>) offsets(%dma_start3A_105 : memref<128xi32, #tpu.memory_space<vmem>>) semaphore(%arg18 : memref<!tpu.dma_semaphore, #tpu.memory_space<semaphore_mem>>)
    %dma_start3A_109 = arith.constant 640 : i32
    %dma_start3A_110 = arith.constant 0 : i32
    %dma_start3A_111 = tpu.memref_slice %arg11[%dma_start3A_109, %dma_start3A_110] : memref<1600x16xf32, #tpu.memory_space<vmem>> -> memref<128x16xf32, #tpu.memory_space<vmem>>
    %dma_start3A_112 = arith.constant 640 : i32
    %dma_start3A_113 = tpu.memref_slice %arg7[%dma_start3A_112] : memref<1600xi32, #tpu.memory_space<vmem>> -> memref<128xi32, #tpu.memory_space<vmem>>
    %dma_start3A_114 = arith.constant 0 : i32
    %dma_start3A_115 = arith.constant 0 : i32
    %dma_start3A_116 = tpu.memref_slice %arg4[%dma_start3A_114, %dma_start3A_115] : memref<1000000x16xf32, #tpu.memory_space<hbm>> -> memref<1000000x16xf32, #tpu.memory_space<hbm>>
    tpu.enqueue_indirect_dma source(%dma_start3A_116 : memref<1000000x16xf32, #tpu.memory_space<hbm>>) target(%dma_start3A_111 : memref<128x16xf32, #tpu.memory_space<vmem>>) offsets(%dma_start3A_113 : memref<128xi32, #tpu.memory_space<vmem>>) semaphore(%arg18 : memref<!tpu.dma_semaphore, #tpu.memory_space<semaphore_mem>>)
    %dma_start3A_117 = arith.constant 768 : i32
    %dma_start3A_118 = arith.constant 0 : i32
    %dma_start3A_119 = tpu.memref_slice %arg11[%dma_start3A_117, %dma_start3A_118] : memref<1600x16xf32, #tpu.memory_space<vmem>> -> memref<128x16xf32, #tpu.memory_space<vmem>>
    %dma_start3A_120 = arith.constant 768 : i32
    %dma_start3A_121 = tpu.memref_slice %arg7[%dma_start3A_120] : memref<1600xi32, #tpu.memory_space<vmem>> -> memref<128xi32, #tpu.memory_space<vmem>>
    %dma_start3A_122 = arith.constant 0 : i32
    %dma_start3A_123 = arith.constant 0 : i32
    %dma_start3A_124 = tpu.memref_slice %arg4[%dma_start3A_122, %dma_start3A_123] : memref<1000000x16xf32, #tpu.memory_space<hbm>> -> memref<1000000x16xf32, #tpu.memory_space<hbm>>
    tpu.enqueue_indirect_dma source(%dma_start3A_124 : memref<1000000x16xf32, #tpu.memory_space<hbm>>) target(%dma_start3A_119 : memref<128x16xf32, #tpu.memory_space<vmem>>) offsets(%dma_start3A_121 : memref<128xi32, #tpu.memory_space<vmem>>) semaphore(%arg18 : memref<!tpu.dma_semaphore, #tpu.memory_space<semaphore_mem>>)
    %dma_start3A_125 = arith.constant 896 : i32
    %dma_start3A_126 = arith.constant 0 : i32
    %dma_start3A_127 = tpu.memref_slice %arg11[%dma_start3A_125, %dma_start3A_126] : memref<1600x16xf32, #tpu.memory_space<vmem>> -> memref<128x16xf32, #tpu.memory_space<vmem>>
    %dma_start3A_128 = arith.constant 896 : i32
    %dma_start3A_129 = tpu.memref_slice %arg7[%dma_start3A_128] : memref<1600xi32, #tpu.memory_space<vmem>> -> memref<128xi32, #tpu.memory_space<vmem>>
    %dma_start3A_130 = arith.constant 0 : i32
    %dma_start3A_131 = arith.constant 0 : i32
    %dma_start3A_132 = tpu.memref_slice %arg4[%dma_start3A_130, %dma_start3A_131] : memref<1000000x16xf32, #tpu.memory_space<hbm>> -> memref<1000000x16xf32, #tpu.memory_space<hbm>>
    tpu.enqueue_indirect_dma source(%dma_start3A_132 : memref<1000000x16xf32, #tpu.memory_space<hbm>>) target(%dma_start3A_127 : memref<128x16xf32, #tpu.memory_space<vmem>>) offsets(%dma_start3A_129 : memref<128xi32, #tpu.memory_space<vmem>>) semaphore(%arg18 : memref<!tpu.dma_semaphore, #tpu.memory_space<semaphore_mem>>)
    %dma_start3A_133 = arith.constant 1024 : i32
    %dma_start3A_134 = arith.constant 0 : i32
    %dma_start3A_135 = tpu.memref_slice %arg11[%dma_start3A_133, %dma_start3A_134] : memref<1600x16xf32, #tpu.memory_space<vmem>> -> memref<128x16xf32, #tpu.memory_space<vmem>>
    %dma_start3A_136 = arith.constant 1024 : i32
    %dma_start3A_137 = tpu.memref_slice %arg7[%dma_start3A_136] : memref<1600xi32, #tpu.memory_space<vmem>> -> memref<128xi32, #tpu.memory_space<vmem>>
    %dma_start3A_138 = arith.constant 0 : i32
    %dma_start3A_139 = arith.constant 0 : i32
    %dma_start3A_140 = tpu.memref_slice %arg4[%dma_start3A_138, %dma_start3A_139] : memref<1000000x16xf32, #tpu.memory_space<hbm>> -> memref<1000000x16xf32, #tpu.memory_space<hbm>>
    tpu.enqueue_indirect_dma source(%dma_start3A_140 : memref<1000000x16xf32, #tpu.memory_space<hbm>>) target(%dma_start3A_135 : memref<128x16xf32, #tpu.memory_space<vmem>>) offsets(%dma_start3A_137 : memref<128xi32, #tpu.memory_space<vmem>>) semaphore(%arg18 : memref<!tpu.dma_semaphore, #tpu.memory_space<semaphore_mem>>)
    %dma_start3A_141 = arith.constant 1152 : i32
    %dma_start3A_142 = arith.constant 0 : i32
    %dma_start3A_143 = tpu.memref_slice %arg11[%dma_start3A_141, %dma_start3A_142] : memref<1600x16xf32, #tpu.memory_space<vmem>> -> memref<128x16xf32, #tpu.memory_space<vmem>>
    %dma_start3A_144 = arith.constant 1152 : i32
    %dma_start3A_145 = tpu.memref_slice %arg7[%dma_start3A_144] : memref<1600xi32, #tpu.memory_space<vmem>> -> memref<128xi32, #tpu.memory_space<vmem>>
    %dma_start3A_146 = arith.constant 0 : i32
    %dma_start3A_147 = arith.constant 0 : i32
    %dma_start3A_148 = tpu.memref_slice %arg4[%dma_start3A_146, %dma_start3A_147] : memref<1000000x16xf32, #tpu.memory_space<hbm>> -> memref<1000000x16xf32, #tpu.memory_space<hbm>>
    tpu.enqueue_indirect_dma source(%dma_start3A_148 : memref<1000000x16xf32, #tpu.memory_space<hbm>>) target(%dma_start3A_143 : memref<128x16xf32, #tpu.memory_space<vmem>>) offsets(%dma_start3A_145 : memref<128xi32, #tpu.memory_space<vmem>>) semaphore(%arg18 : memref<!tpu.dma_semaphore, #tpu.memory_space<semaphore_mem>>)
    %dma_start3A_149 = arith.constant 1280 : i32
    %dma_start3A_150 = arith.constant 0 : i32
    %dma_start3A_151 = tpu.memref_slice %arg11[%dma_start3A_149, %dma_start3A_150] : memref<1600x16xf32, #tpu.memory_space<vmem>> -> memref<128x16xf32, #tpu.memory_space<vmem>>
    %dma_start3A_152 = arith.constant 1280 : i32
    %dma_start3A_153 = tpu.memref_slice %arg7[%dma_start3A_152] : memref<1600xi32, #tpu.memory_space<vmem>> -> memref<128xi32, #tpu.memory_space<vmem>>
    %dma_start3A_154 = arith.constant 0 : i32
    %dma_start3A_155 = arith.constant 0 : i32
    %dma_start3A_156 = tpu.memref_slice %arg4[%dma_start3A_154, %dma_start3A_155] : memref<1000000x16xf32, #tpu.memory_space<hbm>> -> memref<1000000x16xf32, #tpu.memory_space<hbm>>
    tpu.enqueue_indirect_dma source(%dma_start3A_156 : memref<1000000x16xf32, #tpu.memory_space<hbm>>) target(%dma_start3A_151 : memref<128x16xf32, #tpu.memory_space<vmem>>) offsets(%dma_start3A_153 : memref<128xi32, #tpu.memory_space<vmem>>) semaphore(%arg18 : memref<!tpu.dma_semaphore, #tpu.memory_space<semaphore_mem>>)
    %dma_start3A_157 = arith.constant 1408 : i32
    %dma_start3A_158 = arith.constant 0 : i32
    %dma_start3A_159 = tpu.memref_slice %arg11[%dma_start3A_157, %dma_start3A_158] : memref<1600x16xf32, #tpu.memory_space<vmem>> -> memref<128x16xf32, #tpu.memory_space<vmem>>
    %dma_start3A_160 = arith.constant 1408 : i32
    %dma_start3A_161 = tpu.memref_slice %arg7[%dma_start3A_160] : memref<1600xi32, #tpu.memory_space<vmem>> -> memref<128xi32, #tpu.memory_space<vmem>>
    %dma_start3A_162 = arith.constant 0 : i32
    %dma_start3A_163 = arith.constant 0 : i32
    %dma_start3A_164 = tpu.memref_slice %arg4[%dma_start3A_162, %dma_start3A_163] : memref<1000000x16xf32, #tpu.memory_space<hbm>> -> memref<1000000x16xf32, #tpu.memory_space<hbm>>
    tpu.enqueue_indirect_dma source(%dma_start3A_164 : memref<1000000x16xf32, #tpu.memory_space<hbm>>) target(%dma_start3A_159 : memref<128x16xf32, #tpu.memory_space<vmem>>) offsets(%dma_start3A_161 : memref<128xi32, #tpu.memory_space<vmem>>) semaphore(%arg18 : memref<!tpu.dma_semaphore, #tpu.memory_space<semaphore_mem>>)
    %dma_start3A_165 = arith.constant 1536 : i32
    %dma_start3A_166 = arith.constant 0 : i32
    %dma_start3A_167 = tpu.memref_slice %arg11[%dma_start3A_165, %dma_start3A_166] : memref<1600x16xf32, #tpu.memory_space<vmem>> -> memref<64x16xf32, #tpu.memory_space<vmem>>
    %dma_start3A_168 = arith.constant 1536 : i32
    %dma_start3A_169 = tpu.memref_slice %arg7[%dma_start3A_168] : memref<1600xi32, #tpu.memory_space<vmem>> -> memref<64xi32, #tpu.memory_space<vmem>>
    %dma_start3A_170 = arith.constant 0 : i32
    %dma_start3A_171 = arith.constant 0 : i32
    %dma_start3A_172 = tpu.memref_slice %arg4[%dma_start3A_170, %dma_start3A_171] : memref<1000000x16xf32, #tpu.memory_space<hbm>> -> memref<1000000x16xf32, #tpu.memory_space<hbm>>
    tpu.enqueue_indirect_dma source(%dma_start3A_172 : memref<1000000x16xf32, #tpu.memory_space<hbm>>) target(%dma_start3A_167 : memref<64x16xf32, #tpu.memory_space<vmem>>) offsets(%dma_start3A_169 : memref<64xi32, #tpu.memory_space<vmem>>) semaphore(%arg18 : memref<!tpu.dma_semaphore, #tpu.memory_space<semaphore_mem>>)
    %add3A_173 = arith.constant 8 : i32
    %add3A_174 = arith.addi %mul3A_2, %add3A_173 : i32
    %mul3A_175 = arith.constant 200 : i32
    %mul3A_176 = arith.muli %add3A_174, %mul3A_175 : i32
    "tpu.region"() ({
      %run_scoped3A = tpu.sem_alloc : memref<!tpu.dma_semaphore, #tpu.memory_space<semaphore_mem>>
      %dma_start3A_394 = tpu.memref_slice %arg2[%mul3A_176] : memref<3276800xi32, #tpu.memory_space<hbm>> -> memref<1600xi32, #tpu.memory_space<hbm>>
      %dma_start3A_395 = tpu.memref_slice %arg2[%mul3A_176] : memref<3276800xi32, #tpu.memory_space<hbm>> -> memref<1600xi32, #tpu.memory_space<hbm>>
      tpu.enqueue_dma source(%dma_start3A_395 : memref<1600xi32, #tpu.memory_space<hbm>>) target(%arg8 : memref<1600xi32, #tpu.memory_space<vmem>>) target_semaphore(%run_scoped3A : memref<!tpu.dma_semaphore, #tpu.memory_space<semaphore_mem>>)
      %dma_wait3A_396 = tpu.memref_slice %arg2[%mul3A_176] : memref<3276800xi32, #tpu.memory_space<hbm>> -> memref<1600xi32, #tpu.memory_space<hbm>>
      %dma_wait3A_397 = tpu.memref_slice %arg2[%mul3A_176] : memref<3276800xi32, #tpu.memory_space<hbm>> -> memref<1600xi32, #tpu.memory_space<hbm>>
      tpu.wait_dma2 semaphore(%run_scoped3A : memref<!tpu.dma_semaphore, #tpu.memory_space<semaphore_mem>>) src(%dma_wait3A_397 : memref<1600xi32, #tpu.memory_space<hbm>>) dst(%arg8 : memref<1600xi32, #tpu.memory_space<vmem>>)
      tpu.yield
    }) : () -> ()
    %dma_start3A_177 = arith.constant 0 : i32
    %dma_start3A_178 = arith.constant 0 : i32
    %dma_start3A_179 = tpu.memref_slice %arg12[%dma_start3A_177, %dma_start3A_178] : memref<1600x16xf32, #tpu.memory_space<vmem>> -> memref<128x16xf32, #tpu.memory_space<vmem>>
    %dma_start3A_180 = arith.constant 0 : i32
    %dma_start3A_181 = tpu.memref_slice %arg8[%dma_start3A_180] : memref<1600xi32, #tpu.memory_space<vmem>> -> memref<128xi32, #tpu.memory_space<vmem>>
    %dma_start3A_182 = arith.constant 0 : i32
    %dma_start3A_183 = arith.constant 0 : i32
    %dma_start3A_184 = tpu.memref_slice %arg4[%dma_start3A_182, %dma_start3A_183] : memref<1000000x16xf32, #tpu.memory_space<hbm>> -> memref<1000000x16xf32, #tpu.memory_space<hbm>>
    tpu.enqueue_indirect_dma source(%dma_start3A_184 : memref<1000000x16xf32, #tpu.memory_space<hbm>>) target(%dma_start3A_179 : memref<128x16xf32, #tpu.memory_space<vmem>>) offsets(%dma_start3A_181 : memref<128xi32, #tpu.memory_space<vmem>>) semaphore(%arg19 : memref<!tpu.dma_semaphore, #tpu.memory_space<semaphore_mem>>)
    %dma_start3A_185 = arith.constant 128 : i32
    %dma_start3A_186 = arith.constant 0 : i32
    %dma_start3A_187 = tpu.memref_slice %arg12[%dma_start3A_185, %dma_start3A_186] : memref<1600x16xf32, #tpu.memory_space<vmem>> -> memref<128x16xf32, #tpu.memory_space<vmem>>
    %dma_start3A_188 = arith.constant 128 : i32
    %dma_start3A_189 = tpu.memref_slice %arg8[%dma_start3A_188] : memref<1600xi32, #tpu.memory_space<vmem>> -> memref<128xi32, #tpu.memory_space<vmem>>
    %dma_start3A_190 = arith.constant 0 : i32
    %dma_start3A_191 = arith.constant 0 : i32
    %dma_start3A_192 = tpu.memref_slice %arg4[%dma_start3A_190, %dma_start3A_191] : memref<1000000x16xf32, #tpu.memory_space<hbm>> -> memref<1000000x16xf32, #tpu.memory_space<hbm>>
    tpu.enqueue_indirect_dma source(%dma_start3A_192 : memref<1000000x16xf32, #tpu.memory_space<hbm>>) target(%dma_start3A_187 : memref<128x16xf32, #tpu.memory_space<vmem>>) offsets(%dma_start3A_189 : memref<128xi32, #tpu.memory_space<vmem>>) semaphore(%arg19 : memref<!tpu.dma_semaphore, #tpu.memory_space<semaphore_mem>>)
    %dma_start3A_193 = arith.constant 256 : i32
    %dma_start3A_194 = arith.constant 0 : i32
    %dma_start3A_195 = tpu.memref_slice %arg12[%dma_start3A_193, %dma_start3A_194] : memref<1600x16xf32, #tpu.memory_space<vmem>> -> memref<128x16xf32, #tpu.memory_space<vmem>>
    %dma_start3A_196 = arith.constant 256 : i32
    %dma_start3A_197 = tpu.memref_slice %arg8[%dma_start3A_196] : memref<1600xi32, #tpu.memory_space<vmem>> -> memref<128xi32, #tpu.memory_space<vmem>>
    %dma_start3A_198 = arith.constant 0 : i32
    %dma_start3A_199 = arith.constant 0 : i32
    %dma_start3A_200 = tpu.memref_slice %arg4[%dma_start3A_198, %dma_start3A_199] : memref<1000000x16xf32, #tpu.memory_space<hbm>> -> memref<1000000x16xf32, #tpu.memory_space<hbm>>
    tpu.enqueue_indirect_dma source(%dma_start3A_200 : memref<1000000x16xf32, #tpu.memory_space<hbm>>) target(%dma_start3A_195 : memref<128x16xf32, #tpu.memory_space<vmem>>) offsets(%dma_start3A_197 : memref<128xi32, #tpu.memory_space<vmem>>) semaphore(%arg19 : memref<!tpu.dma_semaphore, #tpu.memory_space<semaphore_mem>>)
    %dma_start3A_201 = arith.constant 384 : i32
    %dma_start3A_202 = arith.constant 0 : i32
    %dma_start3A_203 = tpu.memref_slice %arg12[%dma_start3A_201, %dma_start3A_202] : memref<1600x16xf32, #tpu.memory_space<vmem>> -> memref<128x16xf32, #tpu.memory_space<vmem>>
    %dma_start3A_204 = arith.constant 384 : i32
    %dma_start3A_205 = tpu.memref_slice %arg8[%dma_start3A_204] : memref<1600xi32, #tpu.memory_space<vmem>> -> memref<128xi32, #tpu.memory_space<vmem>>
    %dma_start3A_206 = arith.constant 0 : i32
    %dma_start3A_207 = arith.constant 0 : i32
    %dma_start3A_208 = tpu.memref_slice %arg4[%dma_start3A_206, %dma_start3A_207] : memref<1000000x16xf32, #tpu.memory_space<hbm>> -> memref<1000000x16xf32, #tpu.memory_space<hbm>>
    tpu.enqueue_indirect_dma source(%dma_start3A_208 : memref<1000000x16xf32, #tpu.memory_space<hbm>>) target(%dma_start3A_203 : memref<128x16xf32, #tpu.memory_space<vmem>>) offsets(%dma_start3A_205 : memref<128xi32, #tpu.memory_space<vmem>>) semaphore(%arg19 : memref<!tpu.dma_semaphore, #tpu.memory_space<semaphore_mem>>)
    %dma_start3A_209 = arith.constant 512 : i32
    %dma_start3A_210 = arith.constant 0 : i32
    %dma_start3A_211 = tpu.memref_slice %arg12[%dma_start3A_209, %dma_start3A_210] : memref<1600x16xf32, #tpu.memory_space<vmem>> -> memref<128x16xf32, #tpu.memory_space<vmem>>
    %dma_start3A_212 = arith.constant 512 : i32
    %dma_start3A_213 = tpu.memref_slice %arg8[%dma_start3A_212] : memref<1600xi32, #tpu.memory_space<vmem>> -> memref<128xi32, #tpu.memory_space<vmem>>
    %dma_start3A_214 = arith.constant 0 : i32
    %dma_start3A_215 = arith.constant 0 : i32
    %dma_start3A_216 = tpu.memref_slice %arg4[%dma_start3A_214, %dma_start3A_215] : memref<1000000x16xf32, #tpu.memory_space<hbm>> -> memref<1000000x16xf32, #tpu.memory_space<hbm>>
    tpu.enqueue_indirect_dma source(%dma_start3A_216 : memref<1000000x16xf32, #tpu.memory_space<hbm>>) target(%dma_start3A_211 : memref<128x16xf32, #tpu.memory_space<vmem>>) offsets(%dma_start3A_213 : memref<128xi32, #tpu.memory_space<vmem>>) semaphore(%arg19 : memref<!tpu.dma_semaphore, #tpu.memory_space<semaphore_mem>>)
    %dma_start3A_217 = arith.constant 640 : i32
    %dma_start3A_218 = arith.constant 0 : i32
    %dma_start3A_219 = tpu.memref_slice %arg12[%dma_start3A_217, %dma_start3A_218] : memref<1600x16xf32, #tpu.memory_space<vmem>> -> memref<128x16xf32, #tpu.memory_space<vmem>>
    %dma_start3A_220 = arith.constant 640 : i32
    %dma_start3A_221 = tpu.memref_slice %arg8[%dma_start3A_220] : memref<1600xi32, #tpu.memory_space<vmem>> -> memref<128xi32, #tpu.memory_space<vmem>>
    %dma_start3A_222 = arith.constant 0 : i32
    %dma_start3A_223 = arith.constant 0 : i32
    %dma_start3A_224 = tpu.memref_slice %arg4[%dma_start3A_222, %dma_start3A_223] : memref<1000000x16xf32, #tpu.memory_space<hbm>> -> memref<1000000x16xf32, #tpu.memory_space<hbm>>
    tpu.enqueue_indirect_dma source(%dma_start3A_224 : memref<1000000x16xf32, #tpu.memory_space<hbm>>) target(%dma_start3A_219 : memref<128x16xf32, #tpu.memory_space<vmem>>) offsets(%dma_start3A_221 : memref<128xi32, #tpu.memory_space<vmem>>) semaphore(%arg19 : memref<!tpu.dma_semaphore, #tpu.memory_space<semaphore_mem>>)
    %dma_start3A_225 = arith.constant 768 : i32
    %dma_start3A_226 = arith.constant 0 : i32
    %dma_start3A_227 = tpu.memref_slice %arg12[%dma_start3A_225, %dma_start3A_226] : memref<1600x16xf32, #tpu.memory_space<vmem>> -> memref<128x16xf32, #tpu.memory_space<vmem>>
    %dma_start3A_228 = arith.constant 768 : i32
    %dma_start3A_229 = tpu.memref_slice %arg8[%dma_start3A_228] : memref<1600xi32, #tpu.memory_space<vmem>> -> memref<128xi32, #tpu.memory_space<vmem>>
    %dma_start3A_230 = arith.constant 0 : i32
    %dma_start3A_231 = arith.constant 0 : i32
    %dma_start3A_232 = tpu.memref_slice %arg4[%dma_start3A_230, %dma_start3A_231] : memref<1000000x16xf32, #tpu.memory_space<hbm>> -> memref<1000000x16xf32, #tpu.memory_space<hbm>>
    tpu.enqueue_indirect_dma source(%dma_start3A_232 : memref<1000000x16xf32, #tpu.memory_space<hbm>>) target(%dma_start3A_227 : memref<128x16xf32, #tpu.memory_space<vmem>>) offsets(%dma_start3A_229 : memref<128xi32, #tpu.memory_space<vmem>>) semaphore(%arg19 : memref<!tpu.dma_semaphore, #tpu.memory_space<semaphore_mem>>)
    %dma_start3A_233 = arith.constant 896 : i32
    %dma_start3A_234 = arith.constant 0 : i32
    %dma_start3A_235 = tpu.memref_slice %arg12[%dma_start3A_233, %dma_start3A_234] : memref<1600x16xf32, #tpu.memory_space<vmem>> -> memref<128x16xf32, #tpu.memory_space<vmem>>
    %dma_start3A_236 = arith.constant 896 : i32
    %dma_start3A_237 = tpu.memref_slice %arg8[%dma_start3A_236] : memref<1600xi32, #tpu.memory_space<vmem>> -> memref<128xi32, #tpu.memory_space<vmem>>
    %dma_start3A_238 = arith.constant 0 : i32
    %dma_start3A_239 = arith.constant 0 : i32
    %dma_start3A_240 = tpu.memref_slice %arg4[%dma_start3A_238, %dma_start3A_239] : memref<1000000x16xf32, #tpu.memory_space<hbm>> -> memref<1000000x16xf32, #tpu.memory_space<hbm>>
    tpu.enqueue_indirect_dma source(%dma_start3A_240 : memref<1000000x16xf32, #tpu.memory_space<hbm>>) target(%dma_start3A_235 : memref<128x16xf32, #tpu.memory_space<vmem>>) offsets(%dma_start3A_237 : memref<128xi32, #tpu.memory_space<vmem>>) semaphore(%arg19 : memref<!tpu.dma_semaphore, #tpu.memory_space<semaphore_mem>>)
    %dma_start3A_241 = arith.constant 1024 : i32
    %dma_start3A_242 = arith.constant 0 : i32
    %dma_start3A_243 = tpu.memref_slice %arg12[%dma_start3A_241, %dma_start3A_242] : memref<1600x16xf32, #tpu.memory_space<vmem>> -> memref<128x16xf32, #tpu.memory_space<vmem>>
    %dma_start3A_244 = arith.constant 1024 : i32
    %dma_start3A_245 = tpu.memref_slice %arg8[%dma_start3A_244] : memref<1600xi32, #tpu.memory_space<vmem>> -> memref<128xi32, #tpu.memory_space<vmem>>
    %dma_start3A_246 = arith.constant 0 : i32
    %dma_start3A_247 = arith.constant 0 : i32
    %dma_start3A_248 = tpu.memref_slice %arg4[%dma_start3A_246, %dma_start3A_247] : memref<1000000x16xf32, #tpu.memory_space<hbm>> -> memref<1000000x16xf32, #tpu.memory_space<hbm>>
    tpu.enqueue_indirect_dma source(%dma_start3A_248 : memref<1000000x16xf32, #tpu.memory_space<hbm>>) target(%dma_start3A_243 : memref<128x16xf32, #tpu.memory_space<vmem>>) offsets(%dma_start3A_245 : memref<128xi32, #tpu.memory_space<vmem>>) semaphore(%arg19 : memref<!tpu.dma_semaphore, #tpu.memory_space<semaphore_mem>>)
    %dma_start3A_249 = arith.constant 1152 : i32
    %dma_start3A_250 = arith.constant 0 : i32
    %dma_start3A_251 = tpu.memref_slice %arg12[%dma_start3A_249, %dma_start3A_250] : memref<1600x16xf32, #tpu.memory_space<vmem>> -> memref<128x16xf32, #tpu.memory_space<vmem>>
    %dma_start3A_252 = arith.constant 1152 : i32
    %dma_start3A_253 = tpu.memref_slice %arg8[%dma_start3A_252] : memref<1600xi32, #tpu.memory_space<vmem>> -> memref<128xi32, #tpu.memory_space<vmem>>
    %dma_start3A_254 = arith.constant 0 : i32
    %dma_start3A_255 = arith.constant 0 : i32
    %dma_start3A_256 = tpu.memref_slice %arg4[%dma_start3A_254, %dma_start3A_255] : memref<1000000x16xf32, #tpu.memory_space<hbm>> -> memref<1000000x16xf32, #tpu.memory_space<hbm>>
    tpu.enqueue_indirect_dma source(%dma_start3A_256 : memref<1000000x16xf32, #tpu.memory_space<hbm>>) target(%dma_start3A_251 : memref<128x16xf32, #tpu.memory_space<vmem>>) offsets(%dma_start3A_253 : memref<128xi32, #tpu.memory_space<vmem>>) semaphore(%arg19 : memref<!tpu.dma_semaphore, #tpu.memory_space<semaphore_mem>>)
    %dma_start3A_257 = arith.constant 1280 : i32
    %dma_start3A_258 = arith.constant 0 : i32
    %dma_start3A_259 = tpu.memref_slice %arg12[%dma_start3A_257, %dma_start3A_258] : memref<1600x16xf32, #tpu.memory_space<vmem>> -> memref<128x16xf32, #tpu.memory_space<vmem>>
    %dma_start3A_260 = arith.constant 1280 : i32
    %dma_start3A_261 = tpu.memref_slice %arg8[%dma_start3A_260] : memref<1600xi32, #tpu.memory_space<vmem>> -> memref<128xi32, #tpu.memory_space<vmem>>
    %dma_start3A_262 = arith.constant 0 : i32
    %dma_start3A_263 = arith.constant 0 : i32
    %dma_start3A_264 = tpu.memref_slice %arg4[%dma_start3A_262, %dma_start3A_263] : memref<1000000x16xf32, #tpu.memory_space<hbm>> -> memref<1000000x16xf32, #tpu.memory_space<hbm>>
    tpu.enqueue_indirect_dma source(%dma_start3A_264 : memref<1000000x16xf32, #tpu.memory_space<hbm>>) target(%dma_start3A_259 : memref<128x16xf32, #tpu.memory_space<vmem>>) offsets(%dma_start3A_261 : memref<128xi32, #tpu.memory_space<vmem>>) semaphore(%arg19 : memref<!tpu.dma_semaphore, #tpu.memory_space<semaphore_mem>>)
    %dma_start3A_265 = arith.constant 1408 : i32
    %dma_start3A_266 = arith.constant 0 : i32
    %dma_start3A_267 = tpu.memref_slice %arg12[%dma_start3A_265, %dma_start3A_266] : memref<1600x16xf32, #tpu.memory_space<vmem>> -> memref<128x16xf32, #tpu.memory_space<vmem>>
    %dma_start3A_268 = arith.constant 1408 : i32
    %dma_start3A_269 = tpu.memref_slice %arg8[%dma_start3A_268] : memref<1600xi32, #tpu.memory_space<vmem>> -> memref<128xi32, #tpu.memory_space<vmem>>
    %dma_start3A_270 = arith.constant 0 : i32
    %dma_start3A_271 = arith.constant 0 : i32
    %dma_start3A_272 = tpu.memref_slice %arg4[%dma_start3A_270, %dma_start3A_271] : memref<1000000x16xf32, #tpu.memory_space<hbm>> -> memref<1000000x16xf32, #tpu.memory_space<hbm>>
    tpu.enqueue_indirect_dma source(%dma_start3A_272 : memref<1000000x16xf32, #tpu.memory_space<hbm>>) target(%dma_start3A_267 : memref<128x16xf32, #tpu.memory_space<vmem>>) offsets(%dma_start3A_269 : memref<128xi32, #tpu.memory_space<vmem>>) semaphore(%arg19 : memref<!tpu.dma_semaphore, #tpu.memory_space<semaphore_mem>>)
    %dma_start3A_273 = arith.constant 1536 : i32
    %dma_start3A_274 = arith.constant 0 : i32
    %dma_start3A_275 = tpu.memref_slice %arg12[%dma_start3A_273, %dma_start3A_274] : memref<1600x16xf32, #tpu.memory_space<vmem>> -> memref<64x16xf32, #tpu.memory_space<vmem>>
    %dma_start3A_276 = arith.constant 1536 : i32
    %dma_start3A_277 = tpu.memref_slice %arg8[%dma_start3A_276] : memref<1600xi32, #tpu.memory_space<vmem>> -> memref<64xi32, #tpu.memory_space<vmem>>
    %dma_start3A_278 = arith.constant 0 : i32
    %dma_start3A_279 = arith.constant 0 : i32
    %dma_start3A_280 = tpu.memref_slice %arg4[%dma_start3A_278, %dma_start3A_279] : memref<1000000x16xf32, #tpu.memory_space<hbm>> -> memref<1000000x16xf32, #tpu.memory_space<hbm>>
    tpu.enqueue_indirect_dma source(%dma_start3A_280 : memref<1000000x16xf32, #tpu.memory_space<hbm>>) target(%dma_start3A_275 : memref<64x16xf32, #tpu.memory_space<vmem>>) offsets(%dma_start3A_277 : memref<64xi32, #tpu.memory_space<vmem>>) semaphore(%arg19 : memref<!tpu.dma_semaphore, #tpu.memory_space<semaphore_mem>>)
    %add3A_281 = arith.constant 16 : i32
    %add3A_282 = arith.addi %mul3A_2, %add3A_281 : i32
    %mul3A_283 = arith.constant 200 : i32
    %mul3A_284 = arith.muli %add3A_282, %mul3A_283 : i32
    "tpu.region"() ({
      %run_scoped3A = tpu.sem_alloc : memref<!tpu.dma_semaphore, #tpu.memory_space<semaphore_mem>>
      %dma_start3A_394 = tpu.memref_slice %arg2[%mul3A_284] : memref<3276800xi32, #tpu.memory_space<hbm>> -> memref<1600xi32, #tpu.memory_space<hbm>>
      %dma_start3A_395 = tpu.memref_slice %arg2[%mul3A_284] : memref<3276800xi32, #tpu.memory_space<hbm>> -> memref<1600xi32, #tpu.memory_space<hbm>>
      tpu.enqueue_dma source(%dma_start3A_395 : memref<1600xi32, #tpu.memory_space<hbm>>) target(%arg9 : memref<1600xi32, #tpu.memory_space<vmem>>) target_semaphore(%run_scoped3A : memref<!tpu.dma_semaphore, #tpu.memory_space<semaphore_mem>>)
      %dma_wait3A_396 = tpu.memref_slice %arg2[%mul3A_284] : memref<3276800xi32, #tpu.memory_space<hbm>> -> memref<1600xi32, #tpu.memory_space<hbm>>
      %dma_wait3A_397 = tpu.memref_slice %arg2[%mul3A_284] : memref<3276800xi32, #tpu.memory_space<hbm>> -> memref<1600xi32, #tpu.memory_space<hbm>>
      tpu.wait_dma2 semaphore(%run_scoped3A : memref<!tpu.dma_semaphore, #tpu.memory_space<semaphore_mem>>) src(%dma_wait3A_397 : memref<1600xi32, #tpu.memory_space<hbm>>) dst(%arg9 : memref<1600xi32, #tpu.memory_space<vmem>>)
      tpu.yield
    }) : () -> ()
    %dma_start3A_285 = arith.constant 0 : i32
    %dma_start3A_286 = arith.constant 0 : i32
    %dma_start3A_287 = tpu.memref_slice %arg13[%dma_start3A_285, %dma_start3A_286] : memref<1600x16xf32, #tpu.memory_space<vmem>> -> memref<128x16xf32, #tpu.memory_space<vmem>>
    %dma_start3A_288 = arith.constant 0 : i32
    %dma_start3A_289 = tpu.memref_slice %arg9[%dma_start3A_288] : memref<1600xi32, #tpu.memory_space<vmem>> -> memref<128xi32, #tpu.memory_space<vmem>>
    %dma_start3A_290 = arith.constant 0 : i32
    %dma_start3A_291 = arith.constant 0 : i32
    %dma_start3A_292 = tpu.memref_slice %arg4[%dma_start3A_290, %dma_start3A_291] : memref<1000000x16xf32, #tpu.memory_space<hbm>> -> memref<1000000x16xf32, #tpu.memory_space<hbm>>
    tpu.enqueue_indirect_dma source(%dma_start3A_292 : memref<1000000x16xf32, #tpu.memory_space<hbm>>) target(%dma_start3A_287 : memref<128x16xf32, #tpu.memory_space<vmem>>) offsets(%dma_start3A_289 : memref<128xi32, #tpu.memory_space<vmem>>) semaphore(%arg20 : memref<!tpu.dma_semaphore, #tpu.memory_space<semaphore_mem>>)
    %dma_start3A_293 = arith.constant 128 : i32
    %dma_start3A_294 = arith.constant 0 : i32
    %dma_start3A_295 = tpu.memref_slice %arg13[%dma_start3A_293, %dma_start3A_294] : memref<1600x16xf32, #tpu.memory_space<vmem>> -> memref<128x16xf32, #tpu.memory_space<vmem>>
    %dma_start3A_296 = arith.constant 128 : i32
    %dma_start3A_297 = tpu.memref_slice %arg9[%dma_start3A_296] : memref<1600xi32, #tpu.memory_space<vmem>> -> memref<128xi32, #tpu.memory_space<vmem>>
    %dma_start3A_298 = arith.constant 0 : i32
    %dma_start3A_299 = arith.constant 0 : i32
    %dma_start3A_300 = tpu.memref_slice %arg4[%dma_start3A_298, %dma_start3A_299] : memref<1000000x16xf32, #tpu.memory_space<hbm>> -> memref<1000000x16xf32, #tpu.memory_space<hbm>>
    tpu.enqueue_indirect_dma source(%dma_start3A_300 : memref<1000000x16xf32, #tpu.memory_space<hbm>>) target(%dma_start3A_295 : memref<128x16xf32, #tpu.memory_space<vmem>>) offsets(%dma_start3A_297 : memref<128xi32, #tpu.memory_space<vmem>>) semaphore(%arg20 : memref<!tpu.dma_semaphore, #tpu.memory_space<semaphore_mem>>)
    %dma_start3A_301 = arith.constant 256 : i32
    %dma_start3A_302 = arith.constant 0 : i32
    %dma_start3A_303 = tpu.memref_slice %arg13[%dma_start3A_301, %dma_start3A_302] : memref<1600x16xf32, #tpu.memory_space<vmem>> -> memref<128x16xf32, #tpu.memory_space<vmem>>
    %dma_start3A_304 = arith.constant 256 : i32
    %dma_start3A_305 = tpu.memref_slice %arg9[%dma_start3A_304] : memref<1600xi32, #tpu.memory_space<vmem>> -> memref<128xi32, #tpu.memory_space<vmem>>
    %dma_start3A_306 = arith.constant 0 : i32
    %dma_start3A_307 = arith.constant 0 : i32
    %dma_start3A_308 = tpu.memref_slice %arg4[%dma_start3A_306, %dma_start3A_307] : memref<1000000x16xf32, #tpu.memory_space<hbm>> -> memref<1000000x16xf32, #tpu.memory_space<hbm>>
    tpu.enqueue_indirect_dma source(%dma_start3A_308 : memref<1000000x16xf32, #tpu.memory_space<hbm>>) target(%dma_start3A_303 : memref<128x16xf32, #tpu.memory_space<vmem>>) offsets(%dma_start3A_305 : memref<128xi32, #tpu.memory_space<vmem>>) semaphore(%arg20 : memref<!tpu.dma_semaphore, #tpu.memory_space<semaphore_mem>>)
    %dma_start3A_309 = arith.constant 384 : i32
    %dma_start3A_310 = arith.constant 0 : i32
    %dma_start3A_311 = tpu.memref_slice %arg13[%dma_start3A_309, %dma_start3A_310] : memref<1600x16xf32, #tpu.memory_space<vmem>> -> memref<128x16xf32, #tpu.memory_space<vmem>>
    %dma_start3A_312 = arith.constant 384 : i32
    %dma_start3A_313 = tpu.memref_slice %arg9[%dma_start3A_312] : memref<1600xi32, #tpu.memory_space<vmem>> -> memref<128xi32, #tpu.memory_space<vmem>>
    %dma_start3A_314 = arith.constant 0 : i32
    %dma_start3A_315 = arith.constant 0 : i32
    %dma_start3A_316 = tpu.memref_slice %arg4[%dma_start3A_314, %dma_start3A_315] : memref<1000000x16xf32, #tpu.memory_space<hbm>> -> memref<1000000x16xf32, #tpu.memory_space<hbm>>
    tpu.enqueue_indirect_dma source(%dma_start3A_316 : memref<1000000x16xf32, #tpu.memory_space<hbm>>) target(%dma_start3A_311 : memref<128x16xf32, #tpu.memory_space<vmem>>) offsets(%dma_start3A_313 : memref<128xi32, #tpu.memory_space<vmem>>) semaphore(%arg20 : memref<!tpu.dma_semaphore, #tpu.memory_space<semaphore_mem>>)
    %dma_start3A_317 = arith.constant 512 : i32
    %dma_start3A_318 = arith.constant 0 : i32
    %dma_start3A_319 = tpu.memref_slice %arg13[%dma_start3A_317, %dma_start3A_318] : memref<1600x16xf32, #tpu.memory_space<vmem>> -> memref<128x16xf32, #tpu.memory_space<vmem>>
    %dma_start3A_320 = arith.constant 512 : i32
    %dma_start3A_321 = tpu.memref_slice %arg9[%dma_start3A_320] : memref<1600xi32, #tpu.memory_space<vmem>> -> memref<128xi32, #tpu.memory_space<vmem>>
    %dma_start3A_322 = arith.constant 0 : i32
    %dma_start3A_323 = arith.constant 0 : i32
    %dma_start3A_324 = tpu.memref_slice %arg4[%dma_start3A_322, %dma_start3A_323] : memref<1000000x16xf32, #tpu.memory_space<hbm>> -> memref<1000000x16xf32, #tpu.memory_space<hbm>>
    tpu.enqueue_indirect_dma source(%dma_start3A_324 : memref<1000000x16xf32, #tpu.memory_space<hbm>>) target(%dma_start3A_319 : memref<128x16xf32, #tpu.memory_space<vmem>>) offsets(%dma_start3A_321 : memref<128xi32, #tpu.memory_space<vmem>>) semaphore(%arg20 : memref<!tpu.dma_semaphore, #tpu.memory_space<semaphore_mem>>)
    %dma_start3A_325 = arith.constant 640 : i32
    %dma_start3A_326 = arith.constant 0 : i32
    %dma_start3A_327 = tpu.memref_slice %arg13[%dma_start3A_325, %dma_start3A_326] : memref<1600x16xf32, #tpu.memory_space<vmem>> -> memref<128x16xf32, #tpu.memory_space<vmem>>
    %dma_start3A_328 = arith.constant 640 : i32
    %dma_start3A_329 = tpu.memref_slice %arg9[%dma_start3A_328] : memref<1600xi32, #tpu.memory_space<vmem>> -> memref<128xi32, #tpu.memory_space<vmem>>
    %dma_start3A_330 = arith.constant 0 : i32
    %dma_start3A_331 = arith.constant 0 : i32
    %dma_start3A_332 = tpu.memref_slice %arg4[%dma_start3A_330, %dma_start3A_331] : memref<1000000x16xf32, #tpu.memory_space<hbm>> -> memref<1000000x16xf32, #tpu.memory_space<hbm>>
    tpu.enqueue_indirect_dma source(%dma_start3A_332 : memref<1000000x16xf32, #tpu.memory_space<hbm>>) target(%dma_start3A_327 : memref<128x16xf32, #tpu.memory_space<vmem>>) offsets(%dma_start3A_329 : memref<128xi32, #tpu.memory_space<vmem>>) semaphore(%arg20 : memref<!tpu.dma_semaphore, #tpu.memory_space<semaphore_mem>>)
    %dma_start3A_333 = arith.constant 768 : i32
    %dma_start3A_334 = arith.constant 0 : i32
    %dma_start3A_335 = tpu.memref_slice %arg13[%dma_start3A_333, %dma_start3A_334] : memref<1600x16xf32, #tpu.memory_space<vmem>> -> memref<128x16xf32, #tpu.memory_space<vmem>>
    %dma_start3A_336 = arith.constant 768 : i32
    %dma_start3A_337 = tpu.memref_slice %arg9[%dma_start3A_336] : memref<1600xi32, #tpu.memory_space<vmem>> -> memref<128xi32, #tpu.memory_space<vmem>>
    %dma_start3A_338 = arith.constant 0 : i32
    %dma_start3A_339 = arith.constant 0 : i32
    %dma_start3A_340 = tpu.memref_slice %arg4[%dma_start3A_338, %dma_start3A_339] : memref<1000000x16xf32, #tpu.memory_space<hbm>> -> memref<1000000x16xf32, #tpu.memory_space<hbm>>
    tpu.enqueue_indirect_dma source(%dma_start3A_340 : memref<1000000x16xf32, #tpu.memory_space<hbm>>) target(%dma_start3A_335 : memref<128x16xf32, #tpu.memory_space<vmem>>) offsets(%dma_start3A_337 : memref<128xi32, #tpu.memory_space<vmem>>) semaphore(%arg20 : memref<!tpu.dma_semaphore, #tpu.memory_space<semaphore_mem>>)
    %dma_start3A_341 = arith.constant 896 : i32
    %dma_start3A_342 = arith.constant 0 : i32
    %dma_start3A_343 = tpu.memref_slice %arg13[%dma_start3A_341, %dma_start3A_342] : memref<1600x16xf32, #tpu.memory_space<vmem>> -> memref<128x16xf32, #tpu.memory_space<vmem>>
    %dma_start3A_344 = arith.constant 896 : i32
    %dma_start3A_345 = tpu.memref_slice %arg9[%dma_start3A_344] : memref<1600xi32, #tpu.memory_space<vmem>> -> memref<128xi32, #tpu.memory_space<vmem>>
    %dma_start3A_346 = arith.constant 0 : i32
    %dma_start3A_347 = arith.constant 0 : i32
    %dma_start3A_348 = tpu.memref_slice %arg4[%dma_start3A_346, %dma_start3A_347] : memref<1000000x16xf32, #tpu.memory_space<hbm>> -> memref<1000000x16xf32, #tpu.memory_space<hbm>>
    tpu.enqueue_indirect_dma source(%dma_start3A_348 : memref<1000000x16xf32, #tpu.memory_space<hbm>>) target(%dma_start3A_343 : memref<128x16xf32, #tpu.memory_space<vmem>>) offsets(%dma_start3A_345 : memref<128xi32, #tpu.memory_space<vmem>>) semaphore(%arg20 : memref<!tpu.dma_semaphore, #tpu.memory_space<semaphore_mem>>)
    %dma_start3A_349 = arith.constant 1024 : i32
    %dma_start3A_350 = arith.constant 0 : i32
    %dma_start3A_351 = tpu.memref_slice %arg13[%dma_start3A_349, %dma_start3A_350] : memref<1600x16xf32, #tpu.memory_space<vmem>> -> memref<128x16xf32, #tpu.memory_space<vmem>>
    %dma_start3A_352 = arith.constant 1024 : i32
    %dma_start3A_353 = tpu.memref_slice %arg9[%dma_start3A_352] : memref<1600xi32, #tpu.memory_space<vmem>> -> memref<128xi32, #tpu.memory_space<vmem>>
    %dma_start3A_354 = arith.constant 0 : i32
    %dma_start3A_355 = arith.constant 0 : i32
    %dma_start3A_356 = tpu.memref_slice %arg4[%dma_start3A_354, %dma_start3A_355] : memref<1000000x16xf32, #tpu.memory_space<hbm>> -> memref<1000000x16xf32, #tpu.memory_space<hbm>>
    tpu.enqueue_indirect_dma source(%dma_start3A_356 : memref<1000000x16xf32, #tpu.memory_space<hbm>>) target(%dma_start3A_351 : memref<128x16xf32, #tpu.memory_space<vmem>>) offsets(%dma_start3A_353 : memref<128xi32, #tpu.memory_space<vmem>>) semaphore(%arg20 : memref<!tpu.dma_semaphore, #tpu.memory_space<semaphore_mem>>)
    %dma_start3A_357 = arith.constant 1152 : i32
    %dma_start3A_358 = arith.constant 0 : i32
    %dma_start3A_359 = tpu.memref_slice %arg13[%dma_start3A_357, %dma_start3A_358] : memref<1600x16xf32, #tpu.memory_space<vmem>> -> memref<128x16xf32, #tpu.memory_space<vmem>>
    %dma_start3A_360 = arith.constant 1152 : i32
    %dma_start3A_361 = tpu.memref_slice %arg9[%dma_start3A_360] : memref<1600xi32, #tpu.memory_space<vmem>> -> memref<128xi32, #tpu.memory_space<vmem>>
    %dma_start3A_362 = arith.constant 0 : i32
    %dma_start3A_363 = arith.constant 0 : i32
    %dma_start3A_364 = tpu.memref_slice %arg4[%dma_start3A_362, %dma_start3A_363] : memref<1000000x16xf32, #tpu.memory_space<hbm>> -> memref<1000000x16xf32, #tpu.memory_space<hbm>>
    tpu.enqueue_indirect_dma source(%dma_start3A_364 : memref<1000000x16xf32, #tpu.memory_space<hbm>>) target(%dma_start3A_359 : memref<128x16xf32, #tpu.memory_space<vmem>>) offsets(%dma_start3A_361 : memref<128xi32, #tpu.memory_space<vmem>>) semaphore(%arg20 : memref<!tpu.dma_semaphore, #tpu.memory_space<semaphore_mem>>)
    %dma_start3A_365 = arith.constant 1280 : i32
    %dma_start3A_366 = arith.constant 0 : i32
    %dma_start3A_367 = tpu.memref_slice %arg13[%dma_start3A_365, %dma_start3A_366] : memref<1600x16xf32, #tpu.memory_space<vmem>> -> memref<128x16xf32, #tpu.memory_space<vmem>>
    %dma_start3A_368 = arith.constant 1280 : i32
    %dma_start3A_369 = tpu.memref_slice %arg9[%dma_start3A_368] : memref<1600xi32, #tpu.memory_space<vmem>> -> memref<128xi32, #tpu.memory_space<vmem>>
    %dma_start3A_370 = arith.constant 0 : i32
    %dma_start3A_371 = arith.constant 0 : i32
    %dma_start3A_372 = tpu.memref_slice %arg4[%dma_start3A_370, %dma_start3A_371] : memref<1000000x16xf32, #tpu.memory_space<hbm>> -> memref<1000000x16xf32, #tpu.memory_space<hbm>>
    tpu.enqueue_indirect_dma source(%dma_start3A_372 : memref<1000000x16xf32, #tpu.memory_space<hbm>>) target(%dma_start3A_367 : memref<128x16xf32, #tpu.memory_space<vmem>>) offsets(%dma_start3A_369 : memref<128xi32, #tpu.memory_space<vmem>>) semaphore(%arg20 : memref<!tpu.dma_semaphore, #tpu.memory_space<semaphore_mem>>)
    %dma_start3A_373 = arith.constant 1408 : i32
    %dma_start3A_374 = arith.constant 0 : i32
    %dma_start3A_375 = tpu.memref_slice %arg13[%dma_start3A_373, %dma_start3A_374] : memref<1600x16xf32, #tpu.memory_space<vmem>> -> memref<128x16xf32, #tpu.memory_space<vmem>>
    %dma_start3A_376 = arith.constant 1408 : i32
    %dma_start3A_377 = tpu.memref_slice %arg9[%dma_start3A_376] : memref<1600xi32, #tpu.memory_space<vmem>> -> memref<128xi32, #tpu.memory_space<vmem>>
    %dma_start3A_378 = arith.constant 0 : i32
    %dma_start3A_379 = arith.constant 0 : i32
    %dma_start3A_380 = tpu.memref_slice %arg4[%dma_start3A_378, %dma_start3A_379] : memref<1000000x16xf32, #tpu.memory_space<hbm>> -> memref<1000000x16xf32, #tpu.memory_space<hbm>>
    tpu.enqueue_indirect_dma source(%dma_start3A_380 : memref<1000000x16xf32, #tpu.memory_space<hbm>>) target(%dma_start3A_375 : memref<128x16xf32, #tpu.memory_space<vmem>>) offsets(%dma_start3A_377 : memref<128xi32, #tpu.memory_space<vmem>>) semaphore(%arg20 : memref<!tpu.dma_semaphore, #tpu.memory_space<semaphore_mem>>)
    %dma_start3A_381 = arith.constant 1536 : i32
    %dma_start3A_382 = arith.constant 0 : i32
    %dma_start3A_383 = tpu.memref_slice %arg13[%dma_start3A_381, %dma_start3A_382] : memref<1600x16xf32, #tpu.memory_space<vmem>> -> memref<64x16xf32, #tpu.memory_space<vmem>>
    %dma_start3A_384 = arith.constant 1536 : i32
    %dma_start3A_385 = tpu.memref_slice %arg9[%dma_start3A_384] : memref<1600xi32, #tpu.memory_space<vmem>> -> memref<64xi32, #tpu.memory_space<vmem>>
    %dma_start3A_386 = arith.constant 0 : i32
    %dma_start3A_387 = arith.constant 0 : i32
    %dma_start3A_388 = tpu.memref_slice %arg4[%dma_start3A_386, %dma_start3A_387] : memref<1000000x16xf32, #tpu.memory_space<hbm>> -> memref<1000000x16xf32, #tpu.memory_space<hbm>>
    tpu.enqueue_indirect_dma source(%dma_start3A_388 : memref<1000000x16xf32, #tpu.memory_space<hbm>>) target(%dma_start3A_383 : memref<64x16xf32, #tpu.memory_space<vmem>>) offsets(%dma_start3A_385 : memref<64xi32, #tpu.memory_space<vmem>>) semaphore(%arg20 : memref<!tpu.dma_semaphore, #tpu.memory_space<semaphore_mem>>)
    %scan3A = arith.constant 0 : i32
    %scan3A_389 = arith.constant 0 : i32
    %scan3A_390 = arith.constant 16 : i32
    %scan3A_391 = arith.addi %scan3A_389, %scan3A_390 : i32
    %scan3A_392 = arith.constant 1 : i32
    scf.for %scan3A_394 = %scan3A_389 to %scan3A_391 step %scan3A_392  : i32 {
      %mul3A_395 = arith.constant 4 : i32
      %mul3A_396 = arith.muli %mul3A_395, %scan3A_394 : i32
      %add3A_397 = arith.constant 0 : i32
      %add3A_398 = arith.addi %mul3A_396, %add3A_397 : i32
      %add3A_399 = arith.constant 3 : i32
      %add3A_400 = arith.addi %add3A_398, %add3A_399 : i32
      %lt3A = arith.constant 64 : i32
      %lt3A_401 = arith.cmpi slt, %add3A_400, %lt3A : i32
      %convert_element_type3A = arith.extui %lt3A_401 : i1 to i32
      %cond3A = arith.constant 0 : i32
      %cond3A_402 = arith.cmpi ne, %convert_element_type3A, %cond3A : i32
      scf.if %cond3A_402 {
        %mul3A_1014 = arith.constant 8 : i32
        %mul3A_1015 = arith.muli %add3A_400, %mul3A_1014 : i32
        %add3A_1016 = arith.addi %mul3A_2, %mul3A_1015 : i32
        %mul3A_1017 = arith.constant 200 : i32
        %mul3A_1018 = arith.muli %add3A_1016, %mul3A_1017 : i32
        "tpu.region"() ({
          %run_scoped3A = tpu.sem_alloc : memref<!tpu.dma_semaphore, #tpu.memory_space<semaphore_mem>>
          %dma_start3A_1123 = tpu.memref_slice %arg2[%mul3A_1018] : memref<3276800xi32, #tpu.memory_space<hbm>> -> memref<1600xi32, #tpu.memory_space<hbm>>
          %dma_start3A_1124 = tpu.memref_slice %arg2[%mul3A_1018] : memref<3276800xi32, #tpu.memory_space<hbm>> -> memref<1600xi32, #tpu.memory_space<hbm>>
          tpu.enqueue_dma source(%dma_start3A_1124 : memref<1600xi32, #tpu.memory_space<hbm>>) target(%arg10 : memref<1600xi32, #tpu.memory_space<vmem>>) target_semaphore(%run_scoped3A : memref<!tpu.dma_semaphore, #tpu.memory_space<semaphore_mem>>)
          %dma_wait3A_1125 = tpu.memref_slice %arg2[%mul3A_1018] : memref<3276800xi32, #tpu.memory_space<hbm>> -> memref<1600xi32, #tpu.memory_space<hbm>>
          %dma_wait3A_1126 = tpu.memref_slice %arg2[%mul3A_1018] : memref<3276800xi32, #tpu.memory_space<hbm>> -> memref<1600xi32, #tpu.memory_space<hbm>>
          tpu.wait_dma2 semaphore(%run_scoped3A : memref<!tpu.dma_semaphore, #tpu.memory_space<semaphore_mem>>) src(%dma_wait3A_1126 : memref<1600xi32, #tpu.memory_space<hbm>>) dst(%arg10 : memref<1600xi32, #tpu.memory_space<vmem>>)
          tpu.yield
        }) : () -> ()
        %dma_start3A_1019 = arith.constant 0 : i32
        %dma_start3A_1020 = arith.constant 0 : i32
        %dma_start3A_1021 = tpu.memref_slice %arg14[%dma_start3A_1019, %dma_start3A_1020] : memref<1600x16xf32, #tpu.memory_space<vmem>> -> memref<128x16xf32, #tpu.memory_space<vmem>>
        %dma_start3A_1022 = arith.constant 0 : i32
        %dma_start3A_1023 = tpu.memref_slice %arg10[%dma_start3A_1022] : memref<1600xi32, #tpu.memory_space<vmem>> -> memref<128xi32, #tpu.memory_space<vmem>>
        %dma_start3A_1024 = arith.constant 0 : i32
        %dma_start3A_1025 = arith.constant 0 : i32
        %dma_start3A_1026 = tpu.memref_slice %arg4[%dma_start3A_1024, %dma_start3A_1025] : memref<1000000x16xf32, #tpu.memory_space<hbm>> -> memref<1000000x16xf32, #tpu.memory_space<hbm>>
        tpu.enqueue_indirect_dma source(%dma_start3A_1026 : memref<1000000x16xf32, #tpu.memory_space<hbm>>) target(%dma_start3A_1021 : memref<128x16xf32, #tpu.memory_space<vmem>>) offsets(%dma_start3A_1023 : memref<128xi32, #tpu.memory_space<vmem>>) semaphore(%arg21 : memref<!tpu.dma_semaphore, #tpu.memory_space<semaphore_mem>>)
        %dma_start3A_1027 = arith.constant 128 : i32
        %dma_start3A_1028 = arith.constant 0 : i32
        %dma_start3A_1029 = tpu.memref_slice %arg14[%dma_start3A_1027, %dma_start3A_1028] : memref<1600x16xf32, #tpu.memory_space<vmem>> -> memref<128x16xf32, #tpu.memory_space<vmem>>
        %dma_start3A_1030 = arith.constant 128 : i32
        %dma_start3A_1031 = tpu.memref_slice %arg10[%dma_start3A_1030] : memref<1600xi32, #tpu.memory_space<vmem>> -> memref<128xi32, #tpu.memory_space<vmem>>
        %dma_start3A_1032 = arith.constant 0 : i32
        %dma_start3A_1033 = arith.constant 0 : i32
        %dma_start3A_1034 = tpu.memref_slice %arg4[%dma_start3A_1032, %dma_start3A_1033] : memref<1000000x16xf32, #tpu.memory_space<hbm>> -> memref<1000000x16xf32, #tpu.memory_space<hbm>>
        tpu.enqueue_indirect_dma source(%dma_start3A_1034 : memref<1000000x16xf32, #tpu.memory_space<hbm>>) target(%dma_start3A_1029 : memref<128x16xf32, #tpu.memory_space<vmem>>) offsets(%dma_start3A_1031 : memref<128xi32, #tpu.memory_space<vmem>>) semaphore(%arg21 : memref<!tpu.dma_semaphore, #tpu.memory_space<semaphore_mem>>)
        %dma_start3A_1035 = arith.constant 256 : i32
        %dma_start3A_1036 = arith.constant 0 : i32
        %dma_start3A_1037 = tpu.memref_slice %arg14[%dma_start3A_1035, %dma_start3A_1036] : memref<1600x16xf32, #tpu.memory_space<vmem>> -> memref<128x16xf32, #tpu.memory_space<vmem>>
        %dma_start3A_1038 = arith.constant 256 : i32
        %dma_start3A_1039 = tpu.memref_slice %arg10[%dma_start3A_1038] : memref<1600xi32, #tpu.memory_space<vmem>> -> memref<128xi32, #tpu.memory_space<vmem>>
        %dma_start3A_1040 = arith.constant 0 : i32
        %dma_start3A_1041 = arith.constant 0 : i32
        %dma_start3A_1042 = tpu.memref_slice %arg4[%dma_start3A_1040, %dma_start3A_1041] : memref<1000000x16xf32, #tpu.memory_space<hbm>> -> memref<1000000x16xf32, #tpu.memory_space<hbm>>
        tpu.enqueue_indirect_dma source(%dma_start3A_1042 : memref<1000000x16xf32, #tpu.memory_space<hbm>>) target(%dma_start3A_1037 : memref<128x16xf32, #tpu.memory_space<vmem>>) offsets(%dma_start3A_1039 : memref<128xi32, #tpu.memory_space<vmem>>) semaphore(%arg21 : memref<!tpu.dma_semaphore, #tpu.memory_space<semaphore_mem>>)
        %dma_start3A_1043 = arith.constant 384 : i32
        %dma_start3A_1044 = arith.constant 0 : i32
        %dma_start3A_1045 = tpu.memref_slice %arg14[%dma_start3A_1043, %dma_start3A_1044] : memref<1600x16xf32, #tpu.memory_space<vmem>> -> memref<128x16xf32, #tpu.memory_space<vmem>>
        %dma_start3A_1046 = arith.constant 384 : i32
        %dma_start3A_1047 = tpu.memref_slice %arg10[%dma_start3A_1046] : memref<1600xi32, #tpu.memory_space<vmem>> -> memref<128xi32, #tpu.memory_space<vmem>>
        %dma_start3A_1048 = arith.constant 0 : i32
        %dma_start3A_1049 = arith.constant 0 : i32
        %dma_start3A_1050 = tpu.memref_slice %arg4[%dma_start3A_1048, %dma_start3A_1049] : memref<1000000x16xf32, #tpu.memory_space<hbm>> -> memref<1000000x16xf32, #tpu.memory_space<hbm>>
        tpu.enqueue_indirect_dma source(%dma_start3A_1050 : memref<1000000x16xf32, #tpu.memory_space<hbm>>) target(%dma_start3A_1045 : memref<128x16xf32, #tpu.memory_space<vmem>>) offsets(%dma_start3A_1047 : memref<128xi32, #tpu.memory_space<vmem>>) semaphore(%arg21 : memref<!tpu.dma_semaphore, #tpu.memory_space<semaphore_mem>>)
        %dma_start3A_1051 = arith.constant 512 : i32
        %dma_start3A_1052 = arith.constant 0 : i32
        %dma_start3A_1053 = tpu.memref_slice %arg14[%dma_start3A_1051, %dma_start3A_1052] : memref<1600x16xf32, #tpu.memory_space<vmem>> -> memref<128x16xf32, #tpu.memory_space<vmem>>
        %dma_start3A_1054 = arith.constant 512 : i32
        %dma_start3A_1055 = tpu.memref_slice %arg10[%dma_start3A_1054] : memref<1600xi32, #tpu.memory_space<vmem>> -> memref<128xi32, #tpu.memory_space<vmem>>
        %dma_start3A_1056 = arith.constant 0 : i32
        %dma_start3A_1057 = arith.constant 0 : i32
        %dma_start3A_1058 = tpu.memref_slice %arg4[%dma_start3A_1056, %dma_start3A_1057] : memref<1000000x16xf32, #tpu.memory_space<hbm>> -> memref<1000000x16xf32, #tpu.memory_space<hbm>>
        tpu.enqueue_indirect_dma source(%dma_start3A_1058 : memref<1000000x16xf32, #tpu.memory_space<hbm>>) target(%dma_start3A_1053 : memref<128x16xf32, #tpu.memory_space<vmem>>) offsets(%dma_start3A_1055 : memref<128xi32, #tpu.memory_space<vmem>>) semaphore(%arg21 : memref<!tpu.dma_semaphore, #tpu.memory_space<semaphore_mem>>)
        %dma_start3A_1059 = arith.constant 640 : i32
        %dma_start3A_1060 = arith.constant 0 : i32
        %dma_start3A_1061 = tpu.memref_slice %arg14[%dma_start3A_1059, %dma_start3A_1060] : memref<1600x16xf32, #tpu.memory_space<vmem>> -> memref<128x16xf32, #tpu.memory_space<vmem>>
        %dma_start3A_1062 = arith.constant 640 : i32
        %dma_start3A_1063 = tpu.memref_slice %arg10[%dma_start3A_1062] : memref<1600xi32, #tpu.memory_space<vmem>> -> memref<128xi32, #tpu.memory_space<vmem>>
        %dma_start3A_1064 = arith.constant 0 : i32
        %dma_start3A_1065 = arith.constant 0 : i32
        %dma_start3A_1066 = tpu.memref_slice %arg4[%dma_start3A_1064, %dma_start3A_1065] : memref<1000000x16xf32, #tpu.memory_space<hbm>> -> memref<1000000x16xf32, #tpu.memory_space<hbm>>
        tpu.enqueue_indirect_dma source(%dma_start3A_1066 : memref<1000000x16xf32, #tpu.memory_space<hbm>>) target(%dma_start3A_1061 : memref<128x16xf32, #tpu.memory_space<vmem>>) offsets(%dma_start3A_1063 : memref<128xi32, #tpu.memory_space<vmem>>) semaphore(%arg21 : memref<!tpu.dma_semaphore, #tpu.memory_space<semaphore_mem>>)
        %dma_start3A_1067 = arith.constant 768 : i32
        %dma_start3A_1068 = arith.constant 0 : i32
        %dma_start3A_1069 = tpu.memref_slice %arg14[%dma_start3A_1067, %dma_start3A_1068] : memref<1600x16xf32, #tpu.memory_space<vmem>> -> memref<128x16xf32, #tpu.memory_space<vmem>>
        %dma_start3A_1070 = arith.constant 768 : i32
        %dma_start3A_1071 = tpu.memref_slice %arg10[%dma_start3A_1070] : memref<1600xi32, #tpu.memory_space<vmem>> -> memref<128xi32, #tpu.memory_space<vmem>>
        %dma_start3A_1072 = arith.constant 0 : i32
        %dma_start3A_1073 = arith.constant 0 : i32
        %dma_start3A_1074 = tpu.memref_slice %arg4[%dma_start3A_1072, %dma_start3A_1073] : memref<1000000x16xf32, #tpu.memory_space<hbm>> -> memref<1000000x16xf32, #tpu.memory_space<hbm>>
        tpu.enqueue_indirect_dma source(%dma_start3A_1074 : memref<1000000x16xf32, #tpu.memory_space<hbm>>) target(%dma_start3A_1069 : memref<128x16xf32, #tpu.memory_space<vmem>>) offsets(%dma_start3A_1071 : memref<128xi32, #tpu.memory_space<vmem>>) semaphore(%arg21 : memref<!tpu.dma_semaphore, #tpu.memory_space<semaphore_mem>>)
        %dma_start3A_1075 = arith.constant 896 : i32
        %dma_start3A_1076 = arith.constant 0 : i32
        %dma_start3A_1077 = tpu.memref_slice %arg14[%dma_start3A_1075, %dma_start3A_1076] : memref<1600x16xf32, #tpu.memory_space<vmem>> -> memref<128x16xf32, #tpu.memory_space<vmem>>
        %dma_start3A_1078 = arith.constant 896 : i32
        %dma_start3A_1079 = tpu.memref_slice %arg10[%dma_start3A_1078] : memref<1600xi32, #tpu.memory_space<vmem>> -> memref<128xi32, #tpu.memory_space<vmem>>
        %dma_start3A_1080 = arith.constant 0 : i32
        %dma_start3A_1081 = arith.constant 0 : i32
        %dma_start3A_1082 = tpu.memref_slice %arg4[%dma_start3A_1080, %dma_start3A_1081] : memref<1000000x16xf32, #tpu.memory_space<hbm>> -> memref<1000000x16xf32, #tpu.memory_space<hbm>>
        tpu.enqueue_indirect_dma source(%dma_start3A_1082 : memref<1000000x16xf32, #tpu.memory_space<hbm>>) target(%dma_start3A_1077 : memref<128x16xf32, #tpu.memory_space<vmem>>) offsets(%dma_start3A_1079 : memref<128xi32, #tpu.memory_space<vmem>>) semaphore(%arg21 : memref<!tpu.dma_semaphore, #tpu.memory_space<semaphore_mem>>)
        %dma_start3A_1083 = arith.constant 1024 : i32
        %dma_start3A_1084 = arith.constant 0 : i32
        %dma_start3A_1085 = tpu.memref_slice %arg14[%dma_start3A_1083, %dma_start3A_1084] : memref<1600x16xf32, #tpu.memory_space<vmem>> -> memref<128x16xf32, #tpu.memory_space<vmem>>
        %dma_start3A_1086 = arith.constant 1024 : i32
        %dma_start3A_1087 = tpu.memref_slice %arg10[%dma_start3A_1086] : memref<1600xi32, #tpu.memory_space<vmem>> -> memref<128xi32, #tpu.memory_space<vmem>>
        %dma_start3A_1088 = arith.constant 0 : i32
        %dma_start3A_1089 = arith.constant 0 : i32
        %dma_start3A_1090 = tpu.memref_slice %arg4[%dma_start3A_1088, %dma_start3A_1089] : memref<1000000x16xf32, #tpu.memory_space<hbm>> -> memref<1000000x16xf32, #tpu.memory_space<hbm>>
        tpu.enqueue_indirect_dma source(%dma_start3A_1090 : memref<1000000x16xf32, #tpu.memory_space<hbm>>) target(%dma_start3A_1085 : memref<128x16xf32, #tpu.memory_space<vmem>>) offsets(%dma_start3A_1087 : memref<128xi32, #tpu.memory_space<vmem>>) semaphore(%arg21 : memref<!tpu.dma_semaphore, #tpu.memory_space<semaphore_mem>>)
        %dma_start3A_1091 = arith.constant 1152 : i32
        %dma_start3A_1092 = arith.constant 0 : i32
        %dma_start3A_1093 = tpu.memref_slice %arg14[%dma_start3A_1091, %dma_start3A_1092] : memref<1600x16xf32, #tpu.memory_space<vmem>> -> memref<128x16xf32, #tpu.memory_space<vmem>>
        %dma_start3A_1094 = arith.constant 1152 : i32
        %dma_start3A_1095 = tpu.memref_slice %arg10[%dma_start3A_1094] : memref<1600xi32, #tpu.memory_space<vmem>> -> memref<128xi32, #tpu.memory_space<vmem>>
        %dma_start3A_1096 = arith.constant 0 : i32
        %dma_start3A_1097 = arith.constant 0 : i32
        %dma_start3A_1098 = tpu.memref_slice %arg4[%dma_start3A_1096, %dma_start3A_1097] : memref<1000000x16xf32, #tpu.memory_space<hbm>> -> memref<1000000x16xf32, #tpu.memory_space<hbm>>
        tpu.enqueue_indirect_dma source(%dma_start3A_1098 : memref<1000000x16xf32, #tpu.memory_space<hbm>>) target(%dma_start3A_1093 : memref<128x16xf32, #tpu.memory_space<vmem>>) offsets(%dma_start3A_1095 : memref<128xi32, #tpu.memory_space<vmem>>) semaphore(%arg21 : memref<!tpu.dma_semaphore, #tpu.memory_space<semaphore_mem>>)
        %dma_start3A_1099 = arith.constant 1280 : i32
        %dma_start3A_1100 = arith.constant 0 : i32
        %dma_start3A_1101 = tpu.memref_slice %arg14[%dma_start3A_1099, %dma_start3A_1100] : memref<1600x16xf32, #tpu.memory_space<vmem>> -> memref<128x16xf32, #tpu.memory_space<vmem>>
        %dma_start3A_1102 = arith.constant 1280 : i32
        %dma_start3A_1103 = tpu.memref_slice %arg10[%dma_start3A_1102] : memref<1600xi32, #tpu.memory_space<vmem>> -> memref<128xi32, #tpu.memory_space<vmem>>
        %dma_start3A_1104 = arith.constant 0 : i32
        %dma_start3A_1105 = arith.constant 0 : i32
        %dma_start3A_1106 = tpu.memref_slice %arg4[%dma_start3A_1104, %dma_start3A_1105] : memref<1000000x16xf32, #tpu.memory_space<hbm>> -> memref<1000000x16xf32, #tpu.memory_space<hbm>>
        tpu.enqueue_indirect_dma source(%dma_start3A_1106 : memref<1000000x16xf32, #tpu.memory_space<hbm>>) target(%dma_start3A_1101 : memref<128x16xf32, #tpu.memory_space<vmem>>) offsets(%dma_start3A_1103 : memref<128xi32, #tpu.memory_space<vmem>>) semaphore(%arg21 : memref<!tpu.dma_semaphore, #tpu.memory_space<semaphore_mem>>)
        %dma_start3A_1107 = arith.constant 1408 : i32
        %dma_start3A_1108 = arith.constant 0 : i32
        %dma_start3A_1109 = tpu.memref_slice %arg14[%dma_start3A_1107, %dma_start3A_1108] : memref<1600x16xf32, #tpu.memory_space<vmem>> -> memref<128x16xf32, #tpu.memory_space<vmem>>
        %dma_start3A_1110 = arith.constant 1408 : i32
        %dma_start3A_1111 = tpu.memref_slice %arg10[%dma_start3A_1110] : memref<1600xi32, #tpu.memory_space<vmem>> -> memref<128xi32, #tpu.memory_space<vmem>>
        %dma_start3A_1112 = arith.constant 0 : i32
        %dma_start3A_1113 = arith.constant 0 : i32
        %dma_start3A_1114 = tpu.memref_slice %arg4[%dma_start3A_1112, %dma_start3A_1113] : memref<1000000x16xf32, #tpu.memory_space<hbm>> -> memref<1000000x16xf32, #tpu.memory_space<hbm>>
        tpu.enqueue_indirect_dma source(%dma_start3A_1114 : memref<1000000x16xf32, #tpu.memory_space<hbm>>) target(%dma_start3A_1109 : memref<128x16xf32, #tpu.memory_space<vmem>>) offsets(%dma_start3A_1111 : memref<128xi32, #tpu.memory_space<vmem>>) semaphore(%arg21 : memref<!tpu.dma_semaphore, #tpu.memory_space<semaphore_mem>>)
        %dma_start3A_1115 = arith.constant 1536 : i32
        %dma_start3A_1116 = arith.constant 0 : i32
        %dma_start3A_1117 = tpu.memref_slice %arg14[%dma_start3A_1115, %dma_start3A_1116] : memref<1600x16xf32, #tpu.memory_space<vmem>> -> memref<64x16xf32, #tpu.memory_space<vmem>>
        %dma_start3A_1118 = arith.constant 1536 : i32
        %dma_start3A_1119 = tpu.memref_slice %arg10[%dma_start3A_1118] : memref<1600xi32, #tpu.memory_space<vmem>> -> memref<64xi32, #tpu.memory_space<vmem>>
        %dma_start3A_1120 = arith.constant 0 : i32
        %dma_start3A_1121 = arith.constant 0 : i32
        %dma_start3A_1122 = tpu.memref_slice %arg4[%dma_start3A_1120, %dma_start3A_1121] : memref<1000000x16xf32, #tpu.memory_space<hbm>> -> memref<1000000x16xf32, #tpu.memory_space<hbm>>
        tpu.enqueue_indirect_dma source(%dma_start3A_1122 : memref<1000000x16xf32, #tpu.memory_space<hbm>>) target(%dma_start3A_1117 : memref<64x16xf32, #tpu.memory_space<vmem>>) offsets(%dma_start3A_1119 : memref<64xi32, #tpu.memory_space<vmem>>) semaphore(%arg21 : memref<!tpu.dma_semaphore, #tpu.memory_space<semaphore_mem>>)
      } else {
      }
      %dma_wait3A_403 = arith.constant 0 : i32
      %dma_wait3A_404 = arith.constant 0 : i32
      %dma_wait3A_405 = tpu.memref_slice %arg4[%dma_wait3A_403, %dma_wait3A_404] : memref<1000000x16xf32, #tpu.memory_space<hbm>> -> memref<1600x16xf32, #tpu.memory_space<hbm>>
      %dma_wait3A_406 = arith.constant 0 : i32
      %dma_wait3A_407 = arith.constant 0 : i32
      %dma_wait3A_408 = tpu.memref_slice %arg4[%dma_wait3A_406, %dma_wait3A_407] : memref<1000000x16xf32, #tpu.memory_space<hbm>> -> memref<1600x16xf32, #tpu.memory_space<hbm>>
      tpu.wait_dma2 semaphore(%arg18 : memref<!tpu.dma_semaphore, #tpu.memory_space<semaphore_mem>>) src(%dma_wait3A_408 : memref<1600x16xf32, #tpu.memory_space<hbm>>) dst(%arg11 : memref<1600x16xf32, #tpu.memory_space<vmem>>)
      %broadcast_in_dim3A = arith.constant 0.000000e+00 : f32
      %broadcast_in_dim3A_409 = vector.broadcast %broadcast_in_dim3A : f32 to vector<16xf32>
      %scan3A_410 = arith.constant 0 : i32
      %scan3A_411 = arith.constant 25 : i32
      %scan3A_412 = arith.addi %scan3A_410, %scan3A_411 : i32
      %scan3A_413 = arith.constant 1 : i32
      %scan3A_414:4 = scf.for %scan3A_1014 = %scan3A_410 to %scan3A_412 step %scan3A_413 iter_args(%scan3A_1015 = %broadcast_in_dim3A_409, %scan3A_1016 = %broadcast_in_dim3A_409, %scan3A_1017 = %broadcast_in_dim3A_409, %scan3A_1018 = %broadcast_in_dim3A_409) -> (vector<16xf32>, vector<16xf32>, vector<16xf32>, vector<16xf32>)  : i32 {
        %mul3A_1019 = arith.constant 8 : i32
        %mul3A_1020 = arith.muli %scan3A_1014, %mul3A_1019 : i32
        %add3A_1021 = arith.constant 0 : i32
        %add3A_1022 = arith.addi %add3A_1021, %mul3A_1020 : i32
        %get3A = arith.index_cast %add3A_1022 : i32 to index
        %get3A_1023 = arith.constant 0 : index
        %get3A_1024 = tpu.vector_load %arg11[%get3A, %get3A_1023] {strides = array<i32>} : memref<1600x16xf32, #tpu.memory_space<vmem>>, vector<1x16xf32>,
        %get3A_1025 = vector.shape_cast %get3A_1024 : vector<1x16xf32> to vector<16xf32>
        %add3A_1026 = arith.addf %scan3A_1015, %get3A_1025 : vector<16xf32>
        %add3A_1027 = arith.constant 4 : i32
        %add3A_1028 = arith.addi %add3A_1022, %add3A_1027 : i32
        %get3A_1029 = arith.index_cast %add3A_1028 : i32 to index
        %get3A_1030 = arith.constant 0 : index
        %get3A_1031 = tpu.vector_load %arg11[%get3A_1029, %get3A_1030] {strides = array<i32>} : memref<1600x16xf32, #tpu.memory_space<vmem>>, vector<1x16xf32>,
        %get3A_1032 = vector.shape_cast %get3A_1031 : vector<1x16xf32> to vector<16xf32>
        %add3A_1033 = arith.addf %add3A_1026, %get3A_1032 : vector<16xf32>
        %add3A_1034 = arith.constant 1 : i32
        %add3A_1035 = arith.addi %add3A_1022, %add3A_1034 : i32
        %get3A_1036 = arith.index_cast %add3A_1035 : i32 to index
        %get3A_1037 = arith.constant 0 : index
        %get3A_1038 = tpu.vector_load %arg11[%get3A_1036, %get3A_1037] {strides = array<i32>} : memref<1600x16xf32, #tpu.memory_space<vmem>>, vector<1x16xf32>,
        %get3A_1039 = vector.shape_cast %get3A_1038 : vector<1x16xf32> to vector<16xf32>
        %add3A_1040 = arith.addf %scan3A_1016, %get3A_1039 : vector<16xf32>
        %add3A_1041 = arith.constant 5 : i32
        %add3A_1042 = arith.addi %add3A_1022, %add3A_1041 : i32
        %get3A_1043 = arith.index_cast %add3A_1042 : i32 to index
        %get3A_1044 = arith.constant 0 : index
        %get3A_1045 = tpu.vector_load %arg11[%get3A_1043, %get3A_1044] {strides = array<i32>} : memref<1600x16xf32, #tpu.memory_space<vmem>>, vector<1x16xf32>,
        %get3A_1046 = vector.shape_cast %get3A_1045 : vector<1x16xf32> to vector<16xf32>
        %add3A_1047 = arith.addf %add3A_1040, %get3A_1046 : vector<16xf32>
        %add3A_1048 = arith.constant 2 : i32
        %add3A_1049 = arith.addi %add3A_1022, %add3A_1048 : i32
        %get3A_1050 = arith.index_cast %add3A_1049 : i32 to index
        %get3A_1051 = arith.constant 0 : index
        %get3A_1052 = tpu.vector_load %arg11[%get3A_1050, %get3A_1051] {strides = array<i32>} : memref<1600x16xf32, #tpu.memory_space<vmem>>, vector<1x16xf32>,
        %get3A_1053 = vector.shape_cast %get3A_1052 : vector<1x16xf32> to vector<16xf32>
        %add3A_1054 = arith.addf %scan3A_1017, %get3A_1053 : vector<16xf32>
        %add3A_1055 = arith.constant 6 : i32
        %add3A_1056 = arith.addi %add3A_1022, %add3A_1055 : i32
        %get3A_1057 = arith.index_cast %add3A_1056 : i32 to index
        %get3A_1058 = arith.constant 0 : index
        %get3A_1059 = tpu.vector_load %arg11[%get3A_1057, %get3A_1058] {strides = array<i32>} : memref<1600x16xf32, #tpu.memory_space<vmem>>, vector<1x16xf32>,
        %get3A_1060 = vector.shape_cast %get3A_1059 : vector<1x16xf32> to vector<16xf32>
        %add3A_1061 = arith.addf %add3A_1054, %get3A_1060 : vector<16xf32>
        %add3A_1062 = arith.constant 3 : i32
        %add3A_1063 = arith.addi %add3A_1022, %add3A_1062 : i32
        %get3A_1064 = arith.index_cast %add3A_1063 : i32 to index
        %get3A_1065 = arith.constant 0 : index
        %get3A_1066 = tpu.vector_load %arg11[%get3A_1064, %get3A_1065] {strides = array<i32>} : memref<1600x16xf32, #tpu.memory_space<vmem>>, vector<1x16xf32>,
        %get3A_1067 = vector.shape_cast %get3A_1066 : vector<1x16xf32> to vector<16xf32>
        %add3A_1068 = arith.addf %scan3A_1018, %get3A_1067 : vector<16xf32>
        %add3A_1069 = arith.constant 7 : i32
        %add3A_1070 = arith.addi %add3A_1022, %add3A_1069 : i32
        %get3A_1071 = arith.index_cast %add3A_1070 : i32 to index
        %get3A_1072 = arith.constant 0 : index
        %get3A_1073 = tpu.vector_load %arg11[%get3A_1071, %get3A_1072] {strides = array<i32>} : memref<1600x16xf32, #tpu.memory_space<vmem>>, vector<1x16xf32>,
        %get3A_1074 = vector.shape_cast %get3A_1073 : vector<1x16xf32> to vector<16xf32>
        %add3A_1075 = arith.addf %add3A_1068, %get3A_1074 : vector<16xf32>
        scf.yield %add3A_1033, %add3A_1047, %add3A_1061, %add3A_1075 : vector<16xf32>, vector<16xf32>, vector<16xf32>, vector<16xf32>
      }
      %scan3A_415 = arith.constant 25 : i32
      %add3A_416 = arith.addf %scan3A_414#0, %scan3A_414#1 : vector<16xf32>
      %add3A_417 = arith.addf %scan3A_414#2, %scan3A_414#3 : vector<16xf32>
      %add3A_418 = arith.addf %add3A_416, %add3A_417 : vector<16xf32>
      %swap3A = arith.constant 0 : i32
      %swap3A_419 = arith.index_cast %swap3A : i32 to index
      %swap3A_420 = arith.constant 0 : index
      %swap3A_421 = tpu.vector_load %arg15[%swap3A_419, %swap3A_420] {strides = array<i32>} : memref<8x16xf32, #tpu.memory_space<vmem>>, vector<1x16xf32>,
      %swap3A_422 = vector.shape_cast %swap3A_421 : vector<1x16xf32> to vector<16xf32>
      %swap3A_423 = vector.shape_cast %add3A_418 : vector<16xf32> to vector<1x16xf32>
      tpu.vector_store %arg15[%swap3A_419, %swap3A_420], %swap3A_423 {strides = array<i32>} : memref<8x16xf32, #tpu.memory_space<vmem>>, vector<1x16xf32>,
      %broadcast_in_dim3A_424 = arith.constant 0.000000e+00 : f32
      %broadcast_in_dim3A_425 = vector.broadcast %broadcast_in_dim3A_424 : f32 to vector<16xf32>
      %scan3A_426 = arith.constant 0 : i32
      %scan3A_427 = arith.constant 25 : i32
      %scan3A_428 = arith.addi %scan3A_426, %scan3A_427 : i32
      %scan3A_429 = arith.constant 1 : i32
      %scan3A_430:4 = scf.for %scan3A_1014 = %scan3A_426 to %scan3A_428 step %scan3A_429 iter_args(%scan3A_1015 = %broadcast_in_dim3A_425, %scan3A_1016 = %broadcast_in_dim3A_425, %scan3A_1017 = %broadcast_in_dim3A_425, %scan3A_1018 = %broadcast_in_dim3A_425) -> (vector<16xf32>, vector<16xf32>, vector<16xf32>, vector<16xf32>)  : i32 {
        %mul3A_1019 = arith.constant 8 : i32
        %mul3A_1020 = arith.muli %scan3A_1014, %mul3A_1019 : i32
        %add3A_1021 = arith.constant 200 : i32
        %add3A_1022 = arith.addi %add3A_1021, %mul3A_1020 : i32
        %get3A = arith.index_cast %add3A_1022 : i32 to index
        %get3A_1023 = arith.constant 0 : index
        %get3A_1024 = tpu.vector_load %arg11[%get3A, %get3A_1023] {strides = array<i32>} : memref<1600x16xf32, #tpu.memory_space<vmem>>, vector<1x16xf32>,
        %get3A_1025 = vector.shape_cast %get3A_1024 : vector<1x16xf32> to vector<16xf32>
        %add3A_1026 = arith.addf %scan3A_1015, %get3A_1025 : vector<16xf32>
        %add3A_1027 = arith.constant 4 : i32
        %add3A_1028 = arith.addi %add3A_1022, %add3A_1027 : i32
        %get3A_1029 = arith.index_cast %add3A_1028 : i32 to index
        %get3A_1030 = arith.constant 0 : index
        %get3A_1031 = tpu.vector_load %arg11[%get3A_1029, %get3A_1030] {strides = array<i32>} : memref<1600x16xf32, #tpu.memory_space<vmem>>, vector<1x16xf32>,
        %get3A_1032 = vector.shape_cast %get3A_1031 : vector<1x16xf32> to vector<16xf32>
        %add3A_1033 = arith.addf %add3A_1026, %get3A_1032 : vector<16xf32>
        %add3A_1034 = arith.constant 1 : i32
        %add3A_1035 = arith.addi %add3A_1022, %add3A_1034 : i32
        %get3A_1036 = arith.index_cast %add3A_1035 : i32 to index
        %get3A_1037 = arith.constant 0 : index
        %get3A_1038 = tpu.vector_load %arg11[%get3A_1036, %get3A_1037] {strides = array<i32>} : memref<1600x16xf32, #tpu.memory_space<vmem>>, vector<1x16xf32>,
        %get3A_1039 = vector.shape_cast %get3A_1038 : vector<1x16xf32> to vector<16xf32>
        %add3A_1040 = arith.addf %scan3A_1016, %get3A_1039 : vector<16xf32>
        %add3A_1041 = arith.constant 5 : i32
        %add3A_1042 = arith.addi %add3A_1022, %add3A_1041 : i32
        %get3A_1043 = arith.index_cast %add3A_1042 : i32 to index
        %get3A_1044 = arith.constant 0 : index
        %get3A_1045 = tpu.vector_load %arg11[%get3A_1043, %get3A_1044] {strides = array<i32>} : memref<1600x16xf32, #tpu.memory_space<vmem>>, vector<1x16xf32>,
        %get3A_1046 = vector.shape_cast %get3A_1045 : vector<1x16xf32> to vector<16xf32>
        %add3A_1047 = arith.addf %add3A_1040, %get3A_1046 : vector<16xf32>
        %add3A_1048 = arith.constant 2 : i32
        %add3A_1049 = arith.addi %add3A_1022, %add3A_1048 : i32
        %get3A_1050 = arith.index_cast %add3A_1049 : i32 to index
        %get3A_1051 = arith.constant 0 : index
        %get3A_1052 = tpu.vector_load %arg11[%get3A_1050, %get3A_1051] {strides = array<i32>} : memref<1600x16xf32, #tpu.memory_space<vmem>>, vector<1x16xf32>,
        %get3A_1053 = vector.shape_cast %get3A_1052 : vector<1x16xf32> to vector<16xf32>
        %add3A_1054 = arith.addf %scan3A_1017, %get3A_1053 : vector<16xf32>
        %add3A_1055 = arith.constant 6 : i32
        %add3A_1056 = arith.addi %add3A_1022, %add3A_1055 : i32
        %get3A_1057 = arith.index_cast %add3A_1056 : i32 to index
        %get3A_1058 = arith.constant 0 : index
        %get3A_1059 = tpu.vector_load %arg11[%get3A_1057, %get3A_1058] {strides = array<i32>} : memref<1600x16xf32, #tpu.memory_space<vmem>>, vector<1x16xf32>,
        %get3A_1060 = vector.shape_cast %get3A_1059 : vector<1x16xf32> to vector<16xf32>
        %add3A_1061 = arith.addf %add3A_1054, %get3A_1060 : vector<16xf32>
        %add3A_1062 = arith.constant 3 : i32
        %add3A_1063 = arith.addi %add3A_1022, %add3A_1062 : i32
        %get3A_1064 = arith.index_cast %add3A_1063 : i32 to index
        %get3A_1065 = arith.constant 0 : index
        %get3A_1066 = tpu.vector_load %arg11[%get3A_1064, %get3A_1065] {strides = array<i32>} : memref<1600x16xf32, #tpu.memory_space<vmem>>, vector<1x16xf32>,
        %get3A_1067 = vector.shape_cast %get3A_1066 : vector<1x16xf32> to vector<16xf32>
        %add3A_1068 = arith.addf %scan3A_1018, %get3A_1067 : vector<16xf32>
        %add3A_1069 = arith.constant 7 : i32
        %add3A_1070 = arith.addi %add3A_1022, %add3A_1069 : i32
        %get3A_1071 = arith.index_cast %add3A_1070 : i32 to index
        %get3A_1072 = arith.constant 0 : index
        %get3A_1073 = tpu.vector_load %arg11[%get3A_1071, %get3A_1072] {strides = array<i32>} : memref<1600x16xf32, #tpu.memory_space<vmem>>, vector<1x16xf32>,
        %get3A_1074 = vector.shape_cast %get3A_1073 : vector<1x16xf32> to vector<16xf32>
        %add3A_1075 = arith.addf %add3A_1068, %get3A_1074 : vector<16xf32>
        scf.yield %add3A_1033, %add3A_1047, %add3A_1061, %add3A_1075 : vector<16xf32>, vector<16xf32>, vector<16xf32>, vector<16xf32>
      }
      %scan3A_431 = arith.constant 25 : i32
      %add3A_432 = arith.addf %scan3A_430#0, %scan3A_430#1 : vector<16xf32>
      %add3A_433 = arith.addf %scan3A_430#2, %scan3A_430#3 : vector<16xf32>
      %add3A_434 = arith.addf %add3A_432, %add3A_433 : vector<16xf32>
      %swap3A_435 = arith.constant 1 : i32
      %swap3A_436 = arith.index_cast %swap3A_435 : i32 to index
      %swap3A_437 = arith.constant 0 : index
      %swap3A_438 = tpu.vector_load %arg15[%swap3A_436, %swap3A_437] {strides = array<i32>} : memref<8x16xf32, #tpu.memory_space<vmem>>, vector<1x16xf32>,
      %swap3A_439 = vector.shape_cast %swap3A_438 : vector<1x16xf32> to vector<16xf32>
      %swap3A_440 = vector.shape_cast %add3A_434 : vector<16xf32> to vector<1x16xf32>
      tpu.vector_store %arg15[%swap3A_436, %swap3A_437], %swap3A_440 {strides = array<i32>} : memref<8x16xf32, #tpu.memory_space<vmem>>, vector<1x16xf32>,
      %broadcast_in_dim3A_441 = arith.constant 0.000000e+00 : f32
      %broadcast_in_dim3A_442 = vector.broadcast %broadcast_in_dim3A_441 : f32 to vector<16xf32>
      %scan3A_443 = arith.constant 0 : i32
      %scan3A_444 = arith.constant 25 : i32
      %scan3A_445 = arith.addi %scan3A_443, %scan3A_444 : i32
      %scan3A_446 = arith.constant 1 : i32
      %scan3A_447:4 = scf.for %scan3A_1014 = %scan3A_443 to %scan3A_445 step %scan3A_446 iter_args(%scan3A_1015 = %broadcast_in_dim3A_442, %scan3A_1016 = %broadcast_in_dim3A_442, %scan3A_1017 = %broadcast_in_dim3A_442, %scan3A_1018 = %broadcast_in_dim3A_442) -> (vector<16xf32>, vector<16xf32>, vector<16xf32>, vector<16xf32>)  : i32 {
        %mul3A_1019 = arith.constant 8 : i32
        %mul3A_1020 = arith.muli %scan3A_1014, %mul3A_1019 : i32
        %add3A_1021 = arith.constant 400 : i32
        %add3A_1022 = arith.addi %add3A_1021, %mul3A_1020 : i32
        %get3A = arith.index_cast %add3A_1022 : i32 to index
        %get3A_1023 = arith.constant 0 : index
        %get3A_1024 = tpu.vector_load %arg11[%get3A, %get3A_1023] {strides = array<i32>} : memref<1600x16xf32, #tpu.memory_space<vmem>>, vector<1x16xf32>,
        %get3A_1025 = vector.shape_cast %get3A_1024 : vector<1x16xf32> to vector<16xf32>
        %add3A_1026 = arith.addf %scan3A_1015, %get3A_1025 : vector<16xf32>
        %add3A_1027 = arith.constant 4 : i32
        %add3A_1028 = arith.addi %add3A_1022, %add3A_1027 : i32
        %get3A_1029 = arith.index_cast %add3A_1028 : i32 to index
        %get3A_1030 = arith.constant 0 : index
        %get3A_1031 = tpu.vector_load %arg11[%get3A_1029, %get3A_1030] {strides = array<i32>} : memref<1600x16xf32, #tpu.memory_space<vmem>>, vector<1x16xf32>,
        %get3A_1032 = vector.shape_cast %get3A_1031 : vector<1x16xf32> to vector<16xf32>
        %add3A_1033 = arith.addf %add3A_1026, %get3A_1032 : vector<16xf32>
        %add3A_1034 = arith.constant 1 : i32
        %add3A_1035 = arith.addi %add3A_1022, %add3A_1034 : i32
        %get3A_1036 = arith.index_cast %add3A_1035 : i32 to index
        %get3A_1037 = arith.constant 0 : index
        %get3A_1038 = tpu.vector_load %arg11[%get3A_1036, %get3A_1037] {strides = array<i32>} : memref<1600x16xf32, #tpu.memory_space<vmem>>, vector<1x16xf32>,
        %get3A_1039 = vector.shape_cast %get3A_1038 : vector<1x16xf32> to vector<16xf32>
        %add3A_1040 = arith.addf %scan3A_1016, %get3A_1039 : vector<16xf32>
        %add3A_1041 = arith.constant 5 : i32
        %add3A_1042 = arith.addi %add3A_1022, %add3A_1041 : i32
        %get3A_1043 = arith.index_cast %add3A_1042 : i32 to index
        %get3A_1044 = arith.constant 0 : index
        %get3A_1045 = tpu.vector_load %arg11[%get3A_1043, %get3A_1044] {strides = array<i32>} : memref<1600x16xf32, #tpu.memory_space<vmem>>, vector<1x16xf32>,
        %get3A_1046 = vector.shape_cast %get3A_1045 : vector<1x16xf32> to vector<16xf32>
        %add3A_1047 = arith.addf %add3A_1040, %get3A_1046 : vector<16xf32>
        %add3A_1048 = arith.constant 2 : i32
        %add3A_1049 = arith.addi %add3A_1022, %add3A_1048 : i32
        %get3A_1050 = arith.index_cast %add3A_1049 : i32 to index
        %get3A_1051 = arith.constant 0 : index
        %get3A_1052 = tpu.vector_load %arg11[%get3A_1050, %get3A_1051] {strides = array<i32>} : memref<1600x16xf32, #tpu.memory_space<vmem>>, vector<1x16xf32>,
        %get3A_1053 = vector.shape_cast %get3A_1052 : vector<1x16xf32> to vector<16xf32>
        %add3A_1054 = arith.addf %scan3A_1017, %get3A_1053 : vector<16xf32>
        %add3A_1055 = arith.constant 6 : i32
        %add3A_1056 = arith.addi %add3A_1022, %add3A_1055 : i32
        %get3A_1057 = arith.index_cast %add3A_1056 : i32 to index
        %get3A_1058 = arith.constant 0 : index
        %get3A_1059 = tpu.vector_load %arg11[%get3A_1057, %get3A_1058] {strides = array<i32>} : memref<1600x16xf32, #tpu.memory_space<vmem>>, vector<1x16xf32>,
        %get3A_1060 = vector.shape_cast %get3A_1059 : vector<1x16xf32> to vector<16xf32>
        %add3A_1061 = arith.addf %add3A_1054, %get3A_1060 : vector<16xf32>
        %add3A_1062 = arith.constant 3 : i32
        %add3A_1063 = arith.addi %add3A_1022, %add3A_1062 : i32
        %get3A_1064 = arith.index_cast %add3A_1063 : i32 to index
        %get3A_1065 = arith.constant 0 : index
        %get3A_1066 = tpu.vector_load %arg11[%get3A_1064, %get3A_1065] {strides = array<i32>} : memref<1600x16xf32, #tpu.memory_space<vmem>>, vector<1x16xf32>,
        %get3A_1067 = vector.shape_cast %get3A_1066 : vector<1x16xf32> to vector<16xf32>
        %add3A_1068 = arith.addf %scan3A_1018, %get3A_1067 : vector<16xf32>
        %add3A_1069 = arith.constant 7 : i32
        %add3A_1070 = arith.addi %add3A_1022, %add3A_1069 : i32
        %get3A_1071 = arith.index_cast %add3A_1070 : i32 to index
        %get3A_1072 = arith.constant 0 : index
        %get3A_1073 = tpu.vector_load %arg11[%get3A_1071, %get3A_1072] {strides = array<i32>} : memref<1600x16xf32, #tpu.memory_space<vmem>>, vector<1x16xf32>,
        %get3A_1074 = vector.shape_cast %get3A_1073 : vector<1x16xf32> to vector<16xf32>
        %add3A_1075 = arith.addf %add3A_1068, %get3A_1074 : vector<16xf32>
        scf.yield %add3A_1033, %add3A_1047, %add3A_1061, %add3A_1075 : vector<16xf32>, vector<16xf32>, vector<16xf32>, vector<16xf32>
      }
      %scan3A_448 = arith.constant 25 : i32
      %add3A_449 = arith.addf %scan3A_447#0, %scan3A_447#1 : vector<16xf32>
      %add3A_450 = arith.addf %scan3A_447#2, %scan3A_447#3 : vector<16xf32>
      %add3A_451 = arith.addf %add3A_449, %add3A_450 : vector<16xf32>
      %swap3A_452 = arith.constant 2 : i32
      %swap3A_453 = arith.index_cast %swap3A_452 : i32 to index
      %swap3A_454 = arith.constant 0 : index
      %swap3A_455 = tpu.vector_load %arg15[%swap3A_453, %swap3A_454] {strides = array<i32>} : memref<8x16xf32, #tpu.memory_space<vmem>>, vector<1x16xf32>,
      %swap3A_456 = vector.shape_cast %swap3A_455 : vector<1x16xf32> to vector<16xf32>
      %swap3A_457 = vector.shape_cast %add3A_451 : vector<16xf32> to vector<1x16xf32>
      tpu.vector_store %arg15[%swap3A_453, %swap3A_454], %swap3A_457 {strides = array<i32>} : memref<8x16xf32, #tpu.memory_space<vmem>>, vector<1x16xf32>,
      %broadcast_in_dim3A_458 = arith.constant 0.000000e+00 : f32
      %broadcast_in_dim3A_459 = vector.broadcast %broadcast_in_dim3A_458 : f32 to vector<16xf32>
      %scan3A_460 = arith.constant 0 : i32
      %scan3A_461 = arith.constant 25 : i32
      %scan3A_462 = arith.addi %scan3A_460, %scan3A_461 : i32
      %scan3A_463 = arith.constant 1 : i32
      %scan3A_464:4 = scf.for %scan3A_1014 = %scan3A_460 to %scan3A_462 step %scan3A_463 iter_args(%scan3A_1015 = %broadcast_in_dim3A_459, %scan3A_1016 = %broadcast_in_dim3A_459, %scan3A_1017 = %broadcast_in_dim3A_459, %scan3A_1018 = %broadcast_in_dim3A_459) -> (vector<16xf32>, vector<16xf32>, vector<16xf32>, vector<16xf32>)  : i32 {
        %mul3A_1019 = arith.constant 8 : i32
        %mul3A_1020 = arith.muli %scan3A_1014, %mul3A_1019 : i32
        %add3A_1021 = arith.constant 600 : i32
        %add3A_1022 = arith.addi %add3A_1021, %mul3A_1020 : i32
        %get3A = arith.index_cast %add3A_1022 : i32 to index
        %get3A_1023 = arith.constant 0 : index
        %get3A_1024 = tpu.vector_load %arg11[%get3A, %get3A_1023] {strides = array<i32>} : memref<1600x16xf32, #tpu.memory_space<vmem>>, vector<1x16xf32>,
        %get3A_1025 = vector.shape_cast %get3A_1024 : vector<1x16xf32> to vector<16xf32>
        %add3A_1026 = arith.addf %scan3A_1015, %get3A_1025 : vector<16xf32>
        %add3A_1027 = arith.constant 4 : i32
        %add3A_1028 = arith.addi %add3A_1022, %add3A_1027 : i32
        %get3A_1029 = arith.index_cast %add3A_1028 : i32 to index
        %get3A_1030 = arith.constant 0 : index
        %get3A_1031 = tpu.vector_load %arg11[%get3A_1029, %get3A_1030] {strides = array<i32>} : memref<1600x16xf32, #tpu.memory_space<vmem>>, vector<1x16xf32>,
        %get3A_1032 = vector.shape_cast %get3A_1031 : vector<1x16xf32> to vector<16xf32>
        %add3A_1033 = arith.addf %add3A_1026, %get3A_1032 : vector<16xf32>
        %add3A_1034 = arith.constant 1 : i32
        %add3A_1035 = arith.addi %add3A_1022, %add3A_1034 : i32
        %get3A_1036 = arith.index_cast %add3A_1035 : i32 to index
        %get3A_1037 = arith.constant 0 : index
        %get3A_1038 = tpu.vector_load %arg11[%get3A_1036, %get3A_1037] {strides = array<i32>} : memref<1600x16xf32, #tpu.memory_space<vmem>>, vector<1x16xf32>,
        %get3A_1039 = vector.shape_cast %get3A_1038 : vector<1x16xf32> to vector<16xf32>
        %add3A_1040 = arith.addf %scan3A_1016, %get3A_1039 : vector<16xf32>
        %add3A_1041 = arith.constant 5 : i32
        %add3A_1042 = arith.addi %add3A_1022, %add3A_1041 : i32
        %get3A_1043 = arith.index_cast %add3A_1042 : i32 to index
        %get3A_1044 = arith.constant 0 : index
        %get3A_1045 = tpu.vector_load %arg11[%get3A_1043, %get3A_1044] {strides = array<i32>} : memref<1600x16xf32, #tpu.memory_space<vmem>>, vector<1x16xf32>,
        %get3A_1046 = vector.shape_cast %get3A_1045 : vector<1x16xf32> to vector<16xf32>
        %add3A_1047 = arith.addf %add3A_1040, %get3A_1046 : vector<16xf32>
        %add3A_1048 = arith.constant 2 : i32
        %add3A_1049 = arith.addi %add3A_1022, %add3A_1048 : i32
        %get3A_1050 = arith.index_cast %add3A_1049 : i32 to index
        %get3A_1051 = arith.constant 0 : index
        %get3A_1052 = tpu.vector_load %arg11[%get3A_1050, %get3A_1051] {strides = array<i32>} : memref<1600x16xf32, #tpu.memory_space<vmem>>, vector<1x16xf32>,
        %get3A_1053 = vector.shape_cast %get3A_1052 : vector<1x16xf32> to vector<16xf32>
        %add3A_1054 = arith.addf %scan3A_1017, %get3A_1053 : vector<16xf32>
        %add3A_1055 = arith.constant 6 : i32
        %add3A_1056 = arith.addi %add3A_1022, %add3A_1055 : i32
        %get3A_1057 = arith.index_cast %add3A_1056 : i32 to index
        %get3A_1058 = arith.constant 0 : index
        %get3A_1059 = tpu.vector_load %arg11[%get3A_1057, %get3A_1058] {strides = array<i32>} : memref<1600x16xf32, #tpu.memory_space<vmem>>, vector<1x16xf32>,
        %get3A_1060 = vector.shape_cast %get3A_1059 : vector<1x16xf32> to vector<16xf32>
        %add3A_1061 = arith.addf %add3A_1054, %get3A_1060 : vector<16xf32>
        %add3A_1062 = arith.constant 3 : i32
        %add3A_1063 = arith.addi %add3A_1022, %add3A_1062 : i32
        %get3A_1064 = arith.index_cast %add3A_1063 : i32 to index
        %get3A_1065 = arith.constant 0 : index
        %get3A_1066 = tpu.vector_load %arg11[%get3A_1064, %get3A_1065] {strides = array<i32>} : memref<1600x16xf32, #tpu.memory_space<vmem>>, vector<1x16xf32>,
        %get3A_1067 = vector.shape_cast %get3A_1066 : vector<1x16xf32> to vector<16xf32>
        %add3A_1068 = arith.addf %scan3A_1018, %get3A_1067 : vector<16xf32>
        %add3A_1069 = arith.constant 7 : i32
        %add3A_1070 = arith.addi %add3A_1022, %add3A_1069 : i32
        %get3A_1071 = arith.index_cast %add3A_1070 : i32 to index
        %get3A_1072 = arith.constant 0 : index
        %get3A_1073 = tpu.vector_load %arg11[%get3A_1071, %get3A_1072] {strides = array<i32>} : memref<1600x16xf32, #tpu.memory_space<vmem>>, vector<1x16xf32>,
        %get3A_1074 = vector.shape_cast %get3A_1073 : vector<1x16xf32> to vector<16xf32>
        %add3A_1075 = arith.addf %add3A_1068, %get3A_1074 : vector<16xf32>
        scf.yield %add3A_1033, %add3A_1047, %add3A_1061, %add3A_1075 : vector<16xf32>, vector<16xf32>, vector<16xf32>, vector<16xf32>
      }
      %scan3A_465 = arith.constant 25 : i32
      %add3A_466 = arith.addf %scan3A_464#0, %scan3A_464#1 : vector<16xf32>
      %add3A_467 = arith.addf %scan3A_464#2, %scan3A_464#3 : vector<16xf32>
      %add3A_468 = arith.addf %add3A_466, %add3A_467 : vector<16xf32>
      %swap3A_469 = arith.constant 3 : i32
      %swap3A_470 = arith.index_cast %swap3A_469 : i32 to index
      %swap3A_471 = arith.constant 0 : index
      %swap3A_472 = tpu.vector_load %arg15[%swap3A_470, %swap3A_471] {strides = array<i32>} : memref<8x16xf32, #tpu.memory_space<vmem>>, vector<1x16xf32>,
      %swap3A_473 = vector.shape_cast %swap3A_472 : vector<1x16xf32> to vector<16xf32>
      %swap3A_474 = vector.shape_cast %add3A_468 : vector<16xf32> to vector<1x16xf32>
      tpu.vector_store %arg15[%swap3A_470, %swap3A_471], %swap3A_474 {strides = array<i32>} : memref<8x16xf32, #tpu.memory_space<vmem>>, vector<1x16xf32>,
      %broadcast_in_dim3A_475 = arith.constant 0.000000e+00 : f32
      %broadcast_in_dim3A_476 = vector.broadcast %broadcast_in_dim3A_475 : f32 to vector<16xf32>
      %scan3A_477 = arith.constant 0 : i32
      %scan3A_478 = arith.constant 25 : i32
      %scan3A_479 = arith.addi %scan3A_477, %scan3A_478 : i32
      %scan3A_480 = arith.constant 1 : i32
      %scan3A_481:4 = scf.for %scan3A_1014 = %scan3A_477 to %scan3A_479 step %scan3A_480 iter_args(%scan3A_1015 = %broadcast_in_dim3A_476, %scan3A_1016 = %broadcast_in_dim3A_476, %scan3A_1017 = %broadcast_in_dim3A_476, %scan3A_1018 = %broadcast_in_dim3A_476) -> (vector<16xf32>, vector<16xf32>, vector<16xf32>, vector<16xf32>)  : i32 {
        %mul3A_1019 = arith.constant 8 : i32
        %mul3A_1020 = arith.muli %scan3A_1014, %mul3A_1019 : i32
        %add3A_1021 = arith.constant 800 : i32
        %add3A_1022 = arith.addi %add3A_1021, %mul3A_1020 : i32
        %get3A = arith.index_cast %add3A_1022 : i32 to index
        %get3A_1023 = arith.constant 0 : index
        %get3A_1024 = tpu.vector_load %arg11[%get3A, %get3A_1023] {strides = array<i32>} : memref<1600x16xf32, #tpu.memory_space<vmem>>, vector<1x16xf32>,
        %get3A_1025 = vector.shape_cast %get3A_1024 : vector<1x16xf32> to vector<16xf32>
        %add3A_1026 = arith.addf %scan3A_1015, %get3A_1025 : vector<16xf32>
        %add3A_1027 = arith.constant 4 : i32
        %add3A_1028 = arith.addi %add3A_1022, %add3A_1027 : i32
        %get3A_1029 = arith.index_cast %add3A_1028 : i32 to index
        %get3A_1030 = arith.constant 0 : index
        %get3A_1031 = tpu.vector_load %arg11[%get3A_1029, %get3A_1030] {strides = array<i32>} : memref<1600x16xf32, #tpu.memory_space<vmem>>, vector<1x16xf32>,
        %get3A_1032 = vector.shape_cast %get3A_1031 : vector<1x16xf32> to vector<16xf32>
        %add3A_1033 = arith.addf %add3A_1026, %get3A_1032 : vector<16xf32>
        %add3A_1034 = arith.constant 1 : i32
        %add3A_1035 = arith.addi %add3A_1022, %add3A_1034 : i32
        %get3A_1036 = arith.index_cast %add3A_1035 : i32 to index
        %get3A_1037 = arith.constant 0 : index
        %get3A_1038 = tpu.vector_load %arg11[%get3A_1036, %get3A_1037] {strides = array<i32>} : memref<1600x16xf32, #tpu.memory_space<vmem>>, vector<1x16xf32>,
        %get3A_1039 = vector.shape_cast %get3A_1038 : vector<1x16xf32> to vector<16xf32>
        %add3A_1040 = arith.addf %scan3A_1016, %get3A_1039 : vector<16xf32>
        %add3A_1041 = arith.constant 5 : i32
        %add3A_1042 = arith.addi %add3A_1022, %add3A_1041 : i32
        %get3A_1043 = arith.index_cast %add3A_1042 : i32 to index
        %get3A_1044 = arith.constant 0 : index
        %get3A_1045 = tpu.vector_load %arg11[%get3A_1043, %get3A_1044] {strides = array<i32>} : memref<1600x16xf32, #tpu.memory_space<vmem>>, vector<1x16xf32>,
        %get3A_1046 = vector.shape_cast %get3A_1045 : vector<1x16xf32> to vector<16xf32>
        %add3A_1047 = arith.addf %add3A_1040, %get3A_1046 : vector<16xf32>
        %add3A_1048 = arith.constant 2 : i32
        %add3A_1049 = arith.addi %add3A_1022, %add3A_1048 : i32
        %get3A_1050 = arith.index_cast %add3A_1049 : i32 to index
        %get3A_1051 = arith.constant 0 : index
        %get3A_1052 = tpu.vector_load %arg11[%get3A_1050, %get3A_1051] {strides = array<i32>} : memref<1600x16xf32, #tpu.memory_space<vmem>>, vector<1x16xf32>,
        %get3A_1053 = vector.shape_cast %get3A_1052 : vector<1x16xf32> to vector<16xf32>
        %add3A_1054 = arith.addf %scan3A_1017, %get3A_1053 : vector<16xf32>
        %add3A_1055 = arith.constant 6 : i32
        %add3A_1056 = arith.addi %add3A_1022, %add3A_1055 : i32
        %get3A_1057 = arith.index_cast %add3A_1056 : i32 to index
        %get3A_1058 = arith.constant 0 : index
        %get3A_1059 = tpu.vector_load %arg11[%get3A_1057, %get3A_1058] {strides = array<i32>} : memref<1600x16xf32, #tpu.memory_space<vmem>>, vector<1x16xf32>,
        %get3A_1060 = vector.shape_cast %get3A_1059 : vector<1x16xf32> to vector<16xf32>
        %add3A_1061 = arith.addf %add3A_1054, %get3A_1060 : vector<16xf32>
        %add3A_1062 = arith.constant 3 : i32
        %add3A_1063 = arith.addi %add3A_1022, %add3A_1062 : i32
        %get3A_1064 = arith.index_cast %add3A_1063 : i32 to index
        %get3A_1065 = arith.constant 0 : index
        %get3A_1066 = tpu.vector_load %arg11[%get3A_1064, %get3A_1065] {strides = array<i32>} : memref<1600x16xf32, #tpu.memory_space<vmem>>, vector<1x16xf32>,
        %get3A_1067 = vector.shape_cast %get3A_1066 : vector<1x16xf32> to vector<16xf32>
        %add3A_1068 = arith.addf %scan3A_1018, %get3A_1067 : vector<16xf32>
        %add3A_1069 = arith.constant 7 : i32
        %add3A_1070 = arith.addi %add3A_1022, %add3A_1069 : i32
        %get3A_1071 = arith.index_cast %add3A_1070 : i32 to index
        %get3A_1072 = arith.constant 0 : index
        %get3A_1073 = tpu.vector_load %arg11[%get3A_1071, %get3A_1072] {strides = array<i32>} : memref<1600x16xf32, #tpu.memory_space<vmem>>, vector<1x16xf32>,
        %get3A_1074 = vector.shape_cast %get3A_1073 : vector<1x16xf32> to vector<16xf32>
        %add3A_1075 = arith.addf %add3A_1068, %get3A_1074 : vector<16xf32>
        scf.yield %add3A_1033, %add3A_1047, %add3A_1061, %add3A_1075 : vector<16xf32>, vector<16xf32>, vector<16xf32>, vector<16xf32>
      }
      %scan3A_482 = arith.constant 25 : i32
      %add3A_483 = arith.addf %scan3A_481#0, %scan3A_481#1 : vector<16xf32>
      %add3A_484 = arith.addf %scan3A_481#2, %scan3A_481#3 : vector<16xf32>
      %add3A_485 = arith.addf %add3A_483, %add3A_484 : vector<16xf32>
      %swap3A_486 = arith.constant 4 : i32
      %swap3A_487 = arith.index_cast %swap3A_486 : i32 to index
      %swap3A_488 = arith.constant 0 : index
      %swap3A_489 = tpu.vector_load %arg15[%swap3A_487, %swap3A_488] {strides = array<i32>} : memref<8x16xf32, #tpu.memory_space<vmem>>, vector<1x16xf32>,
      %swap3A_490 = vector.shape_cast %swap3A_489 : vector<1x16xf32> to vector<16xf32>
      %swap3A_491 = vector.shape_cast %add3A_485 : vector<16xf32> to vector<1x16xf32>
      tpu.vector_store %arg15[%swap3A_487, %swap3A_488], %swap3A_491 {strides = array<i32>} : memref<8x16xf32, #tpu.memory_space<vmem>>, vector<1x16xf32>,
      %broadcast_in_dim3A_492 = arith.constant 0.000000e+00 : f32
      %broadcast_in_dim3A_493 = vector.broadcast %broadcast_in_dim3A_492 : f32 to vector<16xf32>
      %scan3A_494 = arith.constant 0 : i32
      %scan3A_495 = arith.constant 25 : i32
      %scan3A_496 = arith.addi %scan3A_494, %scan3A_495 : i32
      %scan3A_497 = arith.constant 1 : i32
      %scan3A_498:4 = scf.for %scan3A_1014 = %scan3A_494 to %scan3A_496 step %scan3A_497 iter_args(%scan3A_1015 = %broadcast_in_dim3A_493, %scan3A_1016 = %broadcast_in_dim3A_493, %scan3A_1017 = %broadcast_in_dim3A_493, %scan3A_1018 = %broadcast_in_dim3A_493) -> (vector<16xf32>, vector<16xf32>, vector<16xf32>, vector<16xf32>)  : i32 {
        %mul3A_1019 = arith.constant 8 : i32
        %mul3A_1020 = arith.muli %scan3A_1014, %mul3A_1019 : i32
        %add3A_1021 = arith.constant 1000 : i32
        %add3A_1022 = arith.addi %add3A_1021, %mul3A_1020 : i32
        %get3A = arith.index_cast %add3A_1022 : i32 to index
        %get3A_1023 = arith.constant 0 : index
        %get3A_1024 = tpu.vector_load %arg11[%get3A, %get3A_1023] {strides = array<i32>} : memref<1600x16xf32, #tpu.memory_space<vmem>>, vector<1x16xf32>,
        %get3A_1025 = vector.shape_cast %get3A_1024 : vector<1x16xf32> to vector<16xf32>
        %add3A_1026 = arith.addf %scan3A_1015, %get3A_1025 : vector<16xf32>
        %add3A_1027 = arith.constant 4 : i32
        %add3A_1028 = arith.addi %add3A_1022, %add3A_1027 : i32
        %get3A_1029 = arith.index_cast %add3A_1028 : i32 to index
        %get3A_1030 = arith.constant 0 : index
        %get3A_1031 = tpu.vector_load %arg11[%get3A_1029, %get3A_1030] {strides = array<i32>} : memref<1600x16xf32, #tpu.memory_space<vmem>>, vector<1x16xf32>,
        %get3A_1032 = vector.shape_cast %get3A_1031 : vector<1x16xf32> to vector<16xf32>
        %add3A_1033 = arith.addf %add3A_1026, %get3A_1032 : vector<16xf32>
        %add3A_1034 = arith.constant 1 : i32
        %add3A_1035 = arith.addi %add3A_1022, %add3A_1034 : i32
        %get3A_1036 = arith.index_cast %add3A_1035 : i32 to index
        %get3A_1037 = arith.constant 0 : index
        %get3A_1038 = tpu.vector_load %arg11[%get3A_1036, %get3A_1037] {strides = array<i32>} : memref<1600x16xf32, #tpu.memory_space<vmem>>, vector<1x16xf32>,
        %get3A_1039 = vector.shape_cast %get3A_1038 : vector<1x16xf32> to vector<16xf32>
        %add3A_1040 = arith.addf %scan3A_1016, %get3A_1039 : vector<16xf32>
        %add3A_1041 = arith.constant 5 : i32
        %add3A_1042 = arith.addi %add3A_1022, %add3A_1041 : i32
        %get3A_1043 = arith.index_cast %add3A_1042 : i32 to index
        %get3A_1044 = arith.constant 0 : index
        %get3A_1045 = tpu.vector_load %arg11[%get3A_1043, %get3A_1044] {strides = array<i32>} : memref<1600x16xf32, #tpu.memory_space<vmem>>, vector<1x16xf32>,
        %get3A_1046 = vector.shape_cast %get3A_1045 : vector<1x16xf32> to vector<16xf32>
        %add3A_1047 = arith.addf %add3A_1040, %get3A_1046 : vector<16xf32>
        %add3A_1048 = arith.constant 2 : i32
        %add3A_1049 = arith.addi %add3A_1022, %add3A_1048 : i32
        %get3A_1050 = arith.index_cast %add3A_1049 : i32 to index
        %get3A_1051 = arith.constant 0 : index
        %get3A_1052 = tpu.vector_load %arg11[%get3A_1050, %get3A_1051] {strides = array<i32>} : memref<1600x16xf32, #tpu.memory_space<vmem>>, vector<1x16xf32>,
        %get3A_1053 = vector.shape_cast %get3A_1052 : vector<1x16xf32> to vector<16xf32>
        %add3A_1054 = arith.addf %scan3A_1017, %get3A_1053 : vector<16xf32>
        %add3A_1055 = arith.constant 6 : i32
        %add3A_1056 = arith.addi %add3A_1022, %add3A_1055 : i32
        %get3A_1057 = arith.index_cast %add3A_1056 : i32 to index
        %get3A_1058 = arith.constant 0 : index
        %get3A_1059 = tpu.vector_load %arg11[%get3A_1057, %get3A_1058] {strides = array<i32>} : memref<1600x16xf32, #tpu.memory_space<vmem>>, vector<1x16xf32>,
        %get3A_1060 = vector.shape_cast %get3A_1059 : vector<1x16xf32> to vector<16xf32>
        %add3A_1061 = arith.addf %add3A_1054, %get3A_1060 : vector<16xf32>
        %add3A_1062 = arith.constant 3 : i32
        %add3A_1063 = arith.addi %add3A_1022, %add3A_1062 : i32
        %get3A_1064 = arith.index_cast %add3A_1063 : i32 to index
        %get3A_1065 = arith.constant 0 : index
        %get3A_1066 = tpu.vector_load %arg11[%get3A_1064, %get3A_1065] {strides = array<i32>} : memref<1600x16xf32, #tpu.memory_space<vmem>>, vector<1x16xf32>,
        %get3A_1067 = vector.shape_cast %get3A_1066 : vector<1x16xf32> to vector<16xf32>
        %add3A_1068 = arith.addf %scan3A_1018, %get3A_1067 : vector<16xf32>
        %add3A_1069 = arith.constant 7 : i32
        %add3A_1070 = arith.addi %add3A_1022, %add3A_1069 : i32
        %get3A_1071 = arith.index_cast %add3A_1070 : i32 to index
        %get3A_1072 = arith.constant 0 : index
        %get3A_1073 = tpu.vector_load %arg11[%get3A_1071, %get3A_1072] {strides = array<i32>} : memref<1600x16xf32, #tpu.memory_space<vmem>>, vector<1x16xf32>,
        %get3A_1074 = vector.shape_cast %get3A_1073 : vector<1x16xf32> to vector<16xf32>
        %add3A_1075 = arith.addf %add3A_1068, %get3A_1074 : vector<16xf32>
        scf.yield %add3A_1033, %add3A_1047, %add3A_1061, %add3A_1075 : vector<16xf32>, vector<16xf32>, vector<16xf32>, vector<16xf32>
      }
      %scan3A_499 = arith.constant 25 : i32
      %add3A_500 = arith.addf %scan3A_498#0, %scan3A_498#1 : vector<16xf32>
      %add3A_501 = arith.addf %scan3A_498#2, %scan3A_498#3 : vector<16xf32>
      %add3A_502 = arith.addf %add3A_500, %add3A_501 : vector<16xf32>
      %swap3A_503 = arith.constant 5 : i32
      %swap3A_504 = arith.index_cast %swap3A_503 : i32 to index
      %swap3A_505 = arith.constant 0 : index
      %swap3A_506 = tpu.vector_load %arg15[%swap3A_504, %swap3A_505] {strides = array<i32>} : memref<8x16xf32, #tpu.memory_space<vmem>>, vector<1x16xf32>,
      %swap3A_507 = vector.shape_cast %swap3A_506 : vector<1x16xf32> to vector<16xf32>
      %swap3A_508 = vector.shape_cast %add3A_502 : vector<16xf32> to vector<1x16xf32>
      tpu.vector_store %arg15[%swap3A_504, %swap3A_505], %swap3A_508 {strides = array<i32>} : memref<8x16xf32, #tpu.memory_space<vmem>>, vector<1x16xf32>,
      %broadcast_in_dim3A_509 = arith.constant 0.000000e+00 : f32
      %broadcast_in_dim3A_510 = vector.broadcast %broadcast_in_dim3A_509 : f32 to vector<16xf32>
      %scan3A_511 = arith.constant 0 : i32
      %scan3A_512 = arith.constant 25 : i32
      %scan3A_513 = arith.addi %scan3A_511, %scan3A_512 : i32
      %scan3A_514 = arith.constant 1 : i32
      %scan3A_515:4 = scf.for %scan3A_1014 = %scan3A_511 to %scan3A_513 step %scan3A_514 iter_args(%scan3A_1015 = %broadcast_in_dim3A_510, %scan3A_1016 = %broadcast_in_dim3A_510, %scan3A_1017 = %broadcast_in_dim3A_510, %scan3A_1018 = %broadcast_in_dim3A_510) -> (vector<16xf32>, vector<16xf32>, vector<16xf32>, vector<16xf32>)  : i32 {
        %mul3A_1019 = arith.constant 8 : i32
        %mul3A_1020 = arith.muli %scan3A_1014, %mul3A_1019 : i32
        %add3A_1021 = arith.constant 1200 : i32
        %add3A_1022 = arith.addi %add3A_1021, %mul3A_1020 : i32
        %get3A = arith.index_cast %add3A_1022 : i32 to index
        %get3A_1023 = arith.constant 0 : index
        %get3A_1024 = tpu.vector_load %arg11[%get3A, %get3A_1023] {strides = array<i32>} : memref<1600x16xf32, #tpu.memory_space<vmem>>, vector<1x16xf32>,
        %get3A_1025 = vector.shape_cast %get3A_1024 : vector<1x16xf32> to vector<16xf32>
        %add3A_1026 = arith.addf %scan3A_1015, %get3A_1025 : vector<16xf32>
        %add3A_1027 = arith.constant 4 : i32
        %add3A_1028 = arith.addi %add3A_1022, %add3A_1027 : i32
        %get3A_1029 = arith.index_cast %add3A_1028 : i32 to index
        %get3A_1030 = arith.constant 0 : index
        %get3A_1031 = tpu.vector_load %arg11[%get3A_1029, %get3A_1030] {strides = array<i32>} : memref<1600x16xf32, #tpu.memory_space<vmem>>, vector<1x16xf32>,
        %get3A_1032 = vector.shape_cast %get3A_1031 : vector<1x16xf32> to vector<16xf32>
        %add3A_1033 = arith.addf %add3A_1026, %get3A_1032 : vector<16xf32>
        %add3A_1034 = arith.constant 1 : i32
        %add3A_1035 = arith.addi %add3A_1022, %add3A_1034 : i32
        %get3A_1036 = arith.index_cast %add3A_1035 : i32 to index
        %get3A_1037 = arith.constant 0 : index
        %get3A_1038 = tpu.vector_load %arg11[%get3A_1036, %get3A_1037] {strides = array<i32>} : memref<1600x16xf32, #tpu.memory_space<vmem>>, vector<1x16xf32>,
        %get3A_1039 = vector.shape_cast %get3A_1038 : vector<1x16xf32> to vector<16xf32>
        %add3A_1040 = arith.addf %scan3A_1016, %get3A_1039 : vector<16xf32>
        %add3A_1041 = arith.constant 5 : i32
        %add3A_1042 = arith.addi %add3A_1022, %add3A_1041 : i32
        %get3A_1043 = arith.index_cast %add3A_1042 : i32 to index
        %get3A_1044 = arith.constant 0 : index
        %get3A_1045 = tpu.vector_load %arg11[%get3A_1043, %get3A_1044] {strides = array<i32>} : memref<1600x16xf32, #tpu.memory_space<vmem>>, vector<1x16xf32>,
        %get3A_1046 = vector.shape_cast %get3A_1045 : vector<1x16xf32> to vector<16xf32>
        %add3A_1047 = arith.addf %add3A_1040, %get3A_1046 : vector<16xf32>
        %add3A_1048 = arith.constant 2 : i32
        %add3A_1049 = arith.addi %add3A_1022, %add3A_1048 : i32
        %get3A_1050 = arith.index_cast %add3A_1049 : i32 to index
        %get3A_1051 = arith.constant 0 : index
        %get3A_1052 = tpu.vector_load %arg11[%get3A_1050, %get3A_1051] {strides = array<i32>} : memref<1600x16xf32, #tpu.memory_space<vmem>>, vector<1x16xf32>,
        %get3A_1053 = vector.shape_cast %get3A_1052 : vector<1x16xf32> to vector<16xf32>
        %add3A_1054 = arith.addf %scan3A_1017, %get3A_1053 : vector<16xf32>
        %add3A_1055 = arith.constant 6 : i32
        %add3A_1056 = arith.addi %add3A_1022, %add3A_1055 : i32
        %get3A_1057 = arith.index_cast %add3A_1056 : i32 to index
        %get3A_1058 = arith.constant 0 : index
        %get3A_1059 = tpu.vector_load %arg11[%get3A_1057, %get3A_1058] {strides = array<i32>} : memref<1600x16xf32, #tpu.memory_space<vmem>>, vector<1x16xf32>,
        %get3A_1060 = vector.shape_cast %get3A_1059 : vector<1x16xf32> to vector<16xf32>
        %add3A_1061 = arith.addf %add3A_1054, %get3A_1060 : vector<16xf32>
        %add3A_1062 = arith.constant 3 : i32
        %add3A_1063 = arith.addi %add3A_1022, %add3A_1062 : i32
        %get3A_1064 = arith.index_cast %add3A_1063 : i32 to index
        %get3A_1065 = arith.constant 0 : index
        %get3A_1066 = tpu.vector_load %arg11[%get3A_1064, %get3A_1065] {strides = array<i32>} : memref<1600x16xf32, #tpu.memory_space<vmem>>, vector<1x16xf32>,
        %get3A_1067 = vector.shape_cast %get3A_1066 : vector<1x16xf32> to vector<16xf32>
        %add3A_1068 = arith.addf %scan3A_1018, %get3A_1067 : vector<16xf32>
        %add3A_1069 = arith.constant 7 : i32
        %add3A_1070 = arith.addi %add3A_1022, %add3A_1069 : i32
        %get3A_1071 = arith.index_cast %add3A_1070 : i32 to index
        %get3A_1072 = arith.constant 0 : index
        %get3A_1073 = tpu.vector_load %arg11[%get3A_1071, %get3A_1072] {strides = array<i32>} : memref<1600x16xf32, #tpu.memory_space<vmem>>, vector<1x16xf32>,
        %get3A_1074 = vector.shape_cast %get3A_1073 : vector<1x16xf32> to vector<16xf32>
        %add3A_1075 = arith.addf %add3A_1068, %get3A_1074 : vector<16xf32>
        scf.yield %add3A_1033, %add3A_1047, %add3A_1061, %add3A_1075 : vector<16xf32>, vector<16xf32>, vector<16xf32>, vector<16xf32>
      }
      %scan3A_516 = arith.constant 25 : i32
      %add3A_517 = arith.addf %scan3A_515#0, %scan3A_515#1 : vector<16xf32>
      %add3A_518 = arith.addf %scan3A_515#2, %scan3A_515#3 : vector<16xf32>
      %add3A_519 = arith.addf %add3A_517, %add3A_518 : vector<16xf32>
      %swap3A_520 = arith.constant 6 : i32
      %swap3A_521 = arith.index_cast %swap3A_520 : i32 to index
      %swap3A_522 = arith.constant 0 : index
      %swap3A_523 = tpu.vector_load %arg15[%swap3A_521, %swap3A_522] {strides = array<i32>} : memref<8x16xf32, #tpu.memory_space<vmem>>, vector<1x16xf32>,
      %swap3A_524 = vector.shape_cast %swap3A_523 : vector<1x16xf32> to vector<16xf32>
      %swap3A_525 = vector.shape_cast %add3A_519 : vector<16xf32> to vector<1x16xf32>
      tpu.vector_store %arg15[%swap3A_521, %swap3A_522], %swap3A_525 {strides = array<i32>} : memref<8x16xf32, #tpu.memory_space<vmem>>, vector<1x16xf32>,
      %broadcast_in_dim3A_526 = arith.constant 0.000000e+00 : f32
      %broadcast_in_dim3A_527 = vector.broadcast %broadcast_in_dim3A_526 : f32 to vector<16xf32>
      %scan3A_528 = arith.constant 0 : i32
      %scan3A_529 = arith.constant 25 : i32
      %scan3A_530 = arith.addi %scan3A_528, %scan3A_529 : i32
      %scan3A_531 = arith.constant 1 : i32
      %scan3A_532:4 = scf.for %scan3A_1014 = %scan3A_528 to %scan3A_530 step %scan3A_531 iter_args(%scan3A_1015 = %broadcast_in_dim3A_527, %scan3A_1016 = %broadcast_in_dim3A_527, %scan3A_1017 = %broadcast_in_dim3A_527, %scan3A_1018 = %broadcast_in_dim3A_527) -> (vector<16xf32>, vector<16xf32>, vector<16xf32>, vector<16xf32>)  : i32 {
        %mul3A_1019 = arith.constant 8 : i32
        %mul3A_1020 = arith.muli %scan3A_1014, %mul3A_1019 : i32
        %add3A_1021 = arith.constant 1400 : i32
        %add3A_1022 = arith.addi %add3A_1021, %mul3A_1020 : i32
        %get3A = arith.index_cast %add3A_1022 : i32 to index
        %get3A_1023 = arith.constant 0 : index
        %get3A_1024 = tpu.vector_load %arg11[%get3A, %get3A_1023] {strides = array<i32>} : memref<1600x16xf32, #tpu.memory_space<vmem>>, vector<1x16xf32>,
        %get3A_1025 = vector.shape_cast %get3A_1024 : vector<1x16xf32> to vector<16xf32>
        %add3A_1026 = arith.addf %scan3A_1015, %get3A_1025 : vector<16xf32>
        %add3A_1027 = arith.constant 4 : i32
        %add3A_1028 = arith.addi %add3A_1022, %add3A_1027 : i32
        %get3A_1029 = arith.index_cast %add3A_1028 : i32 to index
        %get3A_1030 = arith.constant 0 : index
        %get3A_1031 = tpu.vector_load %arg11[%get3A_1029, %get3A_1030] {strides = array<i32>} : memref<1600x16xf32, #tpu.memory_space<vmem>>, vector<1x16xf32>,
        %get3A_1032 = vector.shape_cast %get3A_1031 : vector<1x16xf32> to vector<16xf32>
        %add3A_1033 = arith.addf %add3A_1026, %get3A_1032 : vector<16xf32>
        %add3A_1034 = arith.constant 1 : i32
        %add3A_1035 = arith.addi %add3A_1022, %add3A_1034 : i32
        %get3A_1036 = arith.index_cast %add3A_1035 : i32 to index
        %get3A_1037 = arith.constant 0 : index
        %get3A_1038 = tpu.vector_load %arg11[%get3A_1036, %get3A_1037] {strides = array<i32>} : memref<1600x16xf32, #tpu.memory_space<vmem>>, vector<1x16xf32>,
        %get3A_1039 = vector.shape_cast %get3A_1038 : vector<1x16xf32> to vector<16xf32>
        %add3A_1040 = arith.addf %scan3A_1016, %get3A_1039 : vector<16xf32>
        %add3A_1041 = arith.constant 5 : i32
        %add3A_1042 = arith.addi %add3A_1022, %add3A_1041 : i32
        %get3A_1043 = arith.index_cast %add3A_1042 : i32 to index
        %get3A_1044 = arith.constant 0 : index
        %get3A_1045 = tpu.vector_load %arg11[%get3A_1043, %get3A_1044] {strides = array<i32>} : memref<1600x16xf32, #tpu.memory_space<vmem>>, vector<1x16xf32>,
        %get3A_1046 = vector.shape_cast %get3A_1045 : vector<1x16xf32> to vector<16xf32>
        %add3A_1047 = arith.addf %add3A_1040, %get3A_1046 : vector<16xf32>
        %add3A_1048 = arith.constant 2 : i32
        %add3A_1049 = arith.addi %add3A_1022, %add3A_1048 : i32
        %get3A_1050 = arith.index_cast %add3A_1049 : i32 to index
        %get3A_1051 = arith.constant 0 : index
        %get3A_1052 = tpu.vector_load %arg11[%get3A_1050, %get3A_1051] {strides = array<i32>} : memref<1600x16xf32, #tpu.memory_space<vmem>>, vector<1x16xf32>,
        %get3A_1053 = vector.shape_cast %get3A_1052 : vector<1x16xf32> to vector<16xf32>
        %add3A_1054 = arith.addf %scan3A_1017, %get3A_1053 : vector<16xf32>
        %add3A_1055 = arith.constant 6 : i32
        %add3A_1056 = arith.addi %add3A_1022, %add3A_1055 : i32
        %get3A_1057 = arith.index_cast %add3A_1056 : i32 to index
        %get3A_1058 = arith.constant 0 : index
        %get3A_1059 = tpu.vector_load %arg11[%get3A_1057, %get3A_1058] {strides = array<i32>} : memref<1600x16xf32, #tpu.memory_space<vmem>>, vector<1x16xf32>,
        %get3A_1060 = vector.shape_cast %get3A_1059 : vector<1x16xf32> to vector<16xf32>
        %add3A_1061 = arith.addf %add3A_1054, %get3A_1060 : vector<16xf32>
        %add3A_1062 = arith.constant 3 : i32
        %add3A_1063 = arith.addi %add3A_1022, %add3A_1062 : i32
        %get3A_1064 = arith.index_cast %add3A_1063 : i32 to index
        %get3A_1065 = arith.constant 0 : index
        %get3A_1066 = tpu.vector_load %arg11[%get3A_1064, %get3A_1065] {strides = array<i32>} : memref<1600x16xf32, #tpu.memory_space<vmem>>, vector<1x16xf32>,
        %get3A_1067 = vector.shape_cast %get3A_1066 : vector<1x16xf32> to vector<16xf32>
        %add3A_1068 = arith.addf %scan3A_1018, %get3A_1067 : vector<16xf32>
        %add3A_1069 = arith.constant 7 : i32
        %add3A_1070 = arith.addi %add3A_1022, %add3A_1069 : i32
        %get3A_1071 = arith.index_cast %add3A_1070 : i32 to index
        %get3A_1072 = arith.constant 0 : index
        %get3A_1073 = tpu.vector_load %arg11[%get3A_1071, %get3A_1072] {strides = array<i32>} : memref<1600x16xf32, #tpu.memory_space<vmem>>, vector<1x16xf32>,
        %get3A_1074 = vector.shape_cast %get3A_1073 : vector<1x16xf32> to vector<16xf32>
        %add3A_1075 = arith.addf %add3A_1068, %get3A_1074 : vector<16xf32>
        scf.yield %add3A_1033, %add3A_1047, %add3A_1061, %add3A_1075 : vector<16xf32>, vector<16xf32>, vector<16xf32>, vector<16xf32>
      }
      %scan3A_533 = arith.constant 25 : i32
      %add3A_534 = arith.addf %scan3A_532#0, %scan3A_532#1 : vector<16xf32>
      %add3A_535 = arith.addf %scan3A_532#2, %scan3A_532#3 : vector<16xf32>
      %add3A_536 = arith.addf %add3A_534, %add3A_535 : vector<16xf32>
      %swap3A_537 = arith.constant 7 : i32
      %swap3A_538 = arith.index_cast %swap3A_537 : i32 to index
      %swap3A_539 = arith.constant 0 : index
      %swap3A_540 = tpu.vector_load %arg15[%swap3A_538, %swap3A_539] {strides = array<i32>} : memref<8x16xf32, #tpu.memory_space<vmem>>, vector<1x16xf32>,
      %swap3A_541 = vector.shape_cast %swap3A_540 : vector<1x16xf32> to vector<16xf32>
      %swap3A_542 = vector.shape_cast %add3A_536 : vector<16xf32> to vector<1x16xf32>
      tpu.vector_store %arg15[%swap3A_538, %swap3A_539], %swap3A_542 {strides = array<i32>} : memref<8x16xf32, #tpu.memory_space<vmem>>, vector<1x16xf32>,
      %mul3A_543 = arith.constant 8 : i32
      %mul3A_544 = arith.muli %add3A_398, %mul3A_543 : i32
      %add3A_545 = arith.addi %mul3A_2, %mul3A_544 : i32
      "tpu.region"() ({
        %run_scoped3A = tpu.sem_alloc : memref<!tpu.dma_semaphore, #tpu.memory_space<semaphore_mem>>
        %dma_start3A_1014 = arith.constant 0 : i32
        %dma_start3A_1015 = tpu.memref_slice %arg5[%add3A_545, %dma_start3A_1014] : memref<16384x16xf32, #tpu.memory_space<hbm>> -> memref<8x16xf32, #tpu.memory_space<hbm>>
        %dma_start3A_1016 = arith.constant 0 : i32
        %dma_start3A_1017 = tpu.memref_slice %arg5[%add3A_545, %dma_start3A_1016] : memref<16384x16xf32, #tpu.memory_space<hbm>> -> memref<8x16xf32, #tpu.memory_space<hbm>>
        tpu.enqueue_dma source(%arg15 : memref<8x16xf32, #tpu.memory_space<vmem>>) target(%dma_start3A_1017 : memref<8x16xf32, #tpu.memory_space<hbm>>) target_semaphore(%run_scoped3A : memref<!tpu.dma_semaphore, #tpu.memory_space<semaphore_mem>>)
        %dma_wait3A_1018 = arith.constant 0 : i32
        %dma_wait3A_1019 = tpu.memref_slice %arg5[%add3A_545, %dma_wait3A_1018] : memref<16384x16xf32, #tpu.memory_space<hbm>> -> memref<8x16xf32, #tpu.memory_space<hbm>>
        %dma_wait3A_1020 = arith.constant 0 : i32
        %dma_wait3A_1021 = tpu.memref_slice %arg5[%add3A_545, %dma_wait3A_1020] : memref<16384x16xf32, #tpu.memory_space<hbm>> -> memref<8x16xf32, #tpu.memory_space<hbm>>
        tpu.wait_dma2 semaphore(%run_scoped3A : memref<!tpu.dma_semaphore, #tpu.memory_space<semaphore_mem>>) src(%arg15 : memref<8x16xf32, #tpu.memory_space<vmem>>) dst(%dma_wait3A_1021 : memref<8x16xf32, #tpu.memory_space<hbm>>)
        tpu.yield
      }) : () -> ()
      %mul3A_546 = arith.constant 4 : i32
      %mul3A_547 = arith.muli %mul3A_546, %scan3A_394 : i32
      %add3A_548 = arith.constant 1 : i32
      %add3A_549 = arith.addi %mul3A_547, %add3A_548 : i32
      %add3A_550 = arith.constant 3 : i32
      %add3A_551 = arith.addi %add3A_549, %add3A_550 : i32
      %lt3A_552 = arith.constant 64 : i32
      %lt3A_553 = arith.cmpi slt, %add3A_551, %lt3A_552 : i32
      %convert_element_type3A_554 = arith.extui %lt3A_553 : i1 to i32
      %cond3A_555 = arith.constant 0 : i32
      %cond3A_556 = arith.cmpi ne, %convert_element_type3A_554, %cond3A_555 : i32
      scf.if %cond3A_556 {
        %mul3A_1014 = arith.constant 8 : i32
        %mul3A_1015 = arith.muli %add3A_551, %mul3A_1014 : i32
        %add3A_1016 = arith.addi %mul3A_2, %mul3A_1015 : i32
        %mul3A_1017 = arith.constant 200 : i32
        %mul3A_1018 = arith.muli %add3A_1016, %mul3A_1017 : i32
        "tpu.region"() ({
          %run_scoped3A = tpu.sem_alloc : memref<!tpu.dma_semaphore, #tpu.memory_space<semaphore_mem>>
          %dma_start3A_1123 = tpu.memref_slice %arg2[%mul3A_1018] : memref<3276800xi32, #tpu.memory_space<hbm>> -> memref<1600xi32, #tpu.memory_space<hbm>>
          %dma_start3A_1124 = tpu.memref_slice %arg2[%mul3A_1018] : memref<3276800xi32, #tpu.memory_space<hbm>> -> memref<1600xi32, #tpu.memory_space<hbm>>
          tpu.enqueue_dma source(%dma_start3A_1124 : memref<1600xi32, #tpu.memory_space<hbm>>) target(%arg7 : memref<1600xi32, #tpu.memory_space<vmem>>) target_semaphore(%run_scoped3A : memref<!tpu.dma_semaphore, #tpu.memory_space<semaphore_mem>>)
          %dma_wait3A_1125 = tpu.memref_slice %arg2[%mul3A_1018] : memref<3276800xi32, #tpu.memory_space<hbm>> -> memref<1600xi32, #tpu.memory_space<hbm>>
          %dma_wait3A_1126 = tpu.memref_slice %arg2[%mul3A_1018] : memref<3276800xi32, #tpu.memory_space<hbm>> -> memref<1600xi32, #tpu.memory_space<hbm>>
          tpu.wait_dma2 semaphore(%run_scoped3A : memref<!tpu.dma_semaphore, #tpu.memory_space<semaphore_mem>>) src(%dma_wait3A_1126 : memref<1600xi32, #tpu.memory_space<hbm>>) dst(%arg7 : memref<1600xi32, #tpu.memory_space<vmem>>)
          tpu.yield
        }) : () -> ()
        %dma_start3A_1019 = arith.constant 0 : i32
        %dma_start3A_1020 = arith.constant 0 : i32
        %dma_start3A_1021 = tpu.memref_slice %arg11[%dma_start3A_1019, %dma_start3A_1020] : memref<1600x16xf32, #tpu.memory_space<vmem>> -> memref<128x16xf32, #tpu.memory_space<vmem>>
        %dma_start3A_1022 = arith.constant 0 : i32
        %dma_start3A_1023 = tpu.memref_slice %arg7[%dma_start3A_1022] : memref<1600xi32, #tpu.memory_space<vmem>> -> memref<128xi32, #tpu.memory_space<vmem>>
        %dma_start3A_1024 = arith.constant 0 : i32
        %dma_start3A_1025 = arith.constant 0 : i32
        %dma_start3A_1026 = tpu.memref_slice %arg4[%dma_start3A_1024, %dma_start3A_1025] : memref<1000000x16xf32, #tpu.memory_space<hbm>> -> memref<1000000x16xf32, #tpu.memory_space<hbm>>
        tpu.enqueue_indirect_dma source(%dma_start3A_1026 : memref<1000000x16xf32, #tpu.memory_space<hbm>>) target(%dma_start3A_1021 : memref<128x16xf32, #tpu.memory_space<vmem>>) offsets(%dma_start3A_1023 : memref<128xi32, #tpu.memory_space<vmem>>) semaphore(%arg18 : memref<!tpu.dma_semaphore, #tpu.memory_space<semaphore_mem>>)
        %dma_start3A_1027 = arith.constant 128 : i32
        %dma_start3A_1028 = arith.constant 0 : i32
        %dma_start3A_1029 = tpu.memref_slice %arg11[%dma_start3A_1027, %dma_start3A_1028] : memref<1600x16xf32, #tpu.memory_space<vmem>> -> memref<128x16xf32, #tpu.memory_space<vmem>>
        %dma_start3A_1030 = arith.constant 128 : i32
        %dma_start3A_1031 = tpu.memref_slice %arg7[%dma_start3A_1030] : memref<1600xi32, #tpu.memory_space<vmem>> -> memref<128xi32, #tpu.memory_space<vmem>>
        %dma_start3A_1032 = arith.constant 0 : i32
        %dma_start3A_1033 = arith.constant 0 : i32
        %dma_start3A_1034 = tpu.memref_slice %arg4[%dma_start3A_1032, %dma_start3A_1033] : memref<1000000x16xf32, #tpu.memory_space<hbm>> -> memref<1000000x16xf32, #tpu.memory_space<hbm>>
        tpu.enqueue_indirect_dma source(%dma_start3A_1034 : memref<1000000x16xf32, #tpu.memory_space<hbm>>) target(%dma_start3A_1029 : memref<128x16xf32, #tpu.memory_space<vmem>>) offsets(%dma_start3A_1031 : memref<128xi32, #tpu.memory_space<vmem>>) semaphore(%arg18 : memref<!tpu.dma_semaphore, #tpu.memory_space<semaphore_mem>>)
        %dma_start3A_1035 = arith.constant 256 : i32
        %dma_start3A_1036 = arith.constant 0 : i32
        %dma_start3A_1037 = tpu.memref_slice %arg11[%dma_start3A_1035, %dma_start3A_1036] : memref<1600x16xf32, #tpu.memory_space<vmem>> -> memref<128x16xf32, #tpu.memory_space<vmem>>
        %dma_start3A_1038 = arith.constant 256 : i32
        %dma_start3A_1039 = tpu.memref_slice %arg7[%dma_start3A_1038] : memref<1600xi32, #tpu.memory_space<vmem>> -> memref<128xi32, #tpu.memory_space<vmem>>
        %dma_start3A_1040 = arith.constant 0 : i32
        %dma_start3A_1041 = arith.constant 0 : i32
        %dma_start3A_1042 = tpu.memref_slice %arg4[%dma_start3A_1040, %dma_start3A_1041] : memref<1000000x16xf32, #tpu.memory_space<hbm>> -> memref<1000000x16xf32, #tpu.memory_space<hbm>>
        tpu.enqueue_indirect_dma source(%dma_start3A_1042 : memref<1000000x16xf32, #tpu.memory_space<hbm>>) target(%dma_start3A_1037 : memref<128x16xf32, #tpu.memory_space<vmem>>) offsets(%dma_start3A_1039 : memref<128xi32, #tpu.memory_space<vmem>>) semaphore(%arg18 : memref<!tpu.dma_semaphore, #tpu.memory_space<semaphore_mem>>)
        %dma_start3A_1043 = arith.constant 384 : i32
        %dma_start3A_1044 = arith.constant 0 : i32
        %dma_start3A_1045 = tpu.memref_slice %arg11[%dma_start3A_1043, %dma_start3A_1044] : memref<1600x16xf32, #tpu.memory_space<vmem>> -> memref<128x16xf32, #tpu.memory_space<vmem>>
        %dma_start3A_1046 = arith.constant 384 : i32
        %dma_start3A_1047 = tpu.memref_slice %arg7[%dma_start3A_1046] : memref<1600xi32, #tpu.memory_space<vmem>> -> memref<128xi32, #tpu.memory_space<vmem>>
        %dma_start3A_1048 = arith.constant 0 : i32
        %dma_start3A_1049 = arith.constant 0 : i32
        %dma_start3A_1050 = tpu.memref_slice %arg4[%dma_start3A_1048, %dma_start3A_1049] : memref<1000000x16xf32, #tpu.memory_space<hbm>> -> memref<1000000x16xf32, #tpu.memory_space<hbm>>
        tpu.enqueue_indirect_dma source(%dma_start3A_1050 : memref<1000000x16xf32, #tpu.memory_space<hbm>>) target(%dma_start3A_1045 : memref<128x16xf32, #tpu.memory_space<vmem>>) offsets(%dma_start3A_1047 : memref<128xi32, #tpu.memory_space<vmem>>) semaphore(%arg18 : memref<!tpu.dma_semaphore, #tpu.memory_space<semaphore_mem>>)
        %dma_start3A_1051 = arith.constant 512 : i32
        %dma_start3A_1052 = arith.constant 0 : i32
        %dma_start3A_1053 = tpu.memref_slice %arg11[%dma_start3A_1051, %dma_start3A_1052] : memref<1600x16xf32, #tpu.memory_space<vmem>> -> memref<128x16xf32, #tpu.memory_space<vmem>>
        %dma_start3A_1054 = arith.constant 512 : i32
        %dma_start3A_1055 = tpu.memref_slice %arg7[%dma_start3A_1054] : memref<1600xi32, #tpu.memory_space<vmem>> -> memref<128xi32, #tpu.memory_space<vmem>>
        %dma_start3A_1056 = arith.constant 0 : i32
        %dma_start3A_1057 = arith.constant 0 : i32
        %dma_start3A_1058 = tpu.memref_slice %arg4[%dma_start3A_1056, %dma_start3A_1057] : memref<1000000x16xf32, #tpu.memory_space<hbm>> -> memref<1000000x16xf32, #tpu.memory_space<hbm>>
        tpu.enqueue_indirect_dma source(%dma_start3A_1058 : memref<1000000x16xf32, #tpu.memory_space<hbm>>) target(%dma_start3A_1053 : memref<128x16xf32, #tpu.memory_space<vmem>>) offsets(%dma_start3A_1055 : memref<128xi32, #tpu.memory_space<vmem>>) semaphore(%arg18 : memref<!tpu.dma_semaphore, #tpu.memory_space<semaphore_mem>>)
        %dma_start3A_1059 = arith.constant 640 : i32
        %dma_start3A_1060 = arith.constant 0 : i32
        %dma_start3A_1061 = tpu.memref_slice %arg11[%dma_start3A_1059, %dma_start3A_1060] : memref<1600x16xf32, #tpu.memory_space<vmem>> -> memref<128x16xf32, #tpu.memory_space<vmem>>
        %dma_start3A_1062 = arith.constant 640 : i32
        %dma_start3A_1063 = tpu.memref_slice %arg7[%dma_start3A_1062] : memref<1600xi32, #tpu.memory_space<vmem>> -> memref<128xi32, #tpu.memory_space<vmem>>
        %dma_start3A_1064 = arith.constant 0 : i32
        %dma_start3A_1065 = arith.constant 0 : i32
        %dma_start3A_1066 = tpu.memref_slice %arg4[%dma_start3A_1064, %dma_start3A_1065] : memref<1000000x16xf32, #tpu.memory_space<hbm>> -> memref<1000000x16xf32, #tpu.memory_space<hbm>>
        tpu.enqueue_indirect_dma source(%dma_start3A_1066 : memref<1000000x16xf32, #tpu.memory_space<hbm>>) target(%dma_start3A_1061 : memref<128x16xf32, #tpu.memory_space<vmem>>) offsets(%dma_start3A_1063 : memref<128xi32, #tpu.memory_space<vmem>>) semaphore(%arg18 : memref<!tpu.dma_semaphore, #tpu.memory_space<semaphore_mem>>)
        %dma_start3A_1067 = arith.constant 768 : i32
        %dma_start3A_1068 = arith.constant 0 : i32
        %dma_start3A_1069 = tpu.memref_slice %arg11[%dma_start3A_1067, %dma_start3A_1068] : memref<1600x16xf32, #tpu.memory_space<vmem>> -> memref<128x16xf32, #tpu.memory_space<vmem>>
        %dma_start3A_1070 = arith.constant 768 : i32
        %dma_start3A_1071 = tpu.memref_slice %arg7[%dma_start3A_1070] : memref<1600xi32, #tpu.memory_space<vmem>> -> memref<128xi32, #tpu.memory_space<vmem>>
        %dma_start3A_1072 = arith.constant 0 : i32
        %dma_start3A_1073 = arith.constant 0 : i32
        %dma_start3A_1074 = tpu.memref_slice %arg4[%dma_start3A_1072, %dma_start3A_1073] : memref<1000000x16xf32, #tpu.memory_space<hbm>> -> memref<1000000x16xf32, #tpu.memory_space<hbm>>
        tpu.enqueue_indirect_dma source(%dma_start3A_1074 : memref<1000000x16xf32, #tpu.memory_space<hbm>>) target(%dma_start3A_1069 : memref<128x16xf32, #tpu.memory_space<vmem>>) offsets(%dma_start3A_1071 : memref<128xi32, #tpu.memory_space<vmem>>) semaphore(%arg18 : memref<!tpu.dma_semaphore, #tpu.memory_space<semaphore_mem>>)
        %dma_start3A_1075 = arith.constant 896 : i32
        %dma_start3A_1076 = arith.constant 0 : i32
        %dma_start3A_1077 = tpu.memref_slice %arg11[%dma_start3A_1075, %dma_start3A_1076] : memref<1600x16xf32, #tpu.memory_space<vmem>> -> memref<128x16xf32, #tpu.memory_space<vmem>>
        %dma_start3A_1078 = arith.constant 896 : i32
        %dma_start3A_1079 = tpu.memref_slice %arg7[%dma_start3A_1078] : memref<1600xi32, #tpu.memory_space<vmem>> -> memref<128xi32, #tpu.memory_space<vmem>>
        %dma_start3A_1080 = arith.constant 0 : i32
        %dma_start3A_1081 = arith.constant 0 : i32
        %dma_start3A_1082 = tpu.memref_slice %arg4[%dma_start3A_1080, %dma_start3A_1081] : memref<1000000x16xf32, #tpu.memory_space<hbm>> -> memref<1000000x16xf32, #tpu.memory_space<hbm>>
        tpu.enqueue_indirect_dma source(%dma_start3A_1082 : memref<1000000x16xf32, #tpu.memory_space<hbm>>) target(%dma_start3A_1077 : memref<128x16xf32, #tpu.memory_space<vmem>>) offsets(%dma_start3A_1079 : memref<128xi32, #tpu.memory_space<vmem>>) semaphore(%arg18 : memref<!tpu.dma_semaphore, #tpu.memory_space<semaphore_mem>>)
        %dma_start3A_1083 = arith.constant 1024 : i32
        %dma_start3A_1084 = arith.constant 0 : i32
        %dma_start3A_1085 = tpu.memref_slice %arg11[%dma_start3A_1083, %dma_start3A_1084] : memref<1600x16xf32, #tpu.memory_space<vmem>> -> memref<128x16xf32, #tpu.memory_space<vmem>>
        %dma_start3A_1086 = arith.constant 1024 : i32
        %dma_start3A_1087 = tpu.memref_slice %arg7[%dma_start3A_1086] : memref<1600xi32, #tpu.memory_space<vmem>> -> memref<128xi32, #tpu.memory_space<vmem>>
        %dma_start3A_1088 = arith.constant 0 : i32
        %dma_start3A_1089 = arith.constant 0 : i32
        %dma_start3A_1090 = tpu.memref_slice %arg4[%dma_start3A_1088, %dma_start3A_1089] : memref<1000000x16xf32, #tpu.memory_space<hbm>> -> memref<1000000x16xf32, #tpu.memory_space<hbm>>
        tpu.enqueue_indirect_dma source(%dma_start3A_1090 : memref<1000000x16xf32, #tpu.memory_space<hbm>>) target(%dma_start3A_1085 : memref<128x16xf32, #tpu.memory_space<vmem>>) offsets(%dma_start3A_1087 : memref<128xi32, #tpu.memory_space<vmem>>) semaphore(%arg18 : memref<!tpu.dma_semaphore, #tpu.memory_space<semaphore_mem>>)
        %dma_start3A_1091 = arith.constant 1152 : i32
        %dma_start3A_1092 = arith.constant 0 : i32
        %dma_start3A_1093 = tpu.memref_slice %arg11[%dma_start3A_1091, %dma_start3A_1092] : memref<1600x16xf32, #tpu.memory_space<vmem>> -> memref<128x16xf32, #tpu.memory_space<vmem>>
        %dma_start3A_1094 = arith.constant 1152 : i32
        %dma_start3A_1095 = tpu.memref_slice %arg7[%dma_start3A_1094] : memref<1600xi32, #tpu.memory_space<vmem>> -> memref<128xi32, #tpu.memory_space<vmem>>
        %dma_start3A_1096 = arith.constant 0 : i32
        %dma_start3A_1097 = arith.constant 0 : i32
        %dma_start3A_1098 = tpu.memref_slice %arg4[%dma_start3A_1096, %dma_start3A_1097] : memref<1000000x16xf32, #tpu.memory_space<hbm>> -> memref<1000000x16xf32, #tpu.memory_space<hbm>>
        tpu.enqueue_indirect_dma source(%dma_start3A_1098 : memref<1000000x16xf32, #tpu.memory_space<hbm>>) target(%dma_start3A_1093 : memref<128x16xf32, #tpu.memory_space<vmem>>) offsets(%dma_start3A_1095 : memref<128xi32, #tpu.memory_space<vmem>>) semaphore(%arg18 : memref<!tpu.dma_semaphore, #tpu.memory_space<semaphore_mem>>)
        %dma_start3A_1099 = arith.constant 1280 : i32
        %dma_start3A_1100 = arith.constant 0 : i32
        %dma_start3A_1101 = tpu.memref_slice %arg11[%dma_start3A_1099, %dma_start3A_1100] : memref<1600x16xf32, #tpu.memory_space<vmem>> -> memref<128x16xf32, #tpu.memory_space<vmem>>
        %dma_start3A_1102 = arith.constant 1280 : i32
        %dma_start3A_1103 = tpu.memref_slice %arg7[%dma_start3A_1102] : memref<1600xi32, #tpu.memory_space<vmem>> -> memref<128xi32, #tpu.memory_space<vmem>>
        %dma_start3A_1104 = arith.constant 0 : i32
        %dma_start3A_1105 = arith.constant 0 : i32
        %dma_start3A_1106 = tpu.memref_slice %arg4[%dma_start3A_1104, %dma_start3A_1105] : memref<1000000x16xf32, #tpu.memory_space<hbm>> -> memref<1000000x16xf32, #tpu.memory_space<hbm>>
        tpu.enqueue_indirect_dma source(%dma_start3A_1106 : memref<1000000x16xf32, #tpu.memory_space<hbm>>) target(%dma_start3A_1101 : memref<128x16xf32, #tpu.memory_space<vmem>>) offsets(%dma_start3A_1103 : memref<128xi32, #tpu.memory_space<vmem>>) semaphore(%arg18 : memref<!tpu.dma_semaphore, #tpu.memory_space<semaphore_mem>>)
        %dma_start3A_1107 = arith.constant 1408 : i32
        %dma_start3A_1108 = arith.constant 0 : i32
        %dma_start3A_1109 = tpu.memref_slice %arg11[%dma_start3A_1107, %dma_start3A_1108] : memref<1600x16xf32, #tpu.memory_space<vmem>> -> memref<128x16xf32, #tpu.memory_space<vmem>>
        %dma_start3A_1110 = arith.constant 1408 : i32
        %dma_start3A_1111 = tpu.memref_slice %arg7[%dma_start3A_1110] : memref<1600xi32, #tpu.memory_space<vmem>> -> memref<128xi32, #tpu.memory_space<vmem>>
        %dma_start3A_1112 = arith.constant 0 : i32
        %dma_start3A_1113 = arith.constant 0 : i32
        %dma_start3A_1114 = tpu.memref_slice %arg4[%dma_start3A_1112, %dma_start3A_1113] : memref<1000000x16xf32, #tpu.memory_space<hbm>> -> memref<1000000x16xf32, #tpu.memory_space<hbm>>
        tpu.enqueue_indirect_dma source(%dma_start3A_1114 : memref<1000000x16xf32, #tpu.memory_space<hbm>>) target(%dma_start3A_1109 : memref<128x16xf32, #tpu.memory_space<vmem>>) offsets(%dma_start3A_1111 : memref<128xi32, #tpu.memory_space<vmem>>) semaphore(%arg18 : memref<!tpu.dma_semaphore, #tpu.memory_space<semaphore_mem>>)
        %dma_start3A_1115 = arith.constant 1536 : i32
        %dma_start3A_1116 = arith.constant 0 : i32
        %dma_start3A_1117 = tpu.memref_slice %arg11[%dma_start3A_1115, %dma_start3A_1116] : memref<1600x16xf32, #tpu.memory_space<vmem>> -> memref<64x16xf32, #tpu.memory_space<vmem>>
        %dma_start3A_1118 = arith.constant 1536 : i32
        %dma_start3A_1119 = tpu.memref_slice %arg7[%dma_start3A_1118] : memref<1600xi32, #tpu.memory_space<vmem>> -> memref<64xi32, #tpu.memory_space<vmem>>
        %dma_start3A_1120 = arith.constant 0 : i32
        %dma_start3A_1121 = arith.constant 0 : i32
        %dma_start3A_1122 = tpu.memref_slice %arg4[%dma_start3A_1120, %dma_start3A_1121] : memref<1000000x16xf32, #tpu.memory_space<hbm>> -> memref<1000000x16xf32, #tpu.memory_space<hbm>>
        tpu.enqueue_indirect_dma source(%dma_start3A_1122 : memref<1000000x16xf32, #tpu.memory_space<hbm>>) target(%dma_start3A_1117 : memref<64x16xf32, #tpu.memory_space<vmem>>) offsets(%dma_start3A_1119 : memref<64xi32, #tpu.memory_space<vmem>>) semaphore(%arg18 : memref<!tpu.dma_semaphore, #tpu.memory_space<semaphore_mem>>)
      } else {
      }
      %dma_wait3A_557 = arith.constant 0 : i32
      %dma_wait3A_558 = arith.constant 0 : i32
      %dma_wait3A_559 = tpu.memref_slice %arg4[%dma_wait3A_557, %dma_wait3A_558] : memref<1000000x16xf32, #tpu.memory_space<hbm>> -> memref<1600x16xf32, #tpu.memory_space<hbm>>
      %dma_wait3A_560 = arith.constant 0 : i32
      %dma_wait3A_561 = arith.constant 0 : i32
      %dma_wait3A_562 = tpu.memref_slice %arg4[%dma_wait3A_560, %dma_wait3A_561] : memref<1000000x16xf32, #tpu.memory_space<hbm>> -> memref<1600x16xf32, #tpu.memory_space<hbm>>
      tpu.wait_dma2 semaphore(%arg19 : memref<!tpu.dma_semaphore, #tpu.memory_space<semaphore_mem>>) src(%dma_wait3A_562 : memref<1600x16xf32, #tpu.memory_space<hbm>>) dst(%arg12 : memref<1600x16xf32, #tpu.memory_space<vmem>>)
      %broadcast_in_dim3A_563 = arith.constant 0.000000e+00 : f32
      %broadcast_in_dim3A_564 = vector.broadcast %broadcast_in_dim3A_563 : f32 to vector<16xf32>
      %scan3A_565 = arith.constant 0 : i32
      %scan3A_566 = arith.constant 25 : i32
      %scan3A_567 = arith.addi %scan3A_565, %scan3A_566 : i32
      %scan3A_568 = arith.constant 1 : i32
      %scan3A_569:4 = scf.for %scan3A_1014 = %scan3A_565 to %scan3A_567 step %scan3A_568 iter_args(%scan3A_1015 = %broadcast_in_dim3A_564, %scan3A_1016 = %broadcast_in_dim3A_564, %scan3A_1017 = %broadcast_in_dim3A_564, %scan3A_1018 = %broadcast_in_dim3A_564) -> (vector<16xf32>, vector<16xf32>, vector<16xf32>, vector<16xf32>)  : i32 {
        %mul3A_1019 = arith.constant 8 : i32
        %mul3A_1020 = arith.muli %scan3A_1014, %mul3A_1019 : i32
        %add3A_1021 = arith.constant 0 : i32
        %add3A_1022 = arith.addi %add3A_1021, %mul3A_1020 : i32
        %get3A = arith.index_cast %add3A_1022 : i32 to index
        %get3A_1023 = arith.constant 0 : index
        %get3A_1024 = tpu.vector_load %arg12[%get3A, %get3A_1023] {strides = array<i32>} : memref<1600x16xf32, #tpu.memory_space<vmem>>, vector<1x16xf32>,
        %get3A_1025 = vector.shape_cast %get3A_1024 : vector<1x16xf32> to vector<16xf32>
        %add3A_1026 = arith.addf %scan3A_1015, %get3A_1025 : vector<16xf32>
        %add3A_1027 = arith.constant 4 : i32
        %add3A_1028 = arith.addi %add3A_1022, %add3A_1027 : i32
        %get3A_1029 = arith.index_cast %add3A_1028 : i32 to index
        %get3A_1030 = arith.constant 0 : index
        %get3A_1031 = tpu.vector_load %arg12[%get3A_1029, %get3A_1030] {strides = array<i32>} : memref<1600x16xf32, #tpu.memory_space<vmem>>, vector<1x16xf32>,
        %get3A_1032 = vector.shape_cast %get3A_1031 : vector<1x16xf32> to vector<16xf32>
        %add3A_1033 = arith.addf %add3A_1026, %get3A_1032 : vector<16xf32>
        %add3A_1034 = arith.constant 1 : i32
        %add3A_1035 = arith.addi %add3A_1022, %add3A_1034 : i32
        %get3A_1036 = arith.index_cast %add3A_1035 : i32 to index
        %get3A_1037 = arith.constant 0 : index
        %get3A_1038 = tpu.vector_load %arg12[%get3A_1036, %get3A_1037] {strides = array<i32>} : memref<1600x16xf32, #tpu.memory_space<vmem>>, vector<1x16xf32>,
        %get3A_1039 = vector.shape_cast %get3A_1038 : vector<1x16xf32> to vector<16xf32>
        %add3A_1040 = arith.addf %scan3A_1016, %get3A_1039 : vector<16xf32>
        %add3A_1041 = arith.constant 5 : i32
        %add3A_1042 = arith.addi %add3A_1022, %add3A_1041 : i32
        %get3A_1043 = arith.index_cast %add3A_1042 : i32 to index
        %get3A_1044 = arith.constant 0 : index
        %get3A_1045 = tpu.vector_load %arg12[%get3A_1043, %get3A_1044] {strides = array<i32>} : memref<1600x16xf32, #tpu.memory_space<vmem>>, vector<1x16xf32>,
        %get3A_1046 = vector.shape_cast %get3A_1045 : vector<1x16xf32> to vector<16xf32>
        %add3A_1047 = arith.addf %add3A_1040, %get3A_1046 : vector<16xf32>
        %add3A_1048 = arith.constant 2 : i32
        %add3A_1049 = arith.addi %add3A_1022, %add3A_1048 : i32
        %get3A_1050 = arith.index_cast %add3A_1049 : i32 to index
        %get3A_1051 = arith.constant 0 : index
        %get3A_1052 = tpu.vector_load %arg12[%get3A_1050, %get3A_1051] {strides = array<i32>} : memref<1600x16xf32, #tpu.memory_space<vmem>>, vector<1x16xf32>,
        %get3A_1053 = vector.shape_cast %get3A_1052 : vector<1x16xf32> to vector<16xf32>
        %add3A_1054 = arith.addf %scan3A_1017, %get3A_1053 : vector<16xf32>
        %add3A_1055 = arith.constant 6 : i32
        %add3A_1056 = arith.addi %add3A_1022, %add3A_1055 : i32
        %get3A_1057 = arith.index_cast %add3A_1056 : i32 to index
        %get3A_1058 = arith.constant 0 : index
        %get3A_1059 = tpu.vector_load %arg12[%get3A_1057, %get3A_1058] {strides = array<i32>} : memref<1600x16xf32, #tpu.memory_space<vmem>>, vector<1x16xf32>,
        %get3A_1060 = vector.shape_cast %get3A_1059 : vector<1x16xf32> to vector<16xf32>
        %add3A_1061 = arith.addf %add3A_1054, %get3A_1060 : vector<16xf32>
        %add3A_1062 = arith.constant 3 : i32
        %add3A_1063 = arith.addi %add3A_1022, %add3A_1062 : i32
        %get3A_1064 = arith.index_cast %add3A_1063 : i32 to index
        %get3A_1065 = arith.constant 0 : index
        %get3A_1066 = tpu.vector_load %arg12[%get3A_1064, %get3A_1065] {strides = array<i32>} : memref<1600x16xf32, #tpu.memory_space<vmem>>, vector<1x16xf32>,
        %get3A_1067 = vector.shape_cast %get3A_1066 : vector<1x16xf32> to vector<16xf32>
        %add3A_1068 = arith.addf %scan3A_1018, %get3A_1067 : vector<16xf32>
        %add3A_1069 = arith.constant 7 : i32
        %add3A_1070 = arith.addi %add3A_1022, %add3A_1069 : i32
        %get3A_1071 = arith.index_cast %add3A_1070 : i32 to index
        %get3A_1072 = arith.constant 0 : index
        %get3A_1073 = tpu.vector_load %arg12[%get3A_1071, %get3A_1072] {strides = array<i32>} : memref<1600x16xf32, #tpu.memory_space<vmem>>, vector<1x16xf32>,
        %get3A_1074 = vector.shape_cast %get3A_1073 : vector<1x16xf32> to vector<16xf32>
        %add3A_1075 = arith.addf %add3A_1068, %get3A_1074 : vector<16xf32>
        scf.yield %add3A_1033, %add3A_1047, %add3A_1061, %add3A_1075 : vector<16xf32>, vector<16xf32>, vector<16xf32>, vector<16xf32>
      }
      %scan3A_570 = arith.constant 25 : i32
      %add3A_571 = arith.addf %scan3A_569#0, %scan3A_569#1 : vector<16xf32>
      %add3A_572 = arith.addf %scan3A_569#2, %scan3A_569#3 : vector<16xf32>
      %add3A_573 = arith.addf %add3A_571, %add3A_572 : vector<16xf32>
      %swap3A_574 = arith.constant 0 : i32
      %swap3A_575 = arith.index_cast %swap3A_574 : i32 to index
      %swap3A_576 = arith.constant 0 : index
      %swap3A_577 = tpu.vector_load %arg15[%swap3A_575, %swap3A_576] {strides = array<i32>} : memref<8x16xf32, #tpu.memory_space<vmem>>, vector<1x16xf32>,
      %swap3A_578 = vector.shape_cast %swap3A_577 : vector<1x16xf32> to vector<16xf32>
      %swap3A_579 = vector.shape_cast %add3A_573 : vector<16xf32> to vector<1x16xf32>
      tpu.vector_store %arg15[%swap3A_575, %swap3A_576], %swap3A_579 {strides = array<i32>} : memref<8x16xf32, #tpu.memory_space<vmem>>, vector<1x16xf32>,
      %broadcast_in_dim3A_580 = arith.constant 0.000000e+00 : f32
      %broadcast_in_dim3A_581 = vector.broadcast %broadcast_in_dim3A_580 : f32 to vector<16xf32>
      %scan3A_582 = arith.constant 0 : i32
      %scan3A_583 = arith.constant 25 : i32
      %scan3A_584 = arith.addi %scan3A_582, %scan3A_583 : i32
      %scan3A_585 = arith.constant 1 : i32
      %scan3A_586:4 = scf.for %scan3A_1014 = %scan3A_582 to %scan3A_584 step %scan3A_585 iter_args(%scan3A_1015 = %broadcast_in_dim3A_581, %scan3A_1016 = %broadcast_in_dim3A_581, %scan3A_1017 = %broadcast_in_dim3A_581, %scan3A_1018 = %broadcast_in_dim3A_581) -> (vector<16xf32>, vector<16xf32>, vector<16xf32>, vector<16xf32>)  : i32 {
        %mul3A_1019 = arith.constant 8 : i32
        %mul3A_1020 = arith.muli %scan3A_1014, %mul3A_1019 : i32
        %add3A_1021 = arith.constant 200 : i32
        %add3A_1022 = arith.addi %add3A_1021, %mul3A_1020 : i32
        %get3A = arith.index_cast %add3A_1022 : i32 to index
        %get3A_1023 = arith.constant 0 : index
        %get3A_1024 = tpu.vector_load %arg12[%get3A, %get3A_1023] {strides = array<i32>} : memref<1600x16xf32, #tpu.memory_space<vmem>>, vector<1x16xf32>,
        %get3A_1025 = vector.shape_cast %get3A_1024 : vector<1x16xf32> to vector<16xf32>
        %add3A_1026 = arith.addf %scan3A_1015, %get3A_1025 : vector<16xf32>
        %add3A_1027 = arith.constant 4 : i32
        %add3A_1028 = arith.addi %add3A_1022, %add3A_1027 : i32
        %get3A_1029 = arith.index_cast %add3A_1028 : i32 to index
        %get3A_1030 = arith.constant 0 : index
        %get3A_1031 = tpu.vector_load %arg12[%get3A_1029, %get3A_1030] {strides = array<i32>} : memref<1600x16xf32, #tpu.memory_space<vmem>>, vector<1x16xf32>,
        %get3A_1032 = vector.shape_cast %get3A_1031 : vector<1x16xf32> to vector<16xf32>
        %add3A_1033 = arith.addf %add3A_1026, %get3A_1032 : vector<16xf32>
        %add3A_1034 = arith.constant 1 : i32
        %add3A_1035 = arith.addi %add3A_1022, %add3A_1034 : i32
        %get3A_1036 = arith.index_cast %add3A_1035 : i32 to index
        %get3A_1037 = arith.constant 0 : index
        %get3A_1038 = tpu.vector_load %arg12[%get3A_1036, %get3A_1037] {strides = array<i32>} : memref<1600x16xf32, #tpu.memory_space<vmem>>, vector<1x16xf32>,
        %get3A_1039 = vector.shape_cast %get3A_1038 : vector<1x16xf32> to vector<16xf32>
        %add3A_1040 = arith.addf %scan3A_1016, %get3A_1039 : vector<16xf32>
        %add3A_1041 = arith.constant 5 : i32
        %add3A_1042 = arith.addi %add3A_1022, %add3A_1041 : i32
        %get3A_1043 = arith.index_cast %add3A_1042 : i32 to index
        %get3A_1044 = arith.constant 0 : index
        %get3A_1045 = tpu.vector_load %arg12[%get3A_1043, %get3A_1044] {strides = array<i32>} : memref<1600x16xf32, #tpu.memory_space<vmem>>, vector<1x16xf32>,
        %get3A_1046 = vector.shape_cast %get3A_1045 : vector<1x16xf32> to vector<16xf32>
        %add3A_1047 = arith.addf %add3A_1040, %get3A_1046 : vector<16xf32>
        %add3A_1048 = arith.constant 2 : i32
        %add3A_1049 = arith.addi %add3A_1022, %add3A_1048 : i32
        %get3A_1050 = arith.index_cast %add3A_1049 : i32 to index
        %get3A_1051 = arith.constant 0 : index
        %get3A_1052 = tpu.vector_load %arg12[%get3A_1050, %get3A_1051] {strides = array<i32>} : memref<1600x16xf32, #tpu.memory_space<vmem>>, vector<1x16xf32>,
        %get3A_1053 = vector.shape_cast %get3A_1052 : vector<1x16xf32> to vector<16xf32>
        %add3A_1054 = arith.addf %scan3A_1017, %get3A_1053 : vector<16xf32>
        %add3A_1055 = arith.constant 6 : i32
        %add3A_1056 = arith.addi %add3A_1022, %add3A_1055 : i32
        %get3A_1057 = arith.index_cast %add3A_1056 : i32 to index
        %get3A_1058 = arith.constant 0 : index
        %get3A_1059 = tpu.vector_load %arg12[%get3A_1057, %get3A_1058] {strides = array<i32>} : memref<1600x16xf32, #tpu.memory_space<vmem>>, vector<1x16xf32>,
        %get3A_1060 = vector.shape_cast %get3A_1059 : vector<1x16xf32> to vector<16xf32>
        %add3A_1061 = arith.addf %add3A_1054, %get3A_1060 : vector<16xf32>
        %add3A_1062 = arith.constant 3 : i32
        %add3A_1063 = arith.addi %add3A_1022, %add3A_1062 : i32
        %get3A_1064 = arith.index_cast %add3A_1063 : i32 to index
        %get3A_1065 = arith.constant 0 : index
        %get3A_1066 = tpu.vector_load %arg12[%get3A_1064, %get3A_1065] {strides = array<i32>} : memref<1600x16xf32, #tpu.memory_space<vmem>>, vector<1x16xf32>,
        %get3A_1067 = vector.shape_cast %get3A_1066 : vector<1x16xf32> to vector<16xf32>
        %add3A_1068 = arith.addf %scan3A_1018, %get3A_1067 : vector<16xf32>
        %add3A_1069 = arith.constant 7 : i32
        %add3A_1070 = arith.addi %add3A_1022, %add3A_1069 : i32
        %get3A_1071 = arith.index_cast %add3A_1070 : i32 to index
        %get3A_1072 = arith.constant 0 : index
        %get3A_1073 = tpu.vector_load %arg12[%get3A_1071, %get3A_1072] {strides = array<i32>} : memref<1600x16xf32, #tpu.memory_space<vmem>>, vector<1x16xf32>,
        %get3A_1074 = vector.shape_cast %get3A_1073 : vector<1x16xf32> to vector<16xf32>
        %add3A_1075 = arith.addf %add3A_1068, %get3A_1074 : vector<16xf32>
        scf.yield %add3A_1033, %add3A_1047, %add3A_1061, %add3A_1075 : vector<16xf32>, vector<16xf32>, vector<16xf32>, vector<16xf32>
      }
      %scan3A_587 = arith.constant 25 : i32
      %add3A_588 = arith.addf %scan3A_586#0, %scan3A_586#1 : vector<16xf32>
      %add3A_589 = arith.addf %scan3A_586#2, %scan3A_586#3 : vector<16xf32>
      %add3A_590 = arith.addf %add3A_588, %add3A_589 : vector<16xf32>
      %swap3A_591 = arith.constant 1 : i32
      %swap3A_592 = arith.index_cast %swap3A_591 : i32 to index
      %swap3A_593 = arith.constant 0 : index
      %swap3A_594 = tpu.vector_load %arg15[%swap3A_592, %swap3A_593] {strides = array<i32>} : memref<8x16xf32, #tpu.memory_space<vmem>>, vector<1x16xf32>,
      %swap3A_595 = vector.shape_cast %swap3A_594 : vector<1x16xf32> to vector<16xf32>
      %swap3A_596 = vector.shape_cast %add3A_590 : vector<16xf32> to vector<1x16xf32>
      tpu.vector_store %arg15[%swap3A_592, %swap3A_593], %swap3A_596 {strides = array<i32>} : memref<8x16xf32, #tpu.memory_space<vmem>>, vector<1x16xf32>,
      %broadcast_in_dim3A_597 = arith.constant 0.000000e+00 : f32
      %broadcast_in_dim3A_598 = vector.broadcast %broadcast_in_dim3A_597 : f32 to vector<16xf32>
      %scan3A_599 = arith.constant 0 : i32
      %scan3A_600 = arith.constant 25 : i32
      %scan3A_601 = arith.addi %scan3A_599, %scan3A_600 : i32
      %scan3A_602 = arith.constant 1 : i32
      %scan3A_603:4 = scf.for %scan3A_1014 = %scan3A_599 to %scan3A_601 step %scan3A_602 iter_args(%scan3A_1015 = %broadcast_in_dim3A_598, %scan3A_1016 = %broadcast_in_dim3A_598, %scan3A_1017 = %broadcast_in_dim3A_598, %scan3A_1018 = %broadcast_in_dim3A_598) -> (vector<16xf32>, vector<16xf32>, vector<16xf32>, vector<16xf32>)  : i32 {
        %mul3A_1019 = arith.constant 8 : i32
        %mul3A_1020 = arith.muli %scan3A_1014, %mul3A_1019 : i32
        %add3A_1021 = arith.constant 400 : i32
        %add3A_1022 = arith.addi %add3A_1021, %mul3A_1020 : i32
        %get3A = arith.index_cast %add3A_1022 : i32 to index
        %get3A_1023 = arith.constant 0 : index
        %get3A_1024 = tpu.vector_load %arg12[%get3A, %get3A_1023] {strides = array<i32>} : memref<1600x16xf32, #tpu.memory_space<vmem>>, vector<1x16xf32>,
        %get3A_1025 = vector.shape_cast %get3A_1024 : vector<1x16xf32> to vector<16xf32>
        %add3A_1026 = arith.addf %scan3A_1015, %get3A_1025 : vector<16xf32>
        %add3A_1027 = arith.constant 4 : i32
        %add3A_1028 = arith.addi %add3A_1022, %add3A_1027 : i32
        %get3A_1029 = arith.index_cast %add3A_1028 : i32 to index
        %get3A_1030 = arith.constant 0 : index
        %get3A_1031 = tpu.vector_load %arg12[%get3A_1029, %get3A_1030] {strides = array<i32>} : memref<1600x16xf32, #tpu.memory_space<vmem>>, vector<1x16xf32>,
        %get3A_1032 = vector.shape_cast %get3A_1031 : vector<1x16xf32> to vector<16xf32>
        %add3A_1033 = arith.addf %add3A_1026, %get3A_1032 : vector<16xf32>
        %add3A_1034 = arith.constant 1 : i32
        %add3A_1035 = arith.addi %add3A_1022, %add3A_1034 : i32
        %get3A_1036 = arith.index_cast %add3A_1035 : i32 to index
        %get3A_1037 = arith.constant 0 : index
        %get3A_1038 = tpu.vector_load %arg12[%get3A_1036, %get3A_1037] {strides = array<i32>} : memref<1600x16xf32, #tpu.memory_space<vmem>>, vector<1x16xf32>,
        %get3A_1039 = vector.shape_cast %get3A_1038 : vector<1x16xf32> to vector<16xf32>
        %add3A_1040 = arith.addf %scan3A_1016, %get3A_1039 : vector<16xf32>
        %add3A_1041 = arith.constant 5 : i32
        %add3A_1042 = arith.addi %add3A_1022, %add3A_1041 : i32
        %get3A_1043 = arith.index_cast %add3A_1042 : i32 to index
        %get3A_1044 = arith.constant 0 : index
        %get3A_1045 = tpu.vector_load %arg12[%get3A_1043, %get3A_1044] {strides = array<i32>} : memref<1600x16xf32, #tpu.memory_space<vmem>>, vector<1x16xf32>,
        %get3A_1046 = vector.shape_cast %get3A_1045 : vector<1x16xf32> to vector<16xf32>
        %add3A_1047 = arith.addf %add3A_1040, %get3A_1046 : vector<16xf32>
        %add3A_1048 = arith.constant 2 : i32
        %add3A_1049 = arith.addi %add3A_1022, %add3A_1048 : i32
        %get3A_1050 = arith.index_cast %add3A_1049 : i32 to index
        %get3A_1051 = arith.constant 0 : index
        %get3A_1052 = tpu.vector_load %arg12[%get3A_1050, %get3A_1051] {strides = array<i32>} : memref<1600x16xf32, #tpu.memory_space<vmem>>, vector<1x16xf32>,
        %get3A_1053 = vector.shape_cast %get3A_1052 : vector<1x16xf32> to vector<16xf32>
        %add3A_1054 = arith.addf %scan3A_1017, %get3A_1053 : vector<16xf32>
        %add3A_1055 = arith.constant 6 : i32
        %add3A_1056 = arith.addi %add3A_1022, %add3A_1055 : i32
        %get3A_1057 = arith.index_cast %add3A_1056 : i32 to index
        %get3A_1058 = arith.constant 0 : index
        %get3A_1059 = tpu.vector_load %arg12[%get3A_1057, %get3A_1058] {strides = array<i32>} : memref<1600x16xf32, #tpu.memory_space<vmem>>, vector<1x16xf32>,
        %get3A_1060 = vector.shape_cast %get3A_1059 : vector<1x16xf32> to vector<16xf32>
        %add3A_1061 = arith.addf %add3A_1054, %get3A_1060 : vector<16xf32>
        %add3A_1062 = arith.constant 3 : i32
        %add3A_1063 = arith.addi %add3A_1022, %add3A_1062 : i32
        %get3A_1064 = arith.index_cast %add3A_1063 : i32 to index
        %get3A_1065 = arith.constant 0 : index
        %get3A_1066 = tpu.vector_load %arg12[%get3A_1064, %get3A_1065] {strides = array<i32>} : memref<1600x16xf32, #tpu.memory_space<vmem>>, vector<1x16xf32>,
        %get3A_1067 = vector.shape_cast %get3A_1066 : vector<1x16xf32> to vector<16xf32>
        %add3A_1068 = arith.addf %scan3A_1018, %get3A_1067 : vector<16xf32>
        %add3A_1069 = arith.constant 7 : i32
        %add3A_1070 = arith.addi %add3A_1022, %add3A_1069 : i32
        %get3A_1071 = arith.index_cast %add3A_1070 : i32 to index
        %get3A_1072 = arith.constant 0 : index
        %get3A_1073 = tpu.vector_load %arg12[%get3A_1071, %get3A_1072] {strides = array<i32>} : memref<1600x16xf32, #tpu.memory_space<vmem>>, vector<1x16xf32>,
        %get3A_1074 = vector.shape_cast %get3A_1073 : vector<1x16xf32> to vector<16xf32>
        %add3A_1075 = arith.addf %add3A_1068, %get3A_1074 : vector<16xf32>
        scf.yield %add3A_1033, %add3A_1047, %add3A_1061, %add3A_1075 : vector<16xf32>, vector<16xf32>, vector<16xf32>, vector<16xf32>
      }
      %scan3A_604 = arith.constant 25 : i32
      %add3A_605 = arith.addf %scan3A_603#0, %scan3A_603#1 : vector<16xf32>
      %add3A_606 = arith.addf %scan3A_603#2, %scan3A_603#3 : vector<16xf32>
      %add3A_607 = arith.addf %add3A_605, %add3A_606 : vector<16xf32>
      %swap3A_608 = arith.constant 2 : i32
      %swap3A_609 = arith.index_cast %swap3A_608 : i32 to index
      %swap3A_610 = arith.constant 0 : index
      %swap3A_611 = tpu.vector_load %arg15[%swap3A_609, %swap3A_610] {strides = array<i32>} : memref<8x16xf32, #tpu.memory_space<vmem>>, vector<1x16xf32>,
      %swap3A_612 = vector.shape_cast %swap3A_611 : vector<1x16xf32> to vector<16xf32>
      %swap3A_613 = vector.shape_cast %add3A_607 : vector<16xf32> to vector<1x16xf32>
      tpu.vector_store %arg15[%swap3A_609, %swap3A_610], %swap3A_613 {strides = array<i32>} : memref<8x16xf32, #tpu.memory_space<vmem>>, vector<1x16xf32>,
      %broadcast_in_dim3A_614 = arith.constant 0.000000e+00 : f32
      %broadcast_in_dim3A_615 = vector.broadcast %broadcast_in_dim3A_614 : f32 to vector<16xf32>
      %scan3A_616 = arith.constant 0 : i32
      %scan3A_617 = arith.constant 25 : i32
      %scan3A_618 = arith.addi %scan3A_616, %scan3A_617 : i32
      %scan3A_619 = arith.constant 1 : i32
      %scan3A_620:4 = scf.for %scan3A_1014 = %scan3A_616 to %scan3A_618 step %scan3A_619 iter_args(%scan3A_1015 = %broadcast_in_dim3A_615, %scan3A_1016 = %broadcast_in_dim3A_615, %scan3A_1017 = %broadcast_in_dim3A_615, %scan3A_1018 = %broadcast_in_dim3A_615) -> (vector<16xf32>, vector<16xf32>, vector<16xf32>, vector<16xf32>)  : i32 {
        %mul3A_1019 = arith.constant 8 : i32
        %mul3A_1020 = arith.muli %scan3A_1014, %mul3A_1019 : i32
        %add3A_1021 = arith.constant 600 : i32
        %add3A_1022 = arith.addi %add3A_1021, %mul3A_1020 : i32
        %get3A = arith.index_cast %add3A_1022 : i32 to index
        %get3A_1023 = arith.constant 0 : index
        %get3A_1024 = tpu.vector_load %arg12[%get3A, %get3A_1023] {strides = array<i32>} : memref<1600x16xf32, #tpu.memory_space<vmem>>, vector<1x16xf32>,
        %get3A_1025 = vector.shape_cast %get3A_1024 : vector<1x16xf32> to vector<16xf32>
        %add3A_1026 = arith.addf %scan3A_1015, %get3A_1025 : vector<16xf32>
        %add3A_1027 = arith.constant 4 : i32
        %add3A_1028 = arith.addi %add3A_1022, %add3A_1027 : i32
        %get3A_1029 = arith.index_cast %add3A_1028 : i32 to index
        %get3A_1030 = arith.constant 0 : index
        %get3A_1031 = tpu.vector_load %arg12[%get3A_1029, %get3A_1030] {strides = array<i32>} : memref<1600x16xf32, #tpu.memory_space<vmem>>, vector<1x16xf32>,
        %get3A_1032 = vector.shape_cast %get3A_1031 : vector<1x16xf32> to vector<16xf32>
        %add3A_1033 = arith.addf %add3A_1026, %get3A_1032 : vector<16xf32>
        %add3A_1034 = arith.constant 1 : i32
        %add3A_1035 = arith.addi %add3A_1022, %add3A_1034 : i32
        %get3A_1036 = arith.index_cast %add3A_1035 : i32 to index
        %get3A_1037 = arith.constant 0 : index
        %get3A_1038 = tpu.vector_load %arg12[%get3A_1036, %get3A_1037] {strides = array<i32>} : memref<1600x16xf32, #tpu.memory_space<vmem>>, vector<1x16xf32>,
        %get3A_1039 = vector.shape_cast %get3A_1038 : vector<1x16xf32> to vector<16xf32>
        %add3A_1040 = arith.addf %scan3A_1016, %get3A_1039 : vector<16xf32>
        %add3A_1041 = arith.constant 5 : i32
        %add3A_1042 = arith.addi %add3A_1022, %add3A_1041 : i32
        %get3A_1043 = arith.index_cast %add3A_1042 : i32 to index
        %get3A_1044 = arith.constant 0 : index
        %get3A_1045 = tpu.vector_load %arg12[%get3A_1043, %get3A_1044] {strides = array<i32>} : memref<1600x16xf32, #tpu.memory_space<vmem>>, vector<1x16xf32>,
        %get3A_1046 = vector.shape_cast %get3A_1045 : vector<1x16xf32> to vector<16xf32>
        %add3A_1047 = arith.addf %add3A_1040, %get3A_1046 : vector<16xf32>
        %add3A_1048 = arith.constant 2 : i32
        %add3A_1049 = arith.addi %add3A_1022, %add3A_1048 : i32
        %get3A_1050 = arith.index_cast %add3A_1049 : i32 to index
        %get3A_1051 = arith.constant 0 : index
        %get3A_1052 = tpu.vector_load %arg12[%get3A_1050, %get3A_1051] {strides = array<i32>} : memref<1600x16xf32, #tpu.memory_space<vmem>>, vector<1x16xf32>,
        %get3A_1053 = vector.shape_cast %get3A_1052 : vector<1x16xf32> to vector<16xf32>
        %add3A_1054 = arith.addf %scan3A_1017, %get3A_1053 : vector<16xf32>
        %add3A_1055 = arith.constant 6 : i32
        %add3A_1056 = arith.addi %add3A_1022, %add3A_1055 : i32
        %get3A_1057 = arith.index_cast %add3A_1056 : i32 to index
        %get3A_1058 = arith.constant 0 : index
        %get3A_1059 = tpu.vector_load %arg12[%get3A_1057, %get3A_1058] {strides = array<i32>} : memref<1600x16xf32, #tpu.memory_space<vmem>>, vector<1x16xf32>,
        %get3A_1060 = vector.shape_cast %get3A_1059 : vector<1x16xf32> to vector<16xf32>
        %add3A_1061 = arith.addf %add3A_1054, %get3A_1060 : vector<16xf32>
        %add3A_1062 = arith.constant 3 : i32
        %add3A_1063 = arith.addi %add3A_1022, %add3A_1062 : i32
        %get3A_1064 = arith.index_cast %add3A_1063 : i32 to index
        %get3A_1065 = arith.constant 0 : index
        %get3A_1066 = tpu.vector_load %arg12[%get3A_1064, %get3A_1065] {strides = array<i32>} : memref<1600x16xf32, #tpu.memory_space<vmem>>, vector<1x16xf32>,
        %get3A_1067 = vector.shape_cast %get3A_1066 : vector<1x16xf32> to vector<16xf32>
        %add3A_1068 = arith.addf %scan3A_1018, %get3A_1067 : vector<16xf32>
        %add3A_1069 = arith.constant 7 : i32
        %add3A_1070 = arith.addi %add3A_1022, %add3A_1069 : i32
        %get3A_1071 = arith.index_cast %add3A_1070 : i32 to index
        %get3A_1072 = arith.constant 0 : index
        %get3A_1073 = tpu.vector_load %arg12[%get3A_1071, %get3A_1072] {strides = array<i32>} : memref<1600x16xf32, #tpu.memory_space<vmem>>, vector<1x16xf32>,
        %get3A_1074 = vector.shape_cast %get3A_1073 : vector<1x16xf32> to vector<16xf32>
        %add3A_1075 = arith.addf %add3A_1068, %get3A_1074 : vector<16xf32>
        scf.yield %add3A_1033, %add3A_1047, %add3A_1061, %add3A_1075 : vector<16xf32>, vector<16xf32>, vector<16xf32>, vector<16xf32>
      }
      %scan3A_621 = arith.constant 25 : i32
      %add3A_622 = arith.addf %scan3A_620#0, %scan3A_620#1 : vector<16xf32>
      %add3A_623 = arith.addf %scan3A_620#2, %scan3A_620#3 : vector<16xf32>
      %add3A_624 = arith.addf %add3A_622, %add3A_623 : vector<16xf32>
      %swap3A_625 = arith.constant 3 : i32
      %swap3A_626 = arith.index_cast %swap3A_625 : i32 to index
      %swap3A_627 = arith.constant 0 : index
      %swap3A_628 = tpu.vector_load %arg15[%swap3A_626, %swap3A_627] {strides = array<i32>} : memref<8x16xf32, #tpu.memory_space<vmem>>, vector<1x16xf32>,
      %swap3A_629 = vector.shape_cast %swap3A_628 : vector<1x16xf32> to vector<16xf32>
      %swap3A_630 = vector.shape_cast %add3A_624 : vector<16xf32> to vector<1x16xf32>
      tpu.vector_store %arg15[%swap3A_626, %swap3A_627], %swap3A_630 {strides = array<i32>} : memref<8x16xf32, #tpu.memory_space<vmem>>, vector<1x16xf32>,
      %broadcast_in_dim3A_631 = arith.constant 0.000000e+00 : f32
      %broadcast_in_dim3A_632 = vector.broadcast %broadcast_in_dim3A_631 : f32 to vector<16xf32>
      %scan3A_633 = arith.constant 0 : i32
      %scan3A_634 = arith.constant 25 : i32
      %scan3A_635 = arith.addi %scan3A_633, %scan3A_634 : i32
      %scan3A_636 = arith.constant 1 : i32
      %scan3A_637:4 = scf.for %scan3A_1014 = %scan3A_633 to %scan3A_635 step %scan3A_636 iter_args(%scan3A_1015 = %broadcast_in_dim3A_632, %scan3A_1016 = %broadcast_in_dim3A_632, %scan3A_1017 = %broadcast_in_dim3A_632, %scan3A_1018 = %broadcast_in_dim3A_632) -> (vector<16xf32>, vector<16xf32>, vector<16xf32>, vector<16xf32>)  : i32 {
        %mul3A_1019 = arith.constant 8 : i32
        %mul3A_1020 = arith.muli %scan3A_1014, %mul3A_1019 : i32
        %add3A_1021 = arith.constant 800 : i32
        %add3A_1022 = arith.addi %add3A_1021, %mul3A_1020 : i32
        %get3A = arith.index_cast %add3A_1022 : i32 to index
        %get3A_1023 = arith.constant 0 : index
        %get3A_1024 = tpu.vector_load %arg12[%get3A, %get3A_1023] {strides = array<i32>} : memref<1600x16xf32, #tpu.memory_space<vmem>>, vector<1x16xf32>,
        %get3A_1025 = vector.shape_cast %get3A_1024 : vector<1x16xf32> to vector<16xf32>
        %add3A_1026 = arith.addf %scan3A_1015, %get3A_1025 : vector<16xf32>
        %add3A_1027 = arith.constant 4 : i32
        %add3A_1028 = arith.addi %add3A_1022, %add3A_1027 : i32
        %get3A_1029 = arith.index_cast %add3A_1028 : i32 to index
        %get3A_1030 = arith.constant 0 : index
        %get3A_1031 = tpu.vector_load %arg12[%get3A_1029, %get3A_1030] {strides = array<i32>} : memref<1600x16xf32, #tpu.memory_space<vmem>>, vector<1x16xf32>,
        %get3A_1032 = vector.shape_cast %get3A_1031 : vector<1x16xf32> to vector<16xf32>
        %add3A_1033 = arith.addf %add3A_1026, %get3A_1032 : vector<16xf32>
        %add3A_1034 = arith.constant 1 : i32
        %add3A_1035 = arith.addi %add3A_1022, %add3A_1034 : i32
        %get3A_1036 = arith.index_cast %add3A_1035 : i32 to index
        %get3A_1037 = arith.constant 0 : index
        %get3A_1038 = tpu.vector_load %arg12[%get3A_1036, %get3A_1037] {strides = array<i32>} : memref<1600x16xf32, #tpu.memory_space<vmem>>, vector<1x16xf32>,
        %get3A_1039 = vector.shape_cast %get3A_1038 : vector<1x16xf32> to vector<16xf32>
        %add3A_1040 = arith.addf %scan3A_1016, %get3A_1039 : vector<16xf32>
        %add3A_1041 = arith.constant 5 : i32
        %add3A_1042 = arith.addi %add3A_1022, %add3A_1041 : i32
        %get3A_1043 = arith.index_cast %add3A_1042 : i32 to index
        %get3A_1044 = arith.constant 0 : index
        %get3A_1045 = tpu.vector_load %arg12[%get3A_1043, %get3A_1044] {strides = array<i32>} : memref<1600x16xf32, #tpu.memory_space<vmem>>, vector<1x16xf32>,
        %get3A_1046 = vector.shape_cast %get3A_1045 : vector<1x16xf32> to vector<16xf32>
        %add3A_1047 = arith.addf %add3A_1040, %get3A_1046 : vector<16xf32>
        %add3A_1048 = arith.constant 2 : i32
        %add3A_1049 = arith.addi %add3A_1022, %add3A_1048 : i32
        %get3A_1050 = arith.index_cast %add3A_1049 : i32 to index
        %get3A_1051 = arith.constant 0 : index
        %get3A_1052 = tpu.vector_load %arg12[%get3A_1050, %get3A_1051] {strides = array<i32>} : memref<1600x16xf32, #tpu.memory_space<vmem>>, vector<1x16xf32>,
        %get3A_1053 = vector.shape_cast %get3A_1052 : vector<1x16xf32> to vector<16xf32>
        %add3A_1054 = arith.addf %scan3A_1017, %get3A_1053 : vector<16xf32>
        %add3A_1055 = arith.constant 6 : i32
        %add3A_1056 = arith.addi %add3A_1022, %add3A_1055 : i32
        %get3A_1057 = arith.index_cast %add3A_1056 : i32 to index
        %get3A_1058 = arith.constant 0 : index
        %get3A_1059 = tpu.vector_load %arg12[%get3A_1057, %get3A_1058] {strides = array<i32>} : memref<1600x16xf32, #tpu.memory_space<vmem>>, vector<1x16xf32>,
        %get3A_1060 = vector.shape_cast %get3A_1059 : vector<1x16xf32> to vector<16xf32>
        %add3A_1061 = arith.addf %add3A_1054, %get3A_1060 : vector<16xf32>
        %add3A_1062 = arith.constant 3 : i32
        %add3A_1063 = arith.addi %add3A_1022, %add3A_1062 : i32
        %get3A_1064 = arith.index_cast %add3A_1063 : i32 to index
        %get3A_1065 = arith.constant 0 : index
        %get3A_1066 = tpu.vector_load %arg12[%get3A_1064, %get3A_1065] {strides = array<i32>} : memref<1600x16xf32, #tpu.memory_space<vmem>>, vector<1x16xf32>,
        %get3A_1067 = vector.shape_cast %get3A_1066 : vector<1x16xf32> to vector<16xf32>
        %add3A_1068 = arith.addf %scan3A_1018, %get3A_1067 : vector<16xf32>
        %add3A_1069 = arith.constant 7 : i32
        %add3A_1070 = arith.addi %add3A_1022, %add3A_1069 : i32
        %get3A_1071 = arith.index_cast %add3A_1070 : i32 to index
        %get3A_1072 = arith.constant 0 : index
        %get3A_1073 = tpu.vector_load %arg12[%get3A_1071, %get3A_1072] {strides = array<i32>} : memref<1600x16xf32, #tpu.memory_space<vmem>>, vector<1x16xf32>,
        %get3A_1074 = vector.shape_cast %get3A_1073 : vector<1x16xf32> to vector<16xf32>
        %add3A_1075 = arith.addf %add3A_1068, %get3A_1074 : vector<16xf32>
        scf.yield %add3A_1033, %add3A_1047, %add3A_1061, %add3A_1075 : vector<16xf32>, vector<16xf32>, vector<16xf32>, vector<16xf32>
      }
      %scan3A_638 = arith.constant 25 : i32
      %add3A_639 = arith.addf %scan3A_637#0, %scan3A_637#1 : vector<16xf32>
      %add3A_640 = arith.addf %scan3A_637#2, %scan3A_637#3 : vector<16xf32>
      %add3A_641 = arith.addf %add3A_639, %add3A_640 : vector<16xf32>
      %swap3A_642 = arith.constant 4 : i32
      %swap3A_643 = arith.index_cast %swap3A_642 : i32 to index
      %swap3A_644 = arith.constant 0 : index
      %swap3A_645 = tpu.vector_load %arg15[%swap3A_643, %swap3A_644] {strides = array<i32>} : memref<8x16xf32, #tpu.memory_space<vmem>>, vector<1x16xf32>,
      %swap3A_646 = vector.shape_cast %swap3A_645 : vector<1x16xf32> to vector<16xf32>
      %swap3A_647 = vector.shape_cast %add3A_641 : vector<16xf32> to vector<1x16xf32>
      tpu.vector_store %arg15[%swap3A_643, %swap3A_644], %swap3A_647 {strides = array<i32>} : memref<8x16xf32, #tpu.memory_space<vmem>>, vector<1x16xf32>,
      %broadcast_in_dim3A_648 = arith.constant 0.000000e+00 : f32
      %broadcast_in_dim3A_649 = vector.broadcast %broadcast_in_dim3A_648 : f32 to vector<16xf32>
      %scan3A_650 = arith.constant 0 : i32
      %scan3A_651 = arith.constant 25 : i32
      %scan3A_652 = arith.addi %scan3A_650, %scan3A_651 : i32
      %scan3A_653 = arith.constant 1 : i32
      %scan3A_654:4 = scf.for %scan3A_1014 = %scan3A_650 to %scan3A_652 step %scan3A_653 iter_args(%scan3A_1015 = %broadcast_in_dim3A_649, %scan3A_1016 = %broadcast_in_dim3A_649, %scan3A_1017 = %broadcast_in_dim3A_649, %scan3A_1018 = %broadcast_in_dim3A_649) -> (vector<16xf32>, vector<16xf32>, vector<16xf32>, vector<16xf32>)  : i32 {
        %mul3A_1019 = arith.constant 8 : i32
        %mul3A_1020 = arith.muli %scan3A_1014, %mul3A_1019 : i32
        %add3A_1021 = arith.constant 1000 : i32
        %add3A_1022 = arith.addi %add3A_1021, %mul3A_1020 : i32
        %get3A = arith.index_cast %add3A_1022 : i32 to index
        %get3A_1023 = arith.constant 0 : index
        %get3A_1024 = tpu.vector_load %arg12[%get3A, %get3A_1023] {strides = array<i32>} : memref<1600x16xf32, #tpu.memory_space<vmem>>, vector<1x16xf32>,
        %get3A_1025 = vector.shape_cast %get3A_1024 : vector<1x16xf32> to vector<16xf32>
        %add3A_1026 = arith.addf %scan3A_1015, %get3A_1025 : vector<16xf32>
        %add3A_1027 = arith.constant 4 : i32
        %add3A_1028 = arith.addi %add3A_1022, %add3A_1027 : i32
        %get3A_1029 = arith.index_cast %add3A_1028 : i32 to index
        %get3A_1030 = arith.constant 0 : index
        %get3A_1031 = tpu.vector_load %arg12[%get3A_1029, %get3A_1030] {strides = array<i32>} : memref<1600x16xf32, #tpu.memory_space<vmem>>, vector<1x16xf32>,
        %get3A_1032 = vector.shape_cast %get3A_1031 : vector<1x16xf32> to vector<16xf32>
        %add3A_1033 = arith.addf %add3A_1026, %get3A_1032 : vector<16xf32>
        %add3A_1034 = arith.constant 1 : i32
        %add3A_1035 = arith.addi %add3A_1022, %add3A_1034 : i32
        %get3A_1036 = arith.index_cast %add3A_1035 : i32 to index
        %get3A_1037 = arith.constant 0 : index
        %get3A_1038 = tpu.vector_load %arg12[%get3A_1036, %get3A_1037] {strides = array<i32>} : memref<1600x16xf32, #tpu.memory_space<vmem>>, vector<1x16xf32>,
        %get3A_1039 = vector.shape_cast %get3A_1038 : vector<1x16xf32> to vector<16xf32>
        %add3A_1040 = arith.addf %scan3A_1016, %get3A_1039 : vector<16xf32>
        %add3A_1041 = arith.constant 5 : i32
        %add3A_1042 = arith.addi %add3A_1022, %add3A_1041 : i32
        %get3A_1043 = arith.index_cast %add3A_1042 : i32 to index
        %get3A_1044 = arith.constant 0 : index
        %get3A_1045 = tpu.vector_load %arg12[%get3A_1043, %get3A_1044] {strides = array<i32>} : memref<1600x16xf32, #tpu.memory_space<vmem>>, vector<1x16xf32>,
        %get3A_1046 = vector.shape_cast %get3A_1045 : vector<1x16xf32> to vector<16xf32>
        %add3A_1047 = arith.addf %add3A_1040, %get3A_1046 : vector<16xf32>
        %add3A_1048 = arith.constant 2 : i32
        %add3A_1049 = arith.addi %add3A_1022, %add3A_1048 : i32
        %get3A_1050 = arith.index_cast %add3A_1049 : i32 to index
        %get3A_1051 = arith.constant 0 : index
        %get3A_1052 = tpu.vector_load %arg12[%get3A_1050, %get3A_1051] {strides = array<i32>} : memref<1600x16xf32, #tpu.memory_space<vmem>>, vector<1x16xf32>,
        %get3A_1053 = vector.shape_cast %get3A_1052 : vector<1x16xf32> to vector<16xf32>
        %add3A_1054 = arith.addf %scan3A_1017, %get3A_1053 : vector<16xf32>
        %add3A_1055 = arith.constant 6 : i32
        %add3A_1056 = arith.addi %add3A_1022, %add3A_1055 : i32
        %get3A_1057 = arith.index_cast %add3A_1056 : i32 to index
        %get3A_1058 = arith.constant 0 : index
        %get3A_1059 = tpu.vector_load %arg12[%get3A_1057, %get3A_1058] {strides = array<i32>} : memref<1600x16xf32, #tpu.memory_space<vmem>>, vector<1x16xf32>,
        %get3A_1060 = vector.shape_cast %get3A_1059 : vector<1x16xf32> to vector<16xf32>
        %add3A_1061 = arith.addf %add3A_1054, %get3A_1060 : vector<16xf32>
        %add3A_1062 = arith.constant 3 : i32
        %add3A_1063 = arith.addi %add3A_1022, %add3A_1062 : i32
        %get3A_1064 = arith.index_cast %add3A_1063 : i32 to index
        %get3A_1065 = arith.constant 0 : index
        %get3A_1066 = tpu.vector_load %arg12[%get3A_1064, %get3A_1065] {strides = array<i32>} : memref<1600x16xf32, #tpu.memory_space<vmem>>, vector<1x16xf32>,
        %get3A_1067 = vector.shape_cast %get3A_1066 : vector<1x16xf32> to vector<16xf32>
        %add3A_1068 = arith.addf %scan3A_1018, %get3A_1067 : vector<16xf32>
        %add3A_1069 = arith.constant 7 : i32
        %add3A_1070 = arith.addi %add3A_1022, %add3A_1069 : i32
        %get3A_1071 = arith.index_cast %add3A_1070 : i32 to index
        %get3A_1072 = arith.constant 0 : index
        %get3A_1073 = tpu.vector_load %arg12[%get3A_1071, %get3A_1072] {strides = array<i32>} : memref<1600x16xf32, #tpu.memory_space<vmem>>, vector<1x16xf32>,
        %get3A_1074 = vector.shape_cast %get3A_1073 : vector<1x16xf32> to vector<16xf32>
        %add3A_1075 = arith.addf %add3A_1068, %get3A_1074 : vector<16xf32>
        scf.yield %add3A_1033, %add3A_1047, %add3A_1061, %add3A_1075 : vector<16xf32>, vector<16xf32>, vector<16xf32>, vector<16xf32>
      }
      %scan3A_655 = arith.constant 25 : i32
      %add3A_656 = arith.addf %scan3A_654#0, %scan3A_654#1 : vector<16xf32>
      %add3A_657 = arith.addf %scan3A_654#2, %scan3A_654#3 : vector<16xf32>
      %add3A_658 = arith.addf %add3A_656, %add3A_657 : vector<16xf32>
      %swap3A_659 = arith.constant 5 : i32
      %swap3A_660 = arith.index_cast %swap3A_659 : i32 to index
      %swap3A_661 = arith.constant 0 : index
      %swap3A_662 = tpu.vector_load %arg15[%swap3A_660, %swap3A_661] {strides = array<i32>} : memref<8x16xf32, #tpu.memory_space<vmem>>, vector<1x16xf32>,
      %swap3A_663 = vector.shape_cast %swap3A_662 : vector<1x16xf32> to vector<16xf32>
      %swap3A_664 = vector.shape_cast %add3A_658 : vector<16xf32> to vector<1x16xf32>
      tpu.vector_store %arg15[%swap3A_660, %swap3A_661], %swap3A_664 {strides = array<i32>} : memref<8x16xf32, #tpu.memory_space<vmem>>, vector<1x16xf32>,
      %broadcast_in_dim3A_665 = arith.constant 0.000000e+00 : f32
      %broadcast_in_dim3A_666 = vector.broadcast %broadcast_in_dim3A_665 : f32 to vector<16xf32>
      %scan3A_667 = arith.constant 0 : i32
      %scan3A_668 = arith.constant 25 : i32
      %scan3A_669 = arith.addi %scan3A_667, %scan3A_668 : i32
      %scan3A_670 = arith.constant 1 : i32
      %scan3A_671:4 = scf.for %scan3A_1014 = %scan3A_667 to %scan3A_669 step %scan3A_670 iter_args(%scan3A_1015 = %broadcast_in_dim3A_666, %scan3A_1016 = %broadcast_in_dim3A_666, %scan3A_1017 = %broadcast_in_dim3A_666, %scan3A_1018 = %broadcast_in_dim3A_666) -> (vector<16xf32>, vector<16xf32>, vector<16xf32>, vector<16xf32>)  : i32 {
        %mul3A_1019 = arith.constant 8 : i32
        %mul3A_1020 = arith.muli %scan3A_1014, %mul3A_1019 : i32
        %add3A_1021 = arith.constant 1200 : i32
        %add3A_1022 = arith.addi %add3A_1021, %mul3A_1020 : i32
        %get3A = arith.index_cast %add3A_1022 : i32 to index
        %get3A_1023 = arith.constant 0 : index
        %get3A_1024 = tpu.vector_load %arg12[%get3A, %get3A_1023] {strides = array<i32>} : memref<1600x16xf32, #tpu.memory_space<vmem>>, vector<1x16xf32>,
        %get3A_1025 = vector.shape_cast %get3A_1024 : vector<1x16xf32> to vector<16xf32>
        %add3A_1026 = arith.addf %scan3A_1015, %get3A_1025 : vector<16xf32>
        %add3A_1027 = arith.constant 4 : i32
        %add3A_1028 = arith.addi %add3A_1022, %add3A_1027 : i32
        %get3A_1029 = arith.index_cast %add3A_1028 : i32 to index
        %get3A_1030 = arith.constant 0 : index
        %get3A_1031 = tpu.vector_load %arg12[%get3A_1029, %get3A_1030] {strides = array<i32>} : memref<1600x16xf32, #tpu.memory_space<vmem>>, vector<1x16xf32>,
        %get3A_1032 = vector.shape_cast %get3A_1031 : vector<1x16xf32> to vector<16xf32>
        %add3A_1033 = arith.addf %add3A_1026, %get3A_1032 : vector<16xf32>
        %add3A_1034 = arith.constant 1 : i32
        %add3A_1035 = arith.addi %add3A_1022, %add3A_1034 : i32
        %get3A_1036 = arith.index_cast %add3A_1035 : i32 to index
        %get3A_1037 = arith.constant 0 : index
        %get3A_1038 = tpu.vector_load %arg12[%get3A_1036, %get3A_1037] {strides = array<i32>} : memref<1600x16xf32, #tpu.memory_space<vmem>>, vector<1x16xf32>,
        %get3A_1039 = vector.shape_cast %get3A_1038 : vector<1x16xf32> to vector<16xf32>
        %add3A_1040 = arith.addf %scan3A_1016, %get3A_1039 : vector<16xf32>
        %add3A_1041 = arith.constant 5 : i32
        %add3A_1042 = arith.addi %add3A_1022, %add3A_1041 : i32
        %get3A_1043 = arith.index_cast %add3A_1042 : i32 to index
        %get3A_1044 = arith.constant 0 : index
        %get3A_1045 = tpu.vector_load %arg12[%get3A_1043, %get3A_1044] {strides = array<i32>} : memref<1600x16xf32, #tpu.memory_space<vmem>>, vector<1x16xf32>,
        %get3A_1046 = vector.shape_cast %get3A_1045 : vector<1x16xf32> to vector<16xf32>
        %add3A_1047 = arith.addf %add3A_1040, %get3A_1046 : vector<16xf32>
        %add3A_1048 = arith.constant 2 : i32
        %add3A_1049 = arith.addi %add3A_1022, %add3A_1048 : i32
        %get3A_1050 = arith.index_cast %add3A_1049 : i32 to index
        %get3A_1051 = arith.constant 0 : index
        %get3A_1052 = tpu.vector_load %arg12[%get3A_1050, %get3A_1051] {strides = array<i32>} : memref<1600x16xf32, #tpu.memory_space<vmem>>, vector<1x16xf32>,
        %get3A_1053 = vector.shape_cast %get3A_1052 : vector<1x16xf32> to vector<16xf32>
        %add3A_1054 = arith.addf %scan3A_1017, %get3A_1053 : vector<16xf32>
        %add3A_1055 = arith.constant 6 : i32
        %add3A_1056 = arith.addi %add3A_1022, %add3A_1055 : i32
        %get3A_1057 = arith.index_cast %add3A_1056 : i32 to index
        %get3A_1058 = arith.constant 0 : index
        %get3A_1059 = tpu.vector_load %arg12[%get3A_1057, %get3A_1058] {strides = array<i32>} : memref<1600x16xf32, #tpu.memory_space<vmem>>, vector<1x16xf32>,
        %get3A_1060 = vector.shape_cast %get3A_1059 : vector<1x16xf32> to vector<16xf32>
        %add3A_1061 = arith.addf %add3A_1054, %get3A_1060 : vector<16xf32>
        %add3A_1062 = arith.constant 3 : i32
        %add3A_1063 = arith.addi %add3A_1022, %add3A_1062 : i32
        %get3A_1064 = arith.index_cast %add3A_1063 : i32 to index
        %get3A_1065 = arith.constant 0 : index
        %get3A_1066 = tpu.vector_load %arg12[%get3A_1064, %get3A_1065] {strides = array<i32>} : memref<1600x16xf32, #tpu.memory_space<vmem>>, vector<1x16xf32>,
        %get3A_1067 = vector.shape_cast %get3A_1066 : vector<1x16xf32> to vector<16xf32>
        %add3A_1068 = arith.addf %scan3A_1018, %get3A_1067 : vector<16xf32>
        %add3A_1069 = arith.constant 7 : i32
        %add3A_1070 = arith.addi %add3A_1022, %add3A_1069 : i32
        %get3A_1071 = arith.index_cast %add3A_1070 : i32 to index
        %get3A_1072 = arith.constant 0 : index
        %get3A_1073 = tpu.vector_load %arg12[%get3A_1071, %get3A_1072] {strides = array<i32>} : memref<1600x16xf32, #tpu.memory_space<vmem>>, vector<1x16xf32>,
        %get3A_1074 = vector.shape_cast %get3A_1073 : vector<1x16xf32> to vector<16xf32>
        %add3A_1075 = arith.addf %add3A_1068, %get3A_1074 : vector<16xf32>
        scf.yield %add3A_1033, %add3A_1047, %add3A_1061, %add3A_1075 : vector<16xf32>, vector<16xf32>, vector<16xf32>, vector<16xf32>
      }
      %scan3A_672 = arith.constant 25 : i32
      %add3A_673 = arith.addf %scan3A_671#0, %scan3A_671#1 : vector<16xf32>
      %add3A_674 = arith.addf %scan3A_671#2, %scan3A_671#3 : vector<16xf32>
      %add3A_675 = arith.addf %add3A_673, %add3A_674 : vector<16xf32>
      %swap3A_676 = arith.constant 6 : i32
      %swap3A_677 = arith.index_cast %swap3A_676 : i32 to index
      %swap3A_678 = arith.constant 0 : index
      %swap3A_679 = tpu.vector_load %arg15[%swap3A_677, %swap3A_678] {strides = array<i32>} : memref<8x16xf32, #tpu.memory_space<vmem>>, vector<1x16xf32>,
      %swap3A_680 = vector.shape_cast %swap3A_679 : vector<1x16xf32> to vector<16xf32>
      %swap3A_681 = vector.shape_cast %add3A_675 : vector<16xf32> to vector<1x16xf32>
      tpu.vector_store %arg15[%swap3A_677, %swap3A_678], %swap3A_681 {strides = array<i32>} : memref<8x16xf32, #tpu.memory_space<vmem>>, vector<1x16xf32>,
      %broadcast_in_dim3A_682 = arith.constant 0.000000e+00 : f32
      %broadcast_in_dim3A_683 = vector.broadcast %broadcast_in_dim3A_682 : f32 to vector<16xf32>
      %scan3A_684 = arith.constant 0 : i32
      %scan3A_685 = arith.constant 25 : i32
      %scan3A_686 = arith.addi %scan3A_684, %scan3A_685 : i32
      %scan3A_687 = arith.constant 1 : i32
      %scan3A_688:4 = scf.for %scan3A_1014 = %scan3A_684 to %scan3A_686 step %scan3A_687 iter_args(%scan3A_1015 = %broadcast_in_dim3A_683, %scan3A_1016 = %broadcast_in_dim3A_683, %scan3A_1017 = %broadcast_in_dim3A_683, %scan3A_1018 = %broadcast_in_dim3A_683) -> (vector<16xf32>, vector<16xf32>, vector<16xf32>, vector<16xf32>)  : i32 {
        %mul3A_1019 = arith.constant 8 : i32
        %mul3A_1020 = arith.muli %scan3A_1014, %mul3A_1019 : i32
        %add3A_1021 = arith.constant 1400 : i32
        %add3A_1022 = arith.addi %add3A_1021, %mul3A_1020 : i32
        %get3A = arith.index_cast %add3A_1022 : i32 to index
        %get3A_1023 = arith.constant 0 : index
        %get3A_1024 = tpu.vector_load %arg12[%get3A, %get3A_1023] {strides = array<i32>} : memref<1600x16xf32, #tpu.memory_space<vmem>>, vector<1x16xf32>,
        %get3A_1025 = vector.shape_cast %get3A_1024 : vector<1x16xf32> to vector<16xf32>
        %add3A_1026 = arith.addf %scan3A_1015, %get3A_1025 : vector<16xf32>
        %add3A_1027 = arith.constant 4 : i32
        %add3A_1028 = arith.addi %add3A_1022, %add3A_1027 : i32
        %get3A_1029 = arith.index_cast %add3A_1028 : i32 to index
        %get3A_1030 = arith.constant 0 : index
        %get3A_1031 = tpu.vector_load %arg12[%get3A_1029, %get3A_1030] {strides = array<i32>} : memref<1600x16xf32, #tpu.memory_space<vmem>>, vector<1x16xf32>,
        %get3A_1032 = vector.shape_cast %get3A_1031 : vector<1x16xf32> to vector<16xf32>
        %add3A_1033 = arith.addf %add3A_1026, %get3A_1032 : vector<16xf32>
        %add3A_1034 = arith.constant 1 : i32
        %add3A_1035 = arith.addi %add3A_1022, %add3A_1034 : i32
        %get3A_1036 = arith.index_cast %add3A_1035 : i32 to index
        %get3A_1037 = arith.constant 0 : index
        %get3A_1038 = tpu.vector_load %arg12[%get3A_1036, %get3A_1037] {strides = array<i32>} : memref<1600x16xf32, #tpu.memory_space<vmem>>, vector<1x16xf32>,
        %get3A_1039 = vector.shape_cast %get3A_1038 : vector<1x16xf32> to vector<16xf32>
        %add3A_1040 = arith.addf %scan3A_1016, %get3A_1039 : vector<16xf32>
        %add3A_1041 = arith.constant 5 : i32
        %add3A_1042 = arith.addi %add3A_1022, %add3A_1041 : i32
        %get3A_1043 = arith.index_cast %add3A_1042 : i32 to index
        %get3A_1044 = arith.constant 0 : index
        %get3A_1045 = tpu.vector_load %arg12[%get3A_1043, %get3A_1044] {strides = array<i32>} : memref<1600x16xf32, #tpu.memory_space<vmem>>, vector<1x16xf32>,
        %get3A_1046 = vector.shape_cast %get3A_1045 : vector<1x16xf32> to vector<16xf32>
        %add3A_1047 = arith.addf %add3A_1040, %get3A_1046 : vector<16xf32>
        %add3A_1048 = arith.constant 2 : i32
        %add3A_1049 = arith.addi %add3A_1022, %add3A_1048 : i32
        %get3A_1050 = arith.index_cast %add3A_1049 : i32 to index
        %get3A_1051 = arith.constant 0 : index
        %get3A_1052 = tpu.vector_load %arg12[%get3A_1050, %get3A_1051] {strides = array<i32>} : memref<1600x16xf32, #tpu.memory_space<vmem>>, vector<1x16xf32>,
        %get3A_1053 = vector.shape_cast %get3A_1052 : vector<1x16xf32> to vector<16xf32>
        %add3A_1054 = arith.addf %scan3A_1017, %get3A_1053 : vector<16xf32>
        %add3A_1055 = arith.constant 6 : i32
        %add3A_1056 = arith.addi %add3A_1022, %add3A_1055 : i32
        %get3A_1057 = arith.index_cast %add3A_1056 : i32 to index
        %get3A_1058 = arith.constant 0 : index
        %get3A_1059 = tpu.vector_load %arg12[%get3A_1057, %get3A_1058] {strides = array<i32>} : memref<1600x16xf32, #tpu.memory_space<vmem>>, vector<1x16xf32>,
        %get3A_1060 = vector.shape_cast %get3A_1059 : vector<1x16xf32> to vector<16xf32>
        %add3A_1061 = arith.addf %add3A_1054, %get3A_1060 : vector<16xf32>
        %add3A_1062 = arith.constant 3 : i32
        %add3A_1063 = arith.addi %add3A_1022, %add3A_1062 : i32
        %get3A_1064 = arith.index_cast %add3A_1063 : i32 to index
        %get3A_1065 = arith.constant 0 : index
        %get3A_1066 = tpu.vector_load %arg12[%get3A_1064, %get3A_1065] {strides = array<i32>} : memref<1600x16xf32, #tpu.memory_space<vmem>>, vector<1x16xf32>,
        %get3A_1067 = vector.shape_cast %get3A_1066 : vector<1x16xf32> to vector<16xf32>
        %add3A_1068 = arith.addf %scan3A_1018, %get3A_1067 : vector<16xf32>
        %add3A_1069 = arith.constant 7 : i32
        %add3A_1070 = arith.addi %add3A_1022, %add3A_1069 : i32
        %get3A_1071 = arith.index_cast %add3A_1070 : i32 to index
        %get3A_1072 = arith.constant 0 : index
        %get3A_1073 = tpu.vector_load %arg12[%get3A_1071, %get3A_1072] {strides = array<i32>} : memref<1600x16xf32, #tpu.memory_space<vmem>>, vector<1x16xf32>,
        %get3A_1074 = vector.shape_cast %get3A_1073 : vector<1x16xf32> to vector<16xf32>
        %add3A_1075 = arith.addf %add3A_1068, %get3A_1074 : vector<16xf32>
        scf.yield %add3A_1033, %add3A_1047, %add3A_1061, %add3A_1075 : vector<16xf32>, vector<16xf32>, vector<16xf32>, vector<16xf32>
      }
      %scan3A_689 = arith.constant 25 : i32
      %add3A_690 = arith.addf %scan3A_688#0, %scan3A_688#1 : vector<16xf32>
      %add3A_691 = arith.addf %scan3A_688#2, %scan3A_688#3 : vector<16xf32>
      %add3A_692 = arith.addf %add3A_690, %add3A_691 : vector<16xf32>
      %swap3A_693 = arith.constant 7 : i32
      %swap3A_694 = arith.index_cast %swap3A_693 : i32 to index
      %swap3A_695 = arith.constant 0 : index
      %swap3A_696 = tpu.vector_load %arg15[%swap3A_694, %swap3A_695] {strides = array<i32>} : memref<8x16xf32, #tpu.memory_space<vmem>>, vector<1x16xf32>,
      %swap3A_697 = vector.shape_cast %swap3A_696 : vector<1x16xf32> to vector<16xf32>
      %swap3A_698 = vector.shape_cast %add3A_692 : vector<16xf32> to vector<1x16xf32>
      tpu.vector_store %arg15[%swap3A_694, %swap3A_695], %swap3A_698 {strides = array<i32>} : memref<8x16xf32, #tpu.memory_space<vmem>>, vector<1x16xf32>,
      %mul3A_699 = arith.constant 8 : i32
      %mul3A_700 = arith.muli %add3A_549, %mul3A_699 : i32
      %add3A_701 = arith.addi %mul3A_2, %mul3A_700 : i32
      "tpu.region"() ({
        %run_scoped3A = tpu.sem_alloc : memref<!tpu.dma_semaphore, #tpu.memory_space<semaphore_mem>>
        %dma_start3A_1014 = arith.constant 0 : i32
        %dma_start3A_1015 = tpu.memref_slice %arg5[%add3A_701, %dma_start3A_1014] : memref<16384x16xf32, #tpu.memory_space<hbm>> -> memref<8x16xf32, #tpu.memory_space<hbm>>
        %dma_start3A_1016 = arith.constant 0 : i32
        %dma_start3A_1017 = tpu.memref_slice %arg5[%add3A_701, %dma_start3A_1016] : memref<16384x16xf32, #tpu.memory_space<hbm>> -> memref<8x16xf32, #tpu.memory_space<hbm>>
        tpu.enqueue_dma source(%arg15 : memref<8x16xf32, #tpu.memory_space<vmem>>) target(%dma_start3A_1017 : memref<8x16xf32, #tpu.memory_space<hbm>>) target_semaphore(%run_scoped3A : memref<!tpu.dma_semaphore, #tpu.memory_space<semaphore_mem>>)
        %dma_wait3A_1018 = arith.constant 0 : i32
        %dma_wait3A_1019 = tpu.memref_slice %arg5[%add3A_701, %dma_wait3A_1018] : memref<16384x16xf32, #tpu.memory_space<hbm>> -> memref<8x16xf32, #tpu.memory_space<hbm>>
        %dma_wait3A_1020 = arith.constant 0 : i32
        %dma_wait3A_1021 = tpu.memref_slice %arg5[%add3A_701, %dma_wait3A_1020] : memref<16384x16xf32, #tpu.memory_space<hbm>> -> memref<8x16xf32, #tpu.memory_space<hbm>>
        tpu.wait_dma2 semaphore(%run_scoped3A : memref<!tpu.dma_semaphore, #tpu.memory_space<semaphore_mem>>) src(%arg15 : memref<8x16xf32, #tpu.memory_space<vmem>>) dst(%dma_wait3A_1021 : memref<8x16xf32, #tpu.memory_space<hbm>>)
        tpu.yield
      }) : () -> ()
      %mul3A_702 = arith.constant 4 : i32
      %mul3A_703 = arith.muli %mul3A_702, %scan3A_394 : i32
      %add3A_704 = arith.constant 2 : i32
      %add3A_705 = arith.addi %mul3A_703, %add3A_704 : i32
      %add3A_706 = arith.constant 3 : i32
      %add3A_707 = arith.addi %add3A_705, %add3A_706 : i32
      %lt3A_708 = arith.constant 64 : i32
      %lt3A_709 = arith.cmpi slt, %add3A_707, %lt3A_708 : i32
      %convert_element_type3A_710 = arith.extui %lt3A_709 : i1 to i32
      %cond3A_711 = arith.constant 0 : i32
      %cond3A_712 = arith.cmpi ne, %convert_element_type3A_710, %cond3A_711 : i32
      scf.if %cond3A_712 {
        %mul3A_1014 = arith.constant 8 : i32
        %mul3A_1015 = arith.muli %add3A_707, %mul3A_1014 : i32
        %add3A_1016 = arith.addi %mul3A_2, %mul3A_1015 : i32
        %mul3A_1017 = arith.constant 200 : i32
        %mul3A_1018 = arith.muli %add3A_1016, %mul3A_1017 : i32
        "tpu.region"() ({
          %run_scoped3A = tpu.sem_alloc : memref<!tpu.dma_semaphore, #tpu.memory_space<semaphore_mem>>
          %dma_start3A_1123 = tpu.memref_slice %arg2[%mul3A_1018] : memref<3276800xi32, #tpu.memory_space<hbm>> -> memref<1600xi32, #tpu.memory_space<hbm>>
          %dma_start3A_1124 = tpu.memref_slice %arg2[%mul3A_1018] : memref<3276800xi32, #tpu.memory_space<hbm>> -> memref<1600xi32, #tpu.memory_space<hbm>>
          tpu.enqueue_dma source(%dma_start3A_1124 : memref<1600xi32, #tpu.memory_space<hbm>>) target(%arg8 : memref<1600xi32, #tpu.memory_space<vmem>>) target_semaphore(%run_scoped3A : memref<!tpu.dma_semaphore, #tpu.memory_space<semaphore_mem>>)
          %dma_wait3A_1125 = tpu.memref_slice %arg2[%mul3A_1018] : memref<3276800xi32, #tpu.memory_space<hbm>> -> memref<1600xi32, #tpu.memory_space<hbm>>
          %dma_wait3A_1126 = tpu.memref_slice %arg2[%mul3A_1018] : memref<3276800xi32, #tpu.memory_space<hbm>> -> memref<1600xi32, #tpu.memory_space<hbm>>
          tpu.wait_dma2 semaphore(%run_scoped3A : memref<!tpu.dma_semaphore, #tpu.memory_space<semaphore_mem>>) src(%dma_wait3A_1126 : memref<1600xi32, #tpu.memory_space<hbm>>) dst(%arg8 : memref<1600xi32, #tpu.memory_space<vmem>>)
          tpu.yield
        }) : () -> ()
        %dma_start3A_1019 = arith.constant 0 : i32
        %dma_start3A_1020 = arith.constant 0 : i32
        %dma_start3A_1021 = tpu.memref_slice %arg12[%dma_start3A_1019, %dma_start3A_1020] : memref<1600x16xf32, #tpu.memory_space<vmem>> -> memref<128x16xf32, #tpu.memory_space<vmem>>
        %dma_start3A_1022 = arith.constant 0 : i32
        %dma_start3A_1023 = tpu.memref_slice %arg8[%dma_start3A_1022] : memref<1600xi32, #tpu.memory_space<vmem>> -> memref<128xi32, #tpu.memory_space<vmem>>
        %dma_start3A_1024 = arith.constant 0 : i32
        %dma_start3A_1025 = arith.constant 0 : i32
        %dma_start3A_1026 = tpu.memref_slice %arg4[%dma_start3A_1024, %dma_start3A_1025] : memref<1000000x16xf32, #tpu.memory_space<hbm>> -> memref<1000000x16xf32, #tpu.memory_space<hbm>>
        tpu.enqueue_indirect_dma source(%dma_start3A_1026 : memref<1000000x16xf32, #tpu.memory_space<hbm>>) target(%dma_start3A_1021 : memref<128x16xf32, #tpu.memory_space<vmem>>) offsets(%dma_start3A_1023 : memref<128xi32, #tpu.memory_space<vmem>>) semaphore(%arg19 : memref<!tpu.dma_semaphore, #tpu.memory_space<semaphore_mem>>)
        %dma_start3A_1027 = arith.constant 128 : i32
        %dma_start3A_1028 = arith.constant 0 : i32
        %dma_start3A_1029 = tpu.memref_slice %arg12[%dma_start3A_1027, %dma_start3A_1028] : memref<1600x16xf32, #tpu.memory_space<vmem>> -> memref<128x16xf32, #tpu.memory_space<vmem>>
        %dma_start3A_1030 = arith.constant 128 : i32
        %dma_start3A_1031 = tpu.memref_slice %arg8[%dma_start3A_1030] : memref<1600xi32, #tpu.memory_space<vmem>> -> memref<128xi32, #tpu.memory_space<vmem>>
        %dma_start3A_1032 = arith.constant 0 : i32
        %dma_start3A_1033 = arith.constant 0 : i32
        %dma_start3A_1034 = tpu.memref_slice %arg4[%dma_start3A_1032, %dma_start3A_1033] : memref<1000000x16xf32, #tpu.memory_space<hbm>> -> memref<1000000x16xf32, #tpu.memory_space<hbm>>
        tpu.enqueue_indirect_dma source(%dma_start3A_1034 : memref<1000000x16xf32, #tpu.memory_space<hbm>>) target(%dma_start3A_1029 : memref<128x16xf32, #tpu.memory_space<vmem>>) offsets(%dma_start3A_1031 : memref<128xi32, #tpu.memory_space<vmem>>) semaphore(%arg19 : memref<!tpu.dma_semaphore, #tpu.memory_space<semaphore_mem>>)
        %dma_start3A_1035 = arith.constant 256 : i32
        %dma_start3A_1036 = arith.constant 0 : i32
        %dma_start3A_1037 = tpu.memref_slice %arg12[%dma_start3A_1035, %dma_start3A_1036] : memref<1600x16xf32, #tpu.memory_space<vmem>> -> memref<128x16xf32, #tpu.memory_space<vmem>>
        %dma_start3A_1038 = arith.constant 256 : i32
        %dma_start3A_1039 = tpu.memref_slice %arg8[%dma_start3A_1038] : memref<1600xi32, #tpu.memory_space<vmem>> -> memref<128xi32, #tpu.memory_space<vmem>>
        %dma_start3A_1040 = arith.constant 0 : i32
        %dma_start3A_1041 = arith.constant 0 : i32
        %dma_start3A_1042 = tpu.memref_slice %arg4[%dma_start3A_1040, %dma_start3A_1041] : memref<1000000x16xf32, #tpu.memory_space<hbm>> -> memref<1000000x16xf32, #tpu.memory_space<hbm>>
        tpu.enqueue_indirect_dma source(%dma_start3A_1042 : memref<1000000x16xf32, #tpu.memory_space<hbm>>) target(%dma_start3A_1037 : memref<128x16xf32, #tpu.memory_space<vmem>>) offsets(%dma_start3A_1039 : memref<128xi32, #tpu.memory_space<vmem>>) semaphore(%arg19 : memref<!tpu.dma_semaphore, #tpu.memory_space<semaphore_mem>>)
        %dma_start3A_1043 = arith.constant 384 : i32
        %dma_start3A_1044 = arith.constant 0 : i32
        %dma_start3A_1045 = tpu.memref_slice %arg12[%dma_start3A_1043, %dma_start3A_1044] : memref<1600x16xf32, #tpu.memory_space<vmem>> -> memref<128x16xf32, #tpu.memory_space<vmem>>
        %dma_start3A_1046 = arith.constant 384 : i32
        %dma_start3A_1047 = tpu.memref_slice %arg8[%dma_start3A_1046] : memref<1600xi32, #tpu.memory_space<vmem>> -> memref<128xi32, #tpu.memory_space<vmem>>
        %dma_start3A_1048 = arith.constant 0 : i32
        %dma_start3A_1049 = arith.constant 0 : i32
        %dma_start3A_1050 = tpu.memref_slice %arg4[%dma_start3A_1048, %dma_start3A_1049] : memref<1000000x16xf32, #tpu.memory_space<hbm>> -> memref<1000000x16xf32, #tpu.memory_space<hbm>>
        tpu.enqueue_indirect_dma source(%dma_start3A_1050 : memref<1000000x16xf32, #tpu.memory_space<hbm>>) target(%dma_start3A_1045 : memref<128x16xf32, #tpu.memory_space<vmem>>) offsets(%dma_start3A_1047 : memref<128xi32, #tpu.memory_space<vmem>>) semaphore(%arg19 : memref<!tpu.dma_semaphore, #tpu.memory_space<semaphore_mem>>)
        %dma_start3A_1051 = arith.constant 512 : i32
        %dma_start3A_1052 = arith.constant 0 : i32
        %dma_start3A_1053 = tpu.memref_slice %arg12[%dma_start3A_1051, %dma_start3A_1052] : memref<1600x16xf32, #tpu.memory_space<vmem>> -> memref<128x16xf32, #tpu.memory_space<vmem>>
        %dma_start3A_1054 = arith.constant 512 : i32
        %dma_start3A_1055 = tpu.memref_slice %arg8[%dma_start3A_1054] : memref<1600xi32, #tpu.memory_space<vmem>> -> memref<128xi32, #tpu.memory_space<vmem>>
        %dma_start3A_1056 = arith.constant 0 : i32
        %dma_start3A_1057 = arith.constant 0 : i32
        %dma_start3A_1058 = tpu.memref_slice %arg4[%dma_start3A_1056, %dma_start3A_1057] : memref<1000000x16xf32, #tpu.memory_space<hbm>> -> memref<1000000x16xf32, #tpu.memory_space<hbm>>
        tpu.enqueue_indirect_dma source(%dma_start3A_1058 : memref<1000000x16xf32, #tpu.memory_space<hbm>>) target(%dma_start3A_1053 : memref<128x16xf32, #tpu.memory_space<vmem>>) offsets(%dma_start3A_1055 : memref<128xi32, #tpu.memory_space<vmem>>) semaphore(%arg19 : memref<!tpu.dma_semaphore, #tpu.memory_space<semaphore_mem>>)
        %dma_start3A_1059 = arith.constant 640 : i32
        %dma_start3A_1060 = arith.constant 0 : i32
        %dma_start3A_1061 = tpu.memref_slice %arg12[%dma_start3A_1059, %dma_start3A_1060] : memref<1600x16xf32, #tpu.memory_space<vmem>> -> memref<128x16xf32, #tpu.memory_space<vmem>>
        %dma_start3A_1062 = arith.constant 640 : i32
        %dma_start3A_1063 = tpu.memref_slice %arg8[%dma_start3A_1062] : memref<1600xi32, #tpu.memory_space<vmem>> -> memref<128xi32, #tpu.memory_space<vmem>>
        %dma_start3A_1064 = arith.constant 0 : i32
        %dma_start3A_1065 = arith.constant 0 : i32
        %dma_start3A_1066 = tpu.memref_slice %arg4[%dma_start3A_1064, %dma_start3A_1065] : memref<1000000x16xf32, #tpu.memory_space<hbm>> -> memref<1000000x16xf32, #tpu.memory_space<hbm>>
        tpu.enqueue_indirect_dma source(%dma_start3A_1066 : memref<1000000x16xf32, #tpu.memory_space<hbm>>) target(%dma_start3A_1061 : memref<128x16xf32, #tpu.memory_space<vmem>>) offsets(%dma_start3A_1063 : memref<128xi32, #tpu.memory_space<vmem>>) semaphore(%arg19 : memref<!tpu.dma_semaphore, #tpu.memory_space<semaphore_mem>>)
        %dma_start3A_1067 = arith.constant 768 : i32
        %dma_start3A_1068 = arith.constant 0 : i32
        %dma_start3A_1069 = tpu.memref_slice %arg12[%dma_start3A_1067, %dma_start3A_1068] : memref<1600x16xf32, #tpu.memory_space<vmem>> -> memref<128x16xf32, #tpu.memory_space<vmem>>
        %dma_start3A_1070 = arith.constant 768 : i32
        %dma_start3A_1071 = tpu.memref_slice %arg8[%dma_start3A_1070] : memref<1600xi32, #tpu.memory_space<vmem>> -> memref<128xi32, #tpu.memory_space<vmem>>
        %dma_start3A_1072 = arith.constant 0 : i32
        %dma_start3A_1073 = arith.constant 0 : i32
        %dma_start3A_1074 = tpu.memref_slice %arg4[%dma_start3A_1072, %dma_start3A_1073] : memref<1000000x16xf32, #tpu.memory_space<hbm>> -> memref<1000000x16xf32, #tpu.memory_space<hbm>>
        tpu.enqueue_indirect_dma source(%dma_start3A_1074 : memref<1000000x16xf32, #tpu.memory_space<hbm>>) target(%dma_start3A_1069 : memref<128x16xf32, #tpu.memory_space<vmem>>) offsets(%dma_start3A_1071 : memref<128xi32, #tpu.memory_space<vmem>>) semaphore(%arg19 : memref<!tpu.dma_semaphore, #tpu.memory_space<semaphore_mem>>)
        %dma_start3A_1075 = arith.constant 896 : i32
        %dma_start3A_1076 = arith.constant 0 : i32
        %dma_start3A_1077 = tpu.memref_slice %arg12[%dma_start3A_1075, %dma_start3A_1076] : memref<1600x16xf32, #tpu.memory_space<vmem>> -> memref<128x16xf32, #tpu.memory_space<vmem>>
        %dma_start3A_1078 = arith.constant 896 : i32
        %dma_start3A_1079 = tpu.memref_slice %arg8[%dma_start3A_1078] : memref<1600xi32, #tpu.memory_space<vmem>> -> memref<128xi32, #tpu.memory_space<vmem>>
        %dma_start3A_1080 = arith.constant 0 : i32
        %dma_start3A_1081 = arith.constant 0 : i32
        %dma_start3A_1082 = tpu.memref_slice %arg4[%dma_start3A_1080, %dma_start3A_1081] : memref<1000000x16xf32, #tpu.memory_space<hbm>> -> memref<1000000x16xf32, #tpu.memory_space<hbm>>
        tpu.enqueue_indirect_dma source(%dma_start3A_1082 : memref<1000000x16xf32, #tpu.memory_space<hbm>>) target(%dma_start3A_1077 : memref<128x16xf32, #tpu.memory_space<vmem>>) offsets(%dma_start3A_1079 : memref<128xi32, #tpu.memory_space<vmem>>) semaphore(%arg19 : memref<!tpu.dma_semaphore, #tpu.memory_space<semaphore_mem>>)
        %dma_start3A_1083 = arith.constant 1024 : i32
        %dma_start3A_1084 = arith.constant 0 : i32
        %dma_start3A_1085 = tpu.memref_slice %arg12[%dma_start3A_1083, %dma_start3A_1084] : memref<1600x16xf32, #tpu.memory_space<vmem>> -> memref<128x16xf32, #tpu.memory_space<vmem>>
        %dma_start3A_1086 = arith.constant 1024 : i32
        %dma_start3A_1087 = tpu.memref_slice %arg8[%dma_start3A_1086] : memref<1600xi32, #tpu.memory_space<vmem>> -> memref<128xi32, #tpu.memory_space<vmem>>
        %dma_start3A_1088 = arith.constant 0 : i32
        %dma_start3A_1089 = arith.constant 0 : i32
        %dma_start3A_1090 = tpu.memref_slice %arg4[%dma_start3A_1088, %dma_start3A_1089] : memref<1000000x16xf32, #tpu.memory_space<hbm>> -> memref<1000000x16xf32, #tpu.memory_space<hbm>>
        tpu.enqueue_indirect_dma source(%dma_start3A_1090 : memref<1000000x16xf32, #tpu.memory_space<hbm>>) target(%dma_start3A_1085 : memref<128x16xf32, #tpu.memory_space<vmem>>) offsets(%dma_start3A_1087 : memref<128xi32, #tpu.memory_space<vmem>>) semaphore(%arg19 : memref<!tpu.dma_semaphore, #tpu.memory_space<semaphore_mem>>)
        %dma_start3A_1091 = arith.constant 1152 : i32
        %dma_start3A_1092 = arith.constant 0 : i32
        %dma_start3A_1093 = tpu.memref_slice %arg12[%dma_start3A_1091, %dma_start3A_1092] : memref<1600x16xf32, #tpu.memory_space<vmem>> -> memref<128x16xf32, #tpu.memory_space<vmem>>
        %dma_start3A_1094 = arith.constant 1152 : i32
        %dma_start3A_1095 = tpu.memref_slice %arg8[%dma_start3A_1094] : memref<1600xi32, #tpu.memory_space<vmem>> -> memref<128xi32, #tpu.memory_space<vmem>>
        %dma_start3A_1096 = arith.constant 0 : i32
        %dma_start3A_1097 = arith.constant 0 : i32
        %dma_start3A_1098 = tpu.memref_slice %arg4[%dma_start3A_1096, %dma_start3A_1097] : memref<1000000x16xf32, #tpu.memory_space<hbm>> -> memref<1000000x16xf32, #tpu.memory_space<hbm>>
        tpu.enqueue_indirect_dma source(%dma_start3A_1098 : memref<1000000x16xf32, #tpu.memory_space<hbm>>) target(%dma_start3A_1093 : memref<128x16xf32, #tpu.memory_space<vmem>>) offsets(%dma_start3A_1095 : memref<128xi32, #tpu.memory_space<vmem>>) semaphore(%arg19 : memref<!tpu.dma_semaphore, #tpu.memory_space<semaphore_mem>>)
        %dma_start3A_1099 = arith.constant 1280 : i32
        %dma_start3A_1100 = arith.constant 0 : i32
        %dma_start3A_1101 = tpu.memref_slice %arg12[%dma_start3A_1099, %dma_start3A_1100] : memref<1600x16xf32, #tpu.memory_space<vmem>> -> memref<128x16xf32, #tpu.memory_space<vmem>>
        %dma_start3A_1102 = arith.constant 1280 : i32
        %dma_start3A_1103 = tpu.memref_slice %arg8[%dma_start3A_1102] : memref<1600xi32, #tpu.memory_space<vmem>> -> memref<128xi32, #tpu.memory_space<vmem>>
        %dma_start3A_1104 = arith.constant 0 : i32
        %dma_start3A_1105 = arith.constant 0 : i32
        %dma_start3A_1106 = tpu.memref_slice %arg4[%dma_start3A_1104, %dma_start3A_1105] : memref<1000000x16xf32, #tpu.memory_space<hbm>> -> memref<1000000x16xf32, #tpu.memory_space<hbm>>
        tpu.enqueue_indirect_dma source(%dma_start3A_1106 : memref<1000000x16xf32, #tpu.memory_space<hbm>>) target(%dma_start3A_1101 : memref<128x16xf32, #tpu.memory_space<vmem>>) offsets(%dma_start3A_1103 : memref<128xi32, #tpu.memory_space<vmem>>) semaphore(%arg19 : memref<!tpu.dma_semaphore, #tpu.memory_space<semaphore_mem>>)
        %dma_start3A_1107 = arith.constant 1408 : i32
        %dma_start3A_1108 = arith.constant 0 : i32
        %dma_start3A_1109 = tpu.memref_slice %arg12[%dma_start3A_1107, %dma_start3A_1108] : memref<1600x16xf32, #tpu.memory_space<vmem>> -> memref<128x16xf32, #tpu.memory_space<vmem>>
        %dma_start3A_1110 = arith.constant 1408 : i32
        %dma_start3A_1111 = tpu.memref_slice %arg8[%dma_start3A_1110] : memref<1600xi32, #tpu.memory_space<vmem>> -> memref<128xi32, #tpu.memory_space<vmem>>
        %dma_start3A_1112 = arith.constant 0 : i32
        %dma_start3A_1113 = arith.constant 0 : i32
        %dma_start3A_1114 = tpu.memref_slice %arg4[%dma_start3A_1112, %dma_start3A_1113] : memref<1000000x16xf32, #tpu.memory_space<hbm>> -> memref<1000000x16xf32, #tpu.memory_space<hbm>>
        tpu.enqueue_indirect_dma source(%dma_start3A_1114 : memref<1000000x16xf32, #tpu.memory_space<hbm>>) target(%dma_start3A_1109 : memref<128x16xf32, #tpu.memory_space<vmem>>) offsets(%dma_start3A_1111 : memref<128xi32, #tpu.memory_space<vmem>>) semaphore(%arg19 : memref<!tpu.dma_semaphore, #tpu.memory_space<semaphore_mem>>)
        %dma_start3A_1115 = arith.constant 1536 : i32
        %dma_start3A_1116 = arith.constant 0 : i32
        %dma_start3A_1117 = tpu.memref_slice %arg12[%dma_start3A_1115, %dma_start3A_1116] : memref<1600x16xf32, #tpu.memory_space<vmem>> -> memref<64x16xf32, #tpu.memory_space<vmem>>
        %dma_start3A_1118 = arith.constant 1536 : i32
        %dma_start3A_1119 = tpu.memref_slice %arg8[%dma_start3A_1118] : memref<1600xi32, #tpu.memory_space<vmem>> -> memref<64xi32, #tpu.memory_space<vmem>>
        %dma_start3A_1120 = arith.constant 0 : i32
        %dma_start3A_1121 = arith.constant 0 : i32
        %dma_start3A_1122 = tpu.memref_slice %arg4[%dma_start3A_1120, %dma_start3A_1121] : memref<1000000x16xf32, #tpu.memory_space<hbm>> -> memref<1000000x16xf32, #tpu.memory_space<hbm>>
        tpu.enqueue_indirect_dma source(%dma_start3A_1122 : memref<1000000x16xf32, #tpu.memory_space<hbm>>) target(%dma_start3A_1117 : memref<64x16xf32, #tpu.memory_space<vmem>>) offsets(%dma_start3A_1119 : memref<64xi32, #tpu.memory_space<vmem>>) semaphore(%arg19 : memref<!tpu.dma_semaphore, #tpu.memory_space<semaphore_mem>>)
      } else {
      }
      %dma_wait3A_713 = arith.constant 0 : i32
      %dma_wait3A_714 = arith.constant 0 : i32
      %dma_wait3A_715 = tpu.memref_slice %arg4[%dma_wait3A_713, %dma_wait3A_714] : memref<1000000x16xf32, #tpu.memory_space<hbm>> -> memref<1600x16xf32, #tpu.memory_space<hbm>>
      %dma_wait3A_716 = arith.constant 0 : i32
      %dma_wait3A_717 = arith.constant 0 : i32
      %dma_wait3A_718 = tpu.memref_slice %arg4[%dma_wait3A_716, %dma_wait3A_717] : memref<1000000x16xf32, #tpu.memory_space<hbm>> -> memref<1600x16xf32, #tpu.memory_space<hbm>>
      tpu.wait_dma2 semaphore(%arg20 : memref<!tpu.dma_semaphore, #tpu.memory_space<semaphore_mem>>) src(%dma_wait3A_718 : memref<1600x16xf32, #tpu.memory_space<hbm>>) dst(%arg13 : memref<1600x16xf32, #tpu.memory_space<vmem>>)
      %broadcast_in_dim3A_719 = arith.constant 0.000000e+00 : f32
      %broadcast_in_dim3A_720 = vector.broadcast %broadcast_in_dim3A_719 : f32 to vector<16xf32>
      %scan3A_721 = arith.constant 0 : i32
      %scan3A_722 = arith.constant 25 : i32
      %scan3A_723 = arith.addi %scan3A_721, %scan3A_722 : i32
      %scan3A_724 = arith.constant 1 : i32
      %scan3A_725:4 = scf.for %scan3A_1014 = %scan3A_721 to %scan3A_723 step %scan3A_724 iter_args(%scan3A_1015 = %broadcast_in_dim3A_720, %scan3A_1016 = %broadcast_in_dim3A_720, %scan3A_1017 = %broadcast_in_dim3A_720, %scan3A_1018 = %broadcast_in_dim3A_720) -> (vector<16xf32>, vector<16xf32>, vector<16xf32>, vector<16xf32>)  : i32 {
        %mul3A_1019 = arith.constant 8 : i32
        %mul3A_1020 = arith.muli %scan3A_1014, %mul3A_1019 : i32
        %add3A_1021 = arith.constant 0 : i32
        %add3A_1022 = arith.addi %add3A_1021, %mul3A_1020 : i32
        %get3A = arith.index_cast %add3A_1022 : i32 to index
        %get3A_1023 = arith.constant 0 : index
        %get3A_1024 = tpu.vector_load %arg13[%get3A, %get3A_1023] {strides = array<i32>} : memref<1600x16xf32, #tpu.memory_space<vmem>>, vector<1x16xf32>,
        %get3A_1025 = vector.shape_cast %get3A_1024 : vector<1x16xf32> to vector<16xf32>
        %add3A_1026 = arith.addf %scan3A_1015, %get3A_1025 : vector<16xf32>
        %add3A_1027 = arith.constant 4 : i32
        %add3A_1028 = arith.addi %add3A_1022, %add3A_1027 : i32
        %get3A_1029 = arith.index_cast %add3A_1028 : i32 to index
        %get3A_1030 = arith.constant 0 : index
        %get3A_1031 = tpu.vector_load %arg13[%get3A_1029, %get3A_1030] {strides = array<i32>} : memref<1600x16xf32, #tpu.memory_space<vmem>>, vector<1x16xf32>,
        %get3A_1032 = vector.shape_cast %get3A_1031 : vector<1x16xf32> to vector<16xf32>
        %add3A_1033 = arith.addf %add3A_1026, %get3A_1032 : vector<16xf32>
        %add3A_1034 = arith.constant 1 : i32
        %add3A_1035 = arith.addi %add3A_1022, %add3A_1034 : i32
        %get3A_1036 = arith.index_cast %add3A_1035 : i32 to index
        %get3A_1037 = arith.constant 0 : index
        %get3A_1038 = tpu.vector_load %arg13[%get3A_1036, %get3A_1037] {strides = array<i32>} : memref<1600x16xf32, #tpu.memory_space<vmem>>, vector<1x16xf32>,
        %get3A_1039 = vector.shape_cast %get3A_1038 : vector<1x16xf32> to vector<16xf32>
        %add3A_1040 = arith.addf %scan3A_1016, %get3A_1039 : vector<16xf32>
        %add3A_1041 = arith.constant 5 : i32
        %add3A_1042 = arith.addi %add3A_1022, %add3A_1041 : i32
        %get3A_1043 = arith.index_cast %add3A_1042 : i32 to index
        %get3A_1044 = arith.constant 0 : index
        %get3A_1045 = tpu.vector_load %arg13[%get3A_1043, %get3A_1044] {strides = array<i32>} : memref<1600x16xf32, #tpu.memory_space<vmem>>, vector<1x16xf32>,
        %get3A_1046 = vector.shape_cast %get3A_1045 : vector<1x16xf32> to vector<16xf32>
        %add3A_1047 = arith.addf %add3A_1040, %get3A_1046 : vector<16xf32>
        %add3A_1048 = arith.constant 2 : i32
        %add3A_1049 = arith.addi %add3A_1022, %add3A_1048 : i32
        %get3A_1050 = arith.index_cast %add3A_1049 : i32 to index
        %get3A_1051 = arith.constant 0 : index
        %get3A_1052 = tpu.vector_load %arg13[%get3A_1050, %get3A_1051] {strides = array<i32>} : memref<1600x16xf32, #tpu.memory_space<vmem>>, vector<1x16xf32>,
        %get3A_1053 = vector.shape_cast %get3A_1052 : vector<1x16xf32> to vector<16xf32>
        %add3A_1054 = arith.addf %scan3A_1017, %get3A_1053 : vector<16xf32>
        %add3A_1055 = arith.constant 6 : i32
        %add3A_1056 = arith.addi %add3A_1022, %add3A_1055 : i32
        %get3A_1057 = arith.index_cast %add3A_1056 : i32 to index
        %get3A_1058 = arith.constant 0 : index
        %get3A_1059 = tpu.vector_load %arg13[%get3A_1057, %get3A_1058] {strides = array<i32>} : memref<1600x16xf32, #tpu.memory_space<vmem>>, vector<1x16xf32>,
        %get3A_1060 = vector.shape_cast %get3A_1059 : vector<1x16xf32> to vector<16xf32>
        %add3A_1061 = arith.addf %add3A_1054, %get3A_1060 : vector<16xf32>
        %add3A_1062 = arith.constant 3 : i32
        %add3A_1063 = arith.addi %add3A_1022, %add3A_1062 : i32
        %get3A_1064 = arith.index_cast %add3A_1063 : i32 to index
        %get3A_1065 = arith.constant 0 : index
        %get3A_1066 = tpu.vector_load %arg13[%get3A_1064, %get3A_1065] {strides = array<i32>} : memref<1600x16xf32, #tpu.memory_space<vmem>>, vector<1x16xf32>,
        %get3A_1067 = vector.shape_cast %get3A_1066 : vector<1x16xf32> to vector<16xf32>
        %add3A_1068 = arith.addf %scan3A_1018, %get3A_1067 : vector<16xf32>
        %add3A_1069 = arith.constant 7 : i32
        %add3A_1070 = arith.addi %add3A_1022, %add3A_1069 : i32
        %get3A_1071 = arith.index_cast %add3A_1070 : i32 to index
        %get3A_1072 = arith.constant 0 : index
        %get3A_1073 = tpu.vector_load %arg13[%get3A_1071, %get3A_1072] {strides = array<i32>} : memref<1600x16xf32, #tpu.memory_space<vmem>>, vector<1x16xf32>,
        %get3A_1074 = vector.shape_cast %get3A_1073 : vector<1x16xf32> to vector<16xf32>
        %add3A_1075 = arith.addf %add3A_1068, %get3A_1074 : vector<16xf32>
        scf.yield %add3A_1033, %add3A_1047, %add3A_1061, %add3A_1075 : vector<16xf32>, vector<16xf32>, vector<16xf32>, vector<16xf32>
      }
      %scan3A_726 = arith.constant 25 : i32
      %add3A_727 = arith.addf %scan3A_725#0, %scan3A_725#1 : vector<16xf32>
      %add3A_728 = arith.addf %scan3A_725#2, %scan3A_725#3 : vector<16xf32>
      %add3A_729 = arith.addf %add3A_727, %add3A_728 : vector<16xf32>
      %swap3A_730 = arith.constant 0 : i32
      %swap3A_731 = arith.index_cast %swap3A_730 : i32 to index
      %swap3A_732 = arith.constant 0 : index
      %swap3A_733 = tpu.vector_load %arg15[%swap3A_731, %swap3A_732] {strides = array<i32>} : memref<8x16xf32, #tpu.memory_space<vmem>>, vector<1x16xf32>,
      %swap3A_734 = vector.shape_cast %swap3A_733 : vector<1x16xf32> to vector<16xf32>
      %swap3A_735 = vector.shape_cast %add3A_729 : vector<16xf32> to vector<1x16xf32>
      tpu.vector_store %arg15[%swap3A_731, %swap3A_732], %swap3A_735 {strides = array<i32>} : memref<8x16xf32, #tpu.memory_space<vmem>>, vector<1x16xf32>,
      %broadcast_in_dim3A_736 = arith.constant 0.000000e+00 : f32
      %broadcast_in_dim3A_737 = vector.broadcast %broadcast_in_dim3A_736 : f32 to vector<16xf32>
      %scan3A_738 = arith.constant 0 : i32
      %scan3A_739 = arith.constant 25 : i32
      %scan3A_740 = arith.addi %scan3A_738, %scan3A_739 : i32
      %scan3A_741 = arith.constant 1 : i32
      %scan3A_742:4 = scf.for %scan3A_1014 = %scan3A_738 to %scan3A_740 step %scan3A_741 iter_args(%scan3A_1015 = %broadcast_in_dim3A_737, %scan3A_1016 = %broadcast_in_dim3A_737, %scan3A_1017 = %broadcast_in_dim3A_737, %scan3A_1018 = %broadcast_in_dim3A_737) -> (vector<16xf32>, vector<16xf32>, vector<16xf32>, vector<16xf32>)  : i32 {
        %mul3A_1019 = arith.constant 8 : i32
        %mul3A_1020 = arith.muli %scan3A_1014, %mul3A_1019 : i32
        %add3A_1021 = arith.constant 200 : i32
        %add3A_1022 = arith.addi %add3A_1021, %mul3A_1020 : i32
        %get3A = arith.index_cast %add3A_1022 : i32 to index
        %get3A_1023 = arith.constant 0 : index
        %get3A_1024 = tpu.vector_load %arg13[%get3A, %get3A_1023] {strides = array<i32>} : memref<1600x16xf32, #tpu.memory_space<vmem>>, vector<1x16xf32>,
        %get3A_1025 = vector.shape_cast %get3A_1024 : vector<1x16xf32> to vector<16xf32>
        %add3A_1026 = arith.addf %scan3A_1015, %get3A_1025 : vector<16xf32>
        %add3A_1027 = arith.constant 4 : i32
        %add3A_1028 = arith.addi %add3A_1022, %add3A_1027 : i32
        %get3A_1029 = arith.index_cast %add3A_1028 : i32 to index
        %get3A_1030 = arith.constant 0 : index
        %get3A_1031 = tpu.vector_load %arg13[%get3A_1029, %get3A_1030] {strides = array<i32>} : memref<1600x16xf32, #tpu.memory_space<vmem>>, vector<1x16xf32>,
        %get3A_1032 = vector.shape_cast %get3A_1031 : vector<1x16xf32> to vector<16xf32>
        %add3A_1033 = arith.addf %add3A_1026, %get3A_1032 : vector<16xf32>
        %add3A_1034 = arith.constant 1 : i32
        %add3A_1035 = arith.addi %add3A_1022, %add3A_1034 : i32
        %get3A_1036 = arith.index_cast %add3A_1035 : i32 to index
        %get3A_1037 = arith.constant 0 : index
        %get3A_1038 = tpu.vector_load %arg13[%get3A_1036, %get3A_1037] {strides = array<i32>} : memref<1600x16xf32, #tpu.memory_space<vmem>>, vector<1x16xf32>,
        %get3A_1039 = vector.shape_cast %get3A_1038 : vector<1x16xf32> to vector<16xf32>
        %add3A_1040 = arith.addf %scan3A_1016, %get3A_1039 : vector<16xf32>
        %add3A_1041 = arith.constant 5 : i32
        %add3A_1042 = arith.addi %add3A_1022, %add3A_1041 : i32
        %get3A_1043 = arith.index_cast %add3A_1042 : i32 to index
        %get3A_1044 = arith.constant 0 : index
        %get3A_1045 = tpu.vector_load %arg13[%get3A_1043, %get3A_1044] {strides = array<i32>} : memref<1600x16xf32, #tpu.memory_space<vmem>>, vector<1x16xf32>,
        %get3A_1046 = vector.shape_cast %get3A_1045 : vector<1x16xf32> to vector<16xf32>
        %add3A_1047 = arith.addf %add3A_1040, %get3A_1046 : vector<16xf32>
        %add3A_1048 = arith.constant 2 : i32
        %add3A_1049 = arith.addi %add3A_1022, %add3A_1048 : i32
        %get3A_1050 = arith.index_cast %add3A_1049 : i32 to index
        %get3A_1051 = arith.constant 0 : index
        %get3A_1052 = tpu.vector_load %arg13[%get3A_1050, %get3A_1051] {strides = array<i32>} : memref<1600x16xf32, #tpu.memory_space<vmem>>, vector<1x16xf32>,
        %get3A_1053 = vector.shape_cast %get3A_1052 : vector<1x16xf32> to vector<16xf32>
        %add3A_1054 = arith.addf %scan3A_1017, %get3A_1053 : vector<16xf32>
        %add3A_1055 = arith.constant 6 : i32
        %add3A_1056 = arith.addi %add3A_1022, %add3A_1055 : i32
        %get3A_1057 = arith.index_cast %add3A_1056 : i32 to index
        %get3A_1058 = arith.constant 0 : index
        %get3A_1059 = tpu.vector_load %arg13[%get3A_1057, %get3A_1058] {strides = array<i32>} : memref<1600x16xf32, #tpu.memory_space<vmem>>, vector<1x16xf32>,
        %get3A_1060 = vector.shape_cast %get3A_1059 : vector<1x16xf32> to vector<16xf32>
        %add3A_1061 = arith.addf %add3A_1054, %get3A_1060 : vector<16xf32>
        %add3A_1062 = arith.constant 3 : i32
        %add3A_1063 = arith.addi %add3A_1022, %add3A_1062 : i32
        %get3A_1064 = arith.index_cast %add3A_1063 : i32 to index
        %get3A_1065 = arith.constant 0 : index
        %get3A_1066 = tpu.vector_load %arg13[%get3A_1064, %get3A_1065] {strides = array<i32>} : memref<1600x16xf32, #tpu.memory_space<vmem>>, vector<1x16xf32>,
        %get3A_1067 = vector.shape_cast %get3A_1066 : vector<1x16xf32> to vector<16xf32>
        %add3A_1068 = arith.addf %scan3A_1018, %get3A_1067 : vector<16xf32>
        %add3A_1069 = arith.constant 7 : i32
        %add3A_1070 = arith.addi %add3A_1022, %add3A_1069 : i32
        %get3A_1071 = arith.index_cast %add3A_1070 : i32 to index
        %get3A_1072 = arith.constant 0 : index
        %get3A_1073 = tpu.vector_load %arg13[%get3A_1071, %get3A_1072] {strides = array<i32>} : memref<1600x16xf32, #tpu.memory_space<vmem>>, vector<1x16xf32>,
        %get3A_1074 = vector.shape_cast %get3A_1073 : vector<1x16xf32> to vector<16xf32>
        %add3A_1075 = arith.addf %add3A_1068, %get3A_1074 : vector<16xf32>
        scf.yield %add3A_1033, %add3A_1047, %add3A_1061, %add3A_1075 : vector<16xf32>, vector<16xf32>, vector<16xf32>, vector<16xf32>
      }
      %scan3A_743 = arith.constant 25 : i32
      %add3A_744 = arith.addf %scan3A_742#0, %scan3A_742#1 : vector<16xf32>
      %add3A_745 = arith.addf %scan3A_742#2, %scan3A_742#3 : vector<16xf32>
      %add3A_746 = arith.addf %add3A_744, %add3A_745 : vector<16xf32>
      %swap3A_747 = arith.constant 1 : i32
      %swap3A_748 = arith.index_cast %swap3A_747 : i32 to index
      %swap3A_749 = arith.constant 0 : index
      %swap3A_750 = tpu.vector_load %arg15[%swap3A_748, %swap3A_749] {strides = array<i32>} : memref<8x16xf32, #tpu.memory_space<vmem>>, vector<1x16xf32>,
      %swap3A_751 = vector.shape_cast %swap3A_750 : vector<1x16xf32> to vector<16xf32>
      %swap3A_752 = vector.shape_cast %add3A_746 : vector<16xf32> to vector<1x16xf32>
      tpu.vector_store %arg15[%swap3A_748, %swap3A_749], %swap3A_752 {strides = array<i32>} : memref<8x16xf32, #tpu.memory_space<vmem>>, vector<1x16xf32>,
      %broadcast_in_dim3A_753 = arith.constant 0.000000e+00 : f32
      %broadcast_in_dim3A_754 = vector.broadcast %broadcast_in_dim3A_753 : f32 to vector<16xf32>
      %scan3A_755 = arith.constant 0 : i32
      %scan3A_756 = arith.constant 25 : i32
      %scan3A_757 = arith.addi %scan3A_755, %scan3A_756 : i32
      %scan3A_758 = arith.constant 1 : i32
      %scan3A_759:4 = scf.for %scan3A_1014 = %scan3A_755 to %scan3A_757 step %scan3A_758 iter_args(%scan3A_1015 = %broadcast_in_dim3A_754, %scan3A_1016 = %broadcast_in_dim3A_754, %scan3A_1017 = %broadcast_in_dim3A_754, %scan3A_1018 = %broadcast_in_dim3A_754) -> (vector<16xf32>, vector<16xf32>, vector<16xf32>, vector<16xf32>)  : i32 {
        %mul3A_1019 = arith.constant 8 : i32
        %mul3A_1020 = arith.muli %scan3A_1014, %mul3A_1019 : i32
        %add3A_1021 = arith.constant 400 : i32
        %add3A_1022 = arith.addi %add3A_1021, %mul3A_1020 : i32
        %get3A = arith.index_cast %add3A_1022 : i32 to index
        %get3A_1023 = arith.constant 0 : index
        %get3A_1024 = tpu.vector_load %arg13[%get3A, %get3A_1023] {strides = array<i32>} : memref<1600x16xf32, #tpu.memory_space<vmem>>, vector<1x16xf32>,
        %get3A_1025 = vector.shape_cast %get3A_1024 : vector<1x16xf32> to vector<16xf32>
        %add3A_1026 = arith.addf %scan3A_1015, %get3A_1025 : vector<16xf32>
        %add3A_1027 = arith.constant 4 : i32
        %add3A_1028 = arith.addi %add3A_1022, %add3A_1027 : i32
        %get3A_1029 = arith.index_cast %add3A_1028 : i32 to index
        %get3A_1030 = arith.constant 0 : index
        %get3A_1031 = tpu.vector_load %arg13[%get3A_1029, %get3A_1030] {strides = array<i32>} : memref<1600x16xf32, #tpu.memory_space<vmem>>, vector<1x16xf32>,
        %get3A_1032 = vector.shape_cast %get3A_1031 : vector<1x16xf32> to vector<16xf32>
        %add3A_1033 = arith.addf %add3A_1026, %get3A_1032 : vector<16xf32>
        %add3A_1034 = arith.constant 1 : i32
        %add3A_1035 = arith.addi %add3A_1022, %add3A_1034 : i32
        %get3A_1036 = arith.index_cast %add3A_1035 : i32 to index
        %get3A_1037 = arith.constant 0 : index
        %get3A_1038 = tpu.vector_load %arg13[%get3A_1036, %get3A_1037] {strides = array<i32>} : memref<1600x16xf32, #tpu.memory_space<vmem>>, vector<1x16xf32>,
        %get3A_1039 = vector.shape_cast %get3A_1038 : vector<1x16xf32> to vector<16xf32>
        %add3A_1040 = arith.addf %scan3A_1016, %get3A_1039 : vector<16xf32>
        %add3A_1041 = arith.constant 5 : i32
        %add3A_1042 = arith.addi %add3A_1022, %add3A_1041 : i32
        %get3A_1043 = arith.index_cast %add3A_1042 : i32 to index
        %get3A_1044 = arith.constant 0 : index
        %get3A_1045 = tpu.vector_load %arg13[%get3A_1043, %get3A_1044] {strides = array<i32>} : memref<1600x16xf32, #tpu.memory_space<vmem>>, vector<1x16xf32>,
        %get3A_1046 = vector.shape_cast %get3A_1045 : vector<1x16xf32> to vector<16xf32>
        %add3A_1047 = arith.addf %add3A_1040, %get3A_1046 : vector<16xf32>
        %add3A_1048 = arith.constant 2 : i32
        %add3A_1049 = arith.addi %add3A_1022, %add3A_1048 : i32
        %get3A_1050 = arith.index_cast %add3A_1049 : i32 to index
        %get3A_1051 = arith.constant 0 : index
        %get3A_1052 = tpu.vector_load %arg13[%get3A_1050, %get3A_1051] {strides = array<i32>} : memref<1600x16xf32, #tpu.memory_space<vmem>>, vector<1x16xf32>,
        %get3A_1053 = vector.shape_cast %get3A_1052 : vector<1x16xf32> to vector<16xf32>
        %add3A_1054 = arith.addf %scan3A_1017, %get3A_1053 : vector<16xf32>
        %add3A_1055 = arith.constant 6 : i32
        %add3A_1056 = arith.addi %add3A_1022, %add3A_1055 : i32
        %get3A_1057 = arith.index_cast %add3A_1056 : i32 to index
        %get3A_1058 = arith.constant 0 : index
        %get3A_1059 = tpu.vector_load %arg13[%get3A_1057, %get3A_1058] {strides = array<i32>} : memref<1600x16xf32, #tpu.memory_space<vmem>>, vector<1x16xf32>,
        %get3A_1060 = vector.shape_cast %get3A_1059 : vector<1x16xf32> to vector<16xf32>
        %add3A_1061 = arith.addf %add3A_1054, %get3A_1060 : vector<16xf32>
        %add3A_1062 = arith.constant 3 : i32
        %add3A_1063 = arith.addi %add3A_1022, %add3A_1062 : i32
        %get3A_1064 = arith.index_cast %add3A_1063 : i32 to index
        %get3A_1065 = arith.constant 0 : index
        %get3A_1066 = tpu.vector_load %arg13[%get3A_1064, %get3A_1065] {strides = array<i32>} : memref<1600x16xf32, #tpu.memory_space<vmem>>, vector<1x16xf32>,
        %get3A_1067 = vector.shape_cast %get3A_1066 : vector<1x16xf32> to vector<16xf32>
        %add3A_1068 = arith.addf %scan3A_1018, %get3A_1067 : vector<16xf32>
        %add3A_1069 = arith.constant 7 : i32
        %add3A_1070 = arith.addi %add3A_1022, %add3A_1069 : i32
        %get3A_1071 = arith.index_cast %add3A_1070 : i32 to index
        %get3A_1072 = arith.constant 0 : index
        %get3A_1073 = tpu.vector_load %arg13[%get3A_1071, %get3A_1072] {strides = array<i32>} : memref<1600x16xf32, #tpu.memory_space<vmem>>, vector<1x16xf32>,
        %get3A_1074 = vector.shape_cast %get3A_1073 : vector<1x16xf32> to vector<16xf32>
        %add3A_1075 = arith.addf %add3A_1068, %get3A_1074 : vector<16xf32>
        scf.yield %add3A_1033, %add3A_1047, %add3A_1061, %add3A_1075 : vector<16xf32>, vector<16xf32>, vector<16xf32>, vector<16xf32>
      }
      %scan3A_760 = arith.constant 25 : i32
      %add3A_761 = arith.addf %scan3A_759#0, %scan3A_759#1 : vector<16xf32>
      %add3A_762 = arith.addf %scan3A_759#2, %scan3A_759#3 : vector<16xf32>
      %add3A_763 = arith.addf %add3A_761, %add3A_762 : vector<16xf32>
      %swap3A_764 = arith.constant 2 : i32
      %swap3A_765 = arith.index_cast %swap3A_764 : i32 to index
      %swap3A_766 = arith.constant 0 : index
      %swap3A_767 = tpu.vector_load %arg15[%swap3A_765, %swap3A_766] {strides = array<i32>} : memref<8x16xf32, #tpu.memory_space<vmem>>, vector<1x16xf32>,
      %swap3A_768 = vector.shape_cast %swap3A_767 : vector<1x16xf32> to vector<16xf32>
      %swap3A_769 = vector.shape_cast %add3A_763 : vector<16xf32> to vector<1x16xf32>
      tpu.vector_store %arg15[%swap3A_765, %swap3A_766], %swap3A_769 {strides = array<i32>} : memref<8x16xf32, #tpu.memory_space<vmem>>, vector<1x16xf32>,
      %broadcast_in_dim3A_770 = arith.constant 0.000000e+00 : f32
      %broadcast_in_dim3A_771 = vector.broadcast %broadcast_in_dim3A_770 : f32 to vector<16xf32>
      %scan3A_772 = arith.constant 0 : i32
      %scan3A_773 = arith.constant 25 : i32
      %scan3A_774 = arith.addi %scan3A_772, %scan3A_773 : i32
      %scan3A_775 = arith.constant 1 : i32
      %scan3A_776:4 = scf.for %scan3A_1014 = %scan3A_772 to %scan3A_774 step %scan3A_775 iter_args(%scan3A_1015 = %broadcast_in_dim3A_771, %scan3A_1016 = %broadcast_in_dim3A_771, %scan3A_1017 = %broadcast_in_dim3A_771, %scan3A_1018 = %broadcast_in_dim3A_771) -> (vector<16xf32>, vector<16xf32>, vector<16xf32>, vector<16xf32>)  : i32 {
        %mul3A_1019 = arith.constant 8 : i32
        %mul3A_1020 = arith.muli %scan3A_1014, %mul3A_1019 : i32
        %add3A_1021 = arith.constant 600 : i32
        %add3A_1022 = arith.addi %add3A_1021, %mul3A_1020 : i32
        %get3A = arith.index_cast %add3A_1022 : i32 to index
        %get3A_1023 = arith.constant 0 : index
        %get3A_1024 = tpu.vector_load %arg13[%get3A, %get3A_1023] {strides = array<i32>} : memref<1600x16xf32, #tpu.memory_space<vmem>>, vector<1x16xf32>,
        %get3A_1025 = vector.shape_cast %get3A_1024 : vector<1x16xf32> to vector<16xf32>
        %add3A_1026 = arith.addf %scan3A_1015, %get3A_1025 : vector<16xf32>
        %add3A_1027 = arith.constant 4 : i32
        %add3A_1028 = arith.addi %add3A_1022, %add3A_1027 : i32
        %get3A_1029 = arith.index_cast %add3A_1028 : i32 to index
        %get3A_1030 = arith.constant 0 : index
        %get3A_1031 = tpu.vector_load %arg13[%get3A_1029, %get3A_1030] {strides = array<i32>} : memref<1600x16xf32, #tpu.memory_space<vmem>>, vector<1x16xf32>,
        %get3A_1032 = vector.shape_cast %get3A_1031 : vector<1x16xf32> to vector<16xf32>
        %add3A_1033 = arith.addf %add3A_1026, %get3A_1032 : vector<16xf32>
        %add3A_1034 = arith.constant 1 : i32
        %add3A_1035 = arith.addi %add3A_1022, %add3A_1034 : i32
        %get3A_1036 = arith.index_cast %add3A_1035 : i32 to index
        %get3A_1037 = arith.constant 0 : index
        %get3A_1038 = tpu.vector_load %arg13[%get3A_1036, %get3A_1037] {strides = array<i32>} : memref<1600x16xf32, #tpu.memory_space<vmem>>, vector<1x16xf32>,
        %get3A_1039 = vector.shape_cast %get3A_1038 : vector<1x16xf32> to vector<16xf32>
        %add3A_1040 = arith.addf %scan3A_1016, %get3A_1039 : vector<16xf32>
        %add3A_1041 = arith.constant 5 : i32
        %add3A_1042 = arith.addi %add3A_1022, %add3A_1041 : i32
        %get3A_1043 = arith.index_cast %add3A_1042 : i32 to index
        %get3A_1044 = arith.constant 0 : index
        %get3A_1045 = tpu.vector_load %arg13[%get3A_1043, %get3A_1044] {strides = array<i32>} : memref<1600x16xf32, #tpu.memory_space<vmem>>, vector<1x16xf32>,
        %get3A_1046 = vector.shape_cast %get3A_1045 : vector<1x16xf32> to vector<16xf32>
        %add3A_1047 = arith.addf %add3A_1040, %get3A_1046 : vector<16xf32>
        %add3A_1048 = arith.constant 2 : i32
        %add3A_1049 = arith.addi %add3A_1022, %add3A_1048 : i32
        %get3A_1050 = arith.index_cast %add3A_1049 : i32 to index
        %get3A_1051 = arith.constant 0 : index
        %get3A_1052 = tpu.vector_load %arg13[%get3A_1050, %get3A_1051] {strides = array<i32>} : memref<1600x16xf32, #tpu.memory_space<vmem>>, vector<1x16xf32>,
        %get3A_1053 = vector.shape_cast %get3A_1052 : vector<1x16xf32> to vector<16xf32>
        %add3A_1054 = arith.addf %scan3A_1017, %get3A_1053 : vector<16xf32>
        %add3A_1055 = arith.constant 6 : i32
        %add3A_1056 = arith.addi %add3A_1022, %add3A_1055 : i32
        %get3A_1057 = arith.index_cast %add3A_1056 : i32 to index
        %get3A_1058 = arith.constant 0 : index
        %get3A_1059 = tpu.vector_load %arg13[%get3A_1057, %get3A_1058] {strides = array<i32>} : memref<1600x16xf32, #tpu.memory_space<vmem>>, vector<1x16xf32>,
        %get3A_1060 = vector.shape_cast %get3A_1059 : vector<1x16xf32> to vector<16xf32>
        %add3A_1061 = arith.addf %add3A_1054, %get3A_1060 : vector<16xf32>
        %add3A_1062 = arith.constant 3 : i32
        %add3A_1063 = arith.addi %add3A_1022, %add3A_1062 : i32
        %get3A_1064 = arith.index_cast %add3A_1063 : i32 to index
        %get3A_1065 = arith.constant 0 : index
        %get3A_1066 = tpu.vector_load %arg13[%get3A_1064, %get3A_1065] {strides = array<i32>} : memref<1600x16xf32, #tpu.memory_space<vmem>>, vector<1x16xf32>,
        %get3A_1067 = vector.shape_cast %get3A_1066 : vector<1x16xf32> to vector<16xf32>
        %add3A_1068 = arith.addf %scan3A_1018, %get3A_1067 : vector<16xf32>
        %add3A_1069 = arith.constant 7 : i32
        %add3A_1070 = arith.addi %add3A_1022, %add3A_1069 : i32
        %get3A_1071 = arith.index_cast %add3A_1070 : i32 to index
        %get3A_1072 = arith.constant 0 : index
        %get3A_1073 = tpu.vector_load %arg13[%get3A_1071, %get3A_1072] {strides = array<i32>} : memref<1600x16xf32, #tpu.memory_space<vmem>>, vector<1x16xf32>,
        %get3A_1074 = vector.shape_cast %get3A_1073 : vector<1x16xf32> to vector<16xf32>
        %add3A_1075 = arith.addf %add3A_1068, %get3A_1074 : vector<16xf32>
        scf.yield %add3A_1033, %add3A_1047, %add3A_1061, %add3A_1075 : vector<16xf32>, vector<16xf32>, vector<16xf32>, vector<16xf32>
      }
      %scan3A_777 = arith.constant 25 : i32
      %add3A_778 = arith.addf %scan3A_776#0, %scan3A_776#1 : vector<16xf32>
      %add3A_779 = arith.addf %scan3A_776#2, %scan3A_776#3 : vector<16xf32>
      %add3A_780 = arith.addf %add3A_778, %add3A_779 : vector<16xf32>
      %swap3A_781 = arith.constant 3 : i32
      %swap3A_782 = arith.index_cast %swap3A_781 : i32 to index
      %swap3A_783 = arith.constant 0 : index
      %swap3A_784 = tpu.vector_load %arg15[%swap3A_782, %swap3A_783] {strides = array<i32>} : memref<8x16xf32, #tpu.memory_space<vmem>>, vector<1x16xf32>,
      %swap3A_785 = vector.shape_cast %swap3A_784 : vector<1x16xf32> to vector<16xf32>
      %swap3A_786 = vector.shape_cast %add3A_780 : vector<16xf32> to vector<1x16xf32>
      tpu.vector_store %arg15[%swap3A_782, %swap3A_783], %swap3A_786 {strides = array<i32>} : memref<8x16xf32, #tpu.memory_space<vmem>>, vector<1x16xf32>,
      %broadcast_in_dim3A_787 = arith.constant 0.000000e+00 : f32
      %broadcast_in_dim3A_788 = vector.broadcast %broadcast_in_dim3A_787 : f32 to vector<16xf32>
      %scan3A_789 = arith.constant 0 : i32
      %scan3A_790 = arith.constant 25 : i32
      %scan3A_791 = arith.addi %scan3A_789, %scan3A_790 : i32
      %scan3A_792 = arith.constant 1 : i32
      %scan3A_793:4 = scf.for %scan3A_1014 = %scan3A_789 to %scan3A_791 step %scan3A_792 iter_args(%scan3A_1015 = %broadcast_in_dim3A_788, %scan3A_1016 = %broadcast_in_dim3A_788, %scan3A_1017 = %broadcast_in_dim3A_788, %scan3A_1018 = %broadcast_in_dim3A_788) -> (vector<16xf32>, vector<16xf32>, vector<16xf32>, vector<16xf32>)  : i32 {
        %mul3A_1019 = arith.constant 8 : i32
        %mul3A_1020 = arith.muli %scan3A_1014, %mul3A_1019 : i32
        %add3A_1021 = arith.constant 800 : i32
        %add3A_1022 = arith.addi %add3A_1021, %mul3A_1020 : i32
        %get3A = arith.index_cast %add3A_1022 : i32 to index
        %get3A_1023 = arith.constant 0 : index
        %get3A_1024 = tpu.vector_load %arg13[%get3A, %get3A_1023] {strides = array<i32>} : memref<1600x16xf32, #tpu.memory_space<vmem>>, vector<1x16xf32>,
        %get3A_1025 = vector.shape_cast %get3A_1024 : vector<1x16xf32> to vector<16xf32>
        %add3A_1026 = arith.addf %scan3A_1015, %get3A_1025 : vector<16xf32>
        %add3A_1027 = arith.constant 4 : i32
        %add3A_1028 = arith.addi %add3A_1022, %add3A_1027 : i32
        %get3A_1029 = arith.index_cast %add3A_1028 : i32 to index
        %get3A_1030 = arith.constant 0 : index
        %get3A_1031 = tpu.vector_load %arg13[%get3A_1029, %get3A_1030] {strides = array<i32>} : memref<1600x16xf32, #tpu.memory_space<vmem>>, vector<1x16xf32>,
        %get3A_1032 = vector.shape_cast %get3A_1031 : vector<1x16xf32> to vector<16xf32>
        %add3A_1033 = arith.addf %add3A_1026, %get3A_1032 : vector<16xf32>
        %add3A_1034 = arith.constant 1 : i32
        %add3A_1035 = arith.addi %add3A_1022, %add3A_1034 : i32
        %get3A_1036 = arith.index_cast %add3A_1035 : i32 to index
        %get3A_1037 = arith.constant 0 : index
        %get3A_1038 = tpu.vector_load %arg13[%get3A_1036, %get3A_1037] {strides = array<i32>} : memref<1600x16xf32, #tpu.memory_space<vmem>>, vector<1x16xf32>,
        %get3A_1039 = vector.shape_cast %get3A_1038 : vector<1x16xf32> to vector<16xf32>
        %add3A_1040 = arith.addf %scan3A_1016, %get3A_1039 : vector<16xf32>
        %add3A_1041 = arith.constant 5 : i32
        %add3A_1042 = arith.addi %add3A_1022, %add3A_1041 : i32
        %get3A_1043 = arith.index_cast %add3A_1042 : i32 to index
        %get3A_1044 = arith.constant 0 : index
        %get3A_1045 = tpu.vector_load %arg13[%get3A_1043, %get3A_1044] {strides = array<i32>} : memref<1600x16xf32, #tpu.memory_space<vmem>>, vector<1x16xf32>,
        %get3A_1046 = vector.shape_cast %get3A_1045 : vector<1x16xf32> to vector<16xf32>
        %add3A_1047 = arith.addf %add3A_1040, %get3A_1046 : vector<16xf32>
        %add3A_1048 = arith.constant 2 : i32
        %add3A_1049 = arith.addi %add3A_1022, %add3A_1048 : i32
        %get3A_1050 = arith.index_cast %add3A_1049 : i32 to index
        %get3A_1051 = arith.constant 0 : index
        %get3A_1052 = tpu.vector_load %arg13[%get3A_1050, %get3A_1051] {strides = array<i32>} : memref<1600x16xf32, #tpu.memory_space<vmem>>, vector<1x16xf32>,
        %get3A_1053 = vector.shape_cast %get3A_1052 : vector<1x16xf32> to vector<16xf32>
        %add3A_1054 = arith.addf %scan3A_1017, %get3A_1053 : vector<16xf32>
        %add3A_1055 = arith.constant 6 : i32
        %add3A_1056 = arith.addi %add3A_1022, %add3A_1055 : i32
        %get3A_1057 = arith.index_cast %add3A_1056 : i32 to index
        %get3A_1058 = arith.constant 0 : index
        %get3A_1059 = tpu.vector_load %arg13[%get3A_1057, %get3A_1058] {strides = array<i32>} : memref<1600x16xf32, #tpu.memory_space<vmem>>, vector<1x16xf32>,
        %get3A_1060 = vector.shape_cast %get3A_1059 : vector<1x16xf32> to vector<16xf32>
        %add3A_1061 = arith.addf %add3A_1054, %get3A_1060 : vector<16xf32>
        %add3A_1062 = arith.constant 3 : i32
        %add3A_1063 = arith.addi %add3A_1022, %add3A_1062 : i32
        %get3A_1064 = arith.index_cast %add3A_1063 : i32 to index
        %get3A_1065 = arith.constant 0 : index
        %get3A_1066 = tpu.vector_load %arg13[%get3A_1064, %get3A_1065] {strides = array<i32>} : memref<1600x16xf32, #tpu.memory_space<vmem>>, vector<1x16xf32>,
        %get3A_1067 = vector.shape_cast %get3A_1066 : vector<1x16xf32> to vector<16xf32>
        %add3A_1068 = arith.addf %scan3A_1018, %get3A_1067 : vector<16xf32>
        %add3A_1069 = arith.constant 7 : i32
        %add3A_1070 = arith.addi %add3A_1022, %add3A_1069 : i32
        %get3A_1071 = arith.index_cast %add3A_1070 : i32 to index
        %get3A_1072 = arith.constant 0 : index
        %get3A_1073 = tpu.vector_load %arg13[%get3A_1071, %get3A_1072] {strides = array<i32>} : memref<1600x16xf32, #tpu.memory_space<vmem>>, vector<1x16xf32>,
        %get3A_1074 = vector.shape_cast %get3A_1073 : vector<1x16xf32> to vector<16xf32>
        %add3A_1075 = arith.addf %add3A_1068, %get3A_1074 : vector<16xf32>
        scf.yield %add3A_1033, %add3A_1047, %add3A_1061, %add3A_1075 : vector<16xf32>, vector<16xf32>, vector<16xf32>, vector<16xf32>
      }
      %scan3A_794 = arith.constant 25 : i32
      %add3A_795 = arith.addf %scan3A_793#0, %scan3A_793#1 : vector<16xf32>
      %add3A_796 = arith.addf %scan3A_793#2, %scan3A_793#3 : vector<16xf32>
      %add3A_797 = arith.addf %add3A_795, %add3A_796 : vector<16xf32>
      %swap3A_798 = arith.constant 4 : i32
      %swap3A_799 = arith.index_cast %swap3A_798 : i32 to index
      %swap3A_800 = arith.constant 0 : index
      %swap3A_801 = tpu.vector_load %arg15[%swap3A_799, %swap3A_800] {strides = array<i32>} : memref<8x16xf32, #tpu.memory_space<vmem>>, vector<1x16xf32>,
      %swap3A_802 = vector.shape_cast %swap3A_801 : vector<1x16xf32> to vector<16xf32>
      %swap3A_803 = vector.shape_cast %add3A_797 : vector<16xf32> to vector<1x16xf32>
      tpu.vector_store %arg15[%swap3A_799, %swap3A_800], %swap3A_803 {strides = array<i32>} : memref<8x16xf32, #tpu.memory_space<vmem>>, vector<1x16xf32>,
      %broadcast_in_dim3A_804 = arith.constant 0.000000e+00 : f32
      %broadcast_in_dim3A_805 = vector.broadcast %broadcast_in_dim3A_804 : f32 to vector<16xf32>
      %scan3A_806 = arith.constant 0 : i32
      %scan3A_807 = arith.constant 25 : i32
      %scan3A_808 = arith.addi %scan3A_806, %scan3A_807 : i32
      %scan3A_809 = arith.constant 1 : i32
      %scan3A_810:4 = scf.for %scan3A_1014 = %scan3A_806 to %scan3A_808 step %scan3A_809 iter_args(%scan3A_1015 = %broadcast_in_dim3A_805, %scan3A_1016 = %broadcast_in_dim3A_805, %scan3A_1017 = %broadcast_in_dim3A_805, %scan3A_1018 = %broadcast_in_dim3A_805) -> (vector<16xf32>, vector<16xf32>, vector<16xf32>, vector<16xf32>)  : i32 {
        %mul3A_1019 = arith.constant 8 : i32
        %mul3A_1020 = arith.muli %scan3A_1014, %mul3A_1019 : i32
        %add3A_1021 = arith.constant 1000 : i32
        %add3A_1022 = arith.addi %add3A_1021, %mul3A_1020 : i32
        %get3A = arith.index_cast %add3A_1022 : i32 to index
        %get3A_1023 = arith.constant 0 : index
        %get3A_1024 = tpu.vector_load %arg13[%get3A, %get3A_1023] {strides = array<i32>} : memref<1600x16xf32, #tpu.memory_space<vmem>>, vector<1x16xf32>,
        %get3A_1025 = vector.shape_cast %get3A_1024 : vector<1x16xf32> to vector<16xf32>
        %add3A_1026 = arith.addf %scan3A_1015, %get3A_1025 : vector<16xf32>
        %add3A_1027 = arith.constant 4 : i32
        %add3A_1028 = arith.addi %add3A_1022, %add3A_1027 : i32
        %get3A_1029 = arith.index_cast %add3A_1028 : i32 to index
        %get3A_1030 = arith.constant 0 : index
        %get3A_1031 = tpu.vector_load %arg13[%get3A_1029, %get3A_1030] {strides = array<i32>} : memref<1600x16xf32, #tpu.memory_space<vmem>>, vector<1x16xf32>,
        %get3A_1032 = vector.shape_cast %get3A_1031 : vector<1x16xf32> to vector<16xf32>
        %add3A_1033 = arith.addf %add3A_1026, %get3A_1032 : vector<16xf32>
        %add3A_1034 = arith.constant 1 : i32
        %add3A_1035 = arith.addi %add3A_1022, %add3A_1034 : i32
        %get3A_1036 = arith.index_cast %add3A_1035 : i32 to index
        %get3A_1037 = arith.constant 0 : index
        %get3A_1038 = tpu.vector_load %arg13[%get3A_1036, %get3A_1037] {strides = array<i32>} : memref<1600x16xf32, #tpu.memory_space<vmem>>, vector<1x16xf32>,
        %get3A_1039 = vector.shape_cast %get3A_1038 : vector<1x16xf32> to vector<16xf32>
        %add3A_1040 = arith.addf %scan3A_1016, %get3A_1039 : vector<16xf32>
        %add3A_1041 = arith.constant 5 : i32
        %add3A_1042 = arith.addi %add3A_1022, %add3A_1041 : i32
        %get3A_1043 = arith.index_cast %add3A_1042 : i32 to index
        %get3A_1044 = arith.constant 0 : index
        %get3A_1045 = tpu.vector_load %arg13[%get3A_1043, %get3A_1044] {strides = array<i32>} : memref<1600x16xf32, #tpu.memory_space<vmem>>, vector<1x16xf32>,
        %get3A_1046 = vector.shape_cast %get3A_1045 : vector<1x16xf32> to vector<16xf32>
        %add3A_1047 = arith.addf %add3A_1040, %get3A_1046 : vector<16xf32>
        %add3A_1048 = arith.constant 2 : i32
        %add3A_1049 = arith.addi %add3A_1022, %add3A_1048 : i32
        %get3A_1050 = arith.index_cast %add3A_1049 : i32 to index
        %get3A_1051 = arith.constant 0 : index
        %get3A_1052 = tpu.vector_load %arg13[%get3A_1050, %get3A_1051] {strides = array<i32>} : memref<1600x16xf32, #tpu.memory_space<vmem>>, vector<1x16xf32>,
        %get3A_1053 = vector.shape_cast %get3A_1052 : vector<1x16xf32> to vector<16xf32>
        %add3A_1054 = arith.addf %scan3A_1017, %get3A_1053 : vector<16xf32>
        %add3A_1055 = arith.constant 6 : i32
        %add3A_1056 = arith.addi %add3A_1022, %add3A_1055 : i32
        %get3A_1057 = arith.index_cast %add3A_1056 : i32 to index
        %get3A_1058 = arith.constant 0 : index
        %get3A_1059 = tpu.vector_load %arg13[%get3A_1057, %get3A_1058] {strides = array<i32>} : memref<1600x16xf32, #tpu.memory_space<vmem>>, vector<1x16xf32>,
        %get3A_1060 = vector.shape_cast %get3A_1059 : vector<1x16xf32> to vector<16xf32>
        %add3A_1061 = arith.addf %add3A_1054, %get3A_1060 : vector<16xf32>
        %add3A_1062 = arith.constant 3 : i32
        %add3A_1063 = arith.addi %add3A_1022, %add3A_1062 : i32
        %get3A_1064 = arith.index_cast %add3A_1063 : i32 to index
        %get3A_1065 = arith.constant 0 : index
        %get3A_1066 = tpu.vector_load %arg13[%get3A_1064, %get3A_1065] {strides = array<i32>} : memref<1600x16xf32, #tpu.memory_space<vmem>>, vector<1x16xf32>,
        %get3A_1067 = vector.shape_cast %get3A_1066 : vector<1x16xf32> to vector<16xf32>
        %add3A_1068 = arith.addf %scan3A_1018, %get3A_1067 : vector<16xf32>
        %add3A_1069 = arith.constant 7 : i32
        %add3A_1070 = arith.addi %add3A_1022, %add3A_1069 : i32
        %get3A_1071 = arith.index_cast %add3A_1070 : i32 to index
        %get3A_1072 = arith.constant 0 : index
        %get3A_1073 = tpu.vector_load %arg13[%get3A_1071, %get3A_1072] {strides = array<i32>} : memref<1600x16xf32, #tpu.memory_space<vmem>>, vector<1x16xf32>,
        %get3A_1074 = vector.shape_cast %get3A_1073 : vector<1x16xf32> to vector<16xf32>
        %add3A_1075 = arith.addf %add3A_1068, %get3A_1074 : vector<16xf32>
        scf.yield %add3A_1033, %add3A_1047, %add3A_1061, %add3A_1075 : vector<16xf32>, vector<16xf32>, vector<16xf32>, vector<16xf32>
      }
      %scan3A_811 = arith.constant 25 : i32
      %add3A_812 = arith.addf %scan3A_810#0, %scan3A_810#1 : vector<16xf32>
      %add3A_813 = arith.addf %scan3A_810#2, %scan3A_810#3 : vector<16xf32>
      %add3A_814 = arith.addf %add3A_812, %add3A_813 : vector<16xf32>
      %swap3A_815 = arith.constant 5 : i32
      %swap3A_816 = arith.index_cast %swap3A_815 : i32 to index
      %swap3A_817 = arith.constant 0 : index
      %swap3A_818 = tpu.vector_load %arg15[%swap3A_816, %swap3A_817] {strides = array<i32>} : memref<8x16xf32, #tpu.memory_space<vmem>>, vector<1x16xf32>,
      %swap3A_819 = vector.shape_cast %swap3A_818 : vector<1x16xf32> to vector<16xf32>
      %swap3A_820 = vector.shape_cast %add3A_814 : vector<16xf32> to vector<1x16xf32>
      tpu.vector_store %arg15[%swap3A_816, %swap3A_817], %swap3A_820 {strides = array<i32>} : memref<8x16xf32, #tpu.memory_space<vmem>>, vector<1x16xf32>,
      %broadcast_in_dim3A_821 = arith.constant 0.000000e+00 : f32
      %broadcast_in_dim3A_822 = vector.broadcast %broadcast_in_dim3A_821 : f32 to vector<16xf32>
      %scan3A_823 = arith.constant 0 : i32
      %scan3A_824 = arith.constant 25 : i32
      %scan3A_825 = arith.addi %scan3A_823, %scan3A_824 : i32
      %scan3A_826 = arith.constant 1 : i32
      %scan3A_827:4 = scf.for %scan3A_1014 = %scan3A_823 to %scan3A_825 step %scan3A_826 iter_args(%scan3A_1015 = %broadcast_in_dim3A_822, %scan3A_1016 = %broadcast_in_dim3A_822, %scan3A_1017 = %broadcast_in_dim3A_822, %scan3A_1018 = %broadcast_in_dim3A_822) -> (vector<16xf32>, vector<16xf32>, vector<16xf32>, vector<16xf32>)  : i32 {
        %mul3A_1019 = arith.constant 8 : i32
        %mul3A_1020 = arith.muli %scan3A_1014, %mul3A_1019 : i32
        %add3A_1021 = arith.constant 1200 : i32
        %add3A_1022 = arith.addi %add3A_1021, %mul3A_1020 : i32
        %get3A = arith.index_cast %add3A_1022 : i32 to index
        %get3A_1023 = arith.constant 0 : index
        %get3A_1024 = tpu.vector_load %arg13[%get3A, %get3A_1023] {strides = array<i32>} : memref<1600x16xf32, #tpu.memory_space<vmem>>, vector<1x16xf32>,
        %get3A_1025 = vector.shape_cast %get3A_1024 : vector<1x16xf32> to vector<16xf32>
        %add3A_1026 = arith.addf %scan3A_1015, %get3A_1025 : vector<16xf32>
        %add3A_1027 = arith.constant 4 : i32
        %add3A_1028 = arith.addi %add3A_1022, %add3A_1027 : i32
        %get3A_1029 = arith.index_cast %add3A_1028 : i32 to index
        %get3A_1030 = arith.constant 0 : index
        %get3A_1031 = tpu.vector_load %arg13[%get3A_1029, %get3A_1030] {strides = array<i32>} : memref<1600x16xf32, #tpu.memory_space<vmem>>, vector<1x16xf32>,
        %get3A_1032 = vector.shape_cast %get3A_1031 : vector<1x16xf32> to vector<16xf32>
        %add3A_1033 = arith.addf %add3A_1026, %get3A_1032 : vector<16xf32>
        %add3A_1034 = arith.constant 1 : i32
        %add3A_1035 = arith.addi %add3A_1022, %add3A_1034 : i32
        %get3A_1036 = arith.index_cast %add3A_1035 : i32 to index
        %get3A_1037 = arith.constant 0 : index
        %get3A_1038 = tpu.vector_load %arg13[%get3A_1036, %get3A_1037] {strides = array<i32>} : memref<1600x16xf32, #tpu.memory_space<vmem>>, vector<1x16xf32>,
        %get3A_1039 = vector.shape_cast %get3A_1038 : vector<1x16xf32> to vector<16xf32>
        %add3A_1040 = arith.addf %scan3A_1016, %get3A_1039 : vector<16xf32>
        %add3A_1041 = arith.constant 5 : i32
        %add3A_1042 = arith.addi %add3A_1022, %add3A_1041 : i32
        %get3A_1043 = arith.index_cast %add3A_1042 : i32 to index
        %get3A_1044 = arith.constant 0 : index
        %get3A_1045 = tpu.vector_load %arg13[%get3A_1043, %get3A_1044] {strides = array<i32>} : memref<1600x16xf32, #tpu.memory_space<vmem>>, vector<1x16xf32>,
        %get3A_1046 = vector.shape_cast %get3A_1045 : vector<1x16xf32> to vector<16xf32>
        %add3A_1047 = arith.addf %add3A_1040, %get3A_1046 : vector<16xf32>
        %add3A_1048 = arith.constant 2 : i32
        %add3A_1049 = arith.addi %add3A_1022, %add3A_1048 : i32
        %get3A_1050 = arith.index_cast %add3A_1049 : i32 to index
        %get3A_1051 = arith.constant 0 : index
        %get3A_1052 = tpu.vector_load %arg13[%get3A_1050, %get3A_1051] {strides = array<i32>} : memref<1600x16xf32, #tpu.memory_space<vmem>>, vector<1x16xf32>,
        %get3A_1053 = vector.shape_cast %get3A_1052 : vector<1x16xf32> to vector<16xf32>
        %add3A_1054 = arith.addf %scan3A_1017, %get3A_1053 : vector<16xf32>
        %add3A_1055 = arith.constant 6 : i32
        %add3A_1056 = arith.addi %add3A_1022, %add3A_1055 : i32
        %get3A_1057 = arith.index_cast %add3A_1056 : i32 to index
        %get3A_1058 = arith.constant 0 : index
        %get3A_1059 = tpu.vector_load %arg13[%get3A_1057, %get3A_1058] {strides = array<i32>} : memref<1600x16xf32, #tpu.memory_space<vmem>>, vector<1x16xf32>,
        %get3A_1060 = vector.shape_cast %get3A_1059 : vector<1x16xf32> to vector<16xf32>
        %add3A_1061 = arith.addf %add3A_1054, %get3A_1060 : vector<16xf32>
        %add3A_1062 = arith.constant 3 : i32
        %add3A_1063 = arith.addi %add3A_1022, %add3A_1062 : i32
        %get3A_1064 = arith.index_cast %add3A_1063 : i32 to index
        %get3A_1065 = arith.constant 0 : index
        %get3A_1066 = tpu.vector_load %arg13[%get3A_1064, %get3A_1065] {strides = array<i32>} : memref<1600x16xf32, #tpu.memory_space<vmem>>, vector<1x16xf32>,
        %get3A_1067 = vector.shape_cast %get3A_1066 : vector<1x16xf32> to vector<16xf32>
        %add3A_1068 = arith.addf %scan3A_1018, %get3A_1067 : vector<16xf32>
        %add3A_1069 = arith.constant 7 : i32
        %add3A_1070 = arith.addi %add3A_1022, %add3A_1069 : i32
        %get3A_1071 = arith.index_cast %add3A_1070 : i32 to index
        %get3A_1072 = arith.constant 0 : index
        %get3A_1073 = tpu.vector_load %arg13[%get3A_1071, %get3A_1072] {strides = array<i32>} : memref<1600x16xf32, #tpu.memory_space<vmem>>, vector<1x16xf32>,
        %get3A_1074 = vector.shape_cast %get3A_1073 : vector<1x16xf32> to vector<16xf32>
        %add3A_1075 = arith.addf %add3A_1068, %get3A_1074 : vector<16xf32>
        scf.yield %add3A_1033, %add3A_1047, %add3A_1061, %add3A_1075 : vector<16xf32>, vector<16xf32>, vector<16xf32>, vector<16xf32>
      }
      %scan3A_828 = arith.constant 25 : i32
      %add3A_829 = arith.addf %scan3A_827#0, %scan3A_827#1 : vector<16xf32>
      %add3A_830 = arith.addf %scan3A_827#2, %scan3A_827#3 : vector<16xf32>
      %add3A_831 = arith.addf %add3A_829, %add3A_830 : vector<16xf32>
      %swap3A_832 = arith.constant 6 : i32
      %swap3A_833 = arith.index_cast %swap3A_832 : i32 to index
      %swap3A_834 = arith.constant 0 : index
      %swap3A_835 = tpu.vector_load %arg15[%swap3A_833, %swap3A_834] {strides = array<i32>} : memref<8x16xf32, #tpu.memory_space<vmem>>, vector<1x16xf32>,
      %swap3A_836 = vector.shape_cast %swap3A_835 : vector<1x16xf32> to vector<16xf32>
      %swap3A_837 = vector.shape_cast %add3A_831 : vector<16xf32> to vector<1x16xf32>
      tpu.vector_store %arg15[%swap3A_833, %swap3A_834], %swap3A_837 {strides = array<i32>} : memref<8x16xf32, #tpu.memory_space<vmem>>, vector<1x16xf32>,
      %broadcast_in_dim3A_838 = arith.constant 0.000000e+00 : f32
      %broadcast_in_dim3A_839 = vector.broadcast %broadcast_in_dim3A_838 : f32 to vector<16xf32>
      %scan3A_840 = arith.constant 0 : i32
      %scan3A_841 = arith.constant 25 : i32
      %scan3A_842 = arith.addi %scan3A_840, %scan3A_841 : i32
      %scan3A_843 = arith.constant 1 : i32
      %scan3A_844:4 = scf.for %scan3A_1014 = %scan3A_840 to %scan3A_842 step %scan3A_843 iter_args(%scan3A_1015 = %broadcast_in_dim3A_839, %scan3A_1016 = %broadcast_in_dim3A_839, %scan3A_1017 = %broadcast_in_dim3A_839, %scan3A_1018 = %broadcast_in_dim3A_839) -> (vector<16xf32>, vector<16xf32>, vector<16xf32>, vector<16xf32>)  : i32 {
        %mul3A_1019 = arith.constant 8 : i32
        %mul3A_1020 = arith.muli %scan3A_1014, %mul3A_1019 : i32
        %add3A_1021 = arith.constant 1400 : i32
        %add3A_1022 = arith.addi %add3A_1021, %mul3A_1020 : i32
        %get3A = arith.index_cast %add3A_1022 : i32 to index
        %get3A_1023 = arith.constant 0 : index
        %get3A_1024 = tpu.vector_load %arg13[%get3A, %get3A_1023] {strides = array<i32>} : memref<1600x16xf32, #tpu.memory_space<vmem>>, vector<1x16xf32>,
        %get3A_1025 = vector.shape_cast %get3A_1024 : vector<1x16xf32> to vector<16xf32>
        %add3A_1026 = arith.addf %scan3A_1015, %get3A_1025 : vector<16xf32>
        %add3A_1027 = arith.constant 4 : i32
        %add3A_1028 = arith.addi %add3A_1022, %add3A_1027 : i32
        %get3A_1029 = arith.index_cast %add3A_1028 : i32 to index
        %get3A_1030 = arith.constant 0 : index
        %get3A_1031 = tpu.vector_load %arg13[%get3A_1029, %get3A_1030] {strides = array<i32>} : memref<1600x16xf32, #tpu.memory_space<vmem>>, vector<1x16xf32>,
        %get3A_1032 = vector.shape_cast %get3A_1031 : vector<1x16xf32> to vector<16xf32>
        %add3A_1033 = arith.addf %add3A_1026, %get3A_1032 : vector<16xf32>
        %add3A_1034 = arith.constant 1 : i32
        %add3A_1035 = arith.addi %add3A_1022, %add3A_1034 : i32
        %get3A_1036 = arith.index_cast %add3A_1035 : i32 to index
        %get3A_1037 = arith.constant 0 : index
        %get3A_1038 = tpu.vector_load %arg13[%get3A_1036, %get3A_1037] {strides = array<i32>} : memref<1600x16xf32, #tpu.memory_space<vmem>>, vector<1x16xf32>,
        %get3A_1039 = vector.shape_cast %get3A_1038 : vector<1x16xf32> to vector<16xf32>
        %add3A_1040 = arith.addf %scan3A_1016, %get3A_1039 : vector<16xf32>
        %add3A_1041 = arith.constant 5 : i32
        %add3A_1042 = arith.addi %add3A_1022, %add3A_1041 : i32
        %get3A_1043 = arith.index_cast %add3A_1042 : i32 to index
        %get3A_1044 = arith.constant 0 : index
        %get3A_1045 = tpu.vector_load %arg13[%get3A_1043, %get3A_1044] {strides = array<i32>} : memref<1600x16xf32, #tpu.memory_space<vmem>>, vector<1x16xf32>,
        %get3A_1046 = vector.shape_cast %get3A_1045 : vector<1x16xf32> to vector<16xf32>
        %add3A_1047 = arith.addf %add3A_1040, %get3A_1046 : vector<16xf32>
        %add3A_1048 = arith.constant 2 : i32
        %add3A_1049 = arith.addi %add3A_1022, %add3A_1048 : i32
        %get3A_1050 = arith.index_cast %add3A_1049 : i32 to index
        %get3A_1051 = arith.constant 0 : index
        %get3A_1052 = tpu.vector_load %arg13[%get3A_1050, %get3A_1051] {strides = array<i32>} : memref<1600x16xf32, #tpu.memory_space<vmem>>, vector<1x16xf32>,
        %get3A_1053 = vector.shape_cast %get3A_1052 : vector<1x16xf32> to vector<16xf32>
        %add3A_1054 = arith.addf %scan3A_1017, %get3A_1053 : vector<16xf32>
        %add3A_1055 = arith.constant 6 : i32
        %add3A_1056 = arith.addi %add3A_1022, %add3A_1055 : i32
        %get3A_1057 = arith.index_cast %add3A_1056 : i32 to index
        %get3A_1058 = arith.constant 0 : index
        %get3A_1059 = tpu.vector_load %arg13[%get3A_1057, %get3A_1058] {strides = array<i32>} : memref<1600x16xf32, #tpu.memory_space<vmem>>, vector<1x16xf32>,
        %get3A_1060 = vector.shape_cast %get3A_1059 : vector<1x16xf32> to vector<16xf32>
        %add3A_1061 = arith.addf %add3A_1054, %get3A_1060 : vector<16xf32>
        %add3A_1062 = arith.constant 3 : i32
        %add3A_1063 = arith.addi %add3A_1022, %add3A_1062 : i32
        %get3A_1064 = arith.index_cast %add3A_1063 : i32 to index
        %get3A_1065 = arith.constant 0 : index
        %get3A_1066 = tpu.vector_load %arg13[%get3A_1064, %get3A_1065] {strides = array<i32>} : memref<1600x16xf32, #tpu.memory_space<vmem>>, vector<1x16xf32>,
        %get3A_1067 = vector.shape_cast %get3A_1066 : vector<1x16xf32> to vector<16xf32>
        %add3A_1068 = arith.addf %scan3A_1018, %get3A_1067 : vector<16xf32>
        %add3A_1069 = arith.constant 7 : i32
        %add3A_1070 = arith.addi %add3A_1022, %add3A_1069 : i32
        %get3A_1071 = arith.index_cast %add3A_1070 : i32 to index
        %get3A_1072 = arith.constant 0 : index
        %get3A_1073 = tpu.vector_load %arg13[%get3A_1071, %get3A_1072] {strides = array<i32>} : memref<1600x16xf32, #tpu.memory_space<vmem>>, vector<1x16xf32>,
        %get3A_1074 = vector.shape_cast %get3A_1073 : vector<1x16xf32> to vector<16xf32>
        %add3A_1075 = arith.addf %add3A_1068, %get3A_1074 : vector<16xf32>
        scf.yield %add3A_1033, %add3A_1047, %add3A_1061, %add3A_1075 : vector<16xf32>, vector<16xf32>, vector<16xf32>, vector<16xf32>
      }
      %scan3A_845 = arith.constant 25 : i32
      %add3A_846 = arith.addf %scan3A_844#0, %scan3A_844#1 : vector<16xf32>
      %add3A_847 = arith.addf %scan3A_844#2, %scan3A_844#3 : vector<16xf32>
      %add3A_848 = arith.addf %add3A_846, %add3A_847 : vector<16xf32>
      %swap3A_849 = arith.constant 7 : i32
      %swap3A_850 = arith.index_cast %swap3A_849 : i32 to index
      %swap3A_851 = arith.constant 0 : index
      %swap3A_852 = tpu.vector_load %arg15[%swap3A_850, %swap3A_851] {strides = array<i32>} : memref<8x16xf32, #tpu.memory_space<vmem>>, vector<1x16xf32>,
      %swap3A_853 = vector.shape_cast %swap3A_852 : vector<1x16xf32> to vector<16xf32>
      %swap3A_854 = vector.shape_cast %add3A_848 : vector<16xf32> to vector<1x16xf32>
      tpu.vector_store %arg15[%swap3A_850, %swap3A_851], %swap3A_854 {strides = array<i32>} : memref<8x16xf32, #tpu.memory_space<vmem>>, vector<1x16xf32>,
      %mul3A_855 = arith.constant 8 : i32
      %mul3A_856 = arith.muli %add3A_705, %mul3A_855 : i32
      %add3A_857 = arith.addi %mul3A_2, %mul3A_856 : i32
      "tpu.region"() ({
        %run_scoped3A = tpu.sem_alloc : memref<!tpu.dma_semaphore, #tpu.memory_space<semaphore_mem>>
        %dma_start3A_1014 = arith.constant 0 : i32
        %dma_start3A_1015 = tpu.memref_slice %arg5[%add3A_857, %dma_start3A_1014] : memref<16384x16xf32, #tpu.memory_space<hbm>> -> memref<8x16xf32, #tpu.memory_space<hbm>>
        %dma_start3A_1016 = arith.constant 0 : i32
        %dma_start3A_1017 = tpu.memref_slice %arg5[%add3A_857, %dma_start3A_1016] : memref<16384x16xf32, #tpu.memory_space<hbm>> -> memref<8x16xf32, #tpu.memory_space<hbm>>
        tpu.enqueue_dma source(%arg15 : memref<8x16xf32, #tpu.memory_space<vmem>>) target(%dma_start3A_1017 : memref<8x16xf32, #tpu.memory_space<hbm>>) target_semaphore(%run_scoped3A : memref<!tpu.dma_semaphore, #tpu.memory_space<semaphore_mem>>)
        %dma_wait3A_1018 = arith.constant 0 : i32
        %dma_wait3A_1019 = tpu.memref_slice %arg5[%add3A_857, %dma_wait3A_1018] : memref<16384x16xf32, #tpu.memory_space<hbm>> -> memref<8x16xf32, #tpu.memory_space<hbm>>
        %dma_wait3A_1020 = arith.constant 0 : i32
        %dma_wait3A_1021 = tpu.memref_slice %arg5[%add3A_857, %dma_wait3A_1020] : memref<16384x16xf32, #tpu.memory_space<hbm>> -> memref<8x16xf32, #tpu.memory_space<hbm>>
        tpu.wait_dma2 semaphore(%run_scoped3A : memref<!tpu.dma_semaphore, #tpu.memory_space<semaphore_mem>>) src(%arg15 : memref<8x16xf32, #tpu.memory_space<vmem>>) dst(%dma_wait3A_1021 : memref<8x16xf32, #tpu.memory_space<hbm>>)
        tpu.yield
      }) : () -> ()
      %mul3A_858 = arith.constant 4 : i32
      %mul3A_859 = arith.muli %mul3A_858, %scan3A_394 : i32
      %add3A_860 = arith.constant 3 : i32
      %add3A_861 = arith.addi %mul3A_859, %add3A_860 : i32
      %add3A_862 = arith.constant 3 : i32
      %add3A_863 = arith.addi %add3A_861, %add3A_862 : i32
      %lt3A_864 = arith.constant 64 : i32
      %lt3A_865 = arith.cmpi slt, %add3A_863, %lt3A_864 : i32
      %convert_element_type3A_866 = arith.extui %lt3A_865 : i1 to i32
      %cond3A_867 = arith.constant 0 : i32
      %cond3A_868 = arith.cmpi ne, %convert_element_type3A_866, %cond3A_867 : i32
      scf.if %cond3A_868 {
        %mul3A_1014 = arith.constant 8 : i32
        %mul3A_1015 = arith.muli %add3A_863, %mul3A_1014 : i32
        %add3A_1016 = arith.addi %mul3A_2, %mul3A_1015 : i32
        %mul3A_1017 = arith.constant 200 : i32
        %mul3A_1018 = arith.muli %add3A_1016, %mul3A_1017 : i32
        "tpu.region"() ({
          %run_scoped3A = tpu.sem_alloc : memref<!tpu.dma_semaphore, #tpu.memory_space<semaphore_mem>>
          %dma_start3A_1123 = tpu.memref_slice %arg2[%mul3A_1018] : memref<3276800xi32, #tpu.memory_space<hbm>> -> memref<1600xi32, #tpu.memory_space<hbm>>
          %dma_start3A_1124 = tpu.memref_slice %arg2[%mul3A_1018] : memref<3276800xi32, #tpu.memory_space<hbm>> -> memref<1600xi32, #tpu.memory_space<hbm>>
          tpu.enqueue_dma source(%dma_start3A_1124 : memref<1600xi32, #tpu.memory_space<hbm>>) target(%arg9 : memref<1600xi32, #tpu.memory_space<vmem>>) target_semaphore(%run_scoped3A : memref<!tpu.dma_semaphore, #tpu.memory_space<semaphore_mem>>)
          %dma_wait3A_1125 = tpu.memref_slice %arg2[%mul3A_1018] : memref<3276800xi32, #tpu.memory_space<hbm>> -> memref<1600xi32, #tpu.memory_space<hbm>>
          %dma_wait3A_1126 = tpu.memref_slice %arg2[%mul3A_1018] : memref<3276800xi32, #tpu.memory_space<hbm>> -> memref<1600xi32, #tpu.memory_space<hbm>>
          tpu.wait_dma2 semaphore(%run_scoped3A : memref<!tpu.dma_semaphore, #tpu.memory_space<semaphore_mem>>) src(%dma_wait3A_1126 : memref<1600xi32, #tpu.memory_space<hbm>>) dst(%arg9 : memref<1600xi32, #tpu.memory_space<vmem>>)
          tpu.yield
        }) : () -> ()
        %dma_start3A_1019 = arith.constant 0 : i32
        %dma_start3A_1020 = arith.constant 0 : i32
        %dma_start3A_1021 = tpu.memref_slice %arg13[%dma_start3A_1019, %dma_start3A_1020] : memref<1600x16xf32, #tpu.memory_space<vmem>> -> memref<128x16xf32, #tpu.memory_space<vmem>>
        %dma_start3A_1022 = arith.constant 0 : i32
        %dma_start3A_1023 = tpu.memref_slice %arg9[%dma_start3A_1022] : memref<1600xi32, #tpu.memory_space<vmem>> -> memref<128xi32, #tpu.memory_space<vmem>>
        %dma_start3A_1024 = arith.constant 0 : i32
        %dma_start3A_1025 = arith.constant 0 : i32
        %dma_start3A_1026 = tpu.memref_slice %arg4[%dma_start3A_1024, %dma_start3A_1025] : memref<1000000x16xf32, #tpu.memory_space<hbm>> -> memref<1000000x16xf32, #tpu.memory_space<hbm>>
        tpu.enqueue_indirect_dma source(%dma_start3A_1026 : memref<1000000x16xf32, #tpu.memory_space<hbm>>) target(%dma_start3A_1021 : memref<128x16xf32, #tpu.memory_space<vmem>>) offsets(%dma_start3A_1023 : memref<128xi32, #tpu.memory_space<vmem>>) semaphore(%arg20 : memref<!tpu.dma_semaphore, #tpu.memory_space<semaphore_mem>>)
        %dma_start3A_1027 = arith.constant 128 : i32
        %dma_start3A_1028 = arith.constant 0 : i32
        %dma_start3A_1029 = tpu.memref_slice %arg13[%dma_start3A_1027, %dma_start3A_1028] : memref<1600x16xf32, #tpu.memory_space<vmem>> -> memref<128x16xf32, #tpu.memory_space<vmem>>
        %dma_start3A_1030 = arith.constant 128 : i32
        %dma_start3A_1031 = tpu.memref_slice %arg9[%dma_start3A_1030] : memref<1600xi32, #tpu.memory_space<vmem>> -> memref<128xi32, #tpu.memory_space<vmem>>
        %dma_start3A_1032 = arith.constant 0 : i32
        %dma_start3A_1033 = arith.constant 0 : i32
        %dma_start3A_1034 = tpu.memref_slice %arg4[%dma_start3A_1032, %dma_start3A_1033] : memref<1000000x16xf32, #tpu.memory_space<hbm>> -> memref<1000000x16xf32, #tpu.memory_space<hbm>>
        tpu.enqueue_indirect_dma source(%dma_start3A_1034 : memref<1000000x16xf32, #tpu.memory_space<hbm>>) target(%dma_start3A_1029 : memref<128x16xf32, #tpu.memory_space<vmem>>) offsets(%dma_start3A_1031 : memref<128xi32, #tpu.memory_space<vmem>>) semaphore(%arg20 : memref<!tpu.dma_semaphore, #tpu.memory_space<semaphore_mem>>)
        %dma_start3A_1035 = arith.constant 256 : i32
        %dma_start3A_1036 = arith.constant 0 : i32
        %dma_start3A_1037 = tpu.memref_slice %arg13[%dma_start3A_1035, %dma_start3A_1036] : memref<1600x16xf32, #tpu.memory_space<vmem>> -> memref<128x16xf32, #tpu.memory_space<vmem>>
        %dma_start3A_1038 = arith.constant 256 : i32
        %dma_start3A_1039 = tpu.memref_slice %arg9[%dma_start3A_1038] : memref<1600xi32, #tpu.memory_space<vmem>> -> memref<128xi32, #tpu.memory_space<vmem>>
        %dma_start3A_1040 = arith.constant 0 : i32
        %dma_start3A_1041 = arith.constant 0 : i32
        %dma_start3A_1042 = tpu.memref_slice %arg4[%dma_start3A_1040, %dma_start3A_1041] : memref<1000000x16xf32, #tpu.memory_space<hbm>> -> memref<1000000x16xf32, #tpu.memory_space<hbm>>
        tpu.enqueue_indirect_dma source(%dma_start3A_1042 : memref<1000000x16xf32, #tpu.memory_space<hbm>>) target(%dma_start3A_1037 : memref<128x16xf32, #tpu.memory_space<vmem>>) offsets(%dma_start3A_1039 : memref<128xi32, #tpu.memory_space<vmem>>) semaphore(%arg20 : memref<!tpu.dma_semaphore, #tpu.memory_space<semaphore_mem>>)
        %dma_start3A_1043 = arith.constant 384 : i32
        %dma_start3A_1044 = arith.constant 0 : i32
        %dma_start3A_1045 = tpu.memref_slice %arg13[%dma_start3A_1043, %dma_start3A_1044] : memref<1600x16xf32, #tpu.memory_space<vmem>> -> memref<128x16xf32, #tpu.memory_space<vmem>>
        %dma_start3A_1046 = arith.constant 384 : i32
        %dma_start3A_1047 = tpu.memref_slice %arg9[%dma_start3A_1046] : memref<1600xi32, #tpu.memory_space<vmem>> -> memref<128xi32, #tpu.memory_space<vmem>>
        %dma_start3A_1048 = arith.constant 0 : i32
        %dma_start3A_1049 = arith.constant 0 : i32
        %dma_start3A_1050 = tpu.memref_slice %arg4[%dma_start3A_1048, %dma_start3A_1049] : memref<1000000x16xf32, #tpu.memory_space<hbm>> -> memref<1000000x16xf32, #tpu.memory_space<hbm>>
        tpu.enqueue_indirect_dma source(%dma_start3A_1050 : memref<1000000x16xf32, #tpu.memory_space<hbm>>) target(%dma_start3A_1045 : memref<128x16xf32, #tpu.memory_space<vmem>>) offsets(%dma_start3A_1047 : memref<128xi32, #tpu.memory_space<vmem>>) semaphore(%arg20 : memref<!tpu.dma_semaphore, #tpu.memory_space<semaphore_mem>>)
        %dma_start3A_1051 = arith.constant 512 : i32
        %dma_start3A_1052 = arith.constant 0 : i32
        %dma_start3A_1053 = tpu.memref_slice %arg13[%dma_start3A_1051, %dma_start3A_1052] : memref<1600x16xf32, #tpu.memory_space<vmem>> -> memref<128x16xf32, #tpu.memory_space<vmem>>
        %dma_start3A_1054 = arith.constant 512 : i32
        %dma_start3A_1055 = tpu.memref_slice %arg9[%dma_start3A_1054] : memref<1600xi32, #tpu.memory_space<vmem>> -> memref<128xi32, #tpu.memory_space<vmem>>
        %dma_start3A_1056 = arith.constant 0 : i32
        %dma_start3A_1057 = arith.constant 0 : i32
        %dma_start3A_1058 = tpu.memref_slice %arg4[%dma_start3A_1056, %dma_start3A_1057] : memref<1000000x16xf32, #tpu.memory_space<hbm>> -> memref<1000000x16xf32, #tpu.memory_space<hbm>>
        tpu.enqueue_indirect_dma source(%dma_start3A_1058 : memref<1000000x16xf32, #tpu.memory_space<hbm>>) target(%dma_start3A_1053 : memref<128x16xf32, #tpu.memory_space<vmem>>) offsets(%dma_start3A_1055 : memref<128xi32, #tpu.memory_space<vmem>>) semaphore(%arg20 : memref<!tpu.dma_semaphore, #tpu.memory_space<semaphore_mem>>)
        %dma_start3A_1059 = arith.constant 640 : i32
        %dma_start3A_1060 = arith.constant 0 : i32
        %dma_start3A_1061 = tpu.memref_slice %arg13[%dma_start3A_1059, %dma_start3A_1060] : memref<1600x16xf32, #tpu.memory_space<vmem>> -> memref<128x16xf32, #tpu.memory_space<vmem>>
        %dma_start3A_1062 = arith.constant 640 : i32
        %dma_start3A_1063 = tpu.memref_slice %arg9[%dma_start3A_1062] : memref<1600xi32, #tpu.memory_space<vmem>> -> memref<128xi32, #tpu.memory_space<vmem>>
        %dma_start3A_1064 = arith.constant 0 : i32
        %dma_start3A_1065 = arith.constant 0 : i32
        %dma_start3A_1066 = tpu.memref_slice %arg4[%dma_start3A_1064, %dma_start3A_1065] : memref<1000000x16xf32, #tpu.memory_space<hbm>> -> memref<1000000x16xf32, #tpu.memory_space<hbm>>
        tpu.enqueue_indirect_dma source(%dma_start3A_1066 : memref<1000000x16xf32, #tpu.memory_space<hbm>>) target(%dma_start3A_1061 : memref<128x16xf32, #tpu.memory_space<vmem>>) offsets(%dma_start3A_1063 : memref<128xi32, #tpu.memory_space<vmem>>) semaphore(%arg20 : memref<!tpu.dma_semaphore, #tpu.memory_space<semaphore_mem>>)
        %dma_start3A_1067 = arith.constant 768 : i32
        %dma_start3A_1068 = arith.constant 0 : i32
        %dma_start3A_1069 = tpu.memref_slice %arg13[%dma_start3A_1067, %dma_start3A_1068] : memref<1600x16xf32, #tpu.memory_space<vmem>> -> memref<128x16xf32, #tpu.memory_space<vmem>>
        %dma_start3A_1070 = arith.constant 768 : i32
        %dma_start3A_1071 = tpu.memref_slice %arg9[%dma_start3A_1070] : memref<1600xi32, #tpu.memory_space<vmem>> -> memref<128xi32, #tpu.memory_space<vmem>>
        %dma_start3A_1072 = arith.constant 0 : i32
        %dma_start3A_1073 = arith.constant 0 : i32
        %dma_start3A_1074 = tpu.memref_slice %arg4[%dma_start3A_1072, %dma_start3A_1073] : memref<1000000x16xf32, #tpu.memory_space<hbm>> -> memref<1000000x16xf32, #tpu.memory_space<hbm>>
        tpu.enqueue_indirect_dma source(%dma_start3A_1074 : memref<1000000x16xf32, #tpu.memory_space<hbm>>) target(%dma_start3A_1069 : memref<128x16xf32, #tpu.memory_space<vmem>>) offsets(%dma_start3A_1071 : memref<128xi32, #tpu.memory_space<vmem>>) semaphore(%arg20 : memref<!tpu.dma_semaphore, #tpu.memory_space<semaphore_mem>>)
        %dma_start3A_1075 = arith.constant 896 : i32
        %dma_start3A_1076 = arith.constant 0 : i32
        %dma_start3A_1077 = tpu.memref_slice %arg13[%dma_start3A_1075, %dma_start3A_1076] : memref<1600x16xf32, #tpu.memory_space<vmem>> -> memref<128x16xf32, #tpu.memory_space<vmem>>
        %dma_start3A_1078 = arith.constant 896 : i32
        %dma_start3A_1079 = tpu.memref_slice %arg9[%dma_start3A_1078] : memref<1600xi32, #tpu.memory_space<vmem>> -> memref<128xi32, #tpu.memory_space<vmem>>
        %dma_start3A_1080 = arith.constant 0 : i32
        %dma_start3A_1081 = arith.constant 0 : i32
        %dma_start3A_1082 = tpu.memref_slice %arg4[%dma_start3A_1080, %dma_start3A_1081] : memref<1000000x16xf32, #tpu.memory_space<hbm>> -> memref<1000000x16xf32, #tpu.memory_space<hbm>>
        tpu.enqueue_indirect_dma source(%dma_start3A_1082 : memref<1000000x16xf32, #tpu.memory_space<hbm>>) target(%dma_start3A_1077 : memref<128x16xf32, #tpu.memory_space<vmem>>) offsets(%dma_start3A_1079 : memref<128xi32, #tpu.memory_space<vmem>>) semaphore(%arg20 : memref<!tpu.dma_semaphore, #tpu.memory_space<semaphore_mem>>)
        %dma_start3A_1083 = arith.constant 1024 : i32
        %dma_start3A_1084 = arith.constant 0 : i32
        %dma_start3A_1085 = tpu.memref_slice %arg13[%dma_start3A_1083, %dma_start3A_1084] : memref<1600x16xf32, #tpu.memory_space<vmem>> -> memref<128x16xf32, #tpu.memory_space<vmem>>
        %dma_start3A_1086 = arith.constant 1024 : i32
        %dma_start3A_1087 = tpu.memref_slice %arg9[%dma_start3A_1086] : memref<1600xi32, #tpu.memory_space<vmem>> -> memref<128xi32, #tpu.memory_space<vmem>>
        %dma_start3A_1088 = arith.constant 0 : i32
        %dma_start3A_1089 = arith.constant 0 : i32
        %dma_start3A_1090 = tpu.memref_slice %arg4[%dma_start3A_1088, %dma_start3A_1089] : memref<1000000x16xf32, #tpu.memory_space<hbm>> -> memref<1000000x16xf32, #tpu.memory_space<hbm>>
        tpu.enqueue_indirect_dma source(%dma_start3A_1090 : memref<1000000x16xf32, #tpu.memory_space<hbm>>) target(%dma_start3A_1085 : memref<128x16xf32, #tpu.memory_space<vmem>>) offsets(%dma_start3A_1087 : memref<128xi32, #tpu.memory_space<vmem>>) semaphore(%arg20 : memref<!tpu.dma_semaphore, #tpu.memory_space<semaphore_mem>>)
        %dma_start3A_1091 = arith.constant 1152 : i32
        %dma_start3A_1092 = arith.constant 0 : i32
        %dma_start3A_1093 = tpu.memref_slice %arg13[%dma_start3A_1091, %dma_start3A_1092] : memref<1600x16xf32, #tpu.memory_space<vmem>> -> memref<128x16xf32, #tpu.memory_space<vmem>>
        %dma_start3A_1094 = arith.constant 1152 : i32
        %dma_start3A_1095 = tpu.memref_slice %arg9[%dma_start3A_1094] : memref<1600xi32, #tpu.memory_space<vmem>> -> memref<128xi32, #tpu.memory_space<vmem>>
        %dma_start3A_1096 = arith.constant 0 : i32
        %dma_start3A_1097 = arith.constant 0 : i32
        %dma_start3A_1098 = tpu.memref_slice %arg4[%dma_start3A_1096, %dma_start3A_1097] : memref<1000000x16xf32, #tpu.memory_space<hbm>> -> memref<1000000x16xf32, #tpu.memory_space<hbm>>
        tpu.enqueue_indirect_dma source(%dma_start3A_1098 : memref<1000000x16xf32, #tpu.memory_space<hbm>>) target(%dma_start3A_1093 : memref<128x16xf32, #tpu.memory_space<vmem>>) offsets(%dma_start3A_1095 : memref<128xi32, #tpu.memory_space<vmem>>) semaphore(%arg20 : memref<!tpu.dma_semaphore, #tpu.memory_space<semaphore_mem>>)
        %dma_start3A_1099 = arith.constant 1280 : i32
        %dma_start3A_1100 = arith.constant 0 : i32
        %dma_start3A_1101 = tpu.memref_slice %arg13[%dma_start3A_1099, %dma_start3A_1100] : memref<1600x16xf32, #tpu.memory_space<vmem>> -> memref<128x16xf32, #tpu.memory_space<vmem>>
        %dma_start3A_1102 = arith.constant 1280 : i32
        %dma_start3A_1103 = tpu.memref_slice %arg9[%dma_start3A_1102] : memref<1600xi32, #tpu.memory_space<vmem>> -> memref<128xi32, #tpu.memory_space<vmem>>
        %dma_start3A_1104 = arith.constant 0 : i32
        %dma_start3A_1105 = arith.constant 0 : i32
        %dma_start3A_1106 = tpu.memref_slice %arg4[%dma_start3A_1104, %dma_start3A_1105] : memref<1000000x16xf32, #tpu.memory_space<hbm>> -> memref<1000000x16xf32, #tpu.memory_space<hbm>>
        tpu.enqueue_indirect_dma source(%dma_start3A_1106 : memref<1000000x16xf32, #tpu.memory_space<hbm>>) target(%dma_start3A_1101 : memref<128x16xf32, #tpu.memory_space<vmem>>) offsets(%dma_start3A_1103 : memref<128xi32, #tpu.memory_space<vmem>>) semaphore(%arg20 : memref<!tpu.dma_semaphore, #tpu.memory_space<semaphore_mem>>)
        %dma_start3A_1107 = arith.constant 1408 : i32
        %dma_start3A_1108 = arith.constant 0 : i32
        %dma_start3A_1109 = tpu.memref_slice %arg13[%dma_start3A_1107, %dma_start3A_1108] : memref<1600x16xf32, #tpu.memory_space<vmem>> -> memref<128x16xf32, #tpu.memory_space<vmem>>
        %dma_start3A_1110 = arith.constant 1408 : i32
        %dma_start3A_1111 = tpu.memref_slice %arg9[%dma_start3A_1110] : memref<1600xi32, #tpu.memory_space<vmem>> -> memref<128xi32, #tpu.memory_space<vmem>>
        %dma_start3A_1112 = arith.constant 0 : i32
        %dma_start3A_1113 = arith.constant 0 : i32
        %dma_start3A_1114 = tpu.memref_slice %arg4[%dma_start3A_1112, %dma_start3A_1113] : memref<1000000x16xf32, #tpu.memory_space<hbm>> -> memref<1000000x16xf32, #tpu.memory_space<hbm>>
        tpu.enqueue_indirect_dma source(%dma_start3A_1114 : memref<1000000x16xf32, #tpu.memory_space<hbm>>) target(%dma_start3A_1109 : memref<128x16xf32, #tpu.memory_space<vmem>>) offsets(%dma_start3A_1111 : memref<128xi32, #tpu.memory_space<vmem>>) semaphore(%arg20 : memref<!tpu.dma_semaphore, #tpu.memory_space<semaphore_mem>>)
        %dma_start3A_1115 = arith.constant 1536 : i32
        %dma_start3A_1116 = arith.constant 0 : i32
        %dma_start3A_1117 = tpu.memref_slice %arg13[%dma_start3A_1115, %dma_start3A_1116] : memref<1600x16xf32, #tpu.memory_space<vmem>> -> memref<64x16xf32, #tpu.memory_space<vmem>>
        %dma_start3A_1118 = arith.constant 1536 : i32
        %dma_start3A_1119 = tpu.memref_slice %arg9[%dma_start3A_1118] : memref<1600xi32, #tpu.memory_space<vmem>> -> memref<64xi32, #tpu.memory_space<vmem>>
        %dma_start3A_1120 = arith.constant 0 : i32
        %dma_start3A_1121 = arith.constant 0 : i32
        %dma_start3A_1122 = tpu.memref_slice %arg4[%dma_start3A_1120, %dma_start3A_1121] : memref<1000000x16xf32, #tpu.memory_space<hbm>> -> memref<1000000x16xf32, #tpu.memory_space<hbm>>
        tpu.enqueue_indirect_dma source(%dma_start3A_1122 : memref<1000000x16xf32, #tpu.memory_space<hbm>>) target(%dma_start3A_1117 : memref<64x16xf32, #tpu.memory_space<vmem>>) offsets(%dma_start3A_1119 : memref<64xi32, #tpu.memory_space<vmem>>) semaphore(%arg20 : memref<!tpu.dma_semaphore, #tpu.memory_space<semaphore_mem>>)
      } else {
      }
      %dma_wait3A_869 = arith.constant 0 : i32
      %dma_wait3A_870 = arith.constant 0 : i32
      %dma_wait3A_871 = tpu.memref_slice %arg4[%dma_wait3A_869, %dma_wait3A_870] : memref<1000000x16xf32, #tpu.memory_space<hbm>> -> memref<1600x16xf32, #tpu.memory_space<hbm>>
      %dma_wait3A_872 = arith.constant 0 : i32
      %dma_wait3A_873 = arith.constant 0 : i32
      %dma_wait3A_874 = tpu.memref_slice %arg4[%dma_wait3A_872, %dma_wait3A_873] : memref<1000000x16xf32, #tpu.memory_space<hbm>> -> memref<1600x16xf32, #tpu.memory_space<hbm>>
      tpu.wait_dma2 semaphore(%arg21 : memref<!tpu.dma_semaphore, #tpu.memory_space<semaphore_mem>>) src(%dma_wait3A_874 : memref<1600x16xf32, #tpu.memory_space<hbm>>) dst(%arg14 : memref<1600x16xf32, #tpu.memory_space<vmem>>)
      %broadcast_in_dim3A_875 = arith.constant 0.000000e+00 : f32
      %broadcast_in_dim3A_876 = vector.broadcast %broadcast_in_dim3A_875 : f32 to vector<16xf32>
      %scan3A_877 = arith.constant 0 : i32
      %scan3A_878 = arith.constant 25 : i32
      %scan3A_879 = arith.addi %scan3A_877, %scan3A_878 : i32
      %scan3A_880 = arith.constant 1 : i32
      %scan3A_881:4 = scf.for %scan3A_1014 = %scan3A_877 to %scan3A_879 step %scan3A_880 iter_args(%scan3A_1015 = %broadcast_in_dim3A_876, %scan3A_1016 = %broadcast_in_dim3A_876, %scan3A_1017 = %broadcast_in_dim3A_876, %scan3A_1018 = %broadcast_in_dim3A_876) -> (vector<16xf32>, vector<16xf32>, vector<16xf32>, vector<16xf32>)  : i32 {
        %mul3A_1019 = arith.constant 8 : i32
        %mul3A_1020 = arith.muli %scan3A_1014, %mul3A_1019 : i32
        %add3A_1021 = arith.constant 0 : i32
        %add3A_1022 = arith.addi %add3A_1021, %mul3A_1020 : i32
        %get3A = arith.index_cast %add3A_1022 : i32 to index
        %get3A_1023 = arith.constant 0 : index
        %get3A_1024 = tpu.vector_load %arg14[%get3A, %get3A_1023] {strides = array<i32>} : memref<1600x16xf32, #tpu.memory_space<vmem>>, vector<1x16xf32>,
        %get3A_1025 = vector.shape_cast %get3A_1024 : vector<1x16xf32> to vector<16xf32>
        %add3A_1026 = arith.addf %scan3A_1015, %get3A_1025 : vector<16xf32>
        %add3A_1027 = arith.constant 4 : i32
        %add3A_1028 = arith.addi %add3A_1022, %add3A_1027 : i32
        %get3A_1029 = arith.index_cast %add3A_1028 : i32 to index
        %get3A_1030 = arith.constant 0 : index
        %get3A_1031 = tpu.vector_load %arg14[%get3A_1029, %get3A_1030] {strides = array<i32>} : memref<1600x16xf32, #tpu.memory_space<vmem>>, vector<1x16xf32>,
        %get3A_1032 = vector.shape_cast %get3A_1031 : vector<1x16xf32> to vector<16xf32>
        %add3A_1033 = arith.addf %add3A_1026, %get3A_1032 : vector<16xf32>
        %add3A_1034 = arith.constant 1 : i32
        %add3A_1035 = arith.addi %add3A_1022, %add3A_1034 : i32
        %get3A_1036 = arith.index_cast %add3A_1035 : i32 to index
        %get3A_1037 = arith.constant 0 : index
        %get3A_1038 = tpu.vector_load %arg14[%get3A_1036, %get3A_1037] {strides = array<i32>} : memref<1600x16xf32, #tpu.memory_space<vmem>>, vector<1x16xf32>,
        %get3A_1039 = vector.shape_cast %get3A_1038 : vector<1x16xf32> to vector<16xf32>
        %add3A_1040 = arith.addf %scan3A_1016, %get3A_1039 : vector<16xf32>
        %add3A_1041 = arith.constant 5 : i32
        %add3A_1042 = arith.addi %add3A_1022, %add3A_1041 : i32
        %get3A_1043 = arith.index_cast %add3A_1042 : i32 to index
        %get3A_1044 = arith.constant 0 : index
        %get3A_1045 = tpu.vector_load %arg14[%get3A_1043, %get3A_1044] {strides = array<i32>} : memref<1600x16xf32, #tpu.memory_space<vmem>>, vector<1x16xf32>,
        %get3A_1046 = vector.shape_cast %get3A_1045 : vector<1x16xf32> to vector<16xf32>
        %add3A_1047 = arith.addf %add3A_1040, %get3A_1046 : vector<16xf32>
        %add3A_1048 = arith.constant 2 : i32
        %add3A_1049 = arith.addi %add3A_1022, %add3A_1048 : i32
        %get3A_1050 = arith.index_cast %add3A_1049 : i32 to index
        %get3A_1051 = arith.constant 0 : index
        %get3A_1052 = tpu.vector_load %arg14[%get3A_1050, %get3A_1051] {strides = array<i32>} : memref<1600x16xf32, #tpu.memory_space<vmem>>, vector<1x16xf32>,
        %get3A_1053 = vector.shape_cast %get3A_1052 : vector<1x16xf32> to vector<16xf32>
        %add3A_1054 = arith.addf %scan3A_1017, %get3A_1053 : vector<16xf32>
        %add3A_1055 = arith.constant 6 : i32
        %add3A_1056 = arith.addi %add3A_1022, %add3A_1055 : i32
        %get3A_1057 = arith.index_cast %add3A_1056 : i32 to index
        %get3A_1058 = arith.constant 0 : index
        %get3A_1059 = tpu.vector_load %arg14[%get3A_1057, %get3A_1058] {strides = array<i32>} : memref<1600x16xf32, #tpu.memory_space<vmem>>, vector<1x16xf32>,
        %get3A_1060 = vector.shape_cast %get3A_1059 : vector<1x16xf32> to vector<16xf32>
        %add3A_1061 = arith.addf %add3A_1054, %get3A_1060 : vector<16xf32>
        %add3A_1062 = arith.constant 3 : i32
        %add3A_1063 = arith.addi %add3A_1022, %add3A_1062 : i32
        %get3A_1064 = arith.index_cast %add3A_1063 : i32 to index
        %get3A_1065 = arith.constant 0 : index
        %get3A_1066 = tpu.vector_load %arg14[%get3A_1064, %get3A_1065] {strides = array<i32>} : memref<1600x16xf32, #tpu.memory_space<vmem>>, vector<1x16xf32>,
        %get3A_1067 = vector.shape_cast %get3A_1066 : vector<1x16xf32> to vector<16xf32>
        %add3A_1068 = arith.addf %scan3A_1018, %get3A_1067 : vector<16xf32>
        %add3A_1069 = arith.constant 7 : i32
        %add3A_1070 = arith.addi %add3A_1022, %add3A_1069 : i32
        %get3A_1071 = arith.index_cast %add3A_1070 : i32 to index
        %get3A_1072 = arith.constant 0 : index
        %get3A_1073 = tpu.vector_load %arg14[%get3A_1071, %get3A_1072] {strides = array<i32>} : memref<1600x16xf32, #tpu.memory_space<vmem>>, vector<1x16xf32>,
        %get3A_1074 = vector.shape_cast %get3A_1073 : vector<1x16xf32> to vector<16xf32>
        %add3A_1075 = arith.addf %add3A_1068, %get3A_1074 : vector<16xf32>
        scf.yield %add3A_1033, %add3A_1047, %add3A_1061, %add3A_1075 : vector<16xf32>, vector<16xf32>, vector<16xf32>, vector<16xf32>
      }
      %scan3A_882 = arith.constant 25 : i32
      %add3A_883 = arith.addf %scan3A_881#0, %scan3A_881#1 : vector<16xf32>
      %add3A_884 = arith.addf %scan3A_881#2, %scan3A_881#3 : vector<16xf32>
      %add3A_885 = arith.addf %add3A_883, %add3A_884 : vector<16xf32>
      %swap3A_886 = arith.constant 0 : i32
      %swap3A_887 = arith.index_cast %swap3A_886 : i32 to index
      %swap3A_888 = arith.constant 0 : index
      %swap3A_889 = tpu.vector_load %arg15[%swap3A_887, %swap3A_888] {strides = array<i32>} : memref<8x16xf32, #tpu.memory_space<vmem>>, vector<1x16xf32>,
      %swap3A_890 = vector.shape_cast %swap3A_889 : vector<1x16xf32> to vector<16xf32>
      %swap3A_891 = vector.shape_cast %add3A_885 : vector<16xf32> to vector<1x16xf32>
      tpu.vector_store %arg15[%swap3A_887, %swap3A_888], %swap3A_891 {strides = array<i32>} : memref<8x16xf32, #tpu.memory_space<vmem>>, vector<1x16xf32>,
      %broadcast_in_dim3A_892 = arith.constant 0.000000e+00 : f32
      %broadcast_in_dim3A_893 = vector.broadcast %broadcast_in_dim3A_892 : f32 to vector<16xf32>
      %scan3A_894 = arith.constant 0 : i32
      %scan3A_895 = arith.constant 25 : i32
      %scan3A_896 = arith.addi %scan3A_894, %scan3A_895 : i32
      %scan3A_897 = arith.constant 1 : i32
      %scan3A_898:4 = scf.for %scan3A_1014 = %scan3A_894 to %scan3A_896 step %scan3A_897 iter_args(%scan3A_1015 = %broadcast_in_dim3A_893, %scan3A_1016 = %broadcast_in_dim3A_893, %scan3A_1017 = %broadcast_in_dim3A_893, %scan3A_1018 = %broadcast_in_dim3A_893) -> (vector<16xf32>, vector<16xf32>, vector<16xf32>, vector<16xf32>)  : i32 {
        %mul3A_1019 = arith.constant 8 : i32
        %mul3A_1020 = arith.muli %scan3A_1014, %mul3A_1019 : i32
        %add3A_1021 = arith.constant 200 : i32
        %add3A_1022 = arith.addi %add3A_1021, %mul3A_1020 : i32
        %get3A = arith.index_cast %add3A_1022 : i32 to index
        %get3A_1023 = arith.constant 0 : index
        %get3A_1024 = tpu.vector_load %arg14[%get3A, %get3A_1023] {strides = array<i32>} : memref<1600x16xf32, #tpu.memory_space<vmem>>, vector<1x16xf32>,
        %get3A_1025 = vector.shape_cast %get3A_1024 : vector<1x16xf32> to vector<16xf32>
        %add3A_1026 = arith.addf %scan3A_1015, %get3A_1025 : vector<16xf32>
        %add3A_1027 = arith.constant 4 : i32
        %add3A_1028 = arith.addi %add3A_1022, %add3A_1027 : i32
        %get3A_1029 = arith.index_cast %add3A_1028 : i32 to index
        %get3A_1030 = arith.constant 0 : index
        %get3A_1031 = tpu.vector_load %arg14[%get3A_1029, %get3A_1030] {strides = array<i32>} : memref<1600x16xf32, #tpu.memory_space<vmem>>, vector<1x16xf32>,
        %get3A_1032 = vector.shape_cast %get3A_1031 : vector<1x16xf32> to vector<16xf32>
        %add3A_1033 = arith.addf %add3A_1026, %get3A_1032 : vector<16xf32>
        %add3A_1034 = arith.constant 1 : i32
        %add3A_1035 = arith.addi %add3A_1022, %add3A_1034 : i32
        %get3A_1036 = arith.index_cast %add3A_1035 : i32 to index
        %get3A_1037 = arith.constant 0 : index
        %get3A_1038 = tpu.vector_load %arg14[%get3A_1036, %get3A_1037] {strides = array<i32>} : memref<1600x16xf32, #tpu.memory_space<vmem>>, vector<1x16xf32>,
        %get3A_1039 = vector.shape_cast %get3A_1038 : vector<1x16xf32> to vector<16xf32>
        %add3A_1040 = arith.addf %scan3A_1016, %get3A_1039 : vector<16xf32>
        %add3A_1041 = arith.constant 5 : i32
        %add3A_1042 = arith.addi %add3A_1022, %add3A_1041 : i32
        %get3A_1043 = arith.index_cast %add3A_1042 : i32 to index
        %get3A_1044 = arith.constant 0 : index
        %get3A_1045 = tpu.vector_load %arg14[%get3A_1043, %get3A_1044] {strides = array<i32>} : memref<1600x16xf32, #tpu.memory_space<vmem>>, vector<1x16xf32>,
        %get3A_1046 = vector.shape_cast %get3A_1045 : vector<1x16xf32> to vector<16xf32>
        %add3A_1047 = arith.addf %add3A_1040, %get3A_1046 : vector<16xf32>
        %add3A_1048 = arith.constant 2 : i32
        %add3A_1049 = arith.addi %add3A_1022, %add3A_1048 : i32
        %get3A_1050 = arith.index_cast %add3A_1049 : i32 to index
        %get3A_1051 = arith.constant 0 : index
        %get3A_1052 = tpu.vector_load %arg14[%get3A_1050, %get3A_1051] {strides = array<i32>} : memref<1600x16xf32, #tpu.memory_space<vmem>>, vector<1x16xf32>,
        %get3A_1053 = vector.shape_cast %get3A_1052 : vector<1x16xf32> to vector<16xf32>
        %add3A_1054 = arith.addf %scan3A_1017, %get3A_1053 : vector<16xf32>
        %add3A_1055 = arith.constant 6 : i32
        %add3A_1056 = arith.addi %add3A_1022, %add3A_1055 : i32
        %get3A_1057 = arith.index_cast %add3A_1056 : i32 to index
        %get3A_1058 = arith.constant 0 : index
        %get3A_1059 = tpu.vector_load %arg14[%get3A_1057, %get3A_1058] {strides = array<i32>} : memref<1600x16xf32, #tpu.memory_space<vmem>>, vector<1x16xf32>,
        %get3A_1060 = vector.shape_cast %get3A_1059 : vector<1x16xf32> to vector<16xf32>
        %add3A_1061 = arith.addf %add3A_1054, %get3A_1060 : vector<16xf32>
        %add3A_1062 = arith.constant 3 : i32
        %add3A_1063 = arith.addi %add3A_1022, %add3A_1062 : i32
        %get3A_1064 = arith.index_cast %add3A_1063 : i32 to index
        %get3A_1065 = arith.constant 0 : index
        %get3A_1066 = tpu.vector_load %arg14[%get3A_1064, %get3A_1065] {strides = array<i32>} : memref<1600x16xf32, #tpu.memory_space<vmem>>, vector<1x16xf32>,
        %get3A_1067 = vector.shape_cast %get3A_1066 : vector<1x16xf32> to vector<16xf32>
        %add3A_1068 = arith.addf %scan3A_1018, %get3A_1067 : vector<16xf32>
        %add3A_1069 = arith.constant 7 : i32
        %add3A_1070 = arith.addi %add3A_1022, %add3A_1069 : i32
        %get3A_1071 = arith.index_cast %add3A_1070 : i32 to index
        %get3A_1072 = arith.constant 0 : index
        %get3A_1073 = tpu.vector_load %arg14[%get3A_1071, %get3A_1072] {strides = array<i32>} : memref<1600x16xf32, #tpu.memory_space<vmem>>, vector<1x16xf32>,
        %get3A_1074 = vector.shape_cast %get3A_1073 : vector<1x16xf32> to vector<16xf32>
        %add3A_1075 = arith.addf %add3A_1068, %get3A_1074 : vector<16xf32>
        scf.yield %add3A_1033, %add3A_1047, %add3A_1061, %add3A_1075 : vector<16xf32>, vector<16xf32>, vector<16xf32>, vector<16xf32>
      }
      %scan3A_899 = arith.constant 25 : i32
      %add3A_900 = arith.addf %scan3A_898#0, %scan3A_898#1 : vector<16xf32>
      %add3A_901 = arith.addf %scan3A_898#2, %scan3A_898#3 : vector<16xf32>
      %add3A_902 = arith.addf %add3A_900, %add3A_901 : vector<16xf32>
      %swap3A_903 = arith.constant 1 : i32
      %swap3A_904 = arith.index_cast %swap3A_903 : i32 to index
      %swap3A_905 = arith.constant 0 : index
      %swap3A_906 = tpu.vector_load %arg15[%swap3A_904, %swap3A_905] {strides = array<i32>} : memref<8x16xf32, #tpu.memory_space<vmem>>, vector<1x16xf32>,
      %swap3A_907 = vector.shape_cast %swap3A_906 : vector<1x16xf32> to vector<16xf32>
      %swap3A_908 = vector.shape_cast %add3A_902 : vector<16xf32> to vector<1x16xf32>
      tpu.vector_store %arg15[%swap3A_904, %swap3A_905], %swap3A_908 {strides = array<i32>} : memref<8x16xf32, #tpu.memory_space<vmem>>, vector<1x16xf32>,
      %broadcast_in_dim3A_909 = arith.constant 0.000000e+00 : f32
      %broadcast_in_dim3A_910 = vector.broadcast %broadcast_in_dim3A_909 : f32 to vector<16xf32>
      %scan3A_911 = arith.constant 0 : i32
      %scan3A_912 = arith.constant 25 : i32
      %scan3A_913 = arith.addi %scan3A_911, %scan3A_912 : i32
      %scan3A_914 = arith.constant 1 : i32
      %scan3A_915:4 = scf.for %scan3A_1014 = %scan3A_911 to %scan3A_913 step %scan3A_914 iter_args(%scan3A_1015 = %broadcast_in_dim3A_910, %scan3A_1016 = %broadcast_in_dim3A_910, %scan3A_1017 = %broadcast_in_dim3A_910, %scan3A_1018 = %broadcast_in_dim3A_910) -> (vector<16xf32>, vector<16xf32>, vector<16xf32>, vector<16xf32>)  : i32 {
        %mul3A_1019 = arith.constant 8 : i32
        %mul3A_1020 = arith.muli %scan3A_1014, %mul3A_1019 : i32
        %add3A_1021 = arith.constant 400 : i32
        %add3A_1022 = arith.addi %add3A_1021, %mul3A_1020 : i32
        %get3A = arith.index_cast %add3A_1022 : i32 to index
        %get3A_1023 = arith.constant 0 : index
        %get3A_1024 = tpu.vector_load %arg14[%get3A, %get3A_1023] {strides = array<i32>} : memref<1600x16xf32, #tpu.memory_space<vmem>>, vector<1x16xf32>,
        %get3A_1025 = vector.shape_cast %get3A_1024 : vector<1x16xf32> to vector<16xf32>
        %add3A_1026 = arith.addf %scan3A_1015, %get3A_1025 : vector<16xf32>
        %add3A_1027 = arith.constant 4 : i32
        %add3A_1028 = arith.addi %add3A_1022, %add3A_1027 : i32
        %get3A_1029 = arith.index_cast %add3A_1028 : i32 to index
        %get3A_1030 = arith.constant 0 : index
        %get3A_1031 = tpu.vector_load %arg14[%get3A_1029, %get3A_1030] {strides = array<i32>} : memref<1600x16xf32, #tpu.memory_space<vmem>>, vector<1x16xf32>,
        %get3A_1032 = vector.shape_cast %get3A_1031 : vector<1x16xf32> to vector<16xf32>
        %add3A_1033 = arith.addf %add3A_1026, %get3A_1032 : vector<16xf32>
        %add3A_1034 = arith.constant 1 : i32
        %add3A_1035 = arith.addi %add3A_1022, %add3A_1034 : i32
        %get3A_1036 = arith.index_cast %add3A_1035 : i32 to index
        %get3A_1037 = arith.constant 0 : index
        %get3A_1038 = tpu.vector_load %arg14[%get3A_1036, %get3A_1037] {strides = array<i32>} : memref<1600x16xf32, #tpu.memory_space<vmem>>, vector<1x16xf32>,
        %get3A_1039 = vector.shape_cast %get3A_1038 : vector<1x16xf32> to vector<16xf32>
        %add3A_1040 = arith.addf %scan3A_1016, %get3A_1039 : vector<16xf32>
        %add3A_1041 = arith.constant 5 : i32
        %add3A_1042 = arith.addi %add3A_1022, %add3A_1041 : i32
        %get3A_1043 = arith.index_cast %add3A_1042 : i32 to index
        %get3A_1044 = arith.constant 0 : index
        %get3A_1045 = tpu.vector_load %arg14[%get3A_1043, %get3A_1044] {strides = array<i32>} : memref<1600x16xf32, #tpu.memory_space<vmem>>, vector<1x16xf32>,
        %get3A_1046 = vector.shape_cast %get3A_1045 : vector<1x16xf32> to vector<16xf32>
        %add3A_1047 = arith.addf %add3A_1040, %get3A_1046 : vector<16xf32>
        %add3A_1048 = arith.constant 2 : i32
        %add3A_1049 = arith.addi %add3A_1022, %add3A_1048 : i32
        %get3A_1050 = arith.index_cast %add3A_1049 : i32 to index
        %get3A_1051 = arith.constant 0 : index
        %get3A_1052 = tpu.vector_load %arg14[%get3A_1050, %get3A_1051] {strides = array<i32>} : memref<1600x16xf32, #tpu.memory_space<vmem>>, vector<1x16xf32>,
        %get3A_1053 = vector.shape_cast %get3A_1052 : vector<1x16xf32> to vector<16xf32>
        %add3A_1054 = arith.addf %scan3A_1017, %get3A_1053 : vector<16xf32>
        %add3A_1055 = arith.constant 6 : i32
        %add3A_1056 = arith.addi %add3A_1022, %add3A_1055 : i32
        %get3A_1057 = arith.index_cast %add3A_1056 : i32 to index
        %get3A_1058 = arith.constant 0 : index
        %get3A_1059 = tpu.vector_load %arg14[%get3A_1057, %get3A_1058] {strides = array<i32>} : memref<1600x16xf32, #tpu.memory_space<vmem>>, vector<1x16xf32>,
        %get3A_1060 = vector.shape_cast %get3A_1059 : vector<1x16xf32> to vector<16xf32>
        %add3A_1061 = arith.addf %add3A_1054, %get3A_1060 : vector<16xf32>
        %add3A_1062 = arith.constant 3 : i32
        %add3A_1063 = arith.addi %add3A_1022, %add3A_1062 : i32
        %get3A_1064 = arith.index_cast %add3A_1063 : i32 to index
        %get3A_1065 = arith.constant 0 : index
        %get3A_1066 = tpu.vector_load %arg14[%get3A_1064, %get3A_1065] {strides = array<i32>} : memref<1600x16xf32, #tpu.memory_space<vmem>>, vector<1x16xf32>,
        %get3A_1067 = vector.shape_cast %get3A_1066 : vector<1x16xf32> to vector<16xf32>
        %add3A_1068 = arith.addf %scan3A_1018, %get3A_1067 : vector<16xf32>
        %add3A_1069 = arith.constant 7 : i32
        %add3A_1070 = arith.addi %add3A_1022, %add3A_1069 : i32
        %get3A_1071 = arith.index_cast %add3A_1070 : i32 to index
        %get3A_1072 = arith.constant 0 : index
        %get3A_1073 = tpu.vector_load %arg14[%get3A_1071, %get3A_1072] {strides = array<i32>} : memref<1600x16xf32, #tpu.memory_space<vmem>>, vector<1x16xf32>,
        %get3A_1074 = vector.shape_cast %get3A_1073 : vector<1x16xf32> to vector<16xf32>
        %add3A_1075 = arith.addf %add3A_1068, %get3A_1074 : vector<16xf32>
        scf.yield %add3A_1033, %add3A_1047, %add3A_1061, %add3A_1075 : vector<16xf32>, vector<16xf32>, vector<16xf32>, vector<16xf32>
      }
      %scan3A_916 = arith.constant 25 : i32
      %add3A_917 = arith.addf %scan3A_915#0, %scan3A_915#1 : vector<16xf32>
      %add3A_918 = arith.addf %scan3A_915#2, %scan3A_915#3 : vector<16xf32>
      %add3A_919 = arith.addf %add3A_917, %add3A_918 : vector<16xf32>
      %swap3A_920 = arith.constant 2 : i32
      %swap3A_921 = arith.index_cast %swap3A_920 : i32 to index
      %swap3A_922 = arith.constant 0 : index
      %swap3A_923 = tpu.vector_load %arg15[%swap3A_921, %swap3A_922] {strides = array<i32>} : memref<8x16xf32, #tpu.memory_space<vmem>>, vector<1x16xf32>,
      %swap3A_924 = vector.shape_cast %swap3A_923 : vector<1x16xf32> to vector<16xf32>
      %swap3A_925 = vector.shape_cast %add3A_919 : vector<16xf32> to vector<1x16xf32>
      tpu.vector_store %arg15[%swap3A_921, %swap3A_922], %swap3A_925 {strides = array<i32>} : memref<8x16xf32, #tpu.memory_space<vmem>>, vector<1x16xf32>,
      %broadcast_in_dim3A_926 = arith.constant 0.000000e+00 : f32
      %broadcast_in_dim3A_927 = vector.broadcast %broadcast_in_dim3A_926 : f32 to vector<16xf32>
      %scan3A_928 = arith.constant 0 : i32
      %scan3A_929 = arith.constant 25 : i32
      %scan3A_930 = arith.addi %scan3A_928, %scan3A_929 : i32
      %scan3A_931 = arith.constant 1 : i32
      %scan3A_932:4 = scf.for %scan3A_1014 = %scan3A_928 to %scan3A_930 step %scan3A_931 iter_args(%scan3A_1015 = %broadcast_in_dim3A_927, %scan3A_1016 = %broadcast_in_dim3A_927, %scan3A_1017 = %broadcast_in_dim3A_927, %scan3A_1018 = %broadcast_in_dim3A_927) -> (vector<16xf32>, vector<16xf32>, vector<16xf32>, vector<16xf32>)  : i32 {
        %mul3A_1019 = arith.constant 8 : i32
        %mul3A_1020 = arith.muli %scan3A_1014, %mul3A_1019 : i32
        %add3A_1021 = arith.constant 600 : i32
        %add3A_1022 = arith.addi %add3A_1021, %mul3A_1020 : i32
        %get3A = arith.index_cast %add3A_1022 : i32 to index
        %get3A_1023 = arith.constant 0 : index
        %get3A_1024 = tpu.vector_load %arg14[%get3A, %get3A_1023] {strides = array<i32>} : memref<1600x16xf32, #tpu.memory_space<vmem>>, vector<1x16xf32>,
        %get3A_1025 = vector.shape_cast %get3A_1024 : vector<1x16xf32> to vector<16xf32>
        %add3A_1026 = arith.addf %scan3A_1015, %get3A_1025 : vector<16xf32>
        %add3A_1027 = arith.constant 4 : i32
        %add3A_1028 = arith.addi %add3A_1022, %add3A_1027 : i32
        %get3A_1029 = arith.index_cast %add3A_1028 : i32 to index
        %get3A_1030 = arith.constant 0 : index
        %get3A_1031 = tpu.vector_load %arg14[%get3A_1029, %get3A_1030] {strides = array<i32>} : memref<1600x16xf32, #tpu.memory_space<vmem>>, vector<1x16xf32>,
        %get3A_1032 = vector.shape_cast %get3A_1031 : vector<1x16xf32> to vector<16xf32>
        %add3A_1033 = arith.addf %add3A_1026, %get3A_1032 : vector<16xf32>
        %add3A_1034 = arith.constant 1 : i32
        %add3A_1035 = arith.addi %add3A_1022, %add3A_1034 : i32
        %get3A_1036 = arith.index_cast %add3A_1035 : i32 to index
        %get3A_1037 = arith.constant 0 : index
        %get3A_1038 = tpu.vector_load %arg14[%get3A_1036, %get3A_1037] {strides = array<i32>} : memref<1600x16xf32, #tpu.memory_space<vmem>>, vector<1x16xf32>,
        %get3A_1039 = vector.shape_cast %get3A_1038 : vector<1x16xf32> to vector<16xf32>
        %add3A_1040 = arith.addf %scan3A_1016, %get3A_1039 : vector<16xf32>
        %add3A_1041 = arith.constant 5 : i32
        %add3A_1042 = arith.addi %add3A_1022, %add3A_1041 : i32
        %get3A_1043 = arith.index_cast %add3A_1042 : i32 to index
        %get3A_1044 = arith.constant 0 : index
        %get3A_1045 = tpu.vector_load %arg14[%get3A_1043, %get3A_1044] {strides = array<i32>} : memref<1600x16xf32, #tpu.memory_space<vmem>>, vector<1x16xf32>,
        %get3A_1046 = vector.shape_cast %get3A_1045 : vector<1x16xf32> to vector<16xf32>
        %add3A_1047 = arith.addf %add3A_1040, %get3A_1046 : vector<16xf32>
        %add3A_1048 = arith.constant 2 : i32
        %add3A_1049 = arith.addi %add3A_1022, %add3A_1048 : i32
        %get3A_1050 = arith.index_cast %add3A_1049 : i32 to index
        %get3A_1051 = arith.constant 0 : index
        %get3A_1052 = tpu.vector_load %arg14[%get3A_1050, %get3A_1051] {strides = array<i32>} : memref<1600x16xf32, #tpu.memory_space<vmem>>, vector<1x16xf32>,
        %get3A_1053 = vector.shape_cast %get3A_1052 : vector<1x16xf32> to vector<16xf32>
        %add3A_1054 = arith.addf %scan3A_1017, %get3A_1053 : vector<16xf32>
        %add3A_1055 = arith.constant 6 : i32
        %add3A_1056 = arith.addi %add3A_1022, %add3A_1055 : i32
        %get3A_1057 = arith.index_cast %add3A_1056 : i32 to index
        %get3A_1058 = arith.constant 0 : index
        %get3A_1059 = tpu.vector_load %arg14[%get3A_1057, %get3A_1058] {strides = array<i32>} : memref<1600x16xf32, #tpu.memory_space<vmem>>, vector<1x16xf32>,
        %get3A_1060 = vector.shape_cast %get3A_1059 : vector<1x16xf32> to vector<16xf32>
        %add3A_1061 = arith.addf %add3A_1054, %get3A_1060 : vector<16xf32>
        %add3A_1062 = arith.constant 3 : i32
        %add3A_1063 = arith.addi %add3A_1022, %add3A_1062 : i32
        %get3A_1064 = arith.index_cast %add3A_1063 : i32 to index
        %get3A_1065 = arith.constant 0 : index
        %get3A_1066 = tpu.vector_load %arg14[%get3A_1064, %get3A_1065] {strides = array<i32>} : memref<1600x16xf32, #tpu.memory_space<vmem>>, vector<1x16xf32>,
        %get3A_1067 = vector.shape_cast %get3A_1066 : vector<1x16xf32> to vector<16xf32>
        %add3A_1068 = arith.addf %scan3A_1018, %get3A_1067 : vector<16xf32>
        %add3A_1069 = arith.constant 7 : i32
        %add3A_1070 = arith.addi %add3A_1022, %add3A_1069 : i32
        %get3A_1071 = arith.index_cast %add3A_1070 : i32 to index
        %get3A_1072 = arith.constant 0 : index
        %get3A_1073 = tpu.vector_load %arg14[%get3A_1071, %get3A_1072] {strides = array<i32>} : memref<1600x16xf32, #tpu.memory_space<vmem>>, vector<1x16xf32>,
        %get3A_1074 = vector.shape_cast %get3A_1073 : vector<1x16xf32> to vector<16xf32>
        %add3A_1075 = arith.addf %add3A_1068, %get3A_1074 : vector<16xf32>
        scf.yield %add3A_1033, %add3A_1047, %add3A_1061, %add3A_1075 : vector<16xf32>, vector<16xf32>, vector<16xf32>, vector<16xf32>
      }
      %scan3A_933 = arith.constant 25 : i32
      %add3A_934 = arith.addf %scan3A_932#0, %scan3A_932#1 : vector<16xf32>
      %add3A_935 = arith.addf %scan3A_932#2, %scan3A_932#3 : vector<16xf32>
      %add3A_936 = arith.addf %add3A_934, %add3A_935 : vector<16xf32>
      %swap3A_937 = arith.constant 3 : i32
      %swap3A_938 = arith.index_cast %swap3A_937 : i32 to index
      %swap3A_939 = arith.constant 0 : index
      %swap3A_940 = tpu.vector_load %arg15[%swap3A_938, %swap3A_939] {strides = array<i32>} : memref<8x16xf32, #tpu.memory_space<vmem>>, vector<1x16xf32>,
      %swap3A_941 = vector.shape_cast %swap3A_940 : vector<1x16xf32> to vector<16xf32>
      %swap3A_942 = vector.shape_cast %add3A_936 : vector<16xf32> to vector<1x16xf32>
      tpu.vector_store %arg15[%swap3A_938, %swap3A_939], %swap3A_942 {strides = array<i32>} : memref<8x16xf32, #tpu.memory_space<vmem>>, vector<1x16xf32>,
      %broadcast_in_dim3A_943 = arith.constant 0.000000e+00 : f32
      %broadcast_in_dim3A_944 = vector.broadcast %broadcast_in_dim3A_943 : f32 to vector<16xf32>
      %scan3A_945 = arith.constant 0 : i32
      %scan3A_946 = arith.constant 25 : i32
      %scan3A_947 = arith.addi %scan3A_945, %scan3A_946 : i32
      %scan3A_948 = arith.constant 1 : i32
      %scan3A_949:4 = scf.for %scan3A_1014 = %scan3A_945 to %scan3A_947 step %scan3A_948 iter_args(%scan3A_1015 = %broadcast_in_dim3A_944, %scan3A_1016 = %broadcast_in_dim3A_944, %scan3A_1017 = %broadcast_in_dim3A_944, %scan3A_1018 = %broadcast_in_dim3A_944) -> (vector<16xf32>, vector<16xf32>, vector<16xf32>, vector<16xf32>)  : i32 {
        %mul3A_1019 = arith.constant 8 : i32
        %mul3A_1020 = arith.muli %scan3A_1014, %mul3A_1019 : i32
        %add3A_1021 = arith.constant 800 : i32
        %add3A_1022 = arith.addi %add3A_1021, %mul3A_1020 : i32
        %get3A = arith.index_cast %add3A_1022 : i32 to index
        %get3A_1023 = arith.constant 0 : index
        %get3A_1024 = tpu.vector_load %arg14[%get3A, %get3A_1023] {strides = array<i32>} : memref<1600x16xf32, #tpu.memory_space<vmem>>, vector<1x16xf32>,
        %get3A_1025 = vector.shape_cast %get3A_1024 : vector<1x16xf32> to vector<16xf32>
        %add3A_1026 = arith.addf %scan3A_1015, %get3A_1025 : vector<16xf32>
        %add3A_1027 = arith.constant 4 : i32
        %add3A_1028 = arith.addi %add3A_1022, %add3A_1027 : i32
        %get3A_1029 = arith.index_cast %add3A_1028 : i32 to index
        %get3A_1030 = arith.constant 0 : index
        %get3A_1031 = tpu.vector_load %arg14[%get3A_1029, %get3A_1030] {strides = array<i32>} : memref<1600x16xf32, #tpu.memory_space<vmem>>, vector<1x16xf32>,
        %get3A_1032 = vector.shape_cast %get3A_1031 : vector<1x16xf32> to vector<16xf32>
        %add3A_1033 = arith.addf %add3A_1026, %get3A_1032 : vector<16xf32>
        %add3A_1034 = arith.constant 1 : i32
        %add3A_1035 = arith.addi %add3A_1022, %add3A_1034 : i32
        %get3A_1036 = arith.index_cast %add3A_1035 : i32 to index
        %get3A_1037 = arith.constant 0 : index
        %get3A_1038 = tpu.vector_load %arg14[%get3A_1036, %get3A_1037] {strides = array<i32>} : memref<1600x16xf32, #tpu.memory_space<vmem>>, vector<1x16xf32>,
        %get3A_1039 = vector.shape_cast %get3A_1038 : vector<1x16xf32> to vector<16xf32>
        %add3A_1040 = arith.addf %scan3A_1016, %get3A_1039 : vector<16xf32>
        %add3A_1041 = arith.constant 5 : i32
        %add3A_1042 = arith.addi %add3A_1022, %add3A_1041 : i32
        %get3A_1043 = arith.index_cast %add3A_1042 : i32 to index
        %get3A_1044 = arith.constant 0 : index
        %get3A_1045 = tpu.vector_load %arg14[%get3A_1043, %get3A_1044] {strides = array<i32>} : memref<1600x16xf32, #tpu.memory_space<vmem>>, vector<1x16xf32>,
        %get3A_1046 = vector.shape_cast %get3A_1045 : vector<1x16xf32> to vector<16xf32>
        %add3A_1047 = arith.addf %add3A_1040, %get3A_1046 : vector<16xf32>
        %add3A_1048 = arith.constant 2 : i32
        %add3A_1049 = arith.addi %add3A_1022, %add3A_1048 : i32
        %get3A_1050 = arith.index_cast %add3A_1049 : i32 to index
        %get3A_1051 = arith.constant 0 : index
        %get3A_1052 = tpu.vector_load %arg14[%get3A_1050, %get3A_1051] {strides = array<i32>} : memref<1600x16xf32, #tpu.memory_space<vmem>>, vector<1x16xf32>,
        %get3A_1053 = vector.shape_cast %get3A_1052 : vector<1x16xf32> to vector<16xf32>
        %add3A_1054 = arith.addf %scan3A_1017, %get3A_1053 : vector<16xf32>
        %add3A_1055 = arith.constant 6 : i32
        %add3A_1056 = arith.addi %add3A_1022, %add3A_1055 : i32
        %get3A_1057 = arith.index_cast %add3A_1056 : i32 to index
        %get3A_1058 = arith.constant 0 : index
        %get3A_1059 = tpu.vector_load %arg14[%get3A_1057, %get3A_1058] {strides = array<i32>} : memref<1600x16xf32, #tpu.memory_space<vmem>>, vector<1x16xf32>,
        %get3A_1060 = vector.shape_cast %get3A_1059 : vector<1x16xf32> to vector<16xf32>
        %add3A_1061 = arith.addf %add3A_1054, %get3A_1060 : vector<16xf32>
        %add3A_1062 = arith.constant 3 : i32
        %add3A_1063 = arith.addi %add3A_1022, %add3A_1062 : i32
        %get3A_1064 = arith.index_cast %add3A_1063 : i32 to index
        %get3A_1065 = arith.constant 0 : index
        %get3A_1066 = tpu.vector_load %arg14[%get3A_1064, %get3A_1065] {strides = array<i32>} : memref<1600x16xf32, #tpu.memory_space<vmem>>, vector<1x16xf32>,
        %get3A_1067 = vector.shape_cast %get3A_1066 : vector<1x16xf32> to vector<16xf32>
        %add3A_1068 = arith.addf %scan3A_1018, %get3A_1067 : vector<16xf32>
        %add3A_1069 = arith.constant 7 : i32
        %add3A_1070 = arith.addi %add3A_1022, %add3A_1069 : i32
        %get3A_1071 = arith.index_cast %add3A_1070 : i32 to index
        %get3A_1072 = arith.constant 0 : index
        %get3A_1073 = tpu.vector_load %arg14[%get3A_1071, %get3A_1072] {strides = array<i32>} : memref<1600x16xf32, #tpu.memory_space<vmem>>, vector<1x16xf32>,
        %get3A_1074 = vector.shape_cast %get3A_1073 : vector<1x16xf32> to vector<16xf32>
        %add3A_1075 = arith.addf %add3A_1068, %get3A_1074 : vector<16xf32>
        scf.yield %add3A_1033, %add3A_1047, %add3A_1061, %add3A_1075 : vector<16xf32>, vector<16xf32>, vector<16xf32>, vector<16xf32>
      }
      %scan3A_950 = arith.constant 25 : i32
      %add3A_951 = arith.addf %scan3A_949#0, %scan3A_949#1 : vector<16xf32>
      %add3A_952 = arith.addf %scan3A_949#2, %scan3A_949#3 : vector<16xf32>
      %add3A_953 = arith.addf %add3A_951, %add3A_952 : vector<16xf32>
      %swap3A_954 = arith.constant 4 : i32
      %swap3A_955 = arith.index_cast %swap3A_954 : i32 to index
      %swap3A_956 = arith.constant 0 : index
      %swap3A_957 = tpu.vector_load %arg15[%swap3A_955, %swap3A_956] {strides = array<i32>} : memref<8x16xf32, #tpu.memory_space<vmem>>, vector<1x16xf32>,
      %swap3A_958 = vector.shape_cast %swap3A_957 : vector<1x16xf32> to vector<16xf32>
      %swap3A_959 = vector.shape_cast %add3A_953 : vector<16xf32> to vector<1x16xf32>
      tpu.vector_store %arg15[%swap3A_955, %swap3A_956], %swap3A_959 {strides = array<i32>} : memref<8x16xf32, #tpu.memory_space<vmem>>, vector<1x16xf32>,
      %broadcast_in_dim3A_960 = arith.constant 0.000000e+00 : f32
      %broadcast_in_dim3A_961 = vector.broadcast %broadcast_in_dim3A_960 : f32 to vector<16xf32>
      %scan3A_962 = arith.constant 0 : i32
      %scan3A_963 = arith.constant 25 : i32
      %scan3A_964 = arith.addi %scan3A_962, %scan3A_963 : i32
      %scan3A_965 = arith.constant 1 : i32
      %scan3A_966:4 = scf.for %scan3A_1014 = %scan3A_962 to %scan3A_964 step %scan3A_965 iter_args(%scan3A_1015 = %broadcast_in_dim3A_961, %scan3A_1016 = %broadcast_in_dim3A_961, %scan3A_1017 = %broadcast_in_dim3A_961, %scan3A_1018 = %broadcast_in_dim3A_961) -> (vector<16xf32>, vector<16xf32>, vector<16xf32>, vector<16xf32>)  : i32 {
        %mul3A_1019 = arith.constant 8 : i32
        %mul3A_1020 = arith.muli %scan3A_1014, %mul3A_1019 : i32
        %add3A_1021 = arith.constant 1000 : i32
        %add3A_1022 = arith.addi %add3A_1021, %mul3A_1020 : i32
        %get3A = arith.index_cast %add3A_1022 : i32 to index
        %get3A_1023 = arith.constant 0 : index
        %get3A_1024 = tpu.vector_load %arg14[%get3A, %get3A_1023] {strides = array<i32>} : memref<1600x16xf32, #tpu.memory_space<vmem>>, vector<1x16xf32>,
        %get3A_1025 = vector.shape_cast %get3A_1024 : vector<1x16xf32> to vector<16xf32>
        %add3A_1026 = arith.addf %scan3A_1015, %get3A_1025 : vector<16xf32>
        %add3A_1027 = arith.constant 4 : i32
        %add3A_1028 = arith.addi %add3A_1022, %add3A_1027 : i32
        %get3A_1029 = arith.index_cast %add3A_1028 : i32 to index
        %get3A_1030 = arith.constant 0 : index
        %get3A_1031 = tpu.vector_load %arg14[%get3A_1029, %get3A_1030] {strides = array<i32>} : memref<1600x16xf32, #tpu.memory_space<vmem>>, vector<1x16xf32>,
        %get3A_1032 = vector.shape_cast %get3A_1031 : vector<1x16xf32> to vector<16xf32>
        %add3A_1033 = arith.addf %add3A_1026, %get3A_1032 : vector<16xf32>
        %add3A_1034 = arith.constant 1 : i32
        %add3A_1035 = arith.addi %add3A_1022, %add3A_1034 : i32
        %get3A_1036 = arith.index_cast %add3A_1035 : i32 to index
        %get3A_1037 = arith.constant 0 : index
        %get3A_1038 = tpu.vector_load %arg14[%get3A_1036, %get3A_1037] {strides = array<i32>} : memref<1600x16xf32, #tpu.memory_space<vmem>>, vector<1x16xf32>,
        %get3A_1039 = vector.shape_cast %get3A_1038 : vector<1x16xf32> to vector<16xf32>
        %add3A_1040 = arith.addf %scan3A_1016, %get3A_1039 : vector<16xf32>
        %add3A_1041 = arith.constant 5 : i32
        %add3A_1042 = arith.addi %add3A_1022, %add3A_1041 : i32
        %get3A_1043 = arith.index_cast %add3A_1042 : i32 to index
        %get3A_1044 = arith.constant 0 : index
        %get3A_1045 = tpu.vector_load %arg14[%get3A_1043, %get3A_1044] {strides = array<i32>} : memref<1600x16xf32, #tpu.memory_space<vmem>>, vector<1x16xf32>,
        %get3A_1046 = vector.shape_cast %get3A_1045 : vector<1x16xf32> to vector<16xf32>
        %add3A_1047 = arith.addf %add3A_1040, %get3A_1046 : vector<16xf32>
        %add3A_1048 = arith.constant 2 : i32
        %add3A_1049 = arith.addi %add3A_1022, %add3A_1048 : i32
        %get3A_1050 = arith.index_cast %add3A_1049 : i32 to index
        %get3A_1051 = arith.constant 0 : index
        %get3A_1052 = tpu.vector_load %arg14[%get3A_1050, %get3A_1051] {strides = array<i32>} : memref<1600x16xf32, #tpu.memory_space<vmem>>, vector<1x16xf32>,
        %get3A_1053 = vector.shape_cast %get3A_1052 : vector<1x16xf32> to vector<16xf32>
        %add3A_1054 = arith.addf %scan3A_1017, %get3A_1053 : vector<16xf32>
        %add3A_1055 = arith.constant 6 : i32
        %add3A_1056 = arith.addi %add3A_1022, %add3A_1055 : i32
        %get3A_1057 = arith.index_cast %add3A_1056 : i32 to index
        %get3A_1058 = arith.constant 0 : index
        %get3A_1059 = tpu.vector_load %arg14[%get3A_1057, %get3A_1058] {strides = array<i32>} : memref<1600x16xf32, #tpu.memory_space<vmem>>, vector<1x16xf32>,
        %get3A_1060 = vector.shape_cast %get3A_1059 : vector<1x16xf32> to vector<16xf32>
        %add3A_1061 = arith.addf %add3A_1054, %get3A_1060 : vector<16xf32>
        %add3A_1062 = arith.constant 3 : i32
        %add3A_1063 = arith.addi %add3A_1022, %add3A_1062 : i32
        %get3A_1064 = arith.index_cast %add3A_1063 : i32 to index
        %get3A_1065 = arith.constant 0 : index
        %get3A_1066 = tpu.vector_load %arg14[%get3A_1064, %get3A_1065] {strides = array<i32>} : memref<1600x16xf32, #tpu.memory_space<vmem>>, vector<1x16xf32>,
        %get3A_1067 = vector.shape_cast %get3A_1066 : vector<1x16xf32> to vector<16xf32>
        %add3A_1068 = arith.addf %scan3A_1018, %get3A_1067 : vector<16xf32>
        %add3A_1069 = arith.constant 7 : i32
        %add3A_1070 = arith.addi %add3A_1022, %add3A_1069 : i32
        %get3A_1071 = arith.index_cast %add3A_1070 : i32 to index
        %get3A_1072 = arith.constant 0 : index
        %get3A_1073 = tpu.vector_load %arg14[%get3A_1071, %get3A_1072] {strides = array<i32>} : memref<1600x16xf32, #tpu.memory_space<vmem>>, vector<1x16xf32>,
        %get3A_1074 = vector.shape_cast %get3A_1073 : vector<1x16xf32> to vector<16xf32>
        %add3A_1075 = arith.addf %add3A_1068, %get3A_1074 : vector<16xf32>
        scf.yield %add3A_1033, %add3A_1047, %add3A_1061, %add3A_1075 : vector<16xf32>, vector<16xf32>, vector<16xf32>, vector<16xf32>
      }
      %scan3A_967 = arith.constant 25 : i32
      %add3A_968 = arith.addf %scan3A_966#0, %scan3A_966#1 : vector<16xf32>
      %add3A_969 = arith.addf %scan3A_966#2, %scan3A_966#3 : vector<16xf32>
      %add3A_970 = arith.addf %add3A_968, %add3A_969 : vector<16xf32>
      %swap3A_971 = arith.constant 5 : i32
      %swap3A_972 = arith.index_cast %swap3A_971 : i32 to index
      %swap3A_973 = arith.constant 0 : index
      %swap3A_974 = tpu.vector_load %arg15[%swap3A_972, %swap3A_973] {strides = array<i32>} : memref<8x16xf32, #tpu.memory_space<vmem>>, vector<1x16xf32>,
      %swap3A_975 = vector.shape_cast %swap3A_974 : vector<1x16xf32> to vector<16xf32>
      %swap3A_976 = vector.shape_cast %add3A_970 : vector<16xf32> to vector<1x16xf32>
      tpu.vector_store %arg15[%swap3A_972, %swap3A_973], %swap3A_976 {strides = array<i32>} : memref<8x16xf32, #tpu.memory_space<vmem>>, vector<1x16xf32>,
      %broadcast_in_dim3A_977 = arith.constant 0.000000e+00 : f32
      %broadcast_in_dim3A_978 = vector.broadcast %broadcast_in_dim3A_977 : f32 to vector<16xf32>
      %scan3A_979 = arith.constant 0 : i32
      %scan3A_980 = arith.constant 25 : i32
      %scan3A_981 = arith.addi %scan3A_979, %scan3A_980 : i32
      %scan3A_982 = arith.constant 1 : i32
      %scan3A_983:4 = scf.for %scan3A_1014 = %scan3A_979 to %scan3A_981 step %scan3A_982 iter_args(%scan3A_1015 = %broadcast_in_dim3A_978, %scan3A_1016 = %broadcast_in_dim3A_978, %scan3A_1017 = %broadcast_in_dim3A_978, %scan3A_1018 = %broadcast_in_dim3A_978) -> (vector<16xf32>, vector<16xf32>, vector<16xf32>, vector<16xf32>)  : i32 {
        %mul3A_1019 = arith.constant 8 : i32
        %mul3A_1020 = arith.muli %scan3A_1014, %mul3A_1019 : i32
        %add3A_1021 = arith.constant 1200 : i32
        %add3A_1022 = arith.addi %add3A_1021, %mul3A_1020 : i32
        %get3A = arith.index_cast %add3A_1022 : i32 to index
        %get3A_1023 = arith.constant 0 : index
        %get3A_1024 = tpu.vector_load %arg14[%get3A, %get3A_1023] {strides = array<i32>} : memref<1600x16xf32, #tpu.memory_space<vmem>>, vector<1x16xf32>,
        %get3A_1025 = vector.shape_cast %get3A_1024 : vector<1x16xf32> to vector<16xf32>
        %add3A_1026 = arith.addf %scan3A_1015, %get3A_1025 : vector<16xf32>
        %add3A_1027 = arith.constant 4 : i32
        %add3A_1028 = arith.addi %add3A_1022, %add3A_1027 : i32
        %get3A_1029 = arith.index_cast %add3A_1028 : i32 to index
        %get3A_1030 = arith.constant 0 : index
        %get3A_1031 = tpu.vector_load %arg14[%get3A_1029, %get3A_1030] {strides = array<i32>} : memref<1600x16xf32, #tpu.memory_space<vmem>>, vector<1x16xf32>,
        %get3A_1032 = vector.shape_cast %get3A_1031 : vector<1x16xf32> to vector<16xf32>
        %add3A_1033 = arith.addf %add3A_1026, %get3A_1032 : vector<16xf32>
        %add3A_1034 = arith.constant 1 : i32
        %add3A_1035 = arith.addi %add3A_1022, %add3A_1034 : i32
        %get3A_1036 = arith.index_cast %add3A_1035 : i32 to index
        %get3A_1037 = arith.constant 0 : index
        %get3A_1038 = tpu.vector_load %arg14[%get3A_1036, %get3A_1037] {strides = array<i32>} : memref<1600x16xf32, #tpu.memory_space<vmem>>, vector<1x16xf32>,
        %get3A_1039 = vector.shape_cast %get3A_1038 : vector<1x16xf32> to vector<16xf32>
        %add3A_1040 = arith.addf %scan3A_1016, %get3A_1039 : vector<16xf32>
        %add3A_1041 = arith.constant 5 : i32
        %add3A_1042 = arith.addi %add3A_1022, %add3A_1041 : i32
        %get3A_1043 = arith.index_cast %add3A_1042 : i32 to index
        %get3A_1044 = arith.constant 0 : index
        %get3A_1045 = tpu.vector_load %arg14[%get3A_1043, %get3A_1044] {strides = array<i32>} : memref<1600x16xf32, #tpu.memory_space<vmem>>, vector<1x16xf32>,
        %get3A_1046 = vector.shape_cast %get3A_1045 : vector<1x16xf32> to vector<16xf32>
        %add3A_1047 = arith.addf %add3A_1040, %get3A_1046 : vector<16xf32>
        %add3A_1048 = arith.constant 2 : i32
        %add3A_1049 = arith.addi %add3A_1022, %add3A_1048 : i32
        %get3A_1050 = arith.index_cast %add3A_1049 : i32 to index
        %get3A_1051 = arith.constant 0 : index
        %get3A_1052 = tpu.vector_load %arg14[%get3A_1050, %get3A_1051] {strides = array<i32>} : memref<1600x16xf32, #tpu.memory_space<vmem>>, vector<1x16xf32>,
        %get3A_1053 = vector.shape_cast %get3A_1052 : vector<1x16xf32> to vector<16xf32>
        %add3A_1054 = arith.addf %scan3A_1017, %get3A_1053 : vector<16xf32>
        %add3A_1055 = arith.constant 6 : i32
        %add3A_1056 = arith.addi %add3A_1022, %add3A_1055 : i32
        %get3A_1057 = arith.index_cast %add3A_1056 : i32 to index
        %get3A_1058 = arith.constant 0 : index
        %get3A_1059 = tpu.vector_load %arg14[%get3A_1057, %get3A_1058] {strides = array<i32>} : memref<1600x16xf32, #tpu.memory_space<vmem>>, vector<1x16xf32>,
        %get3A_1060 = vector.shape_cast %get3A_1059 : vector<1x16xf32> to vector<16xf32>
        %add3A_1061 = arith.addf %add3A_1054, %get3A_1060 : vector<16xf32>
        %add3A_1062 = arith.constant 3 : i32
        %add3A_1063 = arith.addi %add3A_1022, %add3A_1062 : i32
        %get3A_1064 = arith.index_cast %add3A_1063 : i32 to index
        %get3A_1065 = arith.constant 0 : index
        %get3A_1066 = tpu.vector_load %arg14[%get3A_1064, %get3A_1065] {strides = array<i32>} : memref<1600x16xf32, #tpu.memory_space<vmem>>, vector<1x16xf32>,
        %get3A_1067 = vector.shape_cast %get3A_1066 : vector<1x16xf32> to vector<16xf32>
        %add3A_1068 = arith.addf %scan3A_1018, %get3A_1067 : vector<16xf32>
        %add3A_1069 = arith.constant 7 : i32
        %add3A_1070 = arith.addi %add3A_1022, %add3A_1069 : i32
        %get3A_1071 = arith.index_cast %add3A_1070 : i32 to index
        %get3A_1072 = arith.constant 0 : index
        %get3A_1073 = tpu.vector_load %arg14[%get3A_1071, %get3A_1072] {strides = array<i32>} : memref<1600x16xf32, #tpu.memory_space<vmem>>, vector<1x16xf32>,
        %get3A_1074 = vector.shape_cast %get3A_1073 : vector<1x16xf32> to vector<16xf32>
        %add3A_1075 = arith.addf %add3A_1068, %get3A_1074 : vector<16xf32>
        scf.yield %add3A_1033, %add3A_1047, %add3A_1061, %add3A_1075 : vector<16xf32>, vector<16xf32>, vector<16xf32>, vector<16xf32>
      }
      %scan3A_984 = arith.constant 25 : i32
      %add3A_985 = arith.addf %scan3A_983#0, %scan3A_983#1 : vector<16xf32>
      %add3A_986 = arith.addf %scan3A_983#2, %scan3A_983#3 : vector<16xf32>
      %add3A_987 = arith.addf %add3A_985, %add3A_986 : vector<16xf32>
      %swap3A_988 = arith.constant 6 : i32
      %swap3A_989 = arith.index_cast %swap3A_988 : i32 to index
      %swap3A_990 = arith.constant 0 : index
      %swap3A_991 = tpu.vector_load %arg15[%swap3A_989, %swap3A_990] {strides = array<i32>} : memref<8x16xf32, #tpu.memory_space<vmem>>, vector<1x16xf32>,
      %swap3A_992 = vector.shape_cast %swap3A_991 : vector<1x16xf32> to vector<16xf32>
      %swap3A_993 = vector.shape_cast %add3A_987 : vector<16xf32> to vector<1x16xf32>
      tpu.vector_store %arg15[%swap3A_989, %swap3A_990], %swap3A_993 {strides = array<i32>} : memref<8x16xf32, #tpu.memory_space<vmem>>, vector<1x16xf32>,
      %broadcast_in_dim3A_994 = arith.constant 0.000000e+00 : f32
      %broadcast_in_dim3A_995 = vector.broadcast %broadcast_in_dim3A_994 : f32 to vector<16xf32>
      %scan3A_996 = arith.constant 0 : i32
      %scan3A_997 = arith.constant 25 : i32
      %scan3A_998 = arith.addi %scan3A_996, %scan3A_997 : i32
      %scan3A_999 = arith.constant 1 : i32
      %scan3A_1000:4 = scf.for %scan3A_1014 = %scan3A_996 to %scan3A_998 step %scan3A_999 iter_args(%scan3A_1015 = %broadcast_in_dim3A_995, %scan3A_1016 = %broadcast_in_dim3A_995, %scan3A_1017 = %broadcast_in_dim3A_995, %scan3A_1018 = %broadcast_in_dim3A_995) -> (vector<16xf32>, vector<16xf32>, vector<16xf32>, vector<16xf32>)  : i32 {
        %mul3A_1019 = arith.constant 8 : i32
        %mul3A_1020 = arith.muli %scan3A_1014, %mul3A_1019 : i32
        %add3A_1021 = arith.constant 1400 : i32
        %add3A_1022 = arith.addi %add3A_1021, %mul3A_1020 : i32
        %get3A = arith.index_cast %add3A_1022 : i32 to index
        %get3A_1023 = arith.constant 0 : index
        %get3A_1024 = tpu.vector_load %arg14[%get3A, %get3A_1023] {strides = array<i32>} : memref<1600x16xf32, #tpu.memory_space<vmem>>, vector<1x16xf32>,
        %get3A_1025 = vector.shape_cast %get3A_1024 : vector<1x16xf32> to vector<16xf32>
        %add3A_1026 = arith.addf %scan3A_1015, %get3A_1025 : vector<16xf32>
        %add3A_1027 = arith.constant 4 : i32
        %add3A_1028 = arith.addi %add3A_1022, %add3A_1027 : i32
        %get3A_1029 = arith.index_cast %add3A_1028 : i32 to index
        %get3A_1030 = arith.constant 0 : index
        %get3A_1031 = tpu.vector_load %arg14[%get3A_1029, %get3A_1030] {strides = array<i32>} : memref<1600x16xf32, #tpu.memory_space<vmem>>, vector<1x16xf32>,
        %get3A_1032 = vector.shape_cast %get3A_1031 : vector<1x16xf32> to vector<16xf32>
        %add3A_1033 = arith.addf %add3A_1026, %get3A_1032 : vector<16xf32>
        %add3A_1034 = arith.constant 1 : i32
        %add3A_1035 = arith.addi %add3A_1022, %add3A_1034 : i32
        %get3A_1036 = arith.index_cast %add3A_1035 : i32 to index
        %get3A_1037 = arith.constant 0 : index
        %get3A_1038 = tpu.vector_load %arg14[%get3A_1036, %get3A_1037] {strides = array<i32>} : memref<1600x16xf32, #tpu.memory_space<vmem>>, vector<1x16xf32>,
        %get3A_1039 = vector.shape_cast %get3A_1038 : vector<1x16xf32> to vector<16xf32>
        %add3A_1040 = arith.addf %scan3A_1016, %get3A_1039 : vector<16xf32>
        %add3A_1041 = arith.constant 5 : i32
        %add3A_1042 = arith.addi %add3A_1022, %add3A_1041 : i32
        %get3A_1043 = arith.index_cast %add3A_1042 : i32 to index
        %get3A_1044 = arith.constant 0 : index
        %get3A_1045 = tpu.vector_load %arg14[%get3A_1043, %get3A_1044] {strides = array<i32>} : memref<1600x16xf32, #tpu.memory_space<vmem>>, vector<1x16xf32>,
        %get3A_1046 = vector.shape_cast %get3A_1045 : vector<1x16xf32> to vector<16xf32>
        %add3A_1047 = arith.addf %add3A_1040, %get3A_1046 : vector<16xf32>
        %add3A_1048 = arith.constant 2 : i32
        %add3A_1049 = arith.addi %add3A_1022, %add3A_1048 : i32
        %get3A_1050 = arith.index_cast %add3A_1049 : i32 to index
        %get3A_1051 = arith.constant 0 : index
        %get3A_1052 = tpu.vector_load %arg14[%get3A_1050, %get3A_1051] {strides = array<i32>} : memref<1600x16xf32, #tpu.memory_space<vmem>>, vector<1x16xf32>,
        %get3A_1053 = vector.shape_cast %get3A_1052 : vector<1x16xf32> to vector<16xf32>
        %add3A_1054 = arith.addf %scan3A_1017, %get3A_1053 : vector<16xf32>
        %add3A_1055 = arith.constant 6 : i32
        %add3A_1056 = arith.addi %add3A_1022, %add3A_1055 : i32
        %get3A_1057 = arith.index_cast %add3A_1056 : i32 to index
        %get3A_1058 = arith.constant 0 : index
        %get3A_1059 = tpu.vector_load %arg14[%get3A_1057, %get3A_1058] {strides = array<i32>} : memref<1600x16xf32, #tpu.memory_space<vmem>>, vector<1x16xf32>,
        %get3A_1060 = vector.shape_cast %get3A_1059 : vector<1x16xf32> to vector<16xf32>
        %add3A_1061 = arith.addf %add3A_1054, %get3A_1060 : vector<16xf32>
        %add3A_1062 = arith.constant 3 : i32
        %add3A_1063 = arith.addi %add3A_1022, %add3A_1062 : i32
        %get3A_1064 = arith.index_cast %add3A_1063 : i32 to index
        %get3A_1065 = arith.constant 0 : index
        %get3A_1066 = tpu.vector_load %arg14[%get3A_1064, %get3A_1065] {strides = array<i32>} : memref<1600x16xf32, #tpu.memory_space<vmem>>, vector<1x16xf32>,
        %get3A_1067 = vector.shape_cast %get3A_1066 : vector<1x16xf32> to vector<16xf32>
        %add3A_1068 = arith.addf %scan3A_1018, %get3A_1067 : vector<16xf32>
        %add3A_1069 = arith.constant 7 : i32
        %add3A_1070 = arith.addi %add3A_1022, %add3A_1069 : i32
        %get3A_1071 = arith.index_cast %add3A_1070 : i32 to index
        %get3A_1072 = arith.constant 0 : index
        %get3A_1073 = tpu.vector_load %arg14[%get3A_1071, %get3A_1072] {strides = array<i32>} : memref<1600x16xf32, #tpu.memory_space<vmem>>, vector<1x16xf32>,
        %get3A_1074 = vector.shape_cast %get3A_1073 : vector<1x16xf32> to vector<16xf32>
        %add3A_1075 = arith.addf %add3A_1068, %get3A_1074 : vector<16xf32>
        scf.yield %add3A_1033, %add3A_1047, %add3A_1061, %add3A_1075 : vector<16xf32>, vector<16xf32>, vector<16xf32>, vector<16xf32>
      }
      %scan3A_1001 = arith.constant 25 : i32
      %add3A_1002 = arith.addf %scan3A_1000#0, %scan3A_1000#1 : vector<16xf32>
      %add3A_1003 = arith.addf %scan3A_1000#2, %scan3A_1000#3 : vector<16xf32>
      %add3A_1004 = arith.addf %add3A_1002, %add3A_1003 : vector<16xf32>
      %swap3A_1005 = arith.constant 7 : i32
      %swap3A_1006 = arith.index_cast %swap3A_1005 : i32 to index
      %swap3A_1007 = arith.constant 0 : index
      %swap3A_1008 = tpu.vector_load %arg15[%swap3A_1006, %swap3A_1007] {strides = array<i32>} : memref<8x16xf32, #tpu.memory_space<vmem>>, vector<1x16xf32>,
      %swap3A_1009 = vector.shape_cast %swap3A_1008 : vector<1x16xf32> to vector<16xf32>
      %swap3A_1010 = vector.shape_cast %add3A_1004 : vector<16xf32> to vector<1x16xf32>
      tpu.vector_store %arg15[%swap3A_1006, %swap3A_1007], %swap3A_1010 {strides = array<i32>} : memref<8x16xf32, #tpu.memory_space<vmem>>, vector<1x16xf32>,
      %mul3A_1011 = arith.constant 8 : i32
      %mul3A_1012 = arith.muli %add3A_861, %mul3A_1011 : i32
      %add3A_1013 = arith.addi %mul3A_2, %mul3A_1012 : i32
      "tpu.region"() ({
        %run_scoped3A = tpu.sem_alloc : memref<!tpu.dma_semaphore, #tpu.memory_space<semaphore_mem>>
        %dma_start3A_1014 = arith.constant 0 : i32
        %dma_start3A_1015 = tpu.memref_slice %arg5[%add3A_1013, %dma_start3A_1014] : memref<16384x16xf32, #tpu.memory_space<hbm>> -> memref<8x16xf32, #tpu.memory_space<hbm>>
        %dma_start3A_1016 = arith.constant 0 : i32
        %dma_start3A_1017 = tpu.memref_slice %arg5[%add3A_1013, %dma_start3A_1016] : memref<16384x16xf32, #tpu.memory_space<hbm>> -> memref<8x16xf32, #tpu.memory_space<hbm>>
        tpu.enqueue_dma source(%arg15 : memref<8x16xf32, #tpu.memory_space<vmem>>) target(%dma_start3A_1017 : memref<8x16xf32, #tpu.memory_space<hbm>>) target_semaphore(%run_scoped3A : memref<!tpu.dma_semaphore, #tpu.memory_space<semaphore_mem>>)
        %dma_wait3A_1018 = arith.constant 0 : i32
        %dma_wait3A_1019 = tpu.memref_slice %arg5[%add3A_1013, %dma_wait3A_1018] : memref<16384x16xf32, #tpu.memory_space<hbm>> -> memref<8x16xf32, #tpu.memory_space<hbm>>
        %dma_wait3A_1020 = arith.constant 0 : i32
        %dma_wait3A_1021 = tpu.memref_slice %arg5[%add3A_1013, %dma_wait3A_1020] : memref<16384x16xf32, #tpu.memory_space<hbm>> -> memref<8x16xf32, #tpu.memory_space<hbm>>
        tpu.wait_dma2 semaphore(%run_scoped3A : memref<!tpu.dma_semaphore, #tpu.memory_space<semaphore_mem>>) src(%arg15 : memref<8x16xf32, #tpu.memory_space<vmem>>) dst(%dma_wait3A_1021 : memref<8x16xf32, #tpu.memory_space<hbm>>)
        tpu.yield
      }) : () -> ()
    }
    %scan3A_393 = arith.constant 16 : i32
    return
  }
}

module attributes {stable_mosaic.version = 14 : i64} {
  func.func @_tc_mlp_body(%arg0: i32, %arg1: memref<2048x16xf32, #tpu.memory_space<vmem>>, %arg2: memref<2048x16xf32, #tpu.memory_space<vmem>>, %arg3: memref<2048x16xf32, #tpu.memory_space<vmem>>, %arg4: memref<2048x1xi32, #tpu.memory_space<vmem>>, %arg5: memref<32x64xf32, #tpu.memory_space<vmem>>, %arg6: memref<1x64xf32, #tpu.memory_space<vmem>>, %arg7: memref<64x16xf32, #tpu.memory_space<vmem>>, %arg8: memref<1x16xf32, #tpu.memory_space<vmem>>, %arg9: memref<2048x16xf32, #tpu.memory_space<vmem>>, %arg10: memref<2048x16xf32, #tpu.memory_space<vmem>>) attributes {dimension_semantics = [#tpu.dimension_semantics<arbitrary>], iteration_bounds = array<i64: 8>, scalar_prefetch = 0 : i64, scratch_operands = 0 : i64, tpu.core_type = #tpu.core_type<tc>, window_params = [{transform_indices = @transform_0, window_bounds = array<i64: 2048, 16>}, {transform_indices = @transform_1, window_bounds = array<i64: 2048, 16>}, {transform_indices = @transform_2, window_bounds = array<i64: 2048, 16>}, {transform_indices = @transform_3, window_bounds = array<i64: 2048, 1>}, {pipeline_mode = #tpu.pipeline_mode<synchronous>, transform_indices = @transform_4, window_bounds = array<i64: 32, 64>}, {pipeline_mode = #tpu.pipeline_mode<synchronous>, transform_indices = @transform_5, window_bounds = array<i64: 1, 64>}, {pipeline_mode = #tpu.pipeline_mode<synchronous>, transform_indices = @transform_6, window_bounds = array<i64: 64, 16>}, {pipeline_mode = #tpu.pipeline_mode<synchronous>, transform_indices = @transform_7, window_bounds = array<i64: 1, 16>}, {transform_indices = @transform_8, window_bounds = array<i64: 2048, 16>}, {transform_indices = @transform_9, window_bounds = array<i64: 2048, 16>}]} {
    %get3A = arith.constant 0 : index
    %get3A_0 = arith.constant 0 : index
    %get3A_1 = vector.load %arg4[%get3A, %get3A_0] : memref<2048x1xi32, #tpu.memory_space<vmem>>, vector<2048x1xi32>
    %max3A = arith.constant 1 : i32
    %max3A_2 = vector.broadcast %max3A : i32 to vector<2048x1xi32>
    %max3A_3 = arith.maxsi %get3A_1, %max3A_2 : vector<2048x1xi32>
    %convert_element_type3A = arith.sitofp %max3A_3 : vector<2048x1xi32> to vector<2048x1xf32>
    %get3A_4 = arith.constant 0 : index
    %get3A_5 = arith.constant 0 : index
    %get3A_6 = vector.load %arg1[%get3A_4, %get3A_5] : memref<2048x16xf32, #tpu.memory_space<vmem>>, vector<2048x16xf32>
    %div3A = vector.broadcast %convert_element_type3A : vector<2048x1xf32> to vector<2048x16xf32>
    %div3A_7 = arith.divf %get3A_6, %div3A : vector<2048x16xf32>
    %get3A_8 = arith.constant 0 : index
    %get3A_9 = arith.constant 0 : index
    %get3A_10 = vector.load %arg2[%get3A_8, %get3A_9] : memref<2048x16xf32, #tpu.memory_space<vmem>>, vector<2048x16xf32>
    %concatenate3A = tpu.concatenate %get3A_10, %div3A_7 in 1 : vector<2048x16xf32>, vector<2048x16xf32> -> vector<2048x32xf32>
    %get3A_11 = arith.constant 0 : index
    %get3A_12 = arith.constant 0 : index
    %get3A_13 = vector.load %arg5[%get3A_11, %get3A_12] : memref<32x64xf32, #tpu.memory_space<vmem>>, vector<32x64xf32>
    %dot_general3A = arith.constant dense<0.000000e+00> : vector<2048x64xf32>
    %dot_general3A_14 = tpu.matmul %concatenate3A, %get3A_13, %dot_general3A {dimension_numbers = #tpu.dot_dimension_numbers<[1], [0], [0], [1], [0, 0, 1, 1], [], []>, transpose_lhs_hint = false} : vector<2048x32xf32>, vector<32x64xf32>, vector<2048x64xf32> -> vector<2048x64xf32>
    %get3A_15 = arith.constant 0 : index
    %get3A_16 = arith.constant 0 : index
    %get3A_17 = vector.load %arg6[%get3A_15, %get3A_16] : memref<1x64xf32, #tpu.memory_space<vmem>>, vector<1x64xf32>
    %add3A = vector.broadcast %get3A_17 : vector<1x64xf32> to vector<2048x64xf32>
    %add3A_18 = arith.addf %dot_general3A_14, %add3A : vector<2048x64xf32>
    %max3A_19 = arith.constant 0.000000e+00 : f32
    %max3A_20 = vector.broadcast %max3A_19 : f32 to vector<2048x64xf32>
    %max3A_21 = arith.maximumf %add3A_18, %max3A_20 : vector<2048x64xf32>
    %get3A_22 = arith.constant 0 : index
    %get3A_23 = arith.constant 0 : index
    %get3A_24 = vector.load %arg7[%get3A_22, %get3A_23] : memref<64x16xf32, #tpu.memory_space<vmem>>, vector<64x16xf32>
    %dot_general3A_25 = arith.constant dense<0.000000e+00> : vector<2048x16xf32>
    %dot_general3A_26 = tpu.matmul %max3A_21, %get3A_24, %dot_general3A_25 {dimension_numbers = #tpu.dot_dimension_numbers<[1], [0], [0], [1], [0, 0, 1, 1], [], []>, transpose_lhs_hint = false} : vector<2048x64xf32>, vector<64x16xf32>, vector<2048x16xf32> -> vector<2048x16xf32>
    %get3A_27 = arith.constant 0 : index
    %get3A_28 = arith.constant 0 : index
    %get3A_29 = vector.load %arg8[%get3A_27, %get3A_28] : memref<1x16xf32, #tpu.memory_space<vmem>>, vector<1x16xf32>
    %add3A_30 = vector.broadcast %get3A_29 : vector<1x16xf32> to vector<2048x16xf32>
    %add3A_31 = arith.addf %dot_general3A_26, %add3A_30 : vector<2048x16xf32>
    %max3A_32 = arith.constant 0.000000e+00 : f32
    %max3A_33 = vector.broadcast %max3A_32 : f32 to vector<2048x16xf32>
    %max3A_34 = arith.maximumf %add3A_31, %max3A_33 : vector<2048x16xf32>
    %mul3A = arith.mulf %max3A_34, %max3A_34 : vector<2048x16xf32>
    %reduce_sum3A = arith.constant dense<0.000000e+00> : vector<2048xf32>
    %reduce_sum3A_35 = vector.multi_reduction <add>, %mul3A, %reduce_sum3A [1] : vector<2048x16xf32> to vector<2048xf32>
    %broadcast_in_dim3A = vector.shape_cast %reduce_sum3A_35 : vector<2048xf32> to vector<2048x1xf32>
    %sqrt3A = math.sqrt %broadcast_in_dim3A : vector<2048x1xf32>
    %max3A_36 = arith.constant 9.99999996E-13 : f32
    %max3A_37 = vector.broadcast %max3A_36 : f32 to vector<2048x1xf32>
    %max3A_38 = arith.maximumf %sqrt3A, %max3A_37 : vector<2048x1xf32>
    %div3A_39 = vector.broadcast %max3A_38 : vector<2048x1xf32> to vector<2048x16xf32>
    %div3A_40 = arith.divf %max3A_34, %div3A_39 : vector<2048x16xf32>
    %swap3A = arith.constant 0 : index
    %swap3A_41 = arith.constant 0 : index
    %swap3A_42 = vector.load %arg9[%swap3A, %swap3A_41] : memref<2048x16xf32, #tpu.memory_space<vmem>>, vector<2048x16xf32>
    tpu.vector_store %arg9[%swap3A, %swap3A_41], %div3A_40 {strides = array<i32>} : memref<2048x16xf32, #tpu.memory_space<vmem>>, vector<2048x16xf32>,
    %get3A_43 = arith.constant 0 : index
    %get3A_44 = arith.constant 0 : index
    %get3A_45 = vector.load %arg3[%get3A_43, %get3A_44] : memref<2048x16xf32, #tpu.memory_space<vmem>>, vector<2048x16xf32>
    %mul3A_46 = arith.mulf %get3A_45, %get3A_45 : vector<2048x16xf32>
    %reduce_sum3A_47 = arith.constant dense<0.000000e+00> : vector<2048xf32>
    %reduce_sum3A_48 = vector.multi_reduction <add>, %mul3A_46, %reduce_sum3A_47 [1] : vector<2048x16xf32> to vector<2048xf32>
    %broadcast_in_dim3A_49 = vector.shape_cast %reduce_sum3A_48 : vector<2048xf32> to vector<2048x1xf32>
    %sqrt3A_50 = math.sqrt %broadcast_in_dim3A_49 : vector<2048x1xf32>
    %max3A_51 = arith.constant 9.99999996E-13 : f32
    %max3A_52 = vector.broadcast %max3A_51 : f32 to vector<2048x1xf32>
    %max3A_53 = arith.maximumf %sqrt3A_50, %max3A_52 : vector<2048x1xf32>
    %div3A_54 = vector.broadcast %max3A_53 : vector<2048x1xf32> to vector<2048x16xf32>
    %div3A_55 = arith.divf %get3A_45, %div3A_54 : vector<2048x16xf32>
    %swap3A_56 = arith.constant 0 : index
    %swap3A_57 = arith.constant 0 : index
    %swap3A_58 = vector.load %arg10[%swap3A_56, %swap3A_57] : memref<2048x16xf32, #tpu.memory_space<vmem>>, vector<2048x16xf32>
    tpu.vector_store %arg10[%swap3A_56, %swap3A_57], %div3A_55 {strides = array<i32>} : memref<2048x16xf32, #tpu.memory_space<vmem>>, vector<2048x16xf32>,
    return
  }
  func.func @transform_0(%arg0: i32) -> (i32, i32) {
    %c0_i32 = arith.constant 0 : i32
    %c0_i32_0 = arith.constant 0 : i32
    return %arg0, %c0_i32 : i32, i32
  }
  func.func @transform_1(%arg0: i32) -> (i32, i32) {
    %c0_i32 = arith.constant 0 : i32
    %c0_i32_0 = arith.constant 0 : i32
    return %arg0, %c0_i32 : i32, i32
  }
  func.func @transform_2(%arg0: i32) -> (i32, i32) {
    %c0_i32 = arith.constant 0 : i32
    %c0_i32_0 = arith.constant 0 : i32
    return %arg0, %c0_i32 : i32, i32
  }
  func.func @transform_3(%arg0: i32) -> (i32, i32) {
    %c0_i32 = arith.constant 0 : i32
    %c0_i32_0 = arith.constant 0 : i32
    return %arg0, %c0_i32 : i32, i32
  }
  func.func @transform_4(%arg0: i32) -> (i32, i32) {
    %c0_i32 = arith.constant 0 : i32
    %c0_i32_0 = arith.constant 0 : i32
    %c0_i32_1 = arith.constant 0 : i32
    return %c0_i32, %c0_i32_0 : i32, i32
  }
  func.func @transform_5(%arg0: i32) -> (i32, i32) {
    %c0_i32 = arith.constant 0 : i32
    %c0_i32_0 = arith.constant 0 : i32
    %c0_i32_1 = arith.constant 0 : i32
    return %c0_i32, %c0_i32_0 : i32, i32
  }
  func.func @transform_6(%arg0: i32) -> (i32, i32) {
    %c0_i32 = arith.constant 0 : i32
    %c0_i32_0 = arith.constant 0 : i32
    %c0_i32_1 = arith.constant 0 : i32
    return %c0_i32, %c0_i32_0 : i32, i32
  }
  func.func @transform_7(%arg0: i32) -> (i32, i32) {
    %c0_i32 = arith.constant 0 : i32
    %c0_i32_0 = arith.constant 0 : i32
    %c0_i32_1 = arith.constant 0 : i32
    return %c0_i32, %c0_i32_0 : i32, i32
  }
  func.func @transform_8(%arg0: i32) -> (i32, i32) {
    %c0_i32 = arith.constant 0 : i32
    %c0_i32_0 = arith.constant 0 : i32
    return %arg0, %c0_i32 : i32, i32
  }
  func.func @transform_9(%arg0: i32) -> (i32, i32) {
    %c0_i32 = arith.constant 0 : i32
    %c0_i32_0 = arith.constant 0 : i32
    return %arg0, %c0_i32 : i32, i32
  }
}

</mosaic_0001>

<sc_bundles>
// kernel: gather_offload_async_start
scs
__scs_entry_jumppad:
0x0: {  	(pc) =	sbr.rel $0x88, $3  }
0x1: {  	(tag) =	ssettag $0x0;
	lr =	simm.s32 $0x1  }
0x2: {  	[smem:$0x3F97] =	sst lr;
	_ =	strace $0xD0000000  }
0x3: {  	_ = 	snop  }
0x4: {  	_ = 	snop  }
0x5: {  	_ = 	snop  }
0x6: {  	_ = 	snop  }
0x7: {  	_ = 	snop  }
__scs_overlays_trampoline_lowered:
0x8: {  	[smem:$0x3FA6] =	sst s0  }
0x9: {  	[smem:$0x3FA7] =	sst s1  }
0xa: {  	[smem:$0x3FA8] =	sst s2  }
0xb: {  	[smem:$0x3FA9] =	sst s3  }
0xc: {  	[smem:$0x3FAA] =	sst s4  }
0xd: {  	[smem:$0x3FAB] =	sst s5  }
0xe: {  	[smem:$0x3FAC] =	sst s6  }
0xf: {  	[smem:$0x3FAD] =	sst s7  }
0x10: {  	[smem:$0x3FAE] =	sst s8  }
0x11: {  	[smem:$0x3FAF] =	sst s9;
	s0 =	simm.s32 @!p0 $0x0  }
0x12: {  	s1 =	sld [smem:$0x3F95];
	s0 =	simm.s32 @p0 $0x1  }
0x13: {  	[smem:$0x3FB0] =	sst s0;
	s0 =	simm.s32 @!p1 $0x0  }
0x14: {  	s2 =	sld [smem:$0x3F94];
	s0 =	simm.s32 @p1 $0x1  }
0x15: {  	[smem:$0x3FB1] =	sst s0;
	s0 =	simm.s32 @!p2 $0x0  }
0x16: {  	s3 =	sld [smem:$0x3FDB];
	s0 =	simm.s32 @p2 $0x1  }
0x17: {  	s4 =	simm.s32 $0x1BF5;
	[smem:$0x3FB3] =	sst s0  }
0x18: {  	s0 =	sld [smem:$0x3F96];
	_ =	swait.ge [sflag:s4], $0x0  }
0x19: {  	s7 =	sld [smem:$0x3F97]  }
0x1a: {  	s8 =	sadd.s32 $0xFFFFE003, lr  }
0x1b: {  	s9 =	sadd.s32 $0xFFFFFEF7, lr;
	s5 =	simm.s32 $0xFFFFFFFF;
	p2 =	slt.u32 s8, $0xFFFFF086  }
0x1c: {  	p1 =	slt.u32 s9, $0xF7A;
	s5 =	simm.s32 @!p2 $0x0  }
0x1d: {  	s5 =	simm.s32 @p1 $0x1;
	p0 =	seq.s32 s7, s2  }
0x1e: {  	s7 =	smul.u32 @!p0 $0xF7A, s2;
	p2 =	seq.s32 @!p0 s5, $0x0  }
0x1f: {  	s9 =	smul.u32 $0xF7A, s1;
	s8 =	simm.s32 @!p0 $0x1BF5;
	p2 =	por !p2, p0  }
0x20: {  	[sflag:s8] =	ssyncset.s32 @!p0 $0xFFFFF086;
	s6 =	sadd.s32 @!p0 s3, s7;
	s7 =	simm.s32 @!p0 $0x108  }
0x21: {  	s3 =	sadd.s32 s3, s9;
	s6 =	sadd.s32 @!p0 $0x88, s6;
	s7 =	simm.s32 @p2 $0x1082  }
0x22: {  	[simem:s7], [sflag:s8] =	dma.local @!p0 [hbm:s6], $0xF7A  }
0x23: {  	s9 =	sor.u32 $0xD0000000, s2;
	s6 =	simm.s32 $0x108;
	_ =	swait.ge @!p0 [sflag:s8], $0x0  }
0x24: {  	s3 =	sadd.s32 $0x88, s3;
	s6 =	simm.s32 @!p1 $0x1082;
	[sflag:s4] =	ssyncset.s32 $0xFFFFF086  }
0x25: {  	[simem:s6], [sflag:s4] =	dma.local [hbm:s3], $0xF7A  }
0x26: {  	[smem:$0x3F97] =	sst s1;
	(tag) =	ssettag s2;
	_ =	strace s9  }
0x27: {  	s1 =	sld [smem:$0x3FA7]  }
0x28: {  	s2 =	sld [smem:$0x3FA8]  }
0x29: {  	s4 =	sld [smem:$0x3FAA]  }
0x2a: {  	p0 =	seq.s32 s5, $0x0;
	s5 =	sld [smem:$0x3FAB]  }
0x2b: {  	s6 =	sld [smem:$0x3FAC]  }
0x2c: {  	s7 =	sld [smem:$0x3FAD]  }
0x2d: {  	s3 =	simm.s32 $0x108;
	s8 =	sld [smem:$0x3FAE]  }
0x2e: {  	s3 =	simm.s32 @!p0 $0x1082;
	s9 =	sld [smem:$0x3FAF]  }
0x2f: {  	lr =	sadd.s32 s0, s3;
	s0 =	sld [smem:$0x3FA6]  }
0x30: {  	s3 =	sld [smem:$0x3FA9]  }
0x31: {  	[smem:$0x3FB2] =	sst s10  }
0x32: {  	s10 =	sld [smem:$0x3FB0];
	_ =	sdelay $0x3  }
0x33: {  	p0 =	seq.s32 s10, $0x1;
	s10 =	sld [smem:$0x3FB2];
	_ =	sdelay $0x3  }
0x34: {  	[smem:$0x3FB2] =	sst s10  }
0x35: {  	s10 =	sld [smem:$0x3FB1];
	_ =	sdelay $0x3  }
0x36: {  	p1 =	seq.s32 s10, $0x1;
	s10 =	sld [smem:$0x3FB2];
	_ =	sdelay $0x3  }
0x37: {  	[smem:$0x3FB2] =	sst s10  }
0x38: {  	s10 =	sld [smem:$0x3FB3]  }
0x39: {  	_ = 	snop;
	(pc) =	sbr.ind lr, $3  }
0x3a: {  	_ = 	snop  }
0x3b: {  	_ = 	snop  }
0x3c: {  	p2 =	seq.s32 s10, $0x1;
	s10 =	sld [smem:$0x3FB2]  }
0x3d: {  	_ =	shalt  }
0x3e: {  	_ =	shalt  }
0x3f: {  	_ =	shalt  }
0x40: {  	_ =	shalt  }
0x41: {  	_ =	shalt  }
0x42: {  	_ =	shalt  }
0x43: {  	_ =	shalt  }
0x44: {  	_ =	shalt  }
0x45: {  	_ =	shalt  }
0x46: {  	_ =	shalt  }
0x47: {  	_ =	shalt  }
0x48: {  	_ =	shalt  }
0x49: {  	_ =	shalt  }
0x4a: {  	_ =	shalt  }
0x4b: {  	_ =	shalt  }
0x4c: {  	_ =	shalt  }
0x4d: {  	_ =	shalt  }
0x4e: {  	_ =	shalt  }
0x4f: {  	_ =	shalt  }
0x50: {  	_ =	shalt  }
0x51: {  	_ =	shalt  }
0x52: {  	_ =	shalt  }
0x53: {  	_ =	shalt  }
0x54: {  	_ =	shalt  }
0x55: {  	_ =	shalt  }
0x56: {  	_ =	shalt  }
0x57: {  	_ =	shalt  }
0x58: {  	_ =	shalt  }
0x59: {  	_ =	shalt  }
0x5a: {  	_ =	shalt  }
0x5b: {  	_ =	shalt  }
0x5c: {  	_ =	shalt  }
0x5d: {  	_ =	shalt  }
0x5e: {  	_ =	shalt  }
0x5f: {  	_ =	shalt  }
0x60: {  	_ =	shalt  }
0x61: {  	_ =	shalt  }
0x62: {  	_ =	shalt  }
0x63: {  	_ =	shalt  }
0x64: {  	_ =	shalt  }
0x65: {  	_ =	shalt  }
0x66: {  	_ =	shalt  }
0x67: {  	_ =	shalt  }
0x68: {  	_ =	shalt  }
0x69: {  	_ =	shalt  }
0x6a: {  	_ =	shalt  }
0x6b: {  	_ =	shalt  }
0x6c: {  	_ =	shalt  }
0x6d: {  	_ =	shalt  }
0x6e: {  	_ =	shalt  }
0x6f: {  	_ =	shalt  }
0x70: {  	_ =	shalt  }
0x71: {  	_ =	shalt  }
0x72: {  	_ =	shalt  }
0x73: {  	_ =	shalt  }
0x74: {  	_ =	shalt  }
0x75: {  	_ =	shalt  }
0x76: {  	_ =	shalt  }
0x77: {  	_ =	shalt  }
0x78: {  	_ =	shalt  }
0x79: {  	_ =	shalt  }
0x7a: {  	_ =	shalt  }
0x7b: {  	_ =	shalt  }
0x7c: {  	_ =	shalt  }
0x7d: {  	_ =	shalt  }
0x7e: {  	_ =	shalt  }
0x7f: {  	_ =	shalt  }
0x80: {  	_ =	shalt  }
0x81: {  	_ =	shalt  }
0x82: {  	_ =	shalt  }
0x83: {  	_ =	shalt  }
0x84: {  	_ =	shalt  }
0x85: {  	_ =	shalt  }
0x86: {  	_ =	shalt  }
0x87: {  	_ =	shalt  }
.Lfunc_end0:
.L_simem_size_0:
called_computation_lowered:
.L_overlay_start_0:
0x88: {  	s2 =	sld [smem:$0x3FD9]  }
0x89: {  	s3 =	sld [smem:$0x3FFE];
	_ =	sdelay $0x1  }
0x8a: {  	s1 =	srdreg.scid  }
0x8b: {  	s0 =	sand.u32 $0x1, s1  }
0x8c: {  	s17 =	sshll.u32 s0, $0xA;
	s2 =	sadd.s32 s3, s2  }
0x8d: {  	s2 =	sadd.s32 s2, s17  }
0x8e: {  	[smem:$0x3FBE] =	sst s2  }
0x8f: {  	_ = 	snop  }
0x90: {  	s2 =	sld [smem:$0x3FC5];
	(tm) =	ssettm $0x1  }
0x91: {  	s18 =	sld [smem:$0x3FFB];
	_ =	sdelay $0x3  }
0x92: {  	_ =	strace s18  }
0x93: {  	s3 =	sld [smem:$0x3FFC];
	_ =	sdelay $0x3  }
0x94: {  	_ =	strace s3  }
0x95: {  	s3 =	sld [smem:$0x3FFD];
	_ =	sdelay $0x3  }
0x96: {  	_ =	strace s3  }
0x97: {  	_ =	strace $0x8FFFFFFF  }
0x98: {  	s19 =	sld [smem:$0x3FDB];
	_ =	sdelay $0x1  }
0x99: {  	s4 =	simm.s32 $_scs_section_size  }
0x9a: {  	s5 =	simm.s32 $_size__tile_overlayer_lowered;
	s6 =	simm.s32 $_tile_overlayer_lowered  }
0x9b: {  	s22 =	simm.s32 $0x1BFF;
	s21 =	sshll.u32 s6, $0x1;
	s3 =	sadd.s32 s4, s19  }
0x9c: {  	s7 =	simm.s32 $0x0;
	s20 =	sshll.u32 s5, $0x1;
	s5 =	sadd.s32 s21, s3  }
0x9d: {  	[timem:s7], [sflag:s22] =	dma.local [hbm:s5], s20  }
0x9e: {  	_ =	swait.ge [sflag:s22], s20  }
0x9f: {  	s4 =	ssub.s32 $0x0, s20;
	[sflag:s22] =	ssyncset.done $0x0  }
0xa0: {  	[sflag:s22] =	ssyncadd.s32 s4;
	_ =	sdelay $0x1  }
0xa1: {  	s23 =	simm.s32 $0x1B8B  }
0xa2: {  	_ =	swait.ge [sflag:s23], $0x1  }
0xa3: {  	[sflag:s23] =	ssyncset.done $0x0  }
0xa4: {  	s25 =	simm.s32 $0x1B8E;
	s24 =	sld [smem:$0x3FFE];
	[sflag:s23] =	ssyncadd.s32 $0xFFFFFFFF  }
0xa5: {  	s26 =	simm.s32 $execute0_lowered;
	[smem:$0x3FD2] =	sst s25  }
0xa6: {  	s5 =	sshll.u32 s26, $0x1;
	_ =	strace $0x80000046;
	[dreg:$0x1] =	wrdreg $0xFFFFFFFF  }
0xa7: {  	s28 =	simm.s32 $_size_execute0_lowered;
	s3 =	sadd.s32 s3, s5;
	[dreg:$0x0] =	wrdreg $0x0  }
0xa8: {  	s5 =	sshll.u32 s28, $0x1;
	[dreg:$0x2] =	wrdreg s3  }
0xa9: {  	[dreg:$0x3] =	wrdreg s5  }
0xaa: {  	[dreg:$0x4] =	wrdreg $0xC0  }
0xab: {  	_ =	task [dreg:s7], $0x5FFFF  }
0xac: {  	[dreg:$0x1] =	wrdreg $0xFFFFFFFF  }
0xad: {  	[dreg:$0x0] =	wrdreg $0x60  }
0xae: {  	[dreg:$0x2] =	wrdreg s2  }
0xaf: {  	[dreg:$0x3] =	wrdreg s24  }
0xb0: {  	[dreg:$0x4] =	wrdreg $0x9  }
0xb1: {  	_ =	task.clear_ibuf [dreg:s7], $0x5FFFF;
	_ =	strace $0x90000046  }
0xb2: {  	s29 =	simm.s32 $0x9;
	_ =	strace $0x80000048  }
0xb3: {  	_ =	swait.ge [sflag:s29], $0x1  }
0xb4: {  	[sflag:s29] =	ssyncadd.s32 $0xFFFFFFFF  }
0xb5: {  	_ =	strace $0x90000048  }
0xb6: {  	_ =	sfence  }
0xb7: {  	s30 =	sld [smem:$0x0];
	_ =	sdelay $0x2  }
0xb8: {  	s31 =	sshll.u32 s1, $0xD;
	s1 =	sshrl.u32 s1, $0x2  }
0xb9: {  	s3 =	sand.u32 $0x4000, s31;
	s1 =	sadd.s32 s1, s30  }
0xba: {  	s0 =	sor.u32 s3, s0;
	s1 =	sshll.u32 s1, $0x11  }
0xbb: {  	s0 =	sor.u32 s1, s0  }
0xbc: {  	s0 =	sadd.s32 $0x8F2B, s0  }
0xbd: {  	[sflag:s0] =	ssyncadd.remote.s32 $0x1  }
0xbe: {  	_ =	sfence.sel $0xFFFF  }
0xbf: {  	[dreg:$0x0] =	wrdreg $0xFFFFFFFF;
	(pc) =	sbr.abs _section_cstart, $3  }
0xc0: {  	[dreg:$0x1] =	wrdreg $0xFFFFFFFF  }
0xc1: {  	_ =	task.clear_ibuf [dreg:s7], $0x2FFFF;
	_ =	strace $0x9FFFFFFF  }
0xc2: {  	(tm) =	ssettm $0x7FFFFFFF  }
0xc3: {  	_ =	shalt  }
tec
execute0_lowered:
.L_overlay_start_1:
0x0: {  	(tag) =	ssettag $0x1  }
0x1: {  	s1 =	srdreg.scid;
	s2 =	rddreg [dreg:$0x0]  }
0x2: {  	s0 =	stileid.u32;
	s9 =	rddreg [dreg:$0x1]  }
0x3: {  	s5 =	simm.s32 $0x1;
	s6 =	simm.s32 $0x2;
	s1 =	sshll.u32 s1, $0x9  }
0x4: {  	s11 =	simm.s32 $0x3;
	s3 =	sshll.u32 s0, $0xA;
	s1 =	sand.u32 $0x200, s1  }
0x5: {  	s13 =	simm.s32 $0x0;
	s12 =	simm.s32 $0x0;
	s3 =	sor.u32 s3, s1  }
0x6: {  	s1 =	rddreg [dreg:$0x2];
	_ =	strace $0x80000047;
	s4 =	sshrl.u32 s3, $0x3  }
0x7: {  	s7 =	ssub.s32 $0x4000, s3;
	[sflag:s5] =	ssyncpa.u1 $0x0;
	s8 =	sadd.s32 s4, s9  }
.Ltmp0:
0x8: {  	s4 =	sadd.s32 $0x2400, s9;
	s10 =	sand.u32 $0x3E00, s7;
	(pc) =	sbr.rel .LBB2_1-.Ltmp0, $4  }
0x9: {  	[sflag:s6] =	ssyncpa.u1 $0x0;
	p0 =	sne.s32 s10, $0x0;
	s10 =	simm.s32 $0x1  }
0xa: {  	s7 =	sshrl.u32 s7, $0xE;
	s9 =	sadd.s32 $0x6400, s9;
	s10 =	simm.s32 @!p0 $0x0  }
0xb: {  	[sflag:s11] =	ssyncpa.u1 $0x0;
	s8 =	sadd.s32 $0x1C00, s8;
	s7 =	sadd.s32 s10, s7  }
0xc: {  	vm0 =	vmmov $0xffff;
	s11 =	simm.s32 $0x0;
	p0 =	por $0x0, $0x0;
	s10 =	sadd.s32 $0x1, s7  }
.LBB2_4:
0xd: {  	_ =	sdelay $0x3  }
0xe: {  	[tilespmem:s19], [sflag:$0x1] =	stream.indirect_vreg.gather [hbm4b:s2+s11], $0x1, v0, vm0, $0x4038;
	[tilespmem:$0x4400] =	vst v63  }
0xf: {  	s16 =	sshll.u32 s13, $0x3  }
0x10: {  	s30 =	sand.u32 $0x78, s13;
	s16 =	sand.u32 $0x7FFFFC00, s16  }
0x11: {  	_ =	swait.ge [sflag:s5], $0x2000;
	s13 =	sor.u32 s30, s16  }
0x12: {  	[sflag:s5] =	ssyncset.done $0x0;
	s13 =	sshrl.u32 s13, $0x3  }
0x13: {  	[sflag:s5] =	ssyncadd.s32 $0xFFFFE000;
	s31 =	sadd.s32 s4, s13  }
0x14: {  	[hbm:s31] =	stream.linear.scatter [tilespmem:s15], [sflag:$0x3], $0x1000, $0x38;
	[tilespmem:$0x4400] =	vst v63  }
0x15: {  	s14 =	sadd.s32 $0x1400, s14;
	s13 =	sadd.s32 s13, s9  }
0x16: {  	[hbm:s13] =	stream.linear.scatter [tilespmem:s14], [sflag:$0x3], $0x1000, $0x38;
	[tilespmem:$0x4400] =	vst v63  }
.LBB2_5:
0x17: {  	p2 =	sne.s32 s12, s10  }
.Ltmp1:
0x18: {  	p1 =	slt.u32 s12, $0x2;
	(pc) =	sbr.rel @!p2 .LBB2_6-.Ltmp1, $4  }
0x19: {  	s13 =	simm.s32 @!p1 $0x3  }
0x1a: {  	_ =	swait.ge @!p1 [sflag:s13], $0x2000  }
0x1b: {  	s14 =	sadd.s32 $0x1, s12;
	p0 =	por !p0, !p0;
	[sflag:s13] =	ssyncset.done @!p1 $0x0  }
0x1c: {  	s12 =	smov.u32 s14;
	[sflag:s13] =	ssyncadd.s32 @!p1 $0xFFFFE000;
	s13 =	smov.u32 s3  }
.LBB2_1:
0x1d: {  	p1 =	sge.u32 s12, s7  }
0x1e: {  	s14 =	sxor.u32 @!p1 $0xFFFFFFFF, s12  }
0x1f: {  	s14 =	sshll.u32 @!p1 s14, $0x9  }
0x20: {  	s31 =	sadd.s32 $0xFFFFFFFF, s12;
	s15 =	simm.s32 @!p1 $0x0;
	s14 =	sand.u32 @!p1 $0x200, s14  }
0x21: {  	[tilespmem:s14], [sflag:$0x2] =	stream.linear.gather @!p1 [hbm4b:s8+s15], $0x200, $0x38;
	[tilespmem:$0x4400] =	vst v63  }
0x22: {  	p1 =	sge.u32 s31, s7  }
.Ltmp2:
0x23: {  	_ = 	snop;
	(pc) =	sbr.rel @p1 .LBB2_5-.Ltmp2, $1  }
0x24: {  	_ =	sdelay $0x3  }
0x25: {  	s14 =	simm.s32 $0x1;
	_ =	swait.ge [sflag:s6], $0x200  }
0x26: {  	s14 =	simm.s32 @!p0 $0x0;
	[sflag:s6] =	ssyncset.done $0x0  }
0x27: {  	s17 =	sshll.u32 s14, $0x9;
	[sflag:s6] =	ssyncadd.s32 $0xFFFFFE00  }
0x28: {  	v0 =	vld.msk [tilespmem:s17+$0x0 ss:$0x1], $0xffff;
	_ =	sdelay $0x4  }
0x29: {  	vm1 =	vgt.s32 v0, $0x0  }
0x2a: {  	v0 =	vnsel vm1, $0x0, v0  }
0x2b: {  	v0 =	vmin.u32 v0, $0xF423F  }
0x2c: {  	v1 =	vshll.u32 v0, $0x3  }
0x2d: {  	v0 =	vand.u32 $0x7F, v0;
	v1 =	vand.u32 $0x7FFC00, v1  }
0x2e: {  	s30 =	sshll.u32 s12, $0xD;
	v0 =	vor.u32 v0, v1  }
0x2f: {  	s16 =	simm.s32 $0x0;
	s14 =	sand.u32 $0x2000, s30  }
0x30: {  	s18 =	sand.u32 $0xC00, s16;
	s15 =	sor.u32 $0x400, s14  }
0x31: {  	s19 =	sand.u32 $0x70, s16;
	(ifvalue) =	ssetifvalue $0x7FFFFFFF;
	s18 =	sadd.s32 s18, s15;
	v1 =	vor.u32 $0x80, v0  }
0x32: {  	(ifvalue) =	ssetifvalue $0x7FFFFFFF;
	s18 =	sadd.s32 s19, s18  }
0x33: {  	[tilespmem:s18], [sflag:$0x1] =	stream.indirect_vreg.gather [hbm4b:s2+s11], $0x1, v0, vm0, $0x4038;
	[tilespmem:$0x4400] =	vst v63  }
0x34: {  	v2 =	vor.u32 $0x100, v0;
	(ifvalue) =	ssetifvalue $0x7FFFFFFF  }
0x35: {  	s19 =	sadd.s32 $0x80, s18;
	(ifvalue) =	ssetifvalue $0x7FFFFFFF  }
0x36: {  	[tilespmem:s19], [sflag:$0x1] =	stream.indirect_vreg.gather [hbm4b:s2+s11], $0x1, v1, vm0, $0x4038;
	[tilespmem:$0x4400] =	vst v63  }
0x37: {  	v1 =	vor.u32 $0x180, v0;
	(ifvalue) =	ssetifvalue $0x7FFFFFFF  }
0x38: {  	s31 =	sadd.s32 $0x100, s18;
	(ifvalue) =	ssetifvalue $0x7FFFFFFF  }
0x39: {  	[tilespmem:s31], [sflag:$0x1] =	stream.indirect_vreg.gather [hbm4b:s2+s11], $0x1, v2, vm0, $0x4038;
	[tilespmem:$0x4400] =	vst v63  }
0x3a: {  	v2 =	vor.u32 $0x200, v0;
	(ifvalue) =	ssetifvalue $0x7FFFFFFF  }
0x3b: {  	s20 =	sadd.s32 $0x180, s18;
	(ifvalue) =	ssetifvalue $0x7FFFFFFF  }
0x3c: {  	[tilespmem:s20], [sflag:$0x1] =	stream.indirect_vreg.gather [hbm4b:s2+s11], $0x1, v1, vm0, $0x4038;
	[tilespmem:$0x4400] =	vst v63  }
0x3d: {  	(ifvalue) =	ssetifvalue $0x7FFFFFFF;
	v1 =	vor.u32 $0x280, v0  }
0x3e: {  	s21 =	sadd.s32 $0x200, s18;
	(ifvalue) =	ssetifvalue $0x7FFFFFFF  }
0x3f: {  	[tilespmem:s21], [sflag:$0x1] =	stream.indirect_vreg.gather [hbm4b:s2+s11], $0x1, v2, vm0, $0x4038;
	[tilespmem:$0x4400] =	vst v63  }
0x40: {  	(ifvalue) =	ssetifvalue $0x7FFFFFFF;
	v2 =	vor.u32 $0x300, v0  }
0x41: {  	s22 =	sadd.s32 $0x280, s18;
	(ifvalue) =	ssetifvalue $0x7FFFFFFF  }
0x42: {  	[tilespmem:s22], [sflag:$0x1] =	stream.indirect_vreg.gather [hbm4b:s2+s11], $0x1, v1, vm0, $0x4038;
	[tilespmem:$0x4400] =	vst v63  }
0x43: {  	(ifvalue) =	ssetifvalue $0x7FFFFFFF;
	v1 =	vor.u32 $0x380, v0  }
0x44: {  	s16 =	sor.u32 s16, s16;
	s23 =	sadd.s32 $0x300, s18;
	(ifvalue) =	ssetifvalue $0x7FFFFFFF  }
0x45: {  	[tilespmem:s23], [sflag:$0x1] =	stream.indirect_vreg.gather [hbm4b:s2+s11], $0x1, v2, vm0, $0x4038;
	[tilespmem:$0x4400] =	vst v63  }
0x46: {  	s16 =	sor.u32 $0x380, s16;
	(ifvalue) =	ssetifvalue $0x7FFFFFFF;
	v2 =	vadd.s32 $0x7A1400, v0  }
0x47: {  	s16 =	sadd.s32 s16, s15;
	(ifvalue) =	ssetifvalue $0x7FFFFFFF  }
0x48: {  	[tilespmem:s16], [sflag:$0x1] =	stream.indirect_vreg.gather [hbm4b:s2+s11], $0x1, v1, vm0, $0x4038;
	[tilespmem:$0x4400] =	vst v63  }
0x49: {  	(ifvalue) =	ssetifvalue $0x7FFFFFFF;
	v1 =	vadd.s32 $0x7A1480, v0  }
0x4a: {  	s24 =	sadd.s32 $0x1000, s18;
	(ifvalue) =	ssetifvalue $0x7FFFFFFF  }
0x4b: {  	[tilespmem:s24], [sflag:$0x1] =	stream.indirect_vreg.gather [hbm4b:s2+s11], $0x1, v2, vm0, $0x4038;
	[tilespmem:$0x4400] =	vst v63  }
0x4c: {  	(ifvalue) =	ssetifvalue $0x7FFFFFFF;
	v2 =	vadd.s32 $0x7A1500, v0  }
0x4d: {  	s25 =	sadd.s32 $0x1080, s18;
	(ifvalue) =	ssetifvalue $0x7FFFFFFF  }
0x4e: {  	[tilespmem:s25], [sflag:$0x1] =	stream.indirect_vreg.gather [hbm4b:s2+s11], $0x1, v1, vm0, $0x4038;
	[tilespmem:$0x4400] =	vst v63  }
0x4f: {  	(ifvalue) =	ssetifvalue $0x7FFFFFFF;
	v1 =	vadd.s32 $0x7A1580, v0  }
0x50: {  	s26 =	sadd.s32 $0x1100, s18;
	(ifvalue) =	ssetifvalue $0x7FFFFFFF  }
0x51: {  	[tilespmem:s26], [sflag:$0x1] =	stream.indirect_vreg.gather [hbm4b:s2+s11], $0x1, v2, vm0, $0x4038;
	[tilespmem:$0x4400] =	vst v63  }
0x52: {  	(ifvalue) =	ssetifvalue $0x7FFFFFFF;
	v2 =	vadd.s32 $0x7A1600, v0  }
0x53: {  	s28 =	sadd.s32 $0x1180, s18;
	(ifvalue) =	ssetifvalue $0x7FFFFFFF  }
0x54: {  	[tilespmem:s28], [sflag:$0x1] =	stream.indirect_vreg.gather [hbm4b:s2+s11], $0x1, v1, vm0, $0x4038;
	[tilespmem:$0x4400] =	vst v63  }
0x55: {  	(ifvalue) =	ssetifvalue $0x7FFFFFFF;
	v1 =	vadd.s32 $0x7A1680, v0  }
0x56: {  	s29 =	sadd.s32 $0x1200, s18;
	(ifvalue) =	ssetifvalue $0x7FFFFFFF  }
0x57: {  	[tilespmem:s29], [sflag:$0x1] =	stream.indirect_vreg.gather [hbm4b:s2+s11], $0x1, v2, vm0, $0x4038;
	[tilespmem:$0x4400] =	vst v63  }
0x58: {  	(ifvalue) =	ssetifvalue $0x7FFFFFFF;
	v2 =	vadd.s32 $0x7A1700, v0  }
0x59: {  	s30 =	sadd.s32 $0x1280, s18;
	(ifvalue) =	ssetifvalue $0x7FFFFFFF  }
0x5a: {  	[tilespmem:s30], [sflag:$0x1] =	stream.indirect_vreg.gather [hbm4b:s2+s11], $0x1, v1, vm0, $0x4038;
	[tilespmem:$0x4400] =	vst v63  }
0x5b: {  	v0 =	vadd.s32 $0x7A1780, v0;
	(ifvalue) =	ssetifvalue $0x7FFFFFFF  }
0x5c: {  	s31 =	sadd.s32 $0x1300, s18;
	(ifvalue) =	ssetifvalue $0x7FFFFFFF  }
0x5d: {  	[tilespmem:s31], [sflag:$0x1] =	stream.indirect_vreg.gather [hbm4b:s2+s11], $0x1, v2, vm0, $0x4038;
	[tilespmem:$0x4400] =	vst v63  }
0x5e: {  	s17 =	sadd.s32 $0x10, s17;
	s19 =	sadd.s32 $0x1380, s18;
	(ifvalue) =	ssetifvalue $0x7FFFFFFF  }
0x5f: {  	s18 =	simm.s32 $0x80;
	s16 =	simm.s32 $0x10;
	(ifvalue) =	ssetifvalue $0x7FFFFFFF  }
.LBB2_3:
0x60: {  	[tilespmem:s19], [sflag:$0x1] =	stream.indirect_vreg.gather [hbm4b:s2+s11], $0x1, v0, vm0, $0x4038;
	[tilespmem:$0x4400] =	vst v63  }
0x61: {  	p1 =	sne.s32 s16, $0x1F0;
	s20 =	smov.u32 s16;
	s16 =	sadd.s32 $0x10, s16;
	v0 =	vld.msk [tilespmem:s17+$0x0 ss:$0x1], $0xffff  }
0x62: {  	(ifvalue) =	ssetifvalue $0x7FFFFFFF;
	_ =	sdelay $0x4  }
0x63: {  	vm1 =	vgt.s32 v0, $0x0  }
0x64: {  	v0 =	vnsel vm1, $0x0, v0  }
0x65: {  	v0 =	vmin.u32 v0, $0xF423F  }
0x66: {  	v1 =	vshll.u32 v0, $0x3  }
0x67: {  	v0 =	vand.u32 $0x7F, v0;
	v1 =	vand.u32 $0x7FFC00, v1  }
0x68: {  	v0 =	vor.u32 v0, v1;
	_ =	sdelay $0x1  }
0x69: {  	s19 =	sand.u32 $0xC00, s18  }
0x6a: {  	s21 =	sand.u32 $0x70, s20;
	s19 =	sadd.s32 s19, s15;
	v1 =	vor.u32 $0x80, v0  }
0x6b: {  	s19 =	sadd.s32 s21, s19;
	(ifvalue) =	ssetifvalue $0x7FFFFFFF  }
0x6c: {  	[tilespmem:s19], [sflag:$0x1] =	stream.indirect_vreg.gather [hbm4b:s2+s11], $0x1, v0, vm0, $0x4038;
	[tilespmem:$0x4400] =	vst v63  }
0x6d: {  	v2 =	vor.u32 $0x100, v0;
	(ifvalue) =	ssetifvalue $0x7FFFFFFF  }
0x6e: {  	s21 =	sadd.s32 $0x80, s19;
	(ifvalue) =	ssetifvalue $0x7FFFFFFF  }
0x6f: {  	[tilespmem:s21], [sflag:$0x1] =	stream.indirect_vreg.gather [hbm4b:s2+s11], $0x1, v1, vm0, $0x4038;
	[tilespmem:$0x4400] =	vst v63  }
0x70: {  	v1 =	vor.u32 $0x180, v0;
	(ifvalue) =	ssetifvalue $0x7FFFFFFF  }
0x71: {  	s21 =	sadd.s32 $0x100, s19;
	(ifvalue) =	ssetifvalue $0x7FFFFFFF  }
0x72: {  	[tilespmem:s21], [sflag:$0x1] =	stream.indirect_vreg.gather [hbm4b:s2+s11], $0x1, v2, vm0, $0x4038;
	[tilespmem:$0x4400] =	vst v63  }
0x73: {  	v2 =	vor.u32 $0x200, v0;
	(ifvalue) =	ssetifvalue $0x7FFFFFFF  }
0x74: {  	s21 =	sadd.s32 $0x180, s19;
	(ifvalue) =	ssetifvalue $0x7FFFFFFF  }
0x75: {  	[tilespmem:s21], [sflag:$0x1] =	stream.indirect_vreg.gather [hbm4b:s2+s11], $0x1, v1, vm0, $0x4038;
	[tilespmem:$0x4400] =	vst v63  }
0x76: {  	v1 =	vor.u32 $0x280, v0;
	(ifvalue) =	ssetifvalue $0x7FFFFFFF  }
0x77: {  	s21 =	sadd.s32 $0x200, s19;
	(ifvalue) =	ssetifvalue $0x7FFFFFFF  }
0x78: {  	[tilespmem:s21], [sflag:$0x1] =	stream.indirect_vreg.gather [hbm4b:s2+s11], $0x1, v2, vm0, $0x4038;
	[tilespmem:$0x4400] =	vst v63  }
0x79: {  	v2 =	vor.u32 $0x300, v0;
	(ifvalue) =	ssetifvalue $0x7FFFFFFF  }
0x7a: {  	s21 =	sadd.s32 $0x280, s19;
	(ifvalue) =	ssetifvalue $0x7FFFFFFF  }
0x7b: {  	[tilespmem:s21], [sflag:$0x1] =	stream.indirect_vreg.gather [hbm4b:s2+s11], $0x1, v1, vm0, $0x4038;
	[tilespmem:$0x4400] =	vst v63  }
0x7c: {  	v1 =	vor.u32 $0x380, v0;
	(ifvalue) =	ssetifvalue $0x7FFFFFFF  }
0x7d: {  	s20 =	sor.u32 s18, s20;
	s21 =	sadd.s32 $0x300, s19;
	(ifvalue) =	ssetifvalue $0x7FFFFFFF  }
0x7e: {  	[tilespmem:s21], [sflag:$0x1] =	stream.indirect_vreg.gather [hbm4b:s2+s11], $0x1, v2, vm0, $0x4038;
	[tilespmem:$0x4400] =	vst v63  }
0x7f: {  	s20 =	sor.u32 $0x380, s20;
	v2 =	vadd.s32 $0x7A1400, v0;
	(ifvalue) =	ssetifvalue $0x7FFFFFFF  }
0x80: {  	s20 =	sadd.s32 s20, s15;
	(ifvalue) =	ssetifvalue $0x7FFFFFFF  }
0x81: {  	[tilespmem:s20], [sflag:$0x1] =	stream.indirect_vreg.gather [hbm4b:s2+s11], $0x1, v1, vm0, $0x4038;
	[tilespmem:$0x4400] =	vst v63  }
0x82: {  	v1 =	vadd.s32 $0x7A1480, v0;
	(ifvalue) =	ssetifvalue $0x7FFFFFFF  }
0x83: {  	s20 =	sadd.s32 $0x1000, s19;
	(ifvalue) =	ssetifvalue $0x7FFFFFFF  }
0x84: {  	[tilespmem:s20], [sflag:$0x1] =	stream.indirect_vreg.gather [hbm4b:s2+s11], $0x1, v2, vm0, $0x4038;
	[tilespmem:$0x4400] =	vst v63  }
0x85: {  	v2 =	vadd.s32 $0x7A1500, v0;
	(ifvalue) =	ssetifvalue $0x7FFFFFFF  }
0x86: {  	s20 =	sadd.s32 $0x1080, s19;
	(ifvalue) =	ssetifvalue $0x7FFFFFFF  }
0x87: {  	[tilespmem:s20], [sflag:$0x1] =	stream.indirect_vreg.gather [hbm4b:s2+s11], $0x1, v1, vm0, $0x4038;
	[tilespmem:$0x4400] =	vst v63  }
0x88: {  	v1 =	vadd.s32 $0x7A1580, v0;
	(ifvalue) =	ssetifvalue $0x7FFFFFFF  }
0x89: {  	s20 =	sadd.s32 $0x1100, s19;
	(ifvalue) =	ssetifvalue $0x7FFFFFFF  }
0x8a: {  	[tilespmem:s20], [sflag:$0x1] =	stream.indirect_vreg.gather [hbm4b:s2+s11], $0x1, v2, vm0, $0x4038;
	[tilespmem:$0x4400] =	vst v63  }
0x8b: {  	v2 =	vadd.s32 $0x7A1600, v0;
	(ifvalue) =	ssetifvalue $0x7FFFFFFF  }
0x8c: {  	s20 =	sadd.s32 $0x1180, s19;
	(ifvalue) =	ssetifvalue $0x7FFFFFFF  }
0x8d: {  	[tilespmem:s20], [sflag:$0x1] =	stream.indirect_vreg.gather [hbm4b:s2+s11], $0x1, v1, vm0, $0x4038;
	[tilespmem:$0x4400] =	vst v63  }
0x8e: {  	v1 =	vadd.s32 $0x7A1680, v0;
	(ifvalue) =	ssetifvalue $0x7FFFFFFF  }
0x8f: {  	s20 =	sadd.s32 $0x1200, s19;
	(ifvalue) =	ssetifvalue $0x7FFFFFFF  }
0x90: {  	[tilespmem:s20], [sflag:$0x1] =	stream.indirect_vreg.gather [hbm4b:s2+s11], $0x1, v2, vm0, $0x4038;
	[tilespmem:$0x4400] =	vst v63  }
0x91: {  	v2 =	vadd.s32 $0x7A1700, v0;
	(ifvalue) =	ssetifvalue $0x7FFFFFFF  }
0x92: {  	s20 =	sadd.s32 $0x1280, s19;
	(ifvalue) =	ssetifvalue $0x7FFFFFFF  }
0x93: {  	[tilespmem:s20], [sflag:$0x1] =	stream.indirect_vreg.gather [hbm4b:s2+s11], $0x1, v1, vm0, $0x4038;
	[tilespmem:$0x4400] =	vst v63  }
.Ltmp3:
0x94: {  	v0 =	vadd.s32 $0x7A1780, v0;
	(ifvalue) =	ssetifvalue $0x7FFFFFFF;
	(pc) =	sbr.rel @p1 .LBB2_3-.Ltmp3, $4  }
0x95: {  	s20 =	sadd.s32 $0x1300, s19;
	(ifvalue) =	ssetifvalue $0x7FFFFFFF  }
0x96: {  	[tilespmem:s20], [sflag:$0x1] =	stream.indirect_vreg.gather [hbm4b:s2+s11], $0x1, v2, vm0, $0x4038;
	[tilespmem:$0x4400] =	vst v63  }
0x97: {  	s17 =	sadd.s32 $0x10, s17;
	(ifvalue) =	ssetifvalue $0x7FFFFFFF  }
0x98: {  	s18 =	sadd.s32 $0x80, s18;
	s19 =	sadd.s32 $0x1380, s19;
	(ifvalue) =	ssetifvalue $0x7FFFFFFF  }
.Ltmp4:
0x99: {  	_ = 	snop;
	(pc) =	sbr.rel .LBB2_4-.Ltmp4, $1  }
0x9a: {  	_ =	sdelay $0x3  }
.LBB2_6:
0x9b: {  	_ =	sfence.sel $0x180000  }
0x9c: {  	s2 =	simm.s32 $0x2;
	[bflag:$0x0] =	sbarrier.arrive $0xFFFF  }
0x9d: {  	s30 =	simm.s32 $0x3;
	[sflag:s2] =	ssyncpa.u1 $0x1  }
0x9e: {  	s31 =	simm.s32 $0x1;
	[sflag:s30] =	ssyncpa.u1 $0x1  }
0x9f: {  	[sflag:s31] =	ssyncpa.u1 $0x1  }
0xa0: {  	p0 =	sne.s32 s0, $0x0;
	_ =	strace $0x90000047  }
0xa1: {  	s0 =	sadd.s32 @!p0 $0x100000, s1;
	[bflag:$0x2] =	sbarrier.arrive $0xFFFF  }
0xa2: {  	[sflag:s0] =	ssyncadd.tile.s32 @!p0 $0x1;
	_ =	shalt  }
.Lfunc_end2:
_tile_overlayer_lowered:
.L_overlay_start_2:
0xa3: {  	(tag) =	ssettag $0x2  }
0xa4: {  	s0 =	rddreg [dreg:$0x0];
	s2 =	stileid.u32  }
0xa5: {  	s1 =	rddreg [dreg:$0x1];
	p0 =	sne.s32 s2, $0x0  }
0xa6: {  	s3 =	rddreg [dreg:$0x2];
	[bflag:$0x3] =	sbarrier.arrive $0xFFFF;
	s2 =	simm.s32 @!p0 $0x1C01  }
0xa7: {  	[timem:s3], [sflag:s2] =	dma.local @!p0 [hbm:s0], s1  }
0xa8: {  	s0 =	simm.s32 @!p0 $0x1  }
0xa9: {  	_ =	swait.ge @!p0 [sflag:s0], s1  }
0xaa: {  	s1 =	ssub.s32 @!p0 $0x0, s1;
	[sflag:s0] =	ssyncset.done @!p0 $0x0  }
0xab: {  	[sflag:s0] =	ssyncadd.s32 @!p0 s1  }
0xac: {  	[bflag:$0x3] =	sbarrier.arrive $0xFFFF  }
0xad: {  	_ =	shalt  }

// kernel: kernel.4.cloned.1.call-start
scs
__scs_entry_jumppad:
0x0: {  	(pc) =	sbr.rel $0x88, $3  }
0x1: {  	(tag) =	ssettag $0x0;
	lr =	simm.s32 $0x1  }
0x2: {  	[smem:$0x3F97] =	sst lr;
	_ =	strace $0xD0000000  }
0x3: {  	_ = 	snop  }
0x4: {  	_ = 	snop  }
0x5: {  	_ = 	snop  }
0x6: {  	_ = 	snop  }
0x7: {  	_ = 	snop  }
__scs_overlays_trampoline_lowered:
0x8: {  	[smem:$0x3FA6] =	sst s0  }
0x9: {  	[smem:$0x3FA7] =	sst s1  }
0xa: {  	[smem:$0x3FA8] =	sst s2  }
0xb: {  	[smem:$0x3FA9] =	sst s3  }
0xc: {  	[smem:$0x3FAA] =	sst s4  }
0xd: {  	[smem:$0x3FAB] =	sst s5  }
0xe: {  	[smem:$0x3FAC] =	sst s6  }
0xf: {  	[smem:$0x3FAD] =	sst s7  }
0x10: {  	[smem:$0x3FAE] =	sst s8  }
0x11: {  	[smem:$0x3FAF] =	sst s9;
	s0 =	simm.s32 @!p0 $0x0  }
0x12: {  	s1 =	sld [smem:$0x3F95];
	s0 =	simm.s32 @p0 $0x1  }
0x13: {  	[smem:$0x3FB0] =	sst s0;
	s0 =	simm.s32 @!p1 $0x0  }
0x14: {  	s2 =	sld [smem:$0x3F94];
	s0 =	simm.s32 @p1 $0x1  }
0x15: {  	[smem:$0x3FB1] =	sst s0;
	s0 =	simm.s32 @!p2 $0x0  }
0x16: {  	s3 =	sld [smem:$0x3FDB];
	s0 =	simm.s32 @p2 $0x1  }
0x17: {  	s4 =	simm.s32 $0x1BF5;
	[smem:$0x3FB3] =	sst s0  }
0x18: {  	s0 =	sld [smem:$0x3F96];
	_ =	swait.ge [sflag:s4], $0x0  }
0x19: {  	s7 =	sld [smem:$0x3F97]  }
0x1a: {  	s8 =	sadd.s32 $0xFFFFE003, lr  }
0x1b: {  	s9 =	sadd.s32 $0xFFFFFEF7, lr;
	s5 =	simm.s32 $0xFFFFFFFF;
	p2 =	slt.u32 s8, $0xFFFFF086  }
0x1c: {  	p1 =	slt.u32 s9, $0xF7A;
	s5 =	simm.s32 @!p2 $0x0  }
0x1d: {  	s5 =	simm.s32 @p1 $0x1;
	p0 =	seq.s32 s7, s2  }
0x1e: {  	s7 =	smul.u32 @!p0 $0xF7A, s2;
	p2 =	seq.s32 @!p0 s5, $0x0  }
0x1f: {  	s9 =	smul.u32 $0xF7A, s1;
	s8 =	simm.s32 @!p0 $0x1BF5;
	p2 =	por !p2, p0  }
0x20: {  	[sflag:s8] =	ssyncset.s32 @!p0 $0xFFFFF086;
	s6 =	sadd.s32 @!p0 s3, s7;
	s7 =	simm.s32 @!p0 $0x108  }
0x21: {  	s3 =	sadd.s32 s3, s9;
	s6 =	sadd.s32 @!p0 $0x88, s6;
	s7 =	simm.s32 @p2 $0x1082  }
0x22: {  	[simem:s7], [sflag:s8] =	dma.local @!p0 [hbm:s6], $0xF7A  }
0x23: {  	s9 =	sor.u32 $0xD0000000, s2;
	s6 =	simm.s32 $0x108;
	_ =	swait.ge @!p0 [sflag:s8], $0x0  }
0x24: {  	s3 =	sadd.s32 $0x88, s3;
	s6 =	simm.s32 @!p1 $0x1082;
	[sflag:s4] =	ssyncset.s32 $0xFFFFF086  }
0x25: {  	[simem:s6], [sflag:s4] =	dma.local [hbm:s3], $0xF7A  }
0x26: {  	[smem:$0x3F97] =	sst s1;
	(tag) =	ssettag s2;
	_ =	strace s9  }
0x27: {  	s1 =	sld [smem:$0x3FA7]  }
0x28: {  	s2 =	sld [smem:$0x3FA8]  }
0x29: {  	s4 =	sld [smem:$0x3FAA]  }
0x2a: {  	p0 =	seq.s32 s5, $0x0;
	s5 =	sld [smem:$0x3FAB]  }
0x2b: {  	s6 =	sld [smem:$0x3FAC]  }
0x2c: {  	s7 =	sld [smem:$0x3FAD]  }
0x2d: {  	s3 =	simm.s32 $0x108;
	s8 =	sld [smem:$0x3FAE]  }
0x2e: {  	s3 =	simm.s32 @!p0 $0x1082;
	s9 =	sld [smem:$0x3FAF]  }
0x2f: {  	lr =	sadd.s32 s0, s3;
	s0 =	sld [smem:$0x3FA6]  }
0x30: {  	s3 =	sld [smem:$0x3FA9]  }
0x31: {  	[smem:$0x3FB2] =	sst s10  }
0x32: {  	s10 =	sld [smem:$0x3FB0];
	_ =	sdelay $0x3  }
0x33: {  	p0 =	seq.s32 s10, $0x1;
	s10 =	sld [smem:$0x3FB2];
	_ =	sdelay $0x3  }
0x34: {  	[smem:$0x3FB2] =	sst s10  }
0x35: {  	s10 =	sld [smem:$0x3FB1];
	_ =	sdelay $0x3  }
0x36: {  	p1 =	seq.s32 s10, $0x1;
	s10 =	sld [smem:$0x3FB2];
	_ =	sdelay $0x3  }
0x37: {  	[smem:$0x3FB2] =	sst s10  }
0x38: {  	s10 =	sld [smem:$0x3FB3]  }
0x39: {  	_ = 	snop;
	(pc) =	sbr.ind lr, $3  }
0x3a: {  	_ = 	snop  }
0x3b: {  	_ = 	snop  }
0x3c: {  	p2 =	seq.s32 s10, $0x1;
	s10 =	sld [smem:$0x3FB2]  }
0x3d: {  	_ =	shalt  }
0x3e: {  	_ =	shalt  }
0x3f: {  	_ =	shalt  }
0x40: {  	_ =	shalt  }
0x41: {  	_ =	shalt  }
0x42: {  	_ =	shalt  }
0x43: {  	_ =	shalt  }
0x44: {  	_ =	shalt  }
0x45: {  	_ =	shalt  }
0x46: {  	_ =	shalt  }
0x47: {  	_ =	shalt  }
0x48: {  	_ =	shalt  }
0x49: {  	_ =	shalt  }
0x4a: {  	_ =	shalt  }
0x4b: {  	_ =	shalt  }
0x4c: {  	_ =	shalt  }
0x4d: {  	_ =	shalt  }
0x4e: {  	_ =	shalt  }
0x4f: {  	_ =	shalt  }
0x50: {  	_ =	shalt  }
0x51: {  	_ =	shalt  }
0x52: {  	_ =	shalt  }
0x53: {  	_ =	shalt  }
0x54: {  	_ =	shalt  }
0x55: {  	_ =	shalt  }
0x56: {  	_ =	shalt  }
0x57: {  	_ =	shalt  }
0x58: {  	_ =	shalt  }
0x59: {  	_ =	shalt  }
0x5a: {  	_ =	shalt  }
0x5b: {  	_ =	shalt  }
0x5c: {  	_ =	shalt  }
0x5d: {  	_ =	shalt  }
0x5e: {  	_ =	shalt  }
0x5f: {  	_ =	shalt  }
0x60: {  	_ =	shalt  }
0x61: {  	_ =	shalt  }
0x62: {  	_ =	shalt  }
0x63: {  	_ =	shalt  }
0x64: {  	_ =	shalt  }
0x65: {  	_ =	shalt  }
0x66: {  	_ =	shalt  }
0x67: {  	_ =	shalt  }
0x68: {  	_ =	shalt  }
0x69: {  	_ =	shalt  }
0x6a: {  	_ =	shalt  }
0x6b: {  	_ =	shalt  }
0x6c: {  	_ =	shalt  }
0x6d: {  	_ =	shalt  }
0x6e: {  	_ =	shalt  }
0x6f: {  	_ =	shalt  }
0x70: {  	_ =	shalt  }
0x71: {  	_ =	shalt  }
0x72: {  	_ =	shalt  }
0x73: {  	_ =	shalt  }
0x74: {  	_ =	shalt  }
0x75: {  	_ =	shalt  }
0x76: {  	_ =	shalt  }
0x77: {  	_ =	shalt  }
0x78: {  	_ =	shalt  }
0x79: {  	_ =	shalt  }
0x7a: {  	_ =	shalt  }
0x7b: {  	_ =	shalt  }
0x7c: {  	_ =	shalt  }
0x7d: {  	_ =	shalt  }
0x7e: {  	_ =	shalt  }
0x7f: {  	_ =	shalt  }
0x80: {  	_ =	shalt  }
0x81: {  	_ =	shalt  }
0x82: {  	_ =	shalt  }
0x83: {  	_ =	shalt  }
0x84: {  	_ =	shalt  }
0x85: {  	_ =	shalt  }
0x86: {  	_ =	shalt  }
0x87: {  	_ =	shalt  }
.Lfunc_end0:
.L_simem_size_0:
called_computation.1_lowered:
.L_overlay_start_0:
0x88: {  	s2 =	sld [smem:$0x3FD9]  }
0x89: {  	s3 =	sld [smem:$0x3FFE];
	_ =	sdelay $0x1  }
0x8a: {  	s1 =	srdreg.scid  }
0x8b: {  	s0 =	sand.u32 $0x1, s1  }
0x8c: {  	s15 =	sshll.u32 s0, $0xA;
	s2 =	sadd.s32 s3, s2  }
0x8d: {  	s2 =	sadd.s32 s2, s15  }
0x8e: {  	[smem:$0x3FBE] =	sst s2  }
0x8f: {  	_ = 	snop  }
0x90: {  	s16 =	sld [smem:$0x3FD0];
	_ =	sdelay $0x2  }
0x91: {  	s5 =	simm.s32 $0xB;
	s4 =	simm.s32 $0x10;
	s2 =	sld [smem:$0x3FC6]  }
0x92: {  	[smem:s4], [sflag:s5] =	dma.local [hbm:s16], $0x1  }
0x93: {  	_ =	swait.eq [sflag:s5], $0x1  }
0x94: {  	[sflag:s5] =	ssyncset.done $0x0  }
0x95: {  	s17 =	sld [smem:$0x10];
	[sflag:s5] =	ssyncadd.s32 $0xFFFFFFFF  }
0x96: {  	s18 =	sld [smem:$0x11];
	(tm) =	ssettm $0x1  }
0x97: {  	s19 =	sld [smem:$0x3FFB];
	_ =	sdelay $0x3  }
0x98: {  	_ =	strace s19  }
0x99: {  	s3 =	sld [smem:$0x3FFC];
	_ =	sdelay $0x3  }
0x9a: {  	_ =	strace s3  }
0x9b: {  	s3 =	sld [smem:$0x3FFD];
	_ =	sdelay $0x3  }
0x9c: {  	_ =	strace s3  }
0x9d: {  	_ =	strace $0x8FFFFFFF  }
0x9e: {  	s20 =	sld [smem:$0x3FDB];
	_ =	sdelay $0x1  }
0x9f: {  	s6 =	simm.s32 $_scs_section_size  }
0xa0: {  	s7 =	simm.s32 $_size__tile_overlayer_lowered;
	s8 =	simm.s32 $_tile_overlayer_lowered  }
0xa1: {  	s9 =	simm.s32 $0x1BFF;
	s21 =	sshll.u32 s8, $0x1;
	s6 =	sadd.s32 s6, s20  }
0xa2: {  	s22 =	simm.s32 $0x0;
	s7 =	sshll.u32 s7, $0x1;
	s8 =	sadd.s32 s21, s6  }
0xa3: {  	[timem:s22], [sflag:s9] =	dma.local [hbm:s8], s7  }
0xa4: {  	_ =	swait.ge [sflag:s9], s7  }
0xa5: {  	s7 =	ssub.s32 $0x0, s7;
	[sflag:s9] =	ssyncset.done $0x0  }
0xa6: {  	[sflag:s9] =	ssyncadd.s32 s7;
	_ =	sdelay $0x1  }
0xa7: {  	s23 =	simm.s32 $0x1B8B  }
0xa8: {  	_ =	swait.ge [sflag:s23], $0x1  }
0xa9: {  	[sflag:s23] =	ssyncset.done $0x0  }
0xaa: {  	[sflag:s23] =	ssyncadd.s32 $0xFFFFFFFF  }
0xab: {  	s7 =	sld [smem:$0x0]  }
0xac: {  	s8 =	sand.u32 $0xFFFFFFFE, s1  }
0xad: {  	p0 =	sne.s32 s1, s8  }
0xae: {  	s8 =	sshll.u32 @p0 s8, $0xE  }
0xaf: {  	s8 =	sadd.s32 @p0 $0x11B8D, s8;
	s9 =	sshll.u32 @p0 s7, $0x11  }
0xb0: {  	s8 =	sor.u32 @p0 s9, s8  }
0xb1: {  	[sflag:s8] =	ssyncadd.remote.s32 @p0 $0x1;
	_ =	sdelay $0x1  }
0xb2: {  	s8 =	simm.s32 @p0 $0x1B8D  }
0xb3: {  	_ =	swait.eq @p0 [sflag:s8], $0x1  }
0xb4: {  	[sflag:s8] =	ssyncadd.s32 @p0 $0xFFFFFFFF  }
0xb5: {  	s9 =	sshll.u32 @!p0 s1, $0xE  }
0xb6: {  	s9 =	sor.u32 @!p0 $0x4000, s9;
	s8 =	simm.s32 @!p0 $0x1B8D  }
0xb7: {  	s7 =	sshll.u32 @!p0 s7, $0x11;
	s9 =	sadd.s32 @!p0 $0x11B8D, s9;
	_ =	swait.eq @!p0 [sflag:s8], $0x1  }
0xb8: {  	s7 =	sor.u32 @!p0 s7, s9;
	[sflag:s8] =	ssyncadd.s32 @!p0 $0xFFFFFFFF  }
0xb9: {  	s25 =	simm.s32 $0x1B8E;
	s24 =	sld [smem:$0x3FFE];
	[sflag:s7] =	ssyncadd.remote.s32 @!p0 $0x1  }
0xba: {  	s26 =	simm.s32 $execute0_lowered;
	[smem:$0x3FD2] =	sst s25  }
0xbb: {  	s8 =	sshll.u32 s26, $0x1;
	_ =	strace $0x80000049;
	[dreg:$0x1] =	wrdreg $0xFFFFFFFF  }
0xbc: {  	s28 =	simm.s32 $_size_execute0_lowered;
	s6 =	sadd.s32 s6, s8;
	[dreg:$0x0] =	wrdreg $0x0  }
0xbd: {  	s8 =	sshll.u32 s28, $0x1;
	[dreg:$0x2] =	wrdreg s6  }
0xbe: {  	[dreg:$0x3] =	wrdreg s8  }
0xbf: {  	[dreg:$0x4] =	wrdreg $0xC0  }
0xc0: {  	_ =	task [dreg:s22], $0x5FFFF  }
0xc1: {  	[dreg:$0x1] =	wrdreg $0xFFFFFFFF  }
0xc2: {  	[dreg:$0x0] =	wrdreg $0x60  }
0xc3: {  	[dreg:$0x2] =	wrdreg s24  }
0xc4: {  	[dreg:$0x3] =	wrdreg s2  }
0xc5: {  	[dreg:$0x4] =	wrdreg s18  }
0xc6: {  	[dreg:$0x5] =	wrdreg s17  }
0xc7: {  	[dreg:$0x6] =	wrdreg $0xA  }
0xc8: {  	_ =	task.clear_ibuf [dreg:s22], $0x7FFFF;
	_ =	strace $0x90000049  }
0xc9: {  	s29 =	simm.s32 $0xA;
	_ =	strace $0x8000004B  }
0xca: {  	_ =	swait.ge [sflag:s29], $0x1  }
0xcb: {  	[sflag:s29] =	ssyncadd.s32 $0xFFFFFFFF  }
0xcc: {  	_ =	strace $0x9000004B  }
0xcd: {  	_ =	sfence  }
0xce: {  	s30 =	sld [smem:$0x0];
	_ =	sdelay $0x2  }
0xcf: {  	s31 =	sshll.u32 s1, $0xD;
	s1 =	sshrl.u32 s1, $0x2  }
0xd0: {  	s4 =	sand.u32 $0x4000, s31;
	s1 =	sadd.s32 s1, s30  }
0xd1: {  	s0 =	sor.u32 s4, s0;
	s1 =	sshll.u32 s1, $0x11  }
0xd2: {  	s0 =	sor.u32 s1, s0  }
0xd3: {  	s0 =	sadd.s32 $0x8F2B, s0  }
0xd4: {  	[sflag:s0] =	ssyncadd.remote.s32 $0x1  }
0xd5: {  	_ =	sfence.sel $0xFFFF  }
0xd6: {  	[dreg:$0x0] =	wrdreg $0xFFFFFFFF;
	(pc) =	sbr.abs _section_cstart, $3  }
0xd7: {  	[dreg:$0x1] =	wrdreg $0xFFFFFFFF  }
0xd8: {  	_ =	task.clear_ibuf [dreg:s22], $0x2FFFF;
	_ =	strace $0x9FFFFFFF  }
0xd9: {  	(tm) =	ssettm $0x7FFFFFFF  }
tec
execute0_lowered:
.L_overlay_start_1:
0x0: {  	(tag) =	ssettag $0x1  }
0x1: {  	s0 =	rddreg [dreg:$0x0]  }
0x2: {  	s2 =	rddreg [dreg:$0x1]  }
0x3: {  	s1 =	rddreg [dreg:$0x2]  }
0x4: {  	s7 =	rddreg [dreg:$0x3];
	s3 =	simm.s32 $0x0  }
0x5: {  	s4 =	srdreg.scid;
	s8 =	stileid.u32;
	s18 =	simm.s32 $0x5  }
0x6: {  	s19 =	simm.s32 $0x80;
	s28 =	simm.s32 $0x1;
	s29 =	simm.s32 $0x40  }
0x7: {  	s31 =	simm.s32 $0x18C0;
	s17 =	simm.s32 $0x1A500;
	s20 =	simm.s32 $0x1A900  }
0x8: {  	[smem:$0x7FF] =	sst s3;
	s5 =	sand.u32 $0x1, s4;
	s8 =	sshll.u32 s8, $0x1  }
0x9: {  	s4 =	sadd.s32 $0xA400, s0;
	_ =	strace $0x8000004A;
	s6 =	ssub.s32 $0x2, s5  }
0xa: {  	s8 =	sor.u32 s5, s8;
	s5 =	sadd.s32 $0xF4C800, s0;
	s9 =	sshrl.u32 s6, $0x1  }
0xb: {  	s24 =	smul.u32 $0x3200, s8;
	s10 =	sshll.u32 s8, $0x6;
	s23 =	ssub.s32 s6, s9  }
0xc: {  	s6 =	sshll.u32 s8, $0x9;
	s8 =	sshll.u32 s8, $0xA;
	s2 =	sadd.s32 s2, s10  }
0xd: {  	s10 =	simm.s32 $0x4;
	s9 =	simm.s32 $0x0;
	[dreg:$0x5] =	wrdreg s2  }
0xe: {  	s25 =	sadd.s32 s7, s8;
	s26 =	sadd.s32 s4, s24;
	s12 =	sadd.s32 s1, s8  }
0xf: {  	s13 =	sor.u32 $0x20, s6;
	s14 =	sor.u32 $0x28, s6;
	s15 =	sor.u32 $0x30, s6  }
0x10: {  	s0 =	smax.u32 s23, $0x1;
	s23 =	simm.s32 $0x17C0;
	[dreg:$0x6] =	wrdreg s25  }
0x11: {  	s24 =	simm.s32 $0x19500;
	s7 =	simm.s32 $0x2;
	[dreg:$0x7] =	wrdreg s26  }
0x12: {  	s8 =	simm.s32 $0x3;
	s30 =	sadd.s32 $0xC8, s26;
	[dreg:$0xa] =	wrdreg s0  }
0x13: {  	s2 =	sadd.s32 $0x190, s26;
	s25 =	simm.s32 $0x1840;
	[dreg:$0x8] =	wrdreg s30  }
0x14: {  	s26 =	simm.s32 $0x19D00;
	[dreg:$0x9] =	wrdreg s2;
	s2 =	simm.s32 $0x12C0  }
.LBB2_1:
0x15: {  	[dreg:$0xb] =	wrdreg s9  }
0x16: {  	s0 =	rddreg [dreg:$0x5];
	s21 =	simm.s32 $0x1A980  }
0x17: {  	[tilespmem:s21], [sflag:$0x5] =	stream.linear.gather [hbm4b:s0+s3], $0x200, $0x38;
	[tilespmem:$0x1CB80] =	vst v63  }
0x18: {  	_ =	swait.ge [sflag:s18], $0x200  }
0x19: {  	[sflag:s18] =	ssyncset.done $0x0  }
0x1a: {  	s11 =	simm.s32 $0x1AB80;
	[sflag:s18] =	ssyncadd.s32 $0xFFFFFE00  }
0x1b: {  	[tilespmem:s11], [sflag:$0x1] =	stream.indirect.gather [hbm4b:s5+s19], $0x10, s21, s19, $0xb8;
	[tilespmem:$0x1CB80] =	vst v63  }
0x1c: {  	s22 =	simm.s32 $0x1AA00;
	s30 =	simm.s32 $0x1B380  }
0x1d: {  	[tilespmem:s30], [sflag:$0x1] =	stream.indirect.gather [hbm4b:s5+s19], $0x10, s22, s19, $0xb8;
	[tilespmem:$0x1CB80] =	vst v63  }
0x1e: {  	s16 =	simm.s32 $0x1AA80;
	s21 =	simm.s32 $0x1BB80  }
0x1f: {  	[tilespmem:s21], [sflag:$0x1] =	stream.indirect.gather [hbm4b:s5+s19], $0x10, s16, s19, $0xb8;
	[tilespmem:$0x1CB80] =	vst v63  }
0x20: {  	s22 =	simm.s32 $0x1AB00;
	s30 =	simm.s32 $0x1C380  }
0x21: {  	[tilespmem:s30], [sflag:$0x1] =	stream.indirect.gather [hbm4b:s5+s19], $0x10, s22, s19, $0xb8;
	[tilespmem:$0x1CB80] =	vst v63  }
0x22: {  	_ =	swait.ge [sflag:s28], $0x800  }
0x23: {  	[sflag:s28] =	ssyncset.done $0x0  }
0x24: {  	[sflag:s28] =	ssyncadd.s32 $0xFFFFF800  }
0x25: {  	_ =	swait.ge [sflag:s28], $0x800  }
0x26: {  	[sflag:s28] =	ssyncset.done $0x0  }
0x27: {  	[sflag:s28] =	ssyncadd.s32 $0xFFFFF800  }
0x28: {  	_ =	swait.ge [sflag:s28], $0x800  }
0x29: {  	[sflag:s28] =	ssyncset.done $0x0  }
0x2a: {  	[sflag:s28] =	ssyncadd.s32 $0xFFFFF800  }
0x2b: {  	_ =	swait.ge [sflag:s28], $0x800  }
0x2c: {  	[sflag:s28] =	ssyncset.done $0x0  }
0x2d: {  	s16 =	rddreg [dreg:$0x6];
	[sflag:s28] =	ssyncadd.s32 $0xFFFFF800  }
0x2e: {  	[hbm4b:s16+s3] =	stream.linear.scatter [tilespmem:s11], [sflag:$0x5], $0x2000, $0x38;
	[tilespmem:$0x1CB80] =	vst v63  }
0x2f: {  	_ =	swait.ge [sflag:s18], $0x2000  }
0x30: {  	[sflag:s18] =	ssyncset.done $0x0  }
0x31: {  	s21 =	rddreg [dreg:$0x7];
	[sflag:s18] =	ssyncadd.s32 $0xFFFFE000  }
0x32: {  	[tilespmem:s3], [sflag:$0x5] =	stream.linear.gather [hbm4b:s21+s3], $0x640, $0x38;
	[tilespmem:$0x1CB80] =	vst v63  }
0x33: {  	_ =	swait.ge [sflag:s18], $0x640  }
0x34: {  	[sflag:s18] =	ssyncset.done $0x0  }
0x35: {  	s22 =	simm.s32 $0x1900;
	[sflag:s18] =	ssyncadd.s32 $0xFFFFF9C0  }
0x36: {  	[tilespmem:s22], [sflag:$0x1] =	stream.indirect.gather [hbm4b:s5+s19], $0x10, s3, s19, $0xb8;
	[tilespmem:$0x1CB80] =	vst v63  }
0x37: {  	s30 =	simm.s32 $0x2100  }
0x38: {  	[tilespmem:s30], [sflag:$0x1] =	stream.indirect.gather [hbm4b:s5+s19], $0x10, s19, s19, $0xb8;
	[tilespmem:$0x1CB80] =	vst v63  }
0x39: {  	s9 =	simm.s32 $0x100;
	s11 =	simm.s32 $0x2900  }
0x3a: {  	[tilespmem:s11], [sflag:$0x1] =	stream.indirect.gather [hbm4b:s5+s19], $0x10, s9, s19, $0xb8;
	[tilespmem:$0x1CB80] =	vst v63  }
0x3b: {  	s16 =	simm.s32 $0x180;
	s21 =	simm.s32 $0x3100  }
0x3c: {  	[tilespmem:s21], [sflag:$0x1] =	stream.indirect.gather [hbm4b:s5+s19], $0x10, s16, s19, $0xb8;
	[tilespmem:$0x1CB80] =	vst v63  }
0x3d: {  	s22 =	simm.s32 $0x200;
	s30 =	simm.s32 $0x3900  }
0x3e: {  	[tilespmem:s30], [sflag:$0x1] =	stream.indirect.gather [hbm4b:s5+s19], $0x10, s22, s19, $0xb8;
	[tilespmem:$0x1CB80] =	vst v63  }
0x3f: {  	s9 =	simm.s32 $0x280;
	s11 =	simm.s32 $0x4100  }
0x40: {  	[tilespmem:s11], [sflag:$0x1] =	stream.indirect.gather [hbm4b:s5+s19], $0x10, s9, s19, $0xb8;
	[tilespmem:$0x1CB80] =	vst v63  }
0x41: {  	s16 =	simm.s32 $0x300;
	s21 =	simm.s32 $0x4900  }
0x42: {  	[tilespmem:s21], [sflag:$0x1] =	stream.indirect.gather [hbm4b:s5+s19], $0x10, s16, s19, $0xb8;
	[tilespmem:$0x1CB80] =	vst v63  }
0x43: {  	s22 =	simm.s32 $0x380;
	s30 =	simm.s32 $0x5100  }
0x44: {  	[tilespmem:s30], [sflag:$0x1] =	stream.indirect.gather [hbm4b:s5+s19], $0x10, s22, s19, $0xb8;
	[tilespmem:$0x1CB80] =	vst v63  }
0x45: {  	s9 =	simm.s32 $0x400;
	s11 =	simm.s32 $0x5900  }
0x46: {  	[tilespmem:s11], [sflag:$0x1] =	stream.indirect.gather [hbm4b:s5+s19], $0x10, s9, s19, $0xb8;
	[tilespmem:$0x1CB80] =	vst v63  }
0x47: {  	s16 =	simm.s32 $0x480;
	s21 =	simm.s32 $0x6100  }
0x48: {  	[tilespmem:s21], [sflag:$0x1] =	stream.indirect.gather [hbm4b:s5+s19], $0x10, s16, s19, $0xb8;
	[tilespmem:$0x1CB80] =	vst v63  }
0x49: {  	s22 =	simm.s32 $0x500;
	s30 =	simm.s32 $0x6900  }
0x4a: {  	[tilespmem:s30], [sflag:$0x1] =	stream.indirect.gather [hbm4b:s5+s19], $0x10, s22, s19, $0xb8;
	[tilespmem:$0x1CB80] =	vst v63  }
0x4b: {  	s9 =	simm.s32 $0x580;
	s11 =	simm.s32 $0x7100  }
0x4c: {  	[tilespmem:s11], [sflag:$0x1] =	stream.indirect.gather [hbm4b:s5+s19], $0x10, s9, s19, $0xb8;
	[tilespmem:$0x1CB80] =	vst v63  }
0x4d: {  	s16 =	simm.s32 $0x600;
	s21 =	simm.s32 $0x7900  }
0x4e: {  	[tilespmem:s21], [sflag:$0x1] =	stream.indirect.gather [hbm4b:s5+s29], $0x10, s16, s29, $0xb8;
	[tilespmem:$0x1CB80] =	vst v63  }
0x4f: {  	s22 =	rddreg [dreg:$0x8];
	s30 =	simm.s32 $0x640  }
0x50: {  	[tilespmem:s30], [sflag:$0x5] =	stream.linear.gather [hbm4b:s22+s3], $0x640, $0x38;
	[tilespmem:$0x1CB80] =	vst v63  }
0x51: {  	_ =	swait.ge [sflag:s18], $0x640  }
0x52: {  	[sflag:s18] =	ssyncset.done $0x0  }
0x53: {  	s11 =	simm.s32 $0x7D00;
	[sflag:s18] =	ssyncadd.s32 $0xFFFFF9C0  }
0x54: {  	[tilespmem:s11], [sflag:$0x2] =	stream.indirect.gather [hbm4b:s5+s19], $0x10, s30, s19, $0xb8;
	[tilespmem:$0x1CB80] =	vst v63  }
0x55: {  	s16 =	simm.s32 $0x6C0;
	s21 =	simm.s32 $0x8500  }
0x56: {  	[tilespmem:s21], [sflag:$0x2] =	stream.indirect.gather [hbm4b:s5+s19], $0x10, s16, s19, $0xb8;
	[tilespmem:$0x1CB80] =	vst v63  }
0x57: {  	s22 =	simm.s32 $0x740;
	s30 =	simm.s32 $0x8D00  }
0x58: {  	[tilespmem:s30], [sflag:$0x2] =	stream.indirect.gather [hbm4b:s5+s19], $0x10, s22, s19, $0xb8;
	[tilespmem:$0x1CB80] =	vst v63  }
0x59: {  	s9 =	simm.s32 $0x7C0;
	s11 =	simm.s32 $0x9500  }
0x5a: {  	[tilespmem:s11], [sflag:$0x2] =	stream.indirect.gather [hbm4b:s5+s19], $0x10, s9, s19, $0xb8;
	[tilespmem:$0x1CB80] =	vst v63  }
0x5b: {  	s16 =	simm.s32 $0x840;
	s21 =	simm.s32 $0x9D00  }
0x5c: {  	[tilespmem:s21], [sflag:$0x2] =	stream.indirect.gather [hbm4b:s5+s19], $0x10, s16, s19, $0xb8;
	[tilespmem:$0x1CB80] =	vst v63  }
0x5d: {  	s22 =	simm.s32 $0x8C0;
	s30 =	simm.s32 $0xA500  }
0x5e: {  	[tilespmem:s30], [sflag:$0x2] =	stream.indirect.gather [hbm4b:s5+s19], $0x10, s22, s19, $0xb8;
	[tilespmem:$0x1CB80] =	vst v63  }
0x5f: {  	s9 =	simm.s32 $0x940;
	s11 =	simm.s32 $0xAD00  }
0x60: {  	[tilespmem:s11], [sflag:$0x2] =	stream.indirect.gather [hbm4b:s5+s19], $0x10, s9, s19, $0xb8;
	[tilespmem:$0x1CB80] =	vst v63  }
0x61: {  	s16 =	simm.s32 $0x9C0;
	s21 =	simm.s32 $0xB500  }
0x62: {  	[tilespmem:s21], [sflag:$0x2] =	stream.indirect.gather [hbm4b:s5+s19], $0x10, s16, s19, $0xb8;
	[tilespmem:$0x1CB80] =	vst v63  }
0x63: {  	s22 =	simm.s32 $0xA40;
	s30 =	simm.s32 $0xBD00  }
0x64: {  	[tilespmem:s30], [sflag:$0x2] =	stream.indirect.gather [hbm4b:s5+s19], $0x10, s22, s19, $0xb8;
	[tilespmem:$0x1CB80] =	vst v63  }
0x65: {  	s9 =	simm.s32 $0xAC0;
	s11 =	simm.s32 $0xC500  }
0x66: {  	[tilespmem:s11], [sflag:$0x2] =	stream.indirect.gather [hbm4b:s5+s19], $0x10, s9, s19, $0xb8;
	[tilespmem:$0x1CB80] =	vst v63  }
0x67: {  	s16 =	simm.s32 $0xB40;
	s21 =	simm.s32 $0xCD00  }
0x68: {  	[tilespmem:s21], [sflag:$0x2] =	stream.indirect.gather [hbm4b:s5+s19], $0x10, s16, s19, $0xb8;
	[tilespmem:$0x1CB80] =	vst v63  }
0x69: {  	s22 =	simm.s32 $0xBC0;
	s30 =	simm.s32 $0xD500  }
0x6a: {  	[tilespmem:s30], [sflag:$0x2] =	stream.indirect.gather [hbm4b:s5+s19], $0x10, s22, s19, $0xb8;
	[tilespmem:$0x1CB80] =	vst v63  }
0x6b: {  	s11 =	simm.s32 $0xC40;
	s16 =	simm.s32 $0xDD00  }
0x6c: {  	[tilespmem:s16], [sflag:$0x2] =	stream.indirect.gather [hbm4b:s5+s29], $0x10, s11, s29, $0xb8;
	[tilespmem:$0x1CB80] =	vst v63  }
0x6d: {  	s21 =	rddreg [dreg:$0x9];
	s22 =	simm.s32 $0xC80  }
0x6e: {  	[tilespmem:s22], [sflag:$0x5] =	stream.linear.gather [hbm4b:s21+s3], $0x640, $0x38;
	[tilespmem:$0x1CB80] =	vst v63  }
0x6f: {  	_ =	swait.ge [sflag:s18], $0x640  }
0x70: {  	[sflag:s18] =	ssyncset.done $0x0  }
0x71: {  	s30 =	simm.s32 $0xE100;
	[sflag:s18] =	ssyncadd.s32 $0xFFFFF9C0  }
0x72: {  	[tilespmem:s30], [sflag:$0x3] =	stream.indirect.gather [hbm4b:s5+s19], $0x10, s22, s19, $0xb8;
	[tilespmem:$0x1CB80] =	vst v63  }
0x73: {  	s9 =	simm.s32 $0xD00;
	s11 =	simm.s32 $0xE900  }
0x74: {  	[tilespmem:s11], [sflag:$0x3] =	stream.indirect.gather [hbm4b:s5+s19], $0x10, s9, s19, $0xb8;
	[tilespmem:$0x1CB80] =	vst v63  }
0x75: {  	s16 =	simm.s32 $0xD80;
	s21 =	simm.s32 $0xF100  }
0x76: {  	[tilespmem:s21], [sflag:$0x3] =	stream.indirect.gather [hbm4b:s5+s19], $0x10, s16, s19, $0xb8;
	[tilespmem:$0x1CB80] =	vst v63  }
0x77: {  	s22 =	simm.s32 $0xE00;
	s30 =	simm.s32 $0xF900  }
0x78: {  	[tilespmem:s30], [sflag:$0x3] =	stream.indirect.gather [hbm4b:s5+s19], $0x10, s22, s19, $0xb8;
	[tilespmem:$0x1CB80] =	vst v63  }
0x79: {  	s9 =	simm.s32 $0xE80;
	s11 =	simm.s32 $0x10100  }
0x7a: {  	[tilespmem:s11], [sflag:$0x3] =	stream.indirect.gather [hbm4b:s5+s19], $0x10, s9, s19, $0xb8;
	[tilespmem:$0x1CB80] =	vst v63  }
0x7b: {  	s16 =	simm.s32 $0xF00;
	s21 =	simm.s32 $0x10900  }
0x7c: {  	[tilespmem:s21], [sflag:$0x3] =	stream.indirect.gather [hbm4b:s5+s19], $0x10, s16, s19, $0xb8;
	[tilespmem:$0x1CB80] =	vst v63  }
0x7d: {  	s22 =	simm.s32 $0xF80;
	s30 =	simm.s32 $0x11100  }
0x7e: {  	[tilespmem:s30], [sflag:$0x3] =	stream.indirect.gather [hbm4b:s5+s19], $0x10, s22, s19, $0xb8;
	[tilespmem:$0x1CB80] =	vst v63  }
0x7f: {  	s9 =	simm.s32 $0x1000;
	s11 =	simm.s32 $0x11900  }
0x80: {  	[tilespmem:s11], [sflag:$0x3] =	stream.indirect.gather [hbm4b:s5+s19], $0x10, s9, s19, $0xb8;
	[tilespmem:$0x1CB80] =	vst v63  }
0x81: {  	s16 =	simm.s32 $0x1080;
	s21 =	simm.s32 $0x12100  }
0x82: {  	[tilespmem:s21], [sflag:$0x3] =	stream.indirect.gather [hbm4b:s5+s19], $0x10, s16, s19, $0xb8;
	[tilespmem:$0x1CB80] =	vst v63  }
0x83: {  	s22 =	simm.s32 $0x1100;
	s30 =	simm.s32 $0x12900  }
0x84: {  	[tilespmem:s30], [sflag:$0x3] =	stream.indirect.gather [hbm4b:s5+s19], $0x10, s22, s19, $0xb8;
	[tilespmem:$0x1CB80] =	vst v63  }
0x85: {  	s9 =	simm.s32 $0x1180;
	s11 =	simm.s32 $0x13100  }
0x86: {  	[tilespmem:s11], [sflag:$0x3] =	stream.indirect.gather [hbm4b:s5+s19], $0x10, s9, s19, $0xb8;
	[tilespmem:$0x1CB80] =	vst v63  }
0x87: {  	s16 =	simm.s32 $0x1200;
	s21 =	simm.s32 $0x13900  }
0x88: {  	[tilespmem:s21], [sflag:$0x3] =	stream.indirect.gather [hbm4b:s5+s19], $0x10, s16, s19, $0xb8;
	[tilespmem:$0x1CB80] =	vst v63  }
0x89: {  	s22 =	simm.s32 $0x1280;
	s30 =	simm.s32 $0x14100;
	s11 =	simm.s32 $0x0  }
0x8a: {  	[tilespmem:s30], [sflag:$0x3] =	stream.indirect.gather [hbm4b:s5+s29], $0x10, s22, s29, $0xb8;
	[tilespmem:$0x1CB80] =	vst v63  }
.LBB2_2:
0x8b: {  	s16 =	sshllo.u32 s11, $0x2  }
0x8c: {  	s0 =	sshll.u32 s16, $0x3  }
0x8d: {  	s0 =	sadd.s32 s6, s0  }
0x8e: {  	s0 =	smul.u32 $0x19, s0;
	_ =	sdelay $0x1  }
0x8f: {  	s9 =	simm.s32 $0x0;
	s0 =	sadd.s32 s4, s0  }
0x90: {  	[tilespmem:s2], [sflag:$0x5] =	stream.linear.gather [hbm4b:s0+s9], $0x640, $0x38;
	[tilespmem:$0x1CB80] =	vst v63  }
0x91: {  	_ =	swait.ge [sflag:s18], $0x640  }
0x92: {  	[sflag:s18] =	ssyncset.done $0x0  }
0x93: {  	s21 =	simm.s32 $0x14500;
	[sflag:s18] =	ssyncadd.s32 $0xFFFFF9C0  }
0x94: {  	[tilespmem:s21], [sflag:$0x4] =	stream.indirect.gather [hbm4b:s5+s19], $0x10, s2, s19, $0xb8;
	[tilespmem:$0x1CB80] =	vst v63  }
0x95: {  	s22 =	simm.s32 $0x1340;
	s30 =	simm.s32 $0x14D00  }
0x96: {  	[tilespmem:s30], [sflag:$0x4] =	stream.indirect.gather [hbm4b:s5+s19], $0x10, s22, s19, $0xb8;
	[tilespmem:$0x1CB80] =	vst v63  }
0x97: {  	s9 =	simm.s32 $0x13C0;
	s21 =	simm.s32 $0x15500  }
0x98: {  	[tilespmem:s21], [sflag:$0x4] =	stream.indirect.gather [hbm4b:s5+s19], $0x10, s9, s19, $0xb8;
	[tilespmem:$0x1CB80] =	vst v63  }
0x99: {  	s22 =	simm.s32 $0x1440;
	s30 =	simm.s32 $0x15D00  }
0x9a: {  	[tilespmem:s30], [sflag:$0x4] =	stream.indirect.gather [hbm4b:s5+s19], $0x10, s22, s19, $0xb8;
	[tilespmem:$0x1CB80] =	vst v63  }
0x9b: {  	s9 =	simm.s32 $0x14C0;
	s21 =	simm.s32 $0x16500  }
0x9c: {  	[tilespmem:s21], [sflag:$0x4] =	stream.indirect.gather [hbm4b:s5+s19], $0x10, s9, s19, $0xb8;
	[tilespmem:$0x1CB80] =	vst v63  }
0x9d: {  	s22 =	simm.s32 $0x1540;
	s30 =	simm.s32 $0x16D00  }
0x9e: {  	[tilespmem:s30], [sflag:$0x4] =	stream.indirect.gather [hbm4b:s5+s19], $0x10, s22, s19, $0xb8;
	[tilespmem:$0x1CB80] =	vst v63  }
0x9f: {  	s9 =	simm.s32 $0x15C0;
	s21 =	simm.s32 $0x17500  }
0xa0: {  	[tilespmem:s21], [sflag:$0x4] =	stream.indirect.gather [hbm4b:s5+s19], $0x10, s9, s19, $0xb8;
	[tilespmem:$0x1CB80] =	vst v63  }
0xa1: {  	s22 =	simm.s32 $0x1640;
	s30 =	simm.s32 $0x17D00  }
0xa2: {  	[tilespmem:s30], [sflag:$0x4] =	stream.indirect.gather [hbm4b:s5+s19], $0x10, s22, s19, $0xb8;
	[tilespmem:$0x1CB80] =	vst v63  }
0xa3: {  	s9 =	simm.s32 $0x16C0;
	s21 =	simm.s32 $0x18500  }
0xa4: {  	[tilespmem:s21], [sflag:$0x4] =	stream.indirect.gather [hbm4b:s5+s19], $0x10, s9, s19, $0xb8;
	[tilespmem:$0x1CB80] =	vst v63  }
0xa5: {  	s22 =	simm.s32 $0x1740;
	s30 =	simm.s32 $0x18D00  }
0xa6: {  	[tilespmem:s30], [sflag:$0x4] =	stream.indirect.gather [hbm4b:s5+s19], $0x10, s22, s19, $0xb8;
	[tilespmem:$0x1CB80] =	vst v63  }
0xa7: {  	_ = 	snop  }
0xa8: {  	[tilespmem:s24], [sflag:$0x4] =	stream.indirect.gather [hbm4b:s5+s19], $0x10, s23, s19, $0xb8;
	[tilespmem:$0x1CB80] =	vst v63  }
0xa9: {  	_ = 	snop  }
0xaa: {  	[tilespmem:s26], [sflag:$0x4] =	stream.indirect.gather [hbm4b:s5+s19], $0x10, s25, s19, $0xb8;
	[tilespmem:$0x1CB80] =	vst v63  }
0xab: {  	_ = 	snop  }
0xac: {  	[tilespmem:s17], [sflag:$0x4] =	stream.indirect.gather [hbm4b:s5+s29], $0x10, s31, s29, $0xb8;
	[tilespmem:$0x1CB80] =	vst v63  }
0xad: {  	_ =	swait.ge [sflag:s28], $0x6400  }
0xae: {  	[sflag:s28] =	ssyncset.done $0x0  }
0xaf: {  	s0 =	simm.s32 $0x0;
	[sflag:s28] =	ssyncadd.s32 $0xFFFF9C00  }
0xb0: {  	v1 =	vld [tilespmem:s0+$0x1940]  }
0xb1: {  	v0 =	vld [tilespmem:s0+$0x1950]  }
0xb2: {  	v2 =	vld [tilespmem:s0+$0x1900]  }
0xb3: {  	v5 =	vimm.f32 $0.0e+00;
	v3 =	vld [tilespmem:s0+$0x1910]  }
0xb4: {  	v6 =	vimm.f32 $0.0e+00;
	v7 =	vimm.f32 $0.0e+00;
	v8 =	vimm.f32 $0.0e+00;
	s9 =	simm.s32 $0x200;
	v4 =	vld [tilespmem:s0+$0x1920]  }
.LBB2_3:
0xb5: {  	p0 =	sne.s32 s9, $0x3000;
	v9 =	vld [tilespmem:s0+$0x1930];
	v10 =	vmov v1  }
0xb6: {  	v11 =	vld [tilespmem:s0+$0x1960];
	v12 =	vmov v0  }
0xb7: {  	v13 =	vld [tilespmem:s0+$0x1970];
	s0 =	sshra.s32 s9, $0x2  }
.Ltmp0:
0xb8: {  	v1 =	vld [tilespmem:s0+$0x1940];
	(pc) =	sbr.rel @p0 .LBB2_3-.Ltmp0, $4  }
0xb9: {  	v5 =	vadd.f32 v2, v5;
	v6 =	vadd.f32 v3, v6;
	v0 =	vld [tilespmem:s0+$0x1950]  }
0xba: {  	v7 =	vadd.f32 v4, v7;
	v2 =	vld [tilespmem:s0+$0x1900];
	v8 =	vadd.f32 v9, v8  }
0xbb: {  	v5 =	vadd.f32 v10, v5;
	v6 =	vadd.f32 v12, v6;
	v3 =	vld [tilespmem:s0+$0x1910]  }
0xbc: {  	s9 =	sadd.s32 $0x200, s9;
	v7 =	vadd.f32 v11, v7;
	v4 =	vld [tilespmem:s0+$0x1920];
	v8 =	vadd.f32 v13, v8  }
0xbd: {  	v9 =	vld [tilespmem:s0+$0x1930]  }
0xbe: {  	v10 =	vld [tilespmem:s0+$0x1960]  }
0xbf: {  	v11 =	vld [tilespmem:s0+$0x1970];
	_ =	sdelay $0x1  }
0xc0: {  	v2 =	vadd.f32 v2, v5;
	v3 =	vadd.f32 v3, v6  }
0xc1: {  	v4 =	vadd.f32 v4, v7;
	v5 =	vadd.f32 v9, v8  }
0xc2: {  	v1 =	vadd.f32 v1, v2;
	v0 =	vadd.f32 v0, v3  }
0xc3: {  	v2 =	vadd.f32 v10, v4;
	v3 =	vadd.f32 v11, v5;
	_ =	sdelay $0x1  }
0xc4: {  	v0 =	vadd.f32 v0, v1;
	v1 =	vadd.f32 v3, v2;
	_ =	sdelay $0x1  }
0xc5: {  	v0 =	vadd.f32 v1, v0;
	_ =	sdelay $0x1  }
0xc6: {  	s0 =	simm.s32 $0x0;
	[tilespmem:$0x1A900] =	vst v0  }
0xc7: {  	v1 =	vld [tilespmem:s0+$0x25C0]  }
0xc8: {  	v0 =	vld [tilespmem:s0+$0x25D0]  }
0xc9: {  	v2 =	vld [tilespmem:s0+$0x2580]  }
0xca: {  	v6 =	vimm.f32 $0.0e+00;
	v3 =	vld [tilespmem:s0+$0x2590]  }
0xcb: {  	s9 =	simm.s32 $0x200;
	v7 =	vimm.f32 $0.0e+00;
	v8 =	vimm.f32 $0.0e+00;
	v5 =	vimm.f32 $0.0e+00;
	v4 =	vld [tilespmem:s0+$0x25A0]  }
.LBB2_5:
0xcc: {  	p0 =	sne.s32 s9, $0x3000;
	v9 =	vld [tilespmem:s0+$0x25B0];
	v10 =	vmov v1  }
0xcd: {  	v11 =	vld [tilespmem:s0+$0x25E0];
	v12 =	vmov v0  }
0xce: {  	v13 =	vld [tilespmem:s0+$0x25F0];
	s0 =	sshra.s32 s9, $0x2  }
.Ltmp1:
0xcf: {  	v1 =	vld [tilespmem:s0+$0x25C0];
	(pc) =	sbr.rel @p0 .LBB2_5-.Ltmp1, $4  }
0xd0: {  	v5 =	vadd.f32 v2, v5;
	v6 =	vadd.f32 v3, v6;
	v0 =	vld [tilespmem:s0+$0x25D0]  }
0xd1: {  	v7 =	vadd.f32 v4, v7;
	v2 =	vld [tilespmem:s0+$0x2580];
	v8 =	vadd.f32 v9, v8  }
0xd2: {  	v5 =	vadd.f32 v10, v5;
	v6 =	vadd.f32 v12, v6;
	v3 =	vld [tilespmem:s0+$0x2590]  }
0xd3: {  	s9 =	sadd.s32 $0x200, s9;
	v7 =	vadd.f32 v11, v7;
	v4 =	vld [tilespmem:s0+$0x25A0];
	v8 =	vadd.f32 v13, v8  }
0xd4: {  	v9 =	vld [tilespmem:s0+$0x25B0]  }
0xd5: {  	v10 =	vld [tilespmem:s0+$0x25E0]  }
0xd6: {  	v11 =	vld [tilespmem:s0+$0x25F0];
	_ =	sdelay $0x1  }
0xd7: {  	v2 =	vadd.f32 v2, v5;
	v3 =	vadd.f32 v3, v6  }
0xd8: {  	v4 =	vadd.f32 v4, v7;
	v5 =	vadd.f32 v9, v8  }
0xd9: {  	v1 =	vadd.f32 v1, v2;
	v0 =	vadd.f32 v0, v3  }
0xda: {  	v2 =	vadd.f32 v10, v4;
	v3 =	vadd.f32 v11, v5;
	_ =	sdelay $0x1  }
0xdb: {  	v0 =	vadd.f32 v0, v1;
	v1 =	vadd.f32 v3, v2;
	_ =	sdelay $0x1  }
0xdc: {  	v0 =	vadd.f32 v1, v0;
	_ =	sdelay $0x1  }
0xdd: {  	s0 =	simm.s32 $0x0;
	[tilespmem:$0x1A910] =	vst v0  }
0xde: {  	v1 =	vld [tilespmem:s0+$0x3240]  }
0xdf: {  	v0 =	vld [tilespmem:s0+$0x3250]  }
0xe0: {  	v2 =	vld [tilespmem:s0+$0x3200]  }
0xe1: {  	v6 =	vimm.f32 $0.0e+00;
	v3 =	vld [tilespmem:s0+$0x3210]  }
0xe2: {  	s9 =	simm.s32 $0x200;
	v7 =	vimm.f32 $0.0e+00;
	v8 =	vimm.f32 $0.0e+00;
	v5 =	vimm.f32 $0.0e+00;
	v4 =	vld [tilespmem:s0+$0x3220]  }
.LBB2_7:
0xe3: {  	p0 =	sne.s32 s9, $0x3000;
	v9 =	vld [tilespmem:s0+$0x3230];
	v10 =	vmov v1  }
0xe4: {  	v11 =	vld [tilespmem:s0+$0x3260];
	v12 =	vmov v0  }
0xe5: {  	v13 =	vld [tilespmem:s0+$0x3270];
	s0 =	sshra.s32 s9, $0x2  }
.Ltmp2:
0xe6: {  	v1 =	vld [tilespmem:s0+$0x3240];
	(pc) =	sbr.rel @p0 .LBB2_7-.Ltmp2, $4  }
0xe7: {  	v5 =	vadd.f32 v2, v5;
	v6 =	vadd.f32 v3, v6;
	v0 =	vld [tilespmem:s0+$0x3250]  }
0xe8: {  	v7 =	vadd.f32 v4, v7;
	v2 =	vld [tilespmem:s0+$0x3200];
	v8 =	vadd.f32 v9, v8  }
0xe9: {  	v5 =	vadd.f32 v10, v5;
	v6 =	vadd.f32 v12, v6;
	v3 =	vld [tilespmem:s0+$0x3210]  }
0xea: {  	s9 =	sadd.s32 $0x200, s9;
	v7 =	vadd.f32 v11, v7;
	v4 =	vld [tilespmem:s0+$0x3220];
	v8 =	vadd.f32 v13, v8  }
0xeb: {  	v9 =	vld [tilespmem:s0+$0x3230]  }
0xec: {  	v10 =	vld [tilespmem:s0+$0x3260]  }
0xed: {  	v11 =	vld [tilespmem:s0+$0x3270];
	_ =	sdelay $0x1  }
0xee: {  	v2 =	vadd.f32 v2, v5;
	v3 =	vadd.f32 v3, v6  }
0xef: {  	v4 =	vadd.f32 v4, v7;
	v5 =	vadd.f32 v9, v8  }
0xf0: {  	v1 =	vadd.f32 v1, v2;
	v0 =	vadd.f32 v0, v3  }
0xf1: {  	v2 =	vadd.f32 v10, v4;
	v3 =	vadd.f32 v11, v5;
	_ =	sdelay $0x1  }
0xf2: {  	v0 =	vadd.f32 v0, v1;
	v1 =	vadd.f32 v3, v2;
	_ =	sdelay $0x1  }
0xf3: {  	v0 =	vadd.f32 v1, v0;
	_ =	sdelay $0x1  }
0xf4: {  	s0 =	simm.s32 $0x0;
	[tilespmem:$0x1A920] =	vst v0  }
0xf5: {  	v1 =	vld [tilespmem:s0+$0x3EC0]  }
0xf6: {  	v0 =	vld [tilespmem:s0+$0x3ED0]  }
0xf7: {  	v2 =	vld [tilespmem:s0+$0x3E80]  }
0xf8: {  	v6 =	vimm.f32 $0.0e+00;
	v3 =	vld [tilespmem:s0+$0x3E90]  }
0xf9: {  	s9 =	simm.s32 $0x200;
	v7 =	vimm.f32 $0.0e+00;
	v8 =	vimm.f32 $0.0e+00;
	v5 =	vimm.f32 $0.0e+00;
	v4 =	vld [tilespmem:s0+$0x3EA0]  }
.LBB2_9:
0xfa: {  	p0 =	sne.s32 s9, $0x3000;
	v9 =	vld [tilespmem:s0+$0x3EB0];
	v10 =	vmov v1  }
0xfb: {  	v11 =	vld [tilespmem:s0+$0x3EE0];
	v12 =	vmov v0  }
0xfc: {  	v13 =	vld [tilespmem:s0+$0x3EF0];
	s0 =	sshra.s32 s9, $0x2  }
.Ltmp3:
0xfd: {  	v1 =	vld [tilespmem:s0+$0x3EC0];
	(pc) =	sbr.rel @p0 .LBB2_9-.Ltmp3, $4  }
0xfe: {  	v5 =	vadd.f32 v2, v5;
	v6 =	vadd.f32 v3, v6;
	v0 =	vld [tilespmem:s0+$0x3ED0]  }
0xff: {  	v7 =	vadd.f32 v4, v7;
	v2 =	vld [tilespmem:s0+$0x3E80];
	v8 =	vadd.f32 v9, v8  }
0x100: {  	v5 =	vadd.f32 v10, v5;
	v6 =	vadd.f32 v12, v6;
	v3 =	vld [tilespmem:s0+$0x3E90]  }
0x101: {  	s9 =	sadd.s32 $0x200, s9;
	v7 =	vadd.f32 v11, v7;
	v4 =	vld [tilespmem:s0+$0x3EA0];
	v8 =	vadd.f32 v13, v8  }
0x102: {  	v9 =	vld [tilespmem:s0+$0x3EB0]  }
0x103: {  	v10 =	vld [tilespmem:s0+$0x3EE0]  }
0x104: {  	v11 =	vld [tilespmem:s0+$0x3EF0];
	_ =	sdelay $0x1  }
0x105: {  	v2 =	vadd.f32 v2, v5;
	v3 =	vadd.f32 v3, v6  }
0x106: {  	v4 =	vadd.f32 v4, v7;
	v5 =	vadd.f32 v9, v8  }
0x107: {  	v1 =	vadd.f32 v1, v2;
	v0 =	vadd.f32 v0, v3  }
0x108: {  	v2 =	vadd.f32 v10, v4;
	v3 =	vadd.f32 v11, v5;
	_ =	sdelay $0x1  }
0x109: {  	v0 =	vadd.f32 v0, v1;
	v1 =	vadd.f32 v3, v2;
	_ =	sdelay $0x1  }
0x10a: {  	v0 =	vadd.f32 v1, v0;
	_ =	sdelay $0x1  }
0x10b: {  	s0 =	simm.s32 $0x0;
	[tilespmem:$0x1A930] =	vst v0  }
0x10c: {  	v1 =	vld [tilespmem:s0+$0x4B40]  }
0x10d: {  	v0 =	vld [tilespmem:s0+$0x4B50]  }
0x10e: {  	v2 =	vld [tilespmem:s0+$0x4B00]  }
0x10f: {  	v6 =	vimm.f32 $0.0e+00;
	v3 =	vld [tilespmem:s0+$0x4B10]  }
0x110: {  	s9 =	simm.s32 $0x200;
	v7 =	vimm.f32 $0.0e+00;
	v8 =	vimm.f32 $0.0e+00;
	v5 =	vimm.f32 $0.0e+00;
	v4 =	vld [tilespmem:s0+$0x4B20]  }
.LBB2_11:
0x111: {  	p0 =	sne.s32 s9, $0x3000;
	v9 =	vld [tilespmem:s0+$0x4B30];
	v10 =	vmov v1  }
0x112: {  	v11 =	vld [tilespmem:s0+$0x4B60];
	v12 =	vmov v0  }
0x113: {  	v13 =	vld [tilespmem:s0+$0x4B70];
	s0 =	sshra.s32 s9, $0x2  }
.Ltmp4:
0x114: {  	v1 =	vld [tilespmem:s0+$0x4B40];
	(pc) =	sbr.rel @p0 .LBB2_11-.Ltmp4, $4  }
0x115: {  	v5 =	vadd.f32 v2, v5;
	v6 =	vadd.f32 v3, v6;
	v0 =	vld [tilespmem:s0+$0x4B50]  }
0x116: {  	v7 =	vadd.f32 v4, v7;
	v2 =	vld [tilespmem:s0+$0x4B00];
	v8 =	vadd.f32 v9, v8  }
0x117: {  	v5 =	vadd.f32 v10, v5;
	v6 =	vadd.f32 v12, v6;
	v3 =	vld [tilespmem:s0+$0x4B10]  }
0x118: {  	s9 =	sadd.s32 $0x200, s9;
	v7 =	vadd.f32 v11, v7;
	v4 =	vld [tilespmem:s0+$0x4B20];
	v8 =	vadd.f32 v13, v8  }
0x119: {  	v9 =	vld [tilespmem:s0+$0x4B30]  }
0x11a: {  	v10 =	vld [tilespmem:s0+$0x4B60]  }
0x11b: {  	v11 =	vld [tilespmem:s0+$0x4B70];
	_ =	sdelay $0x1  }
0x11c: {  	v2 =	vadd.f32 v2, v5;
	v3 =	vadd.f32 v3, v6  }
0x11d: {  	v4 =	vadd.f32 v4, v7;
	v5 =	vadd.f32 v9, v8  }
0x11e: {  	v1 =	vadd.f32 v1, v2;
	v0 =	vadd.f32 v0, v3  }
0x11f: {  	v2 =	vadd.f32 v10, v4;
	v3 =	vadd.f32 v11, v5;
	_ =	sdelay $0x1  }
0x120: {  	v0 =	vadd.f32 v0, v1;
	v1 =	vadd.f32 v3, v2;
	_ =	sdelay $0x1  }
0x121: {  	v0 =	vadd.f32 v1, v0;
	_ =	sdelay $0x1  }
0x122: {  	s0 =	simm.s32 $0x0;
	[tilespmem:$0x1A940] =	vst v0  }
0x123: {  	v1 =	vld [tilespmem:s0+$0x57C0]  }
0x124: {  	v0 =	vld [tilespmem:s0+$0x57D0]  }
0x125: {  	v2 =	vld [tilespmem:s0+$0x5780]  }
0x126: {  	v6 =	vimm.f32 $0.0e+00;
	v3 =	vld [tilespmem:s0+$0x5790]  }
0x127: {  	s9 =	simm.s32 $0x200;
	v7 =	vimm.f32 $0.0e+00;
	v8 =	vimm.f32 $0.0e+00;
	v5 =	vimm.f32 $0.0e+00;
	v4 =	vld [tilespmem:s0+$0x57A0]  }
.LBB2_13:
0x128: {  	p0 =	sne.s32 s9, $0x3000;
	v9 =	vld [tilespmem:s0+$0x57B0];
	v10 =	vmov v1  }
0x129: {  	v11 =	vld [tilespmem:s0+$0x57E0];
	v12 =	vmov v0  }
0x12a: {  	v13 =	vld [tilespmem:s0+$0x57F0];
	s0 =	sshra.s32 s9, $0x2  }
.Ltmp5:
0x12b: {  	v1 =	vld [tilespmem:s0+$0x57C0];
	(pc) =	sbr.rel @p0 .LBB2_13-.Ltmp5, $4  }
0x12c: {  	v5 =	vadd.f32 v2, v5;
	v6 =	vadd.f32 v3, v6;
	v0 =	vld [tilespmem:s0+$0x57D0]  }
0x12d: {  	v7 =	vadd.f32 v4, v7;
	v2 =	vld [tilespmem:s0+$0x5780];
	v8 =	vadd.f32 v9, v8  }
0x12e: {  	v5 =	vadd.f32 v10, v5;
	v6 =	vadd.f32 v12, v6;
	v3 =	vld [tilespmem:s0+$0x5790]  }
0x12f: {  	s9 =	sadd.s32 $0x200, s9;
	v7 =	vadd.f32 v11, v7;
	v4 =	vld [tilespmem:s0+$0x57A0];
	v8 =	vadd.f32 v13, v8  }
0x130: {  	v9 =	vld [tilespmem:s0+$0x57B0]  }
0x131: {  	v10 =	vld [tilespmem:s0+$0x57E0]  }
0x132: {  	v11 =	vld [tilespmem:s0+$0x57F0];
	_ =	sdelay $0x1  }
0x133: {  	v2 =	vadd.f32 v2, v5;
	v3 =	vadd.f32 v3, v6  }
0x134: {  	v4 =	vadd.f32 v4, v7;
	v5 =	vadd.f32 v9, v8  }
0x135: {  	v1 =	vadd.f32 v1, v2;
	v0 =	vadd.f32 v0, v3  }
0x136: {  	v2 =	vadd.f32 v10, v4;
	v3 =	vadd.f32 v11, v5;
	_ =	sdelay $0x1  }
0x137: {  	v0 =	vadd.f32 v0, v1;
	v1 =	vadd.f32 v3, v2;
	_ =	sdelay $0x1  }
0x138: {  	v0 =	vadd.f32 v1, v0;
	_ =	sdelay $0x1  }
0x139: {  	s0 =	simm.s32 $0x0;
	[tilespmem:$0x1A950] =	vst v0  }
0x13a: {  	v1 =	vld [tilespmem:s0+$0x6440]  }
0x13b: {  	v0 =	vld [tilespmem:s0+$0x6450]  }
0x13c: {  	v2 =	vld [tilespmem:s0+$0x6400]  }
0x13d: {  	v6 =	vimm.f32 $0.0e+00;
	v3 =	vld [tilespmem:s0+$0x6410]  }
0x13e: {  	s9 =	simm.s32 $0x200;
	v7 =	vimm.f32 $0.0e+00;
	v8 =	vimm.f32 $0.0e+00;
	v5 =	vimm.f32 $0.0e+00;
	v4 =	vld [tilespmem:s0+$0x6420]  }
.LBB2_15:
0x13f: {  	p0 =	sne.s32 s9, $0x3000;
	v9 =	vld [tilespmem:s0+$0x6430];
	v10 =	vmov v1  }
0x140: {  	v11 =	vld [tilespmem:s0+$0x6460];
	v12 =	vmov v0  }
0x141: {  	v13 =	vld [tilespmem:s0+$0x6470];
	s0 =	sshra.s32 s9, $0x2  }
.Ltmp6:
0x142: {  	v1 =	vld [tilespmem:s0+$0x6440];
	(pc) =	sbr.rel @p0 .LBB2_15-.Ltmp6, $4  }
0x143: {  	v5 =	vadd.f32 v2, v5;
	v6 =	vadd.f32 v3, v6;
	v0 =	vld [tilespmem:s0+$0x6450]  }
0x144: {  	v7 =	vadd.f32 v4, v7;
	v2 =	vld [tilespmem:s0+$0x6400];
	v8 =	vadd.f32 v9, v8  }
0x145: {  	v5 =	vadd.f32 v10, v5;
	v6 =	vadd.f32 v12, v6;
	v3 =	vld [tilespmem:s0+$0x6410]  }
0x146: {  	s9 =	sadd.s32 $0x200, s9;
	v7 =	vadd.f32 v11, v7;
	v4 =	vld [tilespmem:s0+$0x6420];
	v8 =	vadd.f32 v13, v8  }
0x147: {  	v9 =	vld [tilespmem:s0+$0x6430]  }
0x148: {  	v10 =	vld [tilespmem:s0+$0x6460]  }
0x149: {  	v11 =	vld [tilespmem:s0+$0x6470];
	_ =	sdelay $0x1  }
0x14a: {  	v2 =	vadd.f32 v2, v5;
	v3 =	vadd.f32 v3, v6  }
0x14b: {  	v4 =	vadd.f32 v4, v7;
	v5 =	vadd.f32 v9, v8  }
0x14c: {  	v1 =	vadd.f32 v1, v2;
	v0 =	vadd.f32 v0, v3  }
0x14d: {  	v2 =	vadd.f32 v10, v4;
	v3 =	vadd.f32 v11, v5;
	_ =	sdelay $0x1  }
0x14e: {  	v0 =	vadd.f32 v0, v1;
	v1 =	vadd.f32 v3, v2;
	_ =	sdelay $0x1  }
0x14f: {  	v0 =	vadd.f32 v1, v0;
	_ =	sdelay $0x1  }
0x150: {  	s0 =	simm.s32 $0x0;
	[tilespmem:$0x1A960] =	vst v0  }
0x151: {  	v1 =	vld [tilespmem:s0+$0x70C0]  }
0x152: {  	v0 =	vld [tilespmem:s0+$0x70D0]  }
0x153: {  	v2 =	vld [tilespmem:s0+$0x7080]  }
0x154: {  	v6 =	vimm.f32 $0.0e+00;
	v3 =	vld [tilespmem:s0+$0x7090]  }
0x155: {  	s9 =	simm.s32 $0x200;
	v7 =	vimm.f32 $0.0e+00;
	v8 =	vimm.f32 $0.0e+00;
	v5 =	vimm.f32 $0.0e+00;
	v4 =	vld [tilespmem:s0+$0x70A0]  }
.LBB2_17:
0x156: {  	p0 =	sne.s32 s9, $0x3000;
	v9 =	vld [tilespmem:s0+$0x70B0];
	v10 =	vmov v1  }
0x157: {  	v11 =	vld [tilespmem:s0+$0x70E0];
	v12 =	vmov v0  }
0x158: {  	v13 =	vld [tilespmem:s0+$0x70F0];
	s0 =	sshra.s32 s9, $0x2  }
.Ltmp7:
0x159: {  	v1 =	vld [tilespmem:s0+$0x70C0];
	(pc) =	sbr.rel @p0 .LBB2_17-.Ltmp7, $4  }
0x15a: {  	v5 =	vadd.f32 v2, v5;
	v6 =	vadd.f32 v3, v6;
	v0 =	vld [tilespmem:s0+$0x70D0]  }
0x15b: {  	v7 =	vadd.f32 v4, v7;
	v2 =	vld [tilespmem:s0+$0x7080];
	v8 =	vadd.f32 v9, v8  }
0x15c: {  	v5 =	vadd.f32 v10, v5;
	v6 =	vadd.f32 v12, v6;
	v3 =	vld [tilespmem:s0+$0x7090]  }
0x15d: {  	s9 =	sadd.s32 $0x200, s9;
	v7 =	vadd.f32 v11, v7;
	v4 =	vld [tilespmem:s0+$0x70A0];
	v8 =	vadd.f32 v13, v8  }
0x15e: {  	v9 =	vld [tilespmem:s0+$0x70B0]  }
0x15f: {  	v10 =	vld [tilespmem:s0+$0x70E0]  }
0x160: {  	v11 =	vld [tilespmem:s0+$0x70F0];
	_ =	sdelay $0x1  }
0x161: {  	v2 =	vadd.f32 v2, v5;
	v3 =	vadd.f32 v3, v6  }
0x162: {  	v4 =	vadd.f32 v4, v7;
	v5 =	vadd.f32 v9, v8  }
0x163: {  	v1 =	vadd.f32 v1, v2;
	v0 =	vadd.f32 v0, v3  }
0x164: {  	v2 =	vadd.f32 v10, v4;
	v3 =	vadd.f32 v11, v5;
	_ =	sdelay $0x1  }
0x165: {  	v0 =	vadd.f32 v0, v1;
	v1 =	vadd.f32 v3, v2;
	_ =	sdelay $0x1  }
0x166: {  	v0 =	vadd.f32 v1, v0  }
0x167: {  	s30 =	sshll.u32 s11, $0x6  }
0x168: {  	p0 =	seq.s32 s11, $0xF;
	s0 =	sadd.s32 s30, s12;
	[tilespmem:$0x1A970] =	vst v0  }
0x169: {  	[hbm4b:s0+s3] =	stream.linear.scatter [tilespmem:s20], [sflag:$0x5], $0x80, $0x38;
	[tilespmem:$0x1CB80] =	vst v63  }
0x16a: {  	s0 =	sshll.u32 @!p0 s11, $0x5  }
0x16b: {  	s0 =	sadd.s32 @!p0 s0, s13  }
0x16c: {  	_ =	swait.ge [sflag:s18], $0x80;
	s0 =	smul.u32 @!p0 $0x19, s0  }
0x16d: {  	[sflag:s18] =	ssyncset.done $0x0  }
0x16e: {  	s9 =	simm.s32 @!p0 $0x0;
	[sflag:s18] =	ssyncadd.s32 $0xFFFFFF80;
	s0 =	sadd.s32 @!p0 s4, s0  }
0x16f: {  	[tilespmem:s9], [sflag:$0x5] =	stream.linear.gather @!p0 [hbm4b:s0+s9], $0x640, $0x38;
	[tilespmem:$0x1CB80] =	vst v63  }
0x170: {  	s0 =	simm.s32 @!p0 $0x5  }
0x171: {  	_ =	swait.ge @!p0 [sflag:s0], $0x640  }
0x172: {  	[sflag:s0] =	ssyncset.done @!p0 $0x0  }
0x173: {  	s21 =	simm.s32 @!p0 $0x1900;
	[sflag:s0] =	ssyncadd.s32 @!p0 $0xFFFFF9C0;
	s0 =	simm.s32 @!p0 $0x80  }
0x174: {  	[tilespmem:s21], [sflag:$0x1] =	stream.indirect.gather @!p0 [hbm4b:s5+s0], $0x10, s9, s0, $0xb8;
	[tilespmem:$0x1CB80] =	vst v63  }
0x175: {  	s9 =	simm.s32 @!p0 $0x2100  }
0x176: {  	[tilespmem:s9], [sflag:$0x1] =	stream.indirect.gather @!p0 [hbm4b:s5+s0], $0x10, s0, s0, $0xb8;
	[tilespmem:$0x1CB80] =	vst v63  }
0x177: {  	s21 =	simm.s32 @!p0 $0x2900;
	s9 =	simm.s32 @!p0 $0x100  }
0x178: {  	[tilespmem:s21], [sflag:$0x1] =	stream.indirect.gather @!p0 [hbm4b:s5+s0], $0x10, s9, s0, $0xb8;
	[tilespmem:$0x1CB80] =	vst v63  }
0x179: {  	s9 =	simm.s32 @!p0 $0x180;
	s21 =	simm.s32 @!p0 $0x3100  }
0x17a: {  	[tilespmem:s21], [sflag:$0x1] =	stream.indirect.gather @!p0 [hbm4b:s5+s0], $0x10, s9, s0, $0xb8;
	[tilespmem:$0x1CB80] =	vst v63  }
0x17b: {  	s9 =	simm.s32 @!p0 $0x200;
	s21 =	simm.s32 @!p0 $0x3900  }
0x17c: {  	[tilespmem:s21], [sflag:$0x1] =	stream.indirect.gather @!p0 [hbm4b:s5+s0], $0x10, s9, s0, $0xb8;
	[tilespmem:$0x1CB80] =	vst v63  }
0x17d: {  	s9 =	simm.s32 @!p0 $0x280;
	s21 =	simm.s32 @!p0 $0x4100  }
0x17e: {  	[tilespmem:s21], [sflag:$0x1] =	stream.indirect.gather @!p0 [hbm4b:s5+s0], $0x10, s9, s0, $0xb8;
	[tilespmem:$0x1CB80] =	vst v63  }
0x17f: {  	s9 =	simm.s32 @!p0 $0x300;
	s21 =	simm.s32 @!p0 $0x4900  }
0x180: {  	[tilespmem:s21], [sflag:$0x1] =	stream.indirect.gather @!p0 [hbm4b:s5+s0], $0x10, s9, s0, $0xb8;
	[tilespmem:$0x1CB80] =	vst v63  }
0x181: {  	s9 =	simm.s32 @!p0 $0x380;
	s21 =	simm.s32 @!p0 $0x5100  }
0x182: {  	[tilespmem:s21], [sflag:$0x1] =	stream.indirect.gather @!p0 [hbm4b:s5+s0], $0x10, s9, s0, $0xb8;
	[tilespmem:$0x1CB80] =	vst v63  }
0x183: {  	s9 =	simm.s32 @!p0 $0x400;
	s21 =	simm.s32 @!p0 $0x5900  }
0x184: {  	[tilespmem:s21], [sflag:$0x1] =	stream.indirect.gather @!p0 [hbm4b:s5+s0], $0x10, s9, s0, $0xb8;
	[tilespmem:$0x1CB80] =	vst v63  }
0x185: {  	s9 =	simm.s32 @!p0 $0x480;
	s21 =	simm.s32 @!p0 $0x6100  }
0x186: {  	[tilespmem:s21], [sflag:$0x1] =	stream.indirect.gather @!p0 [hbm4b:s5+s0], $0x10, s9, s0, $0xb8;
	[tilespmem:$0x1CB80] =	vst v63  }
0x187: {  	s9 =	simm.s32 @!p0 $0x500;
	s21 =	simm.s32 @!p0 $0x6900  }
0x188: {  	[tilespmem:s21], [sflag:$0x1] =	stream.indirect.gather @!p0 [hbm4b:s5+s0], $0x10, s9, s0, $0xb8;
	[tilespmem:$0x1CB80] =	vst v63  }
0x189: {  	s9 =	simm.s32 @!p0 $0x580;
	s21 =	simm.s32 @!p0 $0x7100  }
0x18a: {  	[tilespmem:s21], [sflag:$0x1] =	stream.indirect.gather @!p0 [hbm4b:s5+s0], $0x10, s9, s0, $0xb8;
	[tilespmem:$0x1CB80] =	vst v63  }
0x18b: {  	s0 =	simm.s32 @!p0 $0x40;
	s9 =	simm.s32 @!p0 $0x600;
	s21 =	simm.s32 @!p0 $0x7900  }
0x18c: {  	[tilespmem:s21], [sflag:$0x1] =	stream.indirect.gather @!p0 [hbm4b:s5+s0], $0x10, s9, s0, $0xb8;
	[tilespmem:$0x1CB80] =	vst v63  }
0x18d: {  	_ =	swait.ge [sflag:s7], $0x6400  }
0x18e: {  	[sflag:s7] =	ssyncset.done $0x0  }
0x18f: {  	s0 =	simm.s32 $0x0;
	[sflag:s7] =	ssyncadd.s32 $0xFFFF9C00  }
0x190: {  	v1 =	vld [tilespmem:s0+$0x7D40]  }
0x191: {  	v0 =	vld [tilespmem:s0+$0x7D50]  }
0x192: {  	v2 =	vld [tilespmem:s0+$0x7D00]  }
0x193: {  	v6 =	vimm.f32 $0.0e+00;
	v3 =	vld [tilespmem:s0+$0x7D10]  }
0x194: {  	v7 =	vimm.f32 $0.0e+00;
	v8 =	vimm.f32 $0.0e+00;
	v5 =	vimm.f32 $0.0e+00;
	s9 =	simm.s32 $0x200;
	v4 =	vld [tilespmem:s0+$0x7D20]  }
.LBB2_19:
0x195: {  	p1 =	sne.s32 s9, $0x3000;
	v9 =	vld [tilespmem:s0+$0x7D30];
	v10 =	vmov v1  }
0x196: {  	v11 =	vld [tilespmem:s0+$0x7D60];
	v12 =	vmov v0  }
0x197: {  	v13 =	vld [tilespmem:s0+$0x7D70];
	s0 =	sshra.s32 s9, $0x2  }
.Ltmp8:
0x198: {  	v1 =	vld [tilespmem:s0+$0x7D40];
	(pc) =	sbr.rel @p1 .LBB2_19-.Ltmp8, $4  }
0x199: {  	v5 =	vadd.f32 v2, v5;
	v6 =	vadd.f32 v3, v6;
	v0 =	vld [tilespmem:s0+$0x7D50]  }
0x19a: {  	v7 =	vadd.f32 v4, v7;
	v2 =	vld [tilespmem:s0+$0x7D00];
	v8 =	vadd.f32 v9, v8  }
0x19b: {  	v5 =	vadd.f32 v10, v5;
	v6 =	vadd.f32 v12, v6;
	v3 =	vld [tilespmem:s0+$0x7D10]  }
0x19c: {  	s9 =	sadd.s32 $0x200, s9;
	v7 =	vadd.f32 v11, v7;
	v4 =	vld [tilespmem:s0+$0x7D20];
	v8 =	vadd.f32 v13, v8  }
0x19d: {  	v9 =	vld [tilespmem:s0+$0x7D30]  }
0x19e: {  	v10 =	vld [tilespmem:s0+$0x7D60]  }
0x19f: {  	v11 =	vld [tilespmem:s0+$0x7D70];
	_ =	sdelay $0x1  }
0x1a0: {  	v2 =	vadd.f32 v2, v5;
	v3 =	vadd.f32 v3, v6  }
0x1a1: {  	v4 =	vadd.f32 v4, v7;
	v5 =	vadd.f32 v9, v8  }
0x1a2: {  	v1 =	vadd.f32 v1, v2;
	v0 =	vadd.f32 v0, v3  }
0x1a3: {  	v2 =	vadd.f32 v10, v4;
	v3 =	vadd.f32 v11, v5;
	_ =	sdelay $0x1  }
0x1a4: {  	v0 =	vadd.f32 v0, v1;
	v1 =	vadd.f32 v3, v2;
	_ =	sdelay $0x1  }
0x1a5: {  	v0 =	vadd.f32 v1, v0;
	_ =	sdelay $0x1  }
0x1a6: {  	s0 =	simm.s32 $0x0;
	[tilespmem:$0x1A900] =	vst v0  }
0x1a7: {  	v1 =	vld [tilespmem:s0+$0x89C0]  }
0x1a8: {  	v0 =	vld [tilespmem:s0+$0x89D0]  }
0x1a9: {  	v2 =	vld [tilespmem:s0+$0x8980]  }
0x1aa: {  	v6 =	vimm.f32 $0.0e+00;
	v3 =	vld [tilespmem:s0+$0x8990]  }
0x1ab: {  	s9 =	simm.s32 $0x200;
	v7 =	vimm.f32 $0.0e+00;
	v8 =	vimm.f32 $0.0e+00;
	v5 =	vimm.f32 $0.0e+00;
	v4 =	vld [tilespmem:s0+$0x89A0]  }
.LBB2_21:
0x1ac: {  	p1 =	sne.s32 s9, $0x3000;
	v9 =	vld [tilespmem:s0+$0x89B0];
	v10 =	vmov v1  }
0x1ad: {  	v11 =	vld [tilespmem:s0+$0x89E0];
	v12 =	vmov v0  }
0x1ae: {  	v13 =	vld [tilespmem:s0+$0x89F0];
	s0 =	sshra.s32 s9, $0x2  }
.Ltmp9:
0x1af: {  	v1 =	vld [tilespmem:s0+$0x89C0];
	(pc) =	sbr.rel @p1 .LBB2_21-.Ltmp9, $4  }
0x1b0: {  	v5 =	vadd.f32 v2, v5;
	v6 =	vadd.f32 v3, v6;
	v0 =	vld [tilespmem:s0+$0x89D0]  }
0x1b1: {  	v7 =	vadd.f32 v4, v7;
	v2 =	vld [tilespmem:s0+$0x8980];
	v8 =	vadd.f32 v9, v8  }
0x1b2: {  	v5 =	vadd.f32 v10, v5;
	v6 =	vadd.f32 v12, v6;
	v3 =	vld [tilespmem:s0+$0x8990]  }
0x1b3: {  	s9 =	sadd.s32 $0x200, s9;
	v7 =	vadd.f32 v11, v7;
	v4 =	vld [tilespmem:s0+$0x89A0];
	v8 =	vadd.f32 v13, v8  }
0x1b4: {  	v9 =	vld [tilespmem:s0+$0x89B0]  }
0x1b5: {  	v10 =	vld [tilespmem:s0+$0x89E0]  }
0x1b6: {  	v11 =	vld [tilespmem:s0+$0x89F0];
	_ =	sdelay $0x1  }
0x1b7: {  	v2 =	vadd.f32 v2, v5;
	v3 =	vadd.f32 v3, v6  }
0x1b8: {  	v4 =	vadd.f32 v4, v7;
	v5 =	vadd.f32 v9, v8  }
0x1b9: {  	v1 =	vadd.f32 v1, v2;
	v0 =	vadd.f32 v0, v3  }
0x1ba: {  	v2 =	vadd.f32 v10, v4;
	v3 =	vadd.f32 v11, v5;
	_ =	sdelay $0x1  }
0x1bb: {  	v0 =	vadd.f32 v0, v1;
	v1 =	vadd.f32 v3, v2;
	_ =	sdelay $0x1  }
0x1bc: {  	v0 =	vadd.f32 v1, v0;
	_ =	sdelay $0x1  }
0x1bd: {  	s0 =	simm.s32 $0x0;
	[tilespmem:$0x1A910] =	vst v0  }
0x1be: {  	v1 =	vld [tilespmem:s0+$0x9640]  }
0x1bf: {  	v0 =	vld [tilespmem:s0+$0x9650]  }
0x1c0: {  	v2 =	vld [tilespmem:s0+$0x9600]  }
0x1c1: {  	v6 =	vimm.f32 $0.0e+00;
	v3 =	vld [tilespmem:s0+$0x9610]  }
0x1c2: {  	s9 =	simm.s32 $0x200;
	v7 =	vimm.f32 $0.0e+00;
	v8 =	vimm.f32 $0.0e+00;
	v5 =	vimm.f32 $0.0e+00;
	v4 =	vld [tilespmem:s0+$0x9620]  }
.LBB2_23:
0x1c3: {  	p1 =	sne.s32 s9, $0x3000;
	v9 =	vld [tilespmem:s0+$0x9630];
	v10 =	vmov v1  }
0x1c4: {  	v11 =	vld [tilespmem:s0+$0x9660];
	v12 =	vmov v0  }
0x1c5: {  	v13 =	vld [tilespmem:s0+$0x9670];
	s0 =	sshra.s32 s9, $0x2  }
.Ltmp10:
0x1c6: {  	v1 =	vld [tilespmem:s0+$0x9640];
	(pc) =	sbr.rel @p1 .LBB2_23-.Ltmp10, $4  }
0x1c7: {  	v5 =	vadd.f32 v2, v5;
	v6 =	vadd.f32 v3, v6;
	v0 =	vld [tilespmem:s0+$0x9650]  }
0x1c8: {  	v7 =	vadd.f32 v4, v7;
	v2 =	vld [tilespmem:s0+$0x9600];
	v8 =	vadd.f32 v9, v8  }
0x1c9: {  	v5 =	vadd.f32 v10, v5;
	v6 =	vadd.f32 v12, v6;
	v3 =	vld [tilespmem:s0+$0x9610]  }
0x1ca: {  	s9 =	sadd.s32 $0x200, s9;
	v7 =	vadd.f32 v11, v7;
	v4 =	vld [tilespmem:s0+$0x9620];
	v8 =	vadd.f32 v13, v8  }
0x1cb: {  	v9 =	vld [tilespmem:s0+$0x9630]  }
0x1cc: {  	v10 =	vld [tilespmem:s0+$0x9660]  }
0x1cd: {  	v11 =	vld [tilespmem:s0+$0x9670];
	_ =	sdelay $0x1  }
0x1ce: {  	v2 =	vadd.f32 v2, v5;
	v3 =	vadd.f32 v3, v6  }
0x1cf: {  	v4 =	vadd.f32 v4, v7;
	v5 =	vadd.f32 v9, v8  }
0x1d0: {  	v1 =	vadd.f32 v1, v2;
	v0 =	vadd.f32 v0, v3  }
0x1d1: {  	v2 =	vadd.f32 v10, v4;
	v3 =	vadd.f32 v11, v5;
	_ =	sdelay $0x1  }
0x1d2: {  	v0 =	vadd.f32 v0, v1;
	v1 =	vadd.f32 v3, v2;
	_ =	sdelay $0x1  }
0x1d3: {  	v0 =	vadd.f32 v1, v0;
	_ =	sdelay $0x1  }
0x1d4: {  	s0 =	simm.s32 $0x0;
	[tilespmem:$0x1A920] =	vst v0  }
0x1d5: {  	v1 =	vld [tilespmem:s0+$0xA2C0]  }
0x1d6: {  	v0 =	vld [tilespmem:s0+$0xA2D0]  }
0x1d7: {  	v2 =	vld [tilespmem:s0+$0xA280]  }
0x1d8: {  	v6 =	vimm.f32 $0.0e+00;
	v3 =	vld [tilespmem:s0+$0xA290]  }
0x1d9: {  	s9 =	simm.s32 $0x200;
	v7 =	vimm.f32 $0.0e+00;
	v8 =	vimm.f32 $0.0e+00;
	v5 =	vimm.f32 $0.0e+00;
	v4 =	vld [tilespmem:s0+$0xA2A0]  }
.LBB2_25:
0x1da: {  	p1 =	sne.s32 s9, $0x3000;
	v9 =	vld [tilespmem:s0+$0xA2B0];
	v10 =	vmov v1  }
0x1db: {  	v11 =	vld [tilespmem:s0+$0xA2E0];
	v12 =	vmov v0  }
0x1dc: {  	v13 =	vld [tilespmem:s0+$0xA2F0];
	s0 =	sshra.s32 s9, $0x2  }
.Ltmp11:
0x1dd: {  	v1 =	vld [tilespmem:s0+$0xA2C0];
	(pc) =	sbr.rel @p1 .LBB2_25-.Ltmp11, $4  }
0x1de: {  	v5 =	vadd.f32 v2, v5;
	v6 =	vadd.f32 v3, v6;
	v0 =	vld [tilespmem:s0+$0xA2D0]  }
0x1df: {  	v7 =	vadd.f32 v4, v7;
	v2 =	vld [tilespmem:s0+$0xA280];
	v8 =	vadd.f32 v9, v8  }
0x1e0: {  	v5 =	vadd.f32 v10, v5;
	v6 =	vadd.f32 v12, v6;
	v3 =	vld [tilespmem:s0+$0xA290]  }
0x1e1: {  	s9 =	sadd.s32 $0x200, s9;
	v7 =	vadd.f32 v11, v7;
	v4 =	vld [tilespmem:s0+$0xA2A0];
	v8 =	vadd.f32 v13, v8  }
0x1e2: {  	v9 =	vld [tilespmem:s0+$0xA2B0]  }
0x1e3: {  	v10 =	vld [tilespmem:s0+$0xA2E0]  }
0x1e4: {  	v11 =	vld [tilespmem:s0+$0xA2F0];
	_ =	sdelay $0x1  }
0x1e5: {  	v2 =	vadd.f32 v2, v5;
	v3 =	vadd.f32 v3, v6  }
0x1e6: {  	v4 =	vadd.f32 v4, v7;
	v5 =	vadd.f32 v9, v8  }
0x1e7: {  	v1 =	vadd.f32 v1, v2;
	v0 =	vadd.f32 v0, v3  }
0x1e8: {  	v2 =	vadd.f32 v10, v4;
	v3 =	vadd.f32 v11, v5;
	_ =	sdelay $0x1  }
0x1e9: {  	v0 =	vadd.f32 v0, v1;
	v1 =	vadd.f32 v3, v2;
	_ =	sdelay $0x1  }
0x1ea: {  	v0 =	vadd.f32 v1, v0;
	_ =	sdelay $0x1  }
0x1eb: {  	s0 =	simm.s32 $0x0;
	[tilespmem:$0x1A930] =	vst v0  }
0x1ec: {  	v1 =	vld [tilespmem:s0+$0xAF40]  }
0x1ed: {  	v0 =	vld [tilespmem:s0+$0xAF50]  }
0x1ee: {  	v2 =	vld [tilespmem:s0+$0xAF00]  }
0x1ef: {  	v6 =	vimm.f32 $0.0e+00;
	v3 =	vld [tilespmem:s0+$0xAF10]  }
0x1f0: {  	s9 =	simm.s32 $0x200;
	v7 =	vimm.f32 $0.0e+00;
	v8 =	vimm.f32 $0.0e+00;
	v5 =	vimm.f32 $0.0e+00;
	v4 =	vld [tilespmem:s0+$0xAF20]  }
.LBB2_27:
0x1f1: {  	p1 =	sne.s32 s9, $0x3000;
	v9 =	vld [tilespmem:s0+$0xAF30];
	v10 =	vmov v1  }
0x1f2: {  	v11 =	vld [tilespmem:s0+$0xAF60];
	v12 =	vmov v0  }
0x1f3: {  	v13 =	vld [tilespmem:s0+$0xAF70];
	s0 =	sshra.s32 s9, $0x2  }
.Ltmp12:
0x1f4: {  	v1 =	vld [tilespmem:s0+$0xAF40];
	(pc) =	sbr.rel @p1 .LBB2_27-.Ltmp12, $4  }
0x1f5: {  	v5 =	vadd.f32 v2, v5;
	v6 =	vadd.f32 v3, v6;
	v0 =	vld [tilespmem:s0+$0xAF50]  }
0x1f6: {  	v7 =	vadd.f32 v4, v7;
	v2 =	vld [tilespmem:s0+$0xAF00];
	v8 =	vadd.f32 v9, v8  }
0x1f7: {  	v5 =	vadd.f32 v10, v5;
	v6 =	vadd.f32 v12, v6;
	v3 =	vld [tilespmem:s0+$0xAF10]  }
0x1f8: {  	s9 =	sadd.s32 $0x200, s9;
	v7 =	vadd.f32 v11, v7;
	v4 =	vld [tilespmem:s0+$0xAF20];
	v8 =	vadd.f32 v13, v8  }
0x1f9: {  	v9 =	vld [tilespmem:s0+$0xAF30]  }
0x1fa: {  	v10 =	vld [tilespmem:s0+$0xAF60]  }
0x1fb: {  	v11 =	vld [tilespmem:s0+$0xAF70];
	_ =	sdelay $0x1  }
0x1fc: {  	v2 =	vadd.f32 v2, v5;
	v3 =	vadd.f32 v3, v6  }
0x1fd: {  	v4 =	vadd.f32 v4, v7;
	v5 =	vadd.f32 v9, v8  }
0x1fe: {  	v1 =	vadd.f32 v1, v2;
	v0 =	vadd.f32 v0, v3  }
0x1ff: {  	v2 =	vadd.f32 v10, v4;
	v3 =	vadd.f32 v11, v5;
	_ =	sdelay $0x1  }
0x200: {  	v0 =	vadd.f32 v0, v1;
	v1 =	vadd.f32 v3, v2;
	_ =	sdelay $0x1  }
0x201: {  	v0 =	vadd.f32 v1, v0;
	_ =	sdelay $0x1  }
0x202: {  	s0 =	simm.s32 $0x0;
	[tilespmem:$0x1A940] =	vst v0  }
0x203: {  	v1 =	vld [tilespmem:s0+$0xBBC0]  }
0x204: {  	v0 =	vld [tilespmem:s0+$0xBBD0]  }
0x205: {  	v2 =	vld [tilespmem:s0+$0xBB80]  }
0x206: {  	v6 =	vimm.f32 $0.0e+00;
	v3 =	vld [tilespmem:s0+$0xBB90]  }
0x207: {  	s9 =	simm.s32 $0x200;
	v7 =	vimm.f32 $0.0e+00;
	v8 =	vimm.f32 $0.0e+00;
	v5 =	vimm.f32 $0.0e+00;
	v4 =	vld [tilespmem:s0+$0xBBA0]  }
.LBB2_29:
0x208: {  	p1 =	sne.s32 s9, $0x3000;
	v9 =	vld [tilespmem:s0+$0xBBB0];
	v10 =	vmov v1  }
0x209: {  	v11 =	vld [tilespmem:s0+$0xBBE0];
	v12 =	vmov v0  }
0x20a: {  	v13 =	vld [tilespmem:s0+$0xBBF0];
	s0 =	sshra.s32 s9, $0x2  }
.Ltmp13:
0x20b: {  	v1 =	vld [tilespmem:s0+$0xBBC0];
	(pc) =	sbr.rel @p1 .LBB2_29-.Ltmp13, $4  }
0x20c: {  	v5 =	vadd.f32 v2, v5;
	v6 =	vadd.f32 v3, v6;
	v0 =	vld [tilespmem:s0+$0xBBD0]  }
0x20d: {  	v7 =	vadd.f32 v4, v7;
	v2 =	vld [tilespmem:s0+$0xBB80];
	v8 =	vadd.f32 v9, v8  }
0x20e: {  	v5 =	vadd.f32 v10, v5;
	v6 =	vadd.f32 v12, v6;
	v3 =	vld [tilespmem:s0+$0xBB90]  }
0x20f: {  	s9 =	sadd.s32 $0x200, s9;
	v7 =	vadd.f32 v11, v7;
	v4 =	vld [tilespmem:s0+$0xBBA0];
	v8 =	vadd.f32 v13, v8  }
0x210: {  	v9 =	vld [tilespmem:s0+$0xBBB0]  }
0x211: {  	v10 =	vld [tilespmem:s0+$0xBBE0]  }
0x212: {  	v11 =	vld [tilespmem:s0+$0xBBF0];
	_ =	sdelay $0x1  }
0x213: {  	v2 =	vadd.f32 v2, v5;
	v3 =	vadd.f32 v3, v6  }
0x214: {  	v4 =	vadd.f32 v4, v7;
	v5 =	vadd.f32 v9, v8  }
0x215: {  	v1 =	vadd.f32 v1, v2;
	v0 =	vadd.f32 v0, v3  }
0x216: {  	v2 =	vadd.f32 v10, v4;
	v3 =	vadd.f32 v11, v5;
	_ =	sdelay $0x1  }
0x217: {  	v0 =	vadd.f32 v0, v1;
	v1 =	vadd.f32 v3, v2;
	_ =	sdelay $0x1  }
0x218: {  	v0 =	vadd.f32 v1, v0;
	_ =	sdelay $0x1  }
0x219: {  	s0 =	simm.s32 $0x0;
	[tilespmem:$0x1A950] =	vst v0  }
0x21a: {  	v1 =	vld [tilespmem:s0+$0xC840]  }
0x21b: {  	v0 =	vld [tilespmem:s0+$0xC850]  }
0x21c: {  	v2 =	vld [tilespmem:s0+$0xC800]  }
0x21d: {  	v6 =	vimm.f32 $0.0e+00;
	v3 =	vld [tilespmem:s0+$0xC810]  }
0x21e: {  	s9 =	simm.s32 $0x200;
	v7 =	vimm.f32 $0.0e+00;
	v8 =	vimm.f32 $0.0e+00;
	v5 =	vimm.f32 $0.0e+00;
	v4 =	vld [tilespmem:s0+$0xC820]  }
.LBB2_31:
0x21f: {  	p1 =	sne.s32 s9, $0x3000;
	v9 =	vld [tilespmem:s0+$0xC830];
	v10 =	vmov v1  }
0x220: {  	v11 =	vld [tilespmem:s0+$0xC860];
	v12 =	vmov v0  }
0x221: {  	v13 =	vld [tilespmem:s0+$0xC870];
	s0 =	sshra.s32 s9, $0x2  }
.Ltmp14:
0x222: {  	v1 =	vld [tilespmem:s0+$0xC840];
	(pc) =	sbr.rel @p1 .LBB2_31-.Ltmp14, $4  }
0x223: {  	v5 =	vadd.f32 v2, v5;
	v6 =	vadd.f32 v3, v6;
	v0 =	vld [tilespmem:s0+$0xC850]  }
0x224: {  	v7 =	vadd.f32 v4, v7;
	v2 =	vld [tilespmem:s0+$0xC800];
	v8 =	vadd.f32 v9, v8  }
0x225: {  	v5 =	vadd.f32 v10, v5;
	v6 =	vadd.f32 v12, v6;
	v3 =	vld [tilespmem:s0+$0xC810]  }
0x226: {  	s9 =	sadd.s32 $0x200, s9;
	v7 =	vadd.f32 v11, v7;
	v4 =	vld [tilespmem:s0+$0xC820];
	v8 =	vadd.f32 v13, v8  }
0x227: {  	v9 =	vld [tilespmem:s0+$0xC830]  }
0x228: {  	v10 =	vld [tilespmem:s0+$0xC860]  }
0x229: {  	v11 =	vld [tilespmem:s0+$0xC870];
	_ =	sdelay $0x1  }
0x22a: {  	v2 =	vadd.f32 v2, v5;
	v3 =	vadd.f32 v3, v6  }
0x22b: {  	v4 =	vadd.f32 v4, v7;
	v5 =	vadd.f32 v9, v8  }
0x22c: {  	v1 =	vadd.f32 v1, v2;
	v0 =	vadd.f32 v0, v3  }
0x22d: {  	v2 =	vadd.f32 v10, v4;
	v3 =	vadd.f32 v11, v5;
	_ =	sdelay $0x1  }
0x22e: {  	v0 =	vadd.f32 v0, v1;
	v1 =	vadd.f32 v3, v2;
	_ =	sdelay $0x1  }
0x22f: {  	v0 =	vadd.f32 v1, v0;
	_ =	sdelay $0x1  }
0x230: {  	s0 =	simm.s32 $0x0;
	[tilespmem:$0x1A960] =	vst v0  }
0x231: {  	v1 =	vld [tilespmem:s0+$0xD4C0]  }
0x232: {  	v0 =	vld [tilespmem:s0+$0xD4D0]  }
0x233: {  	v2 =	vld [tilespmem:s0+$0xD480]  }
0x234: {  	v6 =	vimm.f32 $0.0e+00;
	v3 =	vld [tilespmem:s0+$0xD490]  }
0x235: {  	s9 =	simm.s32 $0x200;
	v7 =	vimm.f32 $0.0e+00;
	v8 =	vimm.f32 $0.0e+00;
	v5 =	vimm.f32 $0.0e+00;
	v4 =	vld [tilespmem:s0+$0xD4A0]  }
.LBB2_33:
0x236: {  	p1 =	sne.s32 s9, $0x3000;
	v9 =	vld [tilespmem:s0+$0xD4B0];
	v10 =	vmov v1  }
0x237: {  	v11 =	vld [tilespmem:s0+$0xD4E0];
	v12 =	vmov v0  }
0x238: {  	v13 =	vld [tilespmem:s0+$0xD4F0];
	s0 =	sshra.s32 s9, $0x2  }
.Ltmp15:
0x239: {  	v1 =	vld [tilespmem:s0+$0xD4C0];
	(pc) =	sbr.rel @p1 .LBB2_33-.Ltmp15, $4  }
0x23a: {  	v5 =	vadd.f32 v2, v5;
	v6 =	vadd.f32 v3, v6;
	v0 =	vld [tilespmem:s0+$0xD4D0]  }
0x23b: {  	v7 =	vadd.f32 v4, v7;
	v2 =	vld [tilespmem:s0+$0xD480];
	v8 =	vadd.f32 v9, v8  }
0x23c: {  	v5 =	vadd.f32 v10, v5;
	v6 =	vadd.f32 v12, v6;
	v3 =	vld [tilespmem:s0+$0xD490]  }
0x23d: {  	s9 =	sadd.s32 $0x200, s9;
	v7 =	vadd.f32 v11, v7;
	v4 =	vld [tilespmem:s0+$0xD4A0];
	v8 =	vadd.f32 v13, v8  }
0x23e: {  	v9 =	vld [tilespmem:s0+$0xD4B0]  }
0x23f: {  	v10 =	vld [tilespmem:s0+$0xD4E0]  }
0x240: {  	v11 =	vld [tilespmem:s0+$0xD4F0];
	_ =	sdelay $0x1  }
0x241: {  	v2 =	vadd.f32 v2, v5;
	v3 =	vadd.f32 v3, v6  }
0x242: {  	v4 =	vadd.f32 v4, v7;
	v5 =	vadd.f32 v9, v8  }
0x243: {  	v1 =	vadd.f32 v1, v2;
	v0 =	vadd.f32 v0, v3  }
0x244: {  	v2 =	vadd.f32 v10, v4;
	v3 =	vadd.f32 v11, v5  }
0x245: {  	s0 =	sshll.u32 s11, $0x5  }
0x246: {  	s9 =	sadd.s32 s0, s6;
	v0 =	vadd.f32 v0, v1;
	v1 =	vadd.f32 v3, v2  }
0x247: {  	s30 =	sshll.u32 s9, $0x1  }
0x248: {  	s9 =	sadd.s32 $0x10, s30;
	v0 =	vadd.f32 v1, v0  }
0x249: {  	s9 =	sand.u32 $0x1FFFFFD0, s9  }
0x24a: {  	s9 =	sadd.s32 s1, s9;
	[tilespmem:$0x1A970] =	vst v0  }
0x24b: {  	[hbm4b:s9+s3] =	stream.linear.scatter [tilespmem:s20], [sflag:$0x5], $0x80, $0x38;
	[tilespmem:$0x1CB80] =	vst v63  }
0x24c: {  	s9 =	sadd.s32 @!p0 s0, s14  }
0x24d: {  	_ =	swait.ge [sflag:s18], $0x80;
	s9 =	smul.u32 @!p0 $0x19, s9  }
0x24e: {  	s21 =	simm.s32 @!p0 $0x0;
	[sflag:s18] =	ssyncset.done $0x0  }
0x24f: {  	s22 =	simm.s32 @!p0 $0x640;
	[sflag:s18] =	ssyncadd.s32 $0xFFFFFF80;
	s9 =	sadd.s32 @!p0 s4, s9  }
0x250: {  	[tilespmem:s22], [sflag:$0x5] =	stream.linear.gather @!p0 [hbm4b:s9+s21], $0x640, $0x38;
	[tilespmem:$0x1CB80] =	vst v63  }
0x251: {  	s9 =	simm.s32 @!p0 $0x5  }
0x252: {  	_ =	swait.ge @!p0 [sflag:s9], $0x640  }
0x253: {  	[sflag:s9] =	ssyncset.done @!p0 $0x0  }
0x254: {  	s21 =	simm.s32 @!p0 $0x7D00;
	[sflag:s9] =	ssyncadd.s32 @!p0 $0xFFFFF9C0;
	s9 =	simm.s32 @!p0 $0x80  }
0x255: {  	[tilespmem:s21], [sflag:$0x2] =	stream.indirect.gather @!p0 [hbm4b:s5+s9], $0x10, s22, s9, $0xb8;
	[tilespmem:$0x1CB80] =	vst v63  }
0x256: {  	s21 =	simm.s32 @!p0 $0x6C0;
	s22 =	simm.s32 @!p0 $0x8500  }
0x257: {  	[tilespmem:s22], [sflag:$0x2] =	stream.indirect.gather @!p0 [hbm4b:s5+s9], $0x10, s21, s9, $0xb8;
	[tilespmem:$0x1CB80] =	vst v63  }
0x258: {  	s21 =	simm.s32 @!p0 $0x740;
	s22 =	simm.s32 @!p0 $0x8D00  }
0x259: {  	[tilespmem:s22], [sflag:$0x2] =	stream.indirect.gather @!p0 [hbm4b:s5+s9], $0x10, s21, s9, $0xb8;
	[tilespmem:$0x1CB80] =	vst v63  }
0x25a: {  	s21 =	simm.s32 @!p0 $0x7C0;
	s22 =	simm.s32 @!p0 $0x9500  }
0x25b: {  	[tilespmem:s22], [sflag:$0x2] =	stream.indirect.gather @!p0 [hbm4b:s5+s9], $0x10, s21, s9, $0xb8;
	[tilespmem:$0x1CB80] =	vst v63  }
0x25c: {  	s21 =	simm.s32 @!p0 $0x840;
	s22 =	simm.s32 @!p0 $0x9D00  }
0x25d: {  	[tilespmem:s22], [sflag:$0x2] =	stream.indirect.gather @!p0 [hbm4b:s5+s9], $0x10, s21, s9, $0xb8;
	[tilespmem:$0x1CB80] =	vst v63  }
0x25e: {  	s21 =	simm.s32 @!p0 $0x8C0;
	s22 =	simm.s32 @!p0 $0xA500  }
0x25f: {  	[tilespmem:s22], [sflag:$0x2] =	stream.indirect.gather @!p0 [hbm4b:s5+s9], $0x10, s21, s9, $0xb8;
	[tilespmem:$0x1CB80] =	vst v63  }
0x260: {  	s21 =	simm.s32 @!p0 $0x940;
	s22 =	simm.s32 @!p0 $0xAD00  }
0x261: {  	[tilespmem:s22], [sflag:$0x2] =	stream.indirect.gather @!p0 [hbm4b:s5+s9], $0x10, s21, s9, $0xb8;
	[tilespmem:$0x1CB80] =	vst v63  }
0x262: {  	s21 =	simm.s32 @!p0 $0x9C0;
	s22 =	simm.s32 @!p0 $0xB500  }
0x263: {  	[tilespmem:s22], [sflag:$0x2] =	stream.indirect.gather @!p0 [hbm4b:s5+s9], $0x10, s21, s9, $0xb8;
	[tilespmem:$0x1CB80] =	vst v63  }
0x264: {  	s21 =	simm.s32 @!p0 $0xA40;
	s22 =	simm.s32 @!p0 $0xBD00  }
0x265: {  	[tilespmem:s22], [sflag:$0x2] =	stream.indirect.gather @!p0 [hbm4b:s5+s9], $0x10, s21, s9, $0xb8;
	[tilespmem:$0x1CB80] =	vst v63  }
0x266: {  	s21 =	simm.s32 @!p0 $0xAC0;
	s22 =	simm.s32 @!p0 $0xC500  }
0x267: {  	[tilespmem:s22], [sflag:$0x2] =	stream.indirect.gather @!p0 [hbm4b:s5+s9], $0x10, s21, s9, $0xb8;
	[tilespmem:$0x1CB80] =	vst v63  }
0x268: {  	s21 =	simm.s32 @!p0 $0xB40;
	s22 =	simm.s32 @!p0 $0xCD00  }
0x269: {  	[tilespmem:s22], [sflag:$0x2] =	stream.indirect.gather @!p0 [hbm4b:s5+s9], $0x10, s21, s9, $0xb8;
	[tilespmem:$0x1CB80] =	vst v63  }
0x26a: {  	s21 =	simm.s32 @!p0 $0xBC0;
	s22 =	simm.s32 @!p0 $0xD500  }
0x26b: {  	[tilespmem:s22], [sflag:$0x2] =	stream.indirect.gather @!p0 [hbm4b:s5+s9], $0x10, s21, s9, $0xb8;
	[tilespmem:$0x1CB80] =	vst v63  }
0x26c: {  	s9 =	simm.s32 @!p0 $0x40;
	s21 =	simm.s32 @!p0 $0xC40;
	s22 =	simm.s32 @!p0 $0xDD00  }
0x26d: {  	[tilespmem:s22], [sflag:$0x2] =	stream.indirect.gather @!p0 [hbm4b:s5+s9], $0x10, s21, s9, $0xb8;
	[tilespmem:$0x1CB80] =	vst v63  }
0x26e: {  	_ =	swait.ge [sflag:s8], $0x6400  }
0x26f: {  	[sflag:s8] =	ssyncset.done $0x0  }
0x270: {  	s9 =	simm.s32 $0x0;
	[sflag:s8] =	ssyncadd.s32 $0xFFFF9C00  }
0x271: {  	v1 =	vld [tilespmem:s9+$0xE140]  }
0x272: {  	v0 =	vld [tilespmem:s9+$0xE150]  }
0x273: {  	v2 =	vld [tilespmem:s9+$0xE100]  }
0x274: {  	v6 =	vimm.f32 $0.0e+00;
	v3 =	vld [tilespmem:s9+$0xE110]  }
0x275: {  	v7 =	vimm.f32 $0.0e+00;
	v8 =	vimm.f32 $0.0e+00;
	v5 =	vimm.f32 $0.0e+00;
	s21 =	simm.s32 $0x200;
	v4 =	vld [tilespmem:s9+$0xE120]  }
.LBB2_35:
0x276: {  	p1 =	sne.s32 s21, $0x3000;
	v9 =	vld [tilespmem:s9+$0xE130];
	v10 =	vmov v1  }
0x277: {  	v11 =	vld [tilespmem:s9+$0xE160];
	v12 =	vmov v0  }
0x278: {  	v13 =	vld [tilespmem:s9+$0xE170];
	s9 =	sshra.s32 s21, $0x2  }
.Ltmp16:
0x279: {  	v1 =	vld [tilespmem:s9+$0xE140];
	(pc) =	sbr.rel @p1 .LBB2_35-.Ltmp16, $4  }
0x27a: {  	v5 =	vadd.f32 v2, v5;
	v6 =	vadd.f32 v3, v6;
	v0 =	vld [tilespmem:s9+$0xE150]  }
0x27b: {  	v7 =	vadd.f32 v4, v7;
	v2 =	vld [tilespmem:s9+$0xE100];
	v8 =	vadd.f32 v9, v8  }
0x27c: {  	v5 =	vadd.f32 v10, v5;
	v6 =	vadd.f32 v12, v6;
	v3 =	vld [tilespmem:s9+$0xE110]  }
0x27d: {  	s21 =	sadd.s32 $0x200, s21;
	v7 =	vadd.f32 v11, v7;
	v4 =	vld [tilespmem:s9+$0xE120];
	v8 =	vadd.f32 v13, v8  }
0x27e: {  	v9 =	vld [tilespmem:s9+$0xE130]  }
0x27f: {  	v10 =	vld [tilespmem:s9+$0xE160]  }
0x280: {  	v11 =	vld [tilespmem:s9+$0xE170];
	_ =	sdelay $0x1  }
0x281: {  	v2 =	vadd.f32 v2, v5;
	v3 =	vadd.f32 v3, v6  }
0x282: {  	v4 =	vadd.f32 v4, v7;
	v5 =	vadd.f32 v9, v8  }
0x283: {  	v1 =	vadd.f32 v1, v2;
	v0 =	vadd.f32 v0, v3  }
0x284: {  	v2 =	vadd.f32 v10, v4;
	v3 =	vadd.f32 v11, v5;
	_ =	sdelay $0x1  }
0x285: {  	v0 =	vadd.f32 v0, v1;
	v1 =	vadd.f32 v3, v2;
	_ =	sdelay $0x1  }
0x286: {  	v0 =	vadd.f32 v1, v0;
	_ =	sdelay $0x1  }
0x287: {  	s9 =	simm.s32 $0x0;
	[tilespmem:$0x1A900] =	vst v0  }
0x288: {  	v1 =	vld [tilespmem:s9+$0xEDC0]  }
0x289: {  	v0 =	vld [tilespmem:s9+$0xEDD0]  }
0x28a: {  	v2 =	vld [tilespmem:s9+$0xED80]  }
0x28b: {  	v6 =	vimm.f32 $0.0e+00;
	v3 =	vld [tilespmem:s9+$0xED90]  }
0x28c: {  	s21 =	simm.s32 $0x200;
	v7 =	vimm.f32 $0.0e+00;
	v8 =	vimm.f32 $0.0e+00;
	v5 =	vimm.f32 $0.0e+00;
	v4 =	vld [tilespmem:s9+$0xEDA0]  }
.LBB2_37:
0x28d: {  	p1 =	sne.s32 s21, $0x3000;
	v9 =	vld [tilespmem:s9+$0xEDB0];
	v10 =	vmov v1  }
0x28e: {  	v11 =	vld [tilespmem:s9+$0xEDE0];
	v12 =	vmov v0  }
0x28f: {  	v13 =	vld [tilespmem:s9+$0xEDF0];
	s9 =	sshra.s32 s21, $0x2  }
.Ltmp17:
0x290: {  	v1 =	vld [tilespmem:s9+$0xEDC0];
	(pc) =	sbr.rel @p1 .LBB2_37-.Ltmp17, $4  }
0x291: {  	v5 =	vadd.f32 v2, v5;
	v6 =	vadd.f32 v3, v6;
	v0 =	vld [tilespmem:s9+$0xEDD0]  }
0x292: {  	v7 =	vadd.f32 v4, v7;
	v2 =	vld [tilespmem:s9+$0xED80];
	v8 =	vadd.f32 v9, v8  }
0x293: {  	v5 =	vadd.f32 v10, v5;
	v6 =	vadd.f32 v12, v6;
	v3 =	vld [tilespmem:s9+$0xED90]  }
0x294: {  	s21 =	sadd.s32 $0x200, s21;
	v7 =	vadd.f32 v11, v7;
	v4 =	vld [tilespmem:s9+$0xEDA0];
	v8 =	vadd.f32 v13, v8  }
0x295: {  	v9 =	vld [tilespmem:s9+$0xEDB0]  }
0x296: {  	v10 =	vld [tilespmem:s9+$0xEDE0]  }
0x297: {  	v11 =	vld [tilespmem:s9+$0xEDF0];
	_ =	sdelay $0x1  }
0x298: {  	v2 =	vadd.f32 v2, v5;
	v3 =	vadd.f32 v3, v6  }
0x299: {  	v4 =	vadd.f32 v4, v7;
	v5 =	vadd.f32 v9, v8  }
0x29a: {  	v1 =	vadd.f32 v1, v2;
	v0 =	vadd.f32 v0, v3  }
0x29b: {  	v2 =	vadd.f32 v10, v4;
	v3 =	vadd.f32 v11, v5;
	_ =	sdelay $0x1  }
0x29c: {  	v0 =	vadd.f32 v0, v1;
	v1 =	vadd.f32 v3, v2;
	_ =	sdelay $0x1  }
0x29d: {  	v0 =	vadd.f32 v1, v0;
	_ =	sdelay $0x1  }
0x29e: {  	s9 =	simm.s32 $0x0;
	[tilespmem:$0x1A910] =	vst v0  }
0x29f: {  	v1 =	vld [tilespmem:s9+$0xFA40]  }
0x2a0: {  	v0 =	vld [tilespmem:s9+$0xFA50]  }
0x2a1: {  	v2 =	vld [tilespmem:s9+$0xFA00]  }
0x2a2: {  	v6 =	vimm.f32 $0.0e+00;
	v3 =	vld [tilespmem:s9+$0xFA10]  }
0x2a3: {  	s21 =	simm.s32 $0x200;
	v7 =	vimm.f32 $0.0e+00;
	v8 =	vimm.f32 $0.0e+00;
	v5 =	vimm.f32 $0.0e+00;
	v4 =	vld [tilespmem:s9+$0xFA20]  }
.LBB2_39:
0x2a4: {  	p1 =	sne.s32 s21, $0x3000;
	v9 =	vld [tilespmem:s9+$0xFA30];
	v10 =	vmov v1  }
0x2a5: {  	v11 =	vld [tilespmem:s9+$0xFA60];
	v12 =	vmov v0  }
0x2a6: {  	v13 =	vld [tilespmem:s9+$0xFA70];
	s9 =	sshra.s32 s21, $0x2  }
.Ltmp18:
0x2a7: {  	v1 =	vld [tilespmem:s9+$0xFA40];
	(pc) =	sbr.rel @p1 .LBB2_39-.Ltmp18, $4  }
0x2a8: {  	v5 =	vadd.f32 v2, v5;
	v6 =	vadd.f32 v3, v6;
	v0 =	vld [tilespmem:s9+$0xFA50]  }
0x2a9: {  	v7 =	vadd.f32 v4, v7;
	v2 =	vld [tilespmem:s9+$0xFA00];
	v8 =	vadd.f32 v9, v8  }
0x2aa: {  	v5 =	vadd.f32 v10, v5;
	v6 =	vadd.f32 v12, v6;
	v3 =	vld [tilespmem:s9+$0xFA10]  }
0x2ab: {  	s21 =	sadd.s32 $0x200, s21;
	v7 =	vadd.f32 v11, v7;
	v4 =	vld [tilespmem:s9+$0xFA20];
	v8 =	vadd.f32 v13, v8  }
0x2ac: {  	v9 =	vld [tilespmem:s9+$0xFA30]  }
0x2ad: {  	v10 =	vld [tilespmem:s9+$0xFA60]  }
0x2ae: {  	v11 =	vld [tilespmem:s9+$0xFA70];
	_ =	sdelay $0x1  }
0x2af: {  	v2 =	vadd.f32 v2, v5;
	v3 =	vadd.f32 v3, v6  }
0x2b0: {  	v4 =	vadd.f32 v4, v7;
	v5 =	vadd.f32 v9, v8  }
0x2b1: {  	v1 =	vadd.f32 v1, v2;
	v0 =	vadd.f32 v0, v3  }
0x2b2: {  	v2 =	vadd.f32 v10, v4;
	v3 =	vadd.f32 v11, v5;
	_ =	sdelay $0x1  }
0x2b3: {  	v0 =	vadd.f32 v0, v1;
	v1 =	vadd.f32 v3, v2;
	_ =	sdelay $0x1  }
0x2b4: {  	v0 =	vadd.f32 v1, v0;
	_ =	sdelay $0x1  }
0x2b5: {  	s9 =	simm.s32 $0x0;
	[tilespmem:$0x1A920] =	vst v0  }
0x2b6: {  	v1 =	vld [tilespmem:s9+$0x106C0]  }
0x2b7: {  	v0 =	vld [tilespmem:s9+$0x106D0]  }
0x2b8: {  	v2 =	vld [tilespmem:s9+$0x10680]  }
0x2b9: {  	v6 =	vimm.f32 $0.0e+00;
	v3 =	vld [tilespmem:s9+$0x10690]  }
0x2ba: {  	s21 =	simm.s32 $0x200;
	v7 =	vimm.f32 $0.0e+00;
	v8 =	vimm.f32 $0.0e+00;
	v5 =	vimm.f32 $0.0e+00;
	v4 =	vld [tilespmem:s9+$0x106A0]  }
.LBB2_41:
0x2bb: {  	p1 =	sne.s32 s21, $0x3000;
	v9 =	vld [tilespmem:s9+$0x106B0];
	v10 =	vmov v1  }
0x2bc: {  	v11 =	vld [tilespmem:s9+$0x106E0];
	v12 =	vmov v0  }
0x2bd: {  	v13 =	vld [tilespmem:s9+$0x106F0];
	s9 =	sshra.s32 s21, $0x2  }
.Ltmp19:
0x2be: {  	v1 =	vld [tilespmem:s9+$0x106C0];
	(pc) =	sbr.rel @p1 .LBB2_41-.Ltmp19, $4  }
0x2bf: {  	v5 =	vadd.f32 v2, v5;
	v6 =	vadd.f32 v3, v6;
	v0 =	vld [tilespmem:s9+$0x106D0]  }
0x2c0: {  	v7 =	vadd.f32 v4, v7;
	v2 =	vld [tilespmem:s9+$0x10680];
	v8 =	vadd.f32 v9, v8  }
0x2c1: {  	v5 =	vadd.f32 v10, v5;
	v6 =	vadd.f32 v12, v6;
	v3 =	vld [tilespmem:s9+$0x10690]  }
0x2c2: {  	s21 =	sadd.s32 $0x200, s21;
	v7 =	vadd.f32 v11, v7;
	v4 =	vld [tilespmem:s9+$0x106A0];
	v8 =	vadd.f32 v13, v8  }
0x2c3: {  	v9 =	vld [tilespmem:s9+$0x106B0]  }
0x2c4: {  	v10 =	vld [tilespmem:s9+$0x106E0]  }
0x2c5: {  	v11 =	vld [tilespmem:s9+$0x106F0];
	_ =	sdelay $0x1  }
0x2c6: {  	v2 =	vadd.f32 v2, v5;
	v3 =	vadd.f32 v3, v6  }
0x2c7: {  	v4 =	vadd.f32 v4, v7;
	v5 =	vadd.f32 v9, v8  }
0x2c8: {  	v1 =	vadd.f32 v1, v2;
	v0 =	vadd.f32 v0, v3  }
0x2c9: {  	v2 =	vadd.f32 v10, v4;
	v3 =	vadd.f32 v11, v5;
	_ =	sdelay $0x1  }
0x2ca: {  	v0 =	vadd.f32 v0, v1;
	v1 =	vadd.f32 v3, v2;
	_ =	sdelay $0x1  }
0x2cb: {  	v0 =	vadd.f32 v1, v0;
	_ =	sdelay $0x1  }
0x2cc: {  	s9 =	simm.s32 $0x0;
	[tilespmem:$0x1A930] =	vst v0  }
0x2cd: {  	v1 =	vld [tilespmem:s9+$0x11340]  }
0x2ce: {  	v0 =	vld [tilespmem:s9+$0x11350]  }
0x2cf: {  	v2 =	vld [tilespmem:s9+$0x11300]  }
0x2d0: {  	v6 =	vimm.f32 $0.0e+00;
	v3 =	vld [tilespmem:s9+$0x11310]  }
0x2d1: {  	s21 =	simm.s32 $0x200;
	v7 =	vimm.f32 $0.0e+00;
	v8 =	vimm.f32 $0.0e+00;
	v5 =	vimm.f32 $0.0e+00;
	v4 =	vld [tilespmem:s9+$0x11320]  }
.LBB2_43:
0x2d2: {  	p1 =	sne.s32 s21, $0x3000;
	v9 =	vld [tilespmem:s9+$0x11330];
	v10 =	vmov v1  }
0x2d3: {  	v11 =	vld [tilespmem:s9+$0x11360];
	v12 =	vmov v0  }
0x2d4: {  	v13 =	vld [tilespmem:s9+$0x11370];
	s9 =	sshra.s32 s21, $0x2  }
.Ltmp20:
0x2d5: {  	v1 =	vld [tilespmem:s9+$0x11340];
	(pc) =	sbr.rel @p1 .LBB2_43-.Ltmp20, $4  }
0x2d6: {  	v5 =	vadd.f32 v2, v5;
	v6 =	vadd.f32 v3, v6;
	v0 =	vld [tilespmem:s9+$0x11350]  }
0x2d7: {  	v7 =	vadd.f32 v4, v7;
	v2 =	vld [tilespmem:s9+$0x11300];
	v8 =	vadd.f32 v9, v8  }
0x2d8: {  	v5 =	vadd.f32 v10, v5;
	v6 =	vadd.f32 v12, v6;
	v3 =	vld [tilespmem:s9+$0x11310]  }
0x2d9: {  	s21 =	sadd.s32 $0x200, s21;
	v7 =	vadd.f32 v11, v7;
	v4 =	vld [tilespmem:s9+$0x11320];
	v8 =	vadd.f32 v13, v8  }
0x2da: {  	v9 =	vld [tilespmem:s9+$0x11330]  }
0x2db: {  	v10 =	vld [tilespmem:s9+$0x11360]  }
0x2dc: {  	v11 =	vld [tilespmem:s9+$0x11370];
	_ =	sdelay $0x1  }
0x2dd: {  	v2 =	vadd.f32 v2, v5;
	v3 =	vadd.f32 v3, v6  }
0x2de: {  	v4 =	vadd.f32 v4, v7;
	v5 =	vadd.f32 v9, v8  }
0x2df: {  	v1 =	vadd.f32 v1, v2;
	v0 =	vadd.f32 v0, v3  }
0x2e0: {  	v2 =	vadd.f32 v10, v4;
	v3 =	vadd.f32 v11, v5;
	_ =	sdelay $0x1  }
0x2e1: {  	v0 =	vadd.f32 v0, v1;
	v1 =	vadd.f32 v3, v2;
	_ =	sdelay $0x1  }
0x2e2: {  	v0 =	vadd.f32 v1, v0;
	_ =	sdelay $0x1  }
0x2e3: {  	s9 =	simm.s32 $0x0;
	[tilespmem:$0x1A940] =	vst v0  }
0x2e4: {  	v1 =	vld [tilespmem:s9+$0x11FC0]  }
0x2e5: {  	v0 =	vld [tilespmem:s9+$0x11FD0]  }
0x2e6: {  	v2 =	vld [tilespmem:s9+$0x11F80]  }
0x2e7: {  	v6 =	vimm.f32 $0.0e+00;
	v3 =	vld [tilespmem:s9+$0x11F90]  }
0x2e8: {  	s21 =	simm.s32 $0x200;
	v7 =	vimm.f32 $0.0e+00;
	v8 =	vimm.f32 $0.0e+00;
	v5 =	vimm.f32 $0.0e+00;
	v4 =	vld [tilespmem:s9+$0x11FA0]  }
.LBB2_45:
0x2e9: {  	p1 =	sne.s32 s21, $0x3000;
	v9 =	vld [tilespmem:s9+$0x11FB0];
	v10 =	vmov v1  }
0x2ea: {  	v11 =	vld [tilespmem:s9+$0x11FE0];
	v12 =	vmov v0  }
0x2eb: {  	v13 =	vld [tilespmem:s9+$0x11FF0];
	s9 =	sshra.s32 s21, $0x2  }
.Ltmp21:
0x2ec: {  	v1 =	vld [tilespmem:s9+$0x11FC0];
	(pc) =	sbr.rel @p1 .LBB2_45-.Ltmp21, $4  }
0x2ed: {  	v5 =	vadd.f32 v2, v5;
	v6 =	vadd.f32 v3, v6;
	v0 =	vld [tilespmem:s9+$0x11FD0]  }
0x2ee: {  	v7 =	vadd.f32 v4, v7;
	v2 =	vld [tilespmem:s9+$0x11F80];
	v8 =	vadd.f32 v9, v8  }
0x2ef: {  	v5 =	vadd.f32 v10, v5;
	v6 =	vadd.f32 v12, v6;
	v3 =	vld [tilespmem:s9+$0x11F90]  }
0x2f0: {  	s21 =	sadd.s32 $0x200, s21;
	v7 =	vadd.f32 v11, v7;
	v4 =	vld [tilespmem:s9+$0x11FA0];
	v8 =	vadd.f32 v13, v8  }
0x2f1: {  	v9 =	vld [tilespmem:s9+$0x11FB0]  }
0x2f2: {  	v10 =	vld [tilespmem:s9+$0x11FE0]  }
0x2f3: {  	v11 =	vld [tilespmem:s9+$0x11FF0];
	_ =	sdelay $0x1  }
0x2f4: {  	v2 =	vadd.f32 v2, v5;
	v3 =	vadd.f32 v3, v6  }
0x2f5: {  	v4 =	vadd.f32 v4, v7;
	v5 =	vadd.f32 v9, v8  }
0x2f6: {  	v1 =	vadd.f32 v1, v2;
	v0 =	vadd.f32 v0, v3  }
0x2f7: {  	v2 =	vadd.f32 v10, v4;
	v3 =	vadd.f32 v11, v5;
	_ =	sdelay $0x1  }
0x2f8: {  	v0 =	vadd.f32 v0, v1;
	v1 =	vadd.f32 v3, v2;
	_ =	sdelay $0x1  }
0x2f9: {  	v0 =	vadd.f32 v1, v0;
	_ =	sdelay $0x1  }
0x2fa: {  	s9 =	simm.s32 $0x0;
	[tilespmem:$0x1A950] =	vst v0  }
0x2fb: {  	v1 =	vld [tilespmem:s9+$0x12C40]  }
0x2fc: {  	v0 =	vld [tilespmem:s9+$0x12C50]  }
0x2fd: {  	v2 =	vld [tilespmem:s9+$0x12C00]  }
0x2fe: {  	v6 =	vimm.f32 $0.0e+00;
	v3 =	vld [tilespmem:s9+$0x12C10]  }
0x2ff: {  	s21 =	simm.s32 $0x200;
	v7 =	vimm.f32 $0.0e+00;
	v8 =	vimm.f32 $0.0e+00;
	v5 =	vimm.f32 $0.0e+00;
	v4 =	vld [tilespmem:s9+$0x12C20]  }
.LBB2_47:
0x300: {  	p1 =	sne.s32 s21, $0x3000;
	v9 =	vld [tilespmem:s9+$0x12C30];
	v10 =	vmov v1  }
0x301: {  	v11 =	vld [tilespmem:s9+$0x12C60];
	v12 =	vmov v0  }
0x302: {  	v13 =	vld [tilespmem:s9+$0x12C70];
	s9 =	sshra.s32 s21, $0x2  }
.Ltmp22:
0x303: {  	v1 =	vld [tilespmem:s9+$0x12C40];
	(pc) =	sbr.rel @p1 .LBB2_47-.Ltmp22, $4  }
0x304: {  	v5 =	vadd.f32 v2, v5;
	v6 =	vadd.f32 v3, v6;
	v0 =	vld [tilespmem:s9+$0x12C50]  }
0x305: {  	v7 =	vadd.f32 v4, v7;
	v2 =	vld [tilespmem:s9+$0x12C00];
	v8 =	vadd.f32 v9, v8  }
0x306: {  	v5 =	vadd.f32 v10, v5;
	v6 =	vadd.f32 v12, v6;
	v3 =	vld [tilespmem:s9+$0x12C10]  }
0x307: {  	s21 =	sadd.s32 $0x200, s21;
	v7 =	vadd.f32 v11, v7;
	v4 =	vld [tilespmem:s9+$0x12C20];
	v8 =	vadd.f32 v13, v8  }
0x308: {  	v9 =	vld [tilespmem:s9+$0x12C30]  }
0x309: {  	v10 =	vld [tilespmem:s9+$0x12C60]  }
0x30a: {  	v11 =	vld [tilespmem:s9+$0x12C70];
	_ =	sdelay $0x1  }
0x30b: {  	v2 =	vadd.f32 v2, v5;
	v3 =	vadd.f32 v3, v6  }
0x30c: {  	v4 =	vadd.f32 v4, v7;
	v5 =	vadd.f32 v9, v8  }
0x30d: {  	v1 =	vadd.f32 v1, v2;
	v0 =	vadd.f32 v0, v3  }
0x30e: {  	v2 =	vadd.f32 v10, v4;
	v3 =	vadd.f32 v11, v5;
	_ =	sdelay $0x1  }
0x30f: {  	v0 =	vadd.f32 v0, v1;
	v1 =	vadd.f32 v3, v2;
	_ =	sdelay $0x1  }
0x310: {  	v0 =	vadd.f32 v1, v0;
	_ =	sdelay $0x1  }
0x311: {  	s9 =	simm.s32 $0x0;
	[tilespmem:$0x1A960] =	vst v0  }
0x312: {  	v1 =	vld [tilespmem:s9+$0x138C0]  }
0x313: {  	v0 =	vld [tilespmem:s9+$0x138D0]  }
0x314: {  	v2 =	vld [tilespmem:s9+$0x13880]  }
0x315: {  	v6 =	vimm.f32 $0.0e+00;
	v3 =	vld [tilespmem:s9+$0x13890]  }
0x316: {  	s21 =	simm.s32 $0x200;
	v7 =	vimm.f32 $0.0e+00;
	v8 =	vimm.f32 $0.0e+00;
	v5 =	vimm.f32 $0.0e+00;
	v4 =	vld [tilespmem:s9+$0x138A0]  }
.LBB2_49:
0x317: {  	p1 =	sne.s32 s21, $0x3000;
	v9 =	vld [tilespmem:s9+$0x138B0];
	v10 =	vmov v1  }
0x318: {  	v11 =	vld [tilespmem:s9+$0x138E0];
	v12 =	vmov v0  }
0x319: {  	v13 =	vld [tilespmem:s9+$0x138F0];
	s9 =	sshra.s32 s21, $0x2  }
.Ltmp23:
0x31a: {  	v1 =	vld [tilespmem:s9+$0x138C0];
	(pc) =	sbr.rel @p1 .LBB2_49-.Ltmp23, $4  }
0x31b: {  	v5 =	vadd.f32 v2, v5;
	v6 =	vadd.f32 v3, v6;
	v0 =	vld [tilespmem:s9+$0x138D0]  }
0x31c: {  	v7 =	vadd.f32 v4, v7;
	v2 =	vld [tilespmem:s9+$0x13880];
	v8 =	vadd.f32 v9, v8  }
0x31d: {  	v5 =	vadd.f32 v10, v5;
	v6 =	vadd.f32 v12, v6;
	v3 =	vld [tilespmem:s9+$0x13890]  }
0x31e: {  	s21 =	sadd.s32 $0x200, s21;
	v7 =	vadd.f32 v11, v7;
	v4 =	vld [tilespmem:s9+$0x138A0];
	v8 =	vadd.f32 v13, v8  }
0x31f: {  	v9 =	vld [tilespmem:s9+$0x138B0]  }
0x320: {  	v10 =	vld [tilespmem:s9+$0x138E0]  }
0x321: {  	v11 =	vld [tilespmem:s9+$0x138F0];
	_ =	sdelay $0x1  }
0x322: {  	v2 =	vadd.f32 v2, v5;
	v3 =	vadd.f32 v3, v6  }
0x323: {  	v4 =	vadd.f32 v4, v7;
	v5 =	vadd.f32 v9, v8  }
0x324: {  	v1 =	vadd.f32 v1, v2;
	v0 =	vadd.f32 v0, v3  }
0x325: {  	v2 =	vadd.f32 v10, v4;
	v3 =	vadd.f32 v11, v5;
	_ =	sdelay $0x1  }
0x326: {  	v0 =	vadd.f32 v0, v1;
	v1 =	vadd.f32 v3, v2;
	_ =	sdelay $0x1  }
0x327: {  	s30 =	sadd.s32 $0x20, s30;
	v0 =	vadd.f32 v1, v0  }
0x328: {  	s9 =	sand.u32 $0x1FFFFFE0, s30  }
0x329: {  	s0 =	sadd.s32 @!p0 s0, s15;
	s9 =	sadd.s32 s1, s9;
	[tilespmem:$0x1A970] =	vst v0  }
0x32a: {  	[hbm4b:s9+s3] =	stream.linear.scatter [tilespmem:s20], [sflag:$0x5], $0x80, $0x38;
	[tilespmem:$0x1CB80] =	vst v63  }
0x32b: {  	s0 =	smul.u32 @!p0 $0x19, s0;
	_ =	swait.ge [sflag:s18], $0x80  }
0x32c: {  	s21 =	simm.s32 @!p0 $0xC80;
	[sflag:s18] =	ssyncset.done $0x0  }
0x32d: {  	s0 =	sadd.s32 @!p0 s4, s0;
	s9 =	simm.s32 @!p0 $0x0;
	[sflag:s18] =	ssyncadd.s32 $0xFFFFFF80  }
0x32e: {  	[tilespmem:s21], [sflag:$0x5] =	stream.linear.gather @!p0 [hbm4b:s0+s9], $0x640, $0x38;
	[tilespmem:$0x1CB80] =	vst v63  }
0x32f: {  	s0 =	simm.s32 @!p0 $0x5  }
0x330: {  	_ =	swait.ge @!p0 [sflag:s0], $0x640  }
0x331: {  	[sflag:s0] =	ssyncset.done @!p0 $0x0  }
0x332: {  	s9 =	simm.s32 @!p0 $0xE100;
	[sflag:s0] =	ssyncadd.s32 @!p0 $0xFFFFF9C0;
	s0 =	simm.s32 @!p0 $0x80  }
0x333: {  	[tilespmem:s9], [sflag:$0x3] =	stream.indirect.gather @!p0 [hbm4b:s5+s0], $0x10, s21, s0, $0xb8;
	[tilespmem:$0x1CB80] =	vst v63  }
0x334: {  	s9 =	simm.s32 @!p0 $0xD00;
	s21 =	simm.s32 @!p0 $0xE900  }
0x335: {  	[tilespmem:s21], [sflag:$0x3] =	stream.indirect.gather @!p0 [hbm4b:s5+s0], $0x10, s9, s0, $0xb8;
	[tilespmem:$0x1CB80] =	vst v63  }
0x336: {  	s9 =	simm.s32 @!p0 $0xD80;
	s21 =	simm.s32 @!p0 $0xF100  }
0x337: {  	[tilespmem:s21], [sflag:$0x3] =	stream.indirect.gather @!p0 [hbm4b:s5+s0], $0x10, s9, s0, $0xb8;
	[tilespmem:$0x1CB80] =	vst v63  }
0x338: {  	s9 =	simm.s32 @!p0 $0xE00;
	s21 =	simm.s32 @!p0 $0xF900  }
0x339: {  	[tilespmem:s21], [sflag:$0x3] =	stream.indirect.gather @!p0 [hbm4b:s5+s0], $0x10, s9, s0, $0xb8;
	[tilespmem:$0x1CB80] =	vst v63  }
0x33a: {  	s9 =	simm.s32 @!p0 $0xE80;
	s21 =	simm.s32 @!p0 $0x10100  }
0x33b: {  	[tilespmem:s21], [sflag:$0x3] =	stream.indirect.gather @!p0 [hbm4b:s5+s0], $0x10, s9, s0, $0xb8;
	[tilespmem:$0x1CB80] =	vst v63  }
0x33c: {  	s9 =	simm.s32 @!p0 $0xF00;
	s21 =	simm.s32 @!p0 $0x10900  }
0x33d: {  	[tilespmem:s21], [sflag:$0x3] =	stream.indirect.gather @!p0 [hbm4b:s5+s0], $0x10, s9, s0, $0xb8;
	[tilespmem:$0x1CB80] =	vst v63  }
0x33e: {  	s9 =	simm.s32 @!p0 $0xF80;
	s21 =	simm.s32 @!p0 $0x11100  }
0x33f: {  	[tilespmem:s21], [sflag:$0x3] =	stream.indirect.gather @!p0 [hbm4b:s5+s0], $0x10, s9, s0, $0xb8;
	[tilespmem:$0x1CB80] =	vst v63  }
0x340: {  	s9 =	simm.s32 @!p0 $0x1000;
	s21 =	simm.s32 @!p0 $0x11900  }
0x341: {  	[tilespmem:s21], [sflag:$0x3] =	stream.indirect.gather @!p0 [hbm4b:s5+s0], $0x10, s9, s0, $0xb8;
	[tilespmem:$0x1CB80] =	vst v63  }
0x342: {  	s9 =	simm.s32 @!p0 $0x1080;
	s21 =	simm.s32 @!p0 $0x12100  }
0x343: {  	[tilespmem:s21], [sflag:$0x3] =	stream.indirect.gather @!p0 [hbm4b:s5+s0], $0x10, s9, s0, $0xb8;
	[tilespmem:$0x1CB80] =	vst v63  }
0x344: {  	s9 =	simm.s32 @!p0 $0x1100;
	s21 =	simm.s32 @!p0 $0x12900  }
0x345: {  	[tilespmem:s21], [sflag:$0x3] =	stream.indirect.gather @!p0 [hbm4b:s5+s0], $0x10, s9, s0, $0xb8;
	[tilespmem:$0x1CB80] =	vst v63  }
0x346: {  	s9 =	simm.s32 @!p0 $0x1180;
	s21 =	simm.s32 @!p0 $0x13100  }
0x347: {  	[tilespmem:s21], [sflag:$0x3] =	stream.indirect.gather @!p0 [hbm4b:s5+s0], $0x10, s9, s0, $0xb8;
	[tilespmem:$0x1CB80] =	vst v63  }
0x348: {  	s9 =	simm.s32 @!p0 $0x1200;
	s21 =	simm.s32 @!p0 $0x13900  }
0x349: {  	[tilespmem:s21], [sflag:$0x3] =	stream.indirect.gather @!p0 [hbm4b:s5+s0], $0x10, s9, s0, $0xb8;
	[tilespmem:$0x1CB80] =	vst v63  }
0x34a: {  	s0 =	simm.s32 @!p0 $0x40;
	s9 =	simm.s32 @!p0 $0x1280;
	s21 =	simm.s32 @!p0 $0x14100  }
0x34b: {  	[tilespmem:s21], [sflag:$0x3] =	stream.indirect.gather @!p0 [hbm4b:s5+s0], $0x10, s9, s0, $0xb8;
	[tilespmem:$0x1CB80] =	vst v63  }
0x34c: {  	_ =	swait.ge [sflag:s10], $0x6400  }
0x34d: {  	[sflag:s10] =	ssyncset.done $0x0  }
0x34e: {  	s0 =	simm.s32 $0x0;
	[sflag:s10] =	ssyncadd.s32 $0xFFFF9C00  }
0x34f: {  	v1 =	vld [tilespmem:s0+$0x14540]  }
0x350: {  	v0 =	vld [tilespmem:s0+$0x14550]  }
0x351: {  	v2 =	vld [tilespmem:s0+$0x14500]  }
0x352: {  	v6 =	vimm.f32 $0.0e+00;
	v3 =	vld [tilespmem:s0+$0x14510]  }
0x353: {  	v7 =	vimm.f32 $0.0e+00;
	v8 =	vimm.f32 $0.0e+00;
	v5 =	vimm.f32 $0.0e+00;
	s9 =	simm.s32 $0x200;
	v4 =	vld [tilespmem:s0+$0x14520]  }
.LBB2_51:
0x354: {  	p0 =	sne.s32 s9, $0x3000;
	v9 =	vld [tilespmem:s0+$0x14530];
	v10 =	vmov v1  }
0x355: {  	v11 =	vld [tilespmem:s0+$0x14560];
	v12 =	vmov v0  }
0x356: {  	v13 =	vld [tilespmem:s0+$0x14570];
	s0 =	sshra.s32 s9, $0x2  }
.Ltmp24:
0x357: {  	v1 =	vld [tilespmem:s0+$0x14540];
	(pc) =	sbr.rel @p0 .LBB2_51-.Ltmp24, $4  }
0x358: {  	v5 =	vadd.f32 v2, v5;
	v6 =	vadd.f32 v3, v6;
	v0 =	vld [tilespmem:s0+$0x14550]  }
0x359: {  	v7 =	vadd.f32 v4, v7;
	v2 =	vld [tilespmem:s0+$0x14500];
	v8 =	vadd.f32 v9, v8  }
0x35a: {  	v5 =	vadd.f32 v10, v5;
	v6 =	vadd.f32 v12, v6;
	v3 =	vld [tilespmem:s0+$0x14510]  }
0x35b: {  	s9 =	sadd.s32 $0x200, s9;
	v7 =	vadd.f32 v11, v7;
	v4 =	vld [tilespmem:s0+$0x14520];
	v8 =	vadd.f32 v13, v8  }
0x35c: {  	v9 =	vld [tilespmem:s0+$0x14530]  }
0x35d: {  	v10 =	vld [tilespmem:s0+$0x14560]  }
0x35e: {  	v11 =	vld [tilespmem:s0+$0x14570];
	_ =	sdelay $0x1  }
0x35f: {  	v2 =	vadd.f32 v2, v5;
	v3 =	vadd.f32 v3, v6  }
0x360: {  	v4 =	vadd.f32 v4, v7;
	v5 =	vadd.f32 v9, v8  }
0x361: {  	v1 =	vadd.f32 v1, v2;
	v0 =	vadd.f32 v0, v3  }
0x362: {  	v2 =	vadd.f32 v10, v4;
	v3 =	vadd.f32 v11, v5;
	_ =	sdelay $0x1  }
0x363: {  	v0 =	vadd.f32 v0, v1;
	v1 =	vadd.f32 v3, v2;
	_ =	sdelay $0x1  }
0x364: {  	v0 =	vadd.f32 v1, v0;
	_ =	sdelay $0x1  }
0x365: {  	s0 =	simm.s32 $0x0;
	[tilespmem:$0x1A900] =	vst v0  }
0x366: {  	v1 =	vld [tilespmem:s0+$0x151C0]  }
0x367: {  	v0 =	vld [tilespmem:s0+$0x151D0]  }
0x368: {  	v2 =	vld [tilespmem:s0+$0x15180]  }
0x369: {  	v6 =	vimm.f32 $0.0e+00;
	v3 =	vld [tilespmem:s0+$0x15190]  }
0x36a: {  	s9 =	simm.s32 $0x200;
	v7 =	vimm.f32 $0.0e+00;
	v8 =	vimm.f32 $0.0e+00;
	v5 =	vimm.f32 $0.0e+00;
	v4 =	vld [tilespmem:s0+$0x151A0]  }
.LBB2_53:
0x36b: {  	p0 =	sne.s32 s9, $0x3000;
	v9 =	vld [tilespmem:s0+$0x151B0];
	v10 =	vmov v1  }
0x36c: {  	v11 =	vld [tilespmem:s0+$0x151E0];
	v12 =	vmov v0  }
0x36d: {  	v13 =	vld [tilespmem:s0+$0x151F0];
	s0 =	sshra.s32 s9, $0x2  }
.Ltmp25:
0x36e: {  	v1 =	vld [tilespmem:s0+$0x151C0];
	(pc) =	sbr.rel @p0 .LBB2_53-.Ltmp25, $4  }
0x36f: {  	v5 =	vadd.f32 v2, v5;
	v6 =	vadd.f32 v3, v6;
	v0 =	vld [tilespmem:s0+$0x151D0]  }
0x370: {  	v7 =	vadd.f32 v4, v7;
	v2 =	vld [tilespmem:s0+$0x15180];
	v8 =	vadd.f32 v9, v8  }
0x371: {  	v5 =	vadd.f32 v10, v5;
	v6 =	vadd.f32 v12, v6;
	v3 =	vld [tilespmem:s0+$0x15190]  }
0x372: {  	s9 =	sadd.s32 $0x200, s9;
	v7 =	vadd.f32 v11, v7;
	v4 =	vld [tilespmem:s0+$0x151A0];
	v8 =	vadd.f32 v13, v8  }
0x373: {  	v9 =	vld [tilespmem:s0+$0x151B0]  }
0x374: {  	v10 =	vld [tilespmem:s0+$0x151E0]  }
0x375: {  	v11 =	vld [tilespmem:s0+$0x151F0];
	_ =	sdelay $0x1  }
0x376: {  	v2 =	vadd.f32 v2, v5;
	v3 =	vadd.f32 v3, v6  }
0x377: {  	v4 =	vadd.f32 v4, v7;
	v5 =	vadd.f32 v9, v8  }
0x378: {  	v1 =	vadd.f32 v1, v2;
	v0 =	vadd.f32 v0, v3  }
0x379: {  	v2 =	vadd.f32 v10, v4;
	v3 =	vadd.f32 v11, v5;
	_ =	sdelay $0x1  }
0x37a: {  	v0 =	vadd.f32 v0, v1;
	v1 =	vadd.f32 v3, v2;
	_ =	sdelay $0x1  }
0x37b: {  	v0 =	vadd.f32 v1, v0;
	_ =	sdelay $0x1  }
0x37c: {  	s0 =	simm.s32 $0x0;
	[tilespmem:$0x1A910] =	vst v0  }
0x37d: {  	v1 =	vld [tilespmem:s0+$0x15E40]  }
0x37e: {  	v0 =	vld [tilespmem:s0+$0x15E50]  }
0x37f: {  	v2 =	vld [tilespmem:s0+$0x15E00]  }
0x380: {  	v6 =	vimm.f32 $0.0e+00;
	v3 =	vld [tilespmem:s0+$0x15E10]  }
0x381: {  	s9 =	simm.s32 $0x200;
	v7 =	vimm.f32 $0.0e+00;
	v8 =	vimm.f32 $0.0e+00;
	v5 =	vimm.f32 $0.0e+00;
	v4 =	vld [tilespmem:s0+$0x15E20]  }
.LBB2_55:
0x382: {  	p0 =	sne.s32 s9, $0x3000;
	v9 =	vld [tilespmem:s0+$0x15E30];
	v10 =	vmov v1  }
0x383: {  	v11 =	vld [tilespmem:s0+$0x15E60];
	v12 =	vmov v0  }
0x384: {  	v13 =	vld [tilespmem:s0+$0x15E70];
	s0 =	sshra.s32 s9, $0x2  }
.Ltmp26:
0x385: {  	v1 =	vld [tilespmem:s0+$0x15E40];
	(pc) =	sbr.rel @p0 .LBB2_55-.Ltmp26, $4  }
0x386: {  	v5 =	vadd.f32 v2, v5;
	v6 =	vadd.f32 v3, v6;
	v0 =	vld [tilespmem:s0+$0x15E50]  }
0x387: {  	v7 =	vadd.f32 v4, v7;
	v2 =	vld [tilespmem:s0+$0x15E00];
	v8 =	vadd.f32 v9, v8  }
0x388: {  	v5 =	vadd.f32 v10, v5;
	v6 =	vadd.f32 v12, v6;
	v3 =	vld [tilespmem:s0+$0x15E10]  }
0x389: {  	s9 =	sadd.s32 $0x200, s9;
	v7 =	vadd.f32 v11, v7;
	v4 =	vld [tilespmem:s0+$0x15E20];
	v8 =	vadd.f32 v13, v8  }
0x38a: {  	v9 =	vld [tilespmem:s0+$0x15E30]  }
0x38b: {  	v10 =	vld [tilespmem:s0+$0x15E60]  }
0x38c: {  	v11 =	vld [tilespmem:s0+$0x15E70];
	_ =	sdelay $0x1  }
0x38d: {  	v2 =	vadd.f32 v2, v5;
	v3 =	vadd.f32 v3, v6  }
0x38e: {  	v4 =	vadd.f32 v4, v7;
	v5 =	vadd.f32 v9, v8  }
0x38f: {  	v1 =	vadd.f32 v1, v2;
	v0 =	vadd.f32 v0, v3  }
0x390: {  	v2 =	vadd.f32 v10, v4;
	v3 =	vadd.f32 v11, v5;
	_ =	sdelay $0x1  }
0x391: {  	v0 =	vadd.f32 v0, v1;
	v1 =	vadd.f32 v3, v2;
	_ =	sdelay $0x1  }
0x392: {  	v0 =	vadd.f32 v1, v0;
	_ =	sdelay $0x1  }
0x393: {  	s0 =	simm.s32 $0x0;
	[tilespmem:$0x1A920] =	vst v0  }
0x394: {  	v1 =	vld [tilespmem:s0+$0x16AC0]  }
0x395: {  	v0 =	vld [tilespmem:s0+$0x16AD0]  }
0x396: {  	v2 =	vld [tilespmem:s0+$0x16A80]  }
0x397: {  	v6 =	vimm.f32 $0.0e+00;
	v3 =	vld [tilespmem:s0+$0x16A90]  }
0x398: {  	s9 =	simm.s32 $0x200;
	v7 =	vimm.f32 $0.0e+00;
	v8 =	vimm.f32 $0.0e+00;
	v5 =	vimm.f32 $0.0e+00;
	v4 =	vld [tilespmem:s0+$0x16AA0]  }
.LBB2_57:
0x399: {  	p0 =	sne.s32 s9, $0x3000;
	v9 =	vld [tilespmem:s0+$0x16AB0];
	v10 =	vmov v1  }
0x39a: {  	v11 =	vld [tilespmem:s0+$0x16AE0];
	v12 =	vmov v0  }
0x39b: {  	v13 =	vld [tilespmem:s0+$0x16AF0];
	s0 =	sshra.s32 s9, $0x2  }
.Ltmp27:
0x39c: {  	v1 =	vld [tilespmem:s0+$0x16AC0];
	(pc) =	sbr.rel @p0 .LBB2_57-.Ltmp27, $4  }
0x39d: {  	v5 =	vadd.f32 v2, v5;
	v6 =	vadd.f32 v3, v6;
	v0 =	vld [tilespmem:s0+$0x16AD0]  }
0x39e: {  	v7 =	vadd.f32 v4, v7;
	v2 =	vld [tilespmem:s0+$0x16A80];
	v8 =	vadd.f32 v9, v8  }
0x39f: {  	v5 =	vadd.f32 v10, v5;
	v6 =	vadd.f32 v12, v6;
	v3 =	vld [tilespmem:s0+$0x16A90]  }
0x3a0: {  	s9 =	sadd.s32 $0x200, s9;
	v7 =	vadd.f32 v11, v7;
	v4 =	vld [tilespmem:s0+$0x16AA0];
	v8 =	vadd.f32 v13, v8  }
0x3a1: {  	v9 =	vld [tilespmem:s0+$0x16AB0]  }
0x3a2: {  	v10 =	vld [tilespmem:s0+$0x16AE0]  }
0x3a3: {  	v11 =	vld [tilespmem:s0+$0x16AF0];
	_ =	sdelay $0x1  }
0x3a4: {  	v2 =	vadd.f32 v2, v5;
	v3 =	vadd.f32 v3, v6  }
0x3a5: {  	v4 =	vadd.f32 v4, v7;
	v5 =	vadd.f32 v9, v8  }
0x3a6: {  	v1 =	vadd.f32 v1, v2;
	v0 =	vadd.f32 v0, v3  }
0x3a7: {  	v2 =	vadd.f32 v10, v4;
	v3 =	vadd.f32 v11, v5;
	_ =	sdelay $0x1  }
0x3a8: {  	v0 =	vadd.f32 v0, v1;
	v1 =	vadd.f32 v3, v2;
	_ =	sdelay $0x1  }
0x3a9: {  	v0 =	vadd.f32 v1, v0;
	_ =	sdelay $0x1  }
0x3aa: {  	s0 =	simm.s32 $0x0;
	[tilespmem:$0x1A930] =	vst v0  }
0x3ab: {  	v1 =	vld [tilespmem:s0+$0x17740]  }
0x3ac: {  	v0 =	vld [tilespmem:s0+$0x17750]  }
0x3ad: {  	v2 =	vld [tilespmem:s0+$0x17700]  }
0x3ae: {  	v6 =	vimm.f32 $0.0e+00;
	v3 =	vld [tilespmem:s0+$0x17710]  }
0x3af: {  	s9 =	simm.s32 $0x200;
	v7 =	vimm.f32 $0.0e+00;
	v8 =	vimm.f32 $0.0e+00;
	v5 =	vimm.f32 $0.0e+00;
	v4 =	vld [tilespmem:s0+$0x17720]  }
.LBB2_59:
0x3b0: {  	p0 =	sne.s32 s9, $0x3000;
	v9 =	vld [tilespmem:s0+$0x17730];
	v10 =	vmov v1  }
0x3b1: {  	v11 =	vld [tilespmem:s0+$0x17760];
	v12 =	vmov v0  }
0x3b2: {  	v13 =	vld [tilespmem:s0+$0x17770];
	s0 =	sshra.s32 s9, $0x2  }
.Ltmp28:
0x3b3: {  	v1 =	vld [tilespmem:s0+$0x17740];
	(pc) =	sbr.rel @p0 .LBB2_59-.Ltmp28, $4  }
0x3b4: {  	v5 =	vadd.f32 v2, v5;
	v6 =	vadd.f32 v3, v6;
	v0 =	vld [tilespmem:s0+$0x17750]  }
0x3b5: {  	v7 =	vadd.f32 v4, v7;
	v2 =	vld [tilespmem:s0+$0x17700];
	v8 =	vadd.f32 v9, v8  }
0x3b6: {  	v5 =	vadd.f32 v10, v5;
	v6 =	vadd.f32 v12, v6;
	v3 =	vld [tilespmem:s0+$0x17710]  }
0x3b7: {  	s9 =	sadd.s32 $0x200, s9;
	v7 =	vadd.f32 v11, v7;
	v4 =	vld [tilespmem:s0+$0x17720];
	v8 =	vadd.f32 v13, v8  }
0x3b8: {  	v9 =	vld [tilespmem:s0+$0x17730]  }
0x3b9: {  	v10 =	vld [tilespmem:s0+$0x17760]  }
0x3ba: {  	v11 =	vld [tilespmem:s0+$0x17770];
	_ =	sdelay $0x1  }
0x3bb: {  	v2 =	vadd.f32 v2, v5;
	v3 =	vadd.f32 v3, v6  }
0x3bc: {  	v4 =	vadd.f32 v4, v7;
	v5 =	vadd.f32 v9, v8  }
0x3bd: {  	v1 =	vadd.f32 v1, v2;
	v0 =	vadd.f32 v0, v3  }
0x3be: {  	v2 =	vadd.f32 v10, v4;
	v3 =	vadd.f32 v11, v5;
	_ =	sdelay $0x1  }
0x3bf: {  	v0 =	vadd.f32 v0, v1;
	v1 =	vadd.f32 v3, v2;
	_ =	sdelay $0x1  }
0x3c0: {  	v0 =	vadd.f32 v1, v0;
	_ =	sdelay $0x1  }
0x3c1: {  	s0 =	simm.s32 $0x0;
	[tilespmem:$0x1A940] =	vst v0  }
0x3c2: {  	v1 =	vld [tilespmem:s0+$0x183C0]  }
0x3c3: {  	v0 =	vld [tilespmem:s0+$0x183D0]  }
0x3c4: {  	v2 =	vld [tilespmem:s0+$0x18380]  }
0x3c5: {  	v6 =	vimm.f32 $0.0e+00;
	v3 =	vld [tilespmem:s0+$0x18390]  }
0x3c6: {  	s9 =	simm.s32 $0x200;
	v7 =	vimm.f32 $0.0e+00;
	v8 =	vimm.f32 $0.0e+00;
	v5 =	vimm.f32 $0.0e+00;
	v4 =	vld [tilespmem:s0+$0x183A0]  }
.LBB2_61:
0x3c7: {  	p0 =	sne.s32 s9, $0x3000;
	v9 =	vld [tilespmem:s0+$0x183B0];
	v10 =	vmov v1  }
0x3c8: {  	v11 =	vld [tilespmem:s0+$0x183E0];
	v12 =	vmov v0  }
0x3c9: {  	v13 =	vld [tilespmem:s0+$0x183F0];
	s0 =	sshra.s32 s9, $0x2  }
.Ltmp29:
0x3ca: {  	v1 =	vld [tilespmem:s0+$0x183C0];
	(pc) =	sbr.rel @p0 .LBB2_61-.Ltmp29, $4  }
0x3cb: {  	v5 =	vadd.f32 v2, v5;
	v6 =	vadd.f32 v3, v6;
	v0 =	vld [tilespmem:s0+$0x183D0]  }
0x3cc: {  	v7 =	vadd.f32 v4, v7;
	v2 =	vld [tilespmem:s0+$0x18380];
	v8 =	vadd.f32 v9, v8  }
0x3cd: {  	v5 =	vadd.f32 v10, v5;
	v6 =	vadd.f32 v12, v6;
	v3 =	vld [tilespmem:s0+$0x18390]  }
0x3ce: {  	s9 =	sadd.s32 $0x200, s9;
	v7 =	vadd.f32 v11, v7;
	v4 =	vld [tilespmem:s0+$0x183A0];
	v8 =	vadd.f32 v13, v8  }
0x3cf: {  	v9 =	vld [tilespmem:s0+$0x183B0]  }
0x3d0: {  	v10 =	vld [tilespmem:s0+$0x183E0]  }
0x3d1: {  	v11 =	vld [tilespmem:s0+$0x183F0];
	_ =	sdelay $0x1  }
0x3d2: {  	v2 =	vadd.f32 v2, v5;
	v3 =	vadd.f32 v3, v6  }
0x3d3: {  	v4 =	vadd.f32 v4, v7;
	v5 =	vadd.f32 v9, v8  }
0x3d4: {  	v1 =	vadd.f32 v1, v2;
	v0 =	vadd.f32 v0, v3  }
0x3d5: {  	v2 =	vadd.f32 v10, v4;
	v3 =	vadd.f32 v11, v5;
	_ =	sdelay $0x1  }
0x3d6: {  	v0 =	vadd.f32 v0, v1;
	v1 =	vadd.f32 v3, v2;
	_ =	sdelay $0x1  }
0x3d7: {  	v0 =	vadd.f32 v1, v0;
	_ =	sdelay $0x1  }
0x3d8: {  	s0 =	simm.s32 $0x0;
	[tilespmem:$0x1A950] =	vst v0  }
0x3d9: {  	v1 =	vld [tilespmem:s0+$0x19040]  }
0x3da: {  	v0 =	vld [tilespmem:s0+$0x19050]  }
0x3db: {  	v2 =	vld [tilespmem:s0+$0x19000]  }
0x3dc: {  	v6 =	vimm.f32 $0.0e+00;
	v3 =	vld [tilespmem:s0+$0x19010]  }
0x3dd: {  	s9 =	simm.s32 $0x200;
	v7 =	vimm.f32 $0.0e+00;
	v8 =	vimm.f32 $0.0e+00;
	v5 =	vimm.f32 $0.0e+00;
	v4 =	vld [tilespmem:s0+$0x19020]  }
.LBB2_63:
0x3de: {  	p0 =	sne.s32 s9, $0x3000;
	v9 =	vld [tilespmem:s0+$0x19030];
	v10 =	vmov v1  }
0x3df: {  	v11 =	vld [tilespmem:s0+$0x19060];
	v12 =	vmov v0  }
0x3e0: {  	v13 =	vld [tilespmem:s0+$0x19070];
	s0 =	sshra.s32 s9, $0x2  }
.Ltmp30:
0x3e1: {  	v1 =	vld [tilespmem:s0+$0x19040];
	(pc) =	sbr.rel @p0 .LBB2_63-.Ltmp30, $4  }
0x3e2: {  	v5 =	vadd.f32 v2, v5;
	v6 =	vadd.f32 v3, v6;
	v0 =	vld [tilespmem:s0+$0x19050]  }
0x3e3: {  	v7 =	vadd.f32 v4, v7;
	v2 =	vld [tilespmem:s0+$0x19000];
	v8 =	vadd.f32 v9, v8  }
0x3e4: {  	v5 =	vadd.f32 v10, v5;
	v6 =	vadd.f32 v12, v6;
	v3 =	vld [tilespmem:s0+$0x19010]  }
0x3e5: {  	s9 =	sadd.s32 $0x200, s9;
	v7 =	vadd.f32 v11, v7;
	v4 =	vld [tilespmem:s0+$0x19020];
	v8 =	vadd.f32 v13, v8  }
0x3e6: {  	v9 =	vld [tilespmem:s0+$0x19030]  }
0x3e7: {  	v10 =	vld [tilespmem:s0+$0x19060]  }
0x3e8: {  	v11 =	vld [tilespmem:s0+$0x19070];
	_ =	sdelay $0x1  }
0x3e9: {  	v2 =	vadd.f32 v2, v5;
	v3 =	vadd.f32 v3, v6  }
0x3ea: {  	v4 =	vadd.f32 v4, v7;
	v5 =	vadd.f32 v9, v8  }
0x3eb: {  	v1 =	vadd.f32 v1, v2;
	v0 =	vadd.f32 v0, v3  }
0x3ec: {  	v2 =	vadd.f32 v10, v4;
	v3 =	vadd.f32 v11, v5;
	_ =	sdelay $0x1  }
0x3ed: {  	v0 =	vadd.f32 v0, v1;
	v1 =	vadd.f32 v3, v2;
	_ =	sdelay $0x1  }
0x3ee: {  	v0 =	vadd.f32 v1, v0;
	_ =	sdelay $0x1  }
0x3ef: {  	s0 =	simm.s32 $0x0;
	[tilespmem:$0x1A960] =	vst v0  }
0x3f0: {  	v1 =	vld [tilespmem:s0+$0x19CC0]  }
0x3f1: {  	v0 =	vld [tilespmem:s0+$0x19CD0]  }
0x3f2: {  	v2 =	vld [tilespmem:s0+$0x19C80]  }
0x3f3: {  	v6 =	vimm.f32 $0.0e+00;
	v3 =	vld [tilespmem:s0+$0x19C90]  }
0x3f4: {  	s9 =	simm.s32 $0x200;
	v7 =	vimm.f32 $0.0e+00;
	v8 =	vimm.f32 $0.0e+00;
	v5 =	vimm.f32 $0.0e+00;
	v4 =	vld [tilespmem:s0+$0x19CA0]  }
.LBB2_65:
0x3f5: {  	p0 =	sne.s32 s9, $0x3000;
	v9 =	vld [tilespmem:s0+$0x19CB0];
	v10 =	vmov v1  }
0x3f6: {  	v11 =	vld [tilespmem:s0+$0x19CE0];
	v12 =	vmov v0  }
0x3f7: {  	v13 =	vld [tilespmem:s0+$0x19CF0];
	s0 =	sshra.s32 s9, $0x2  }
.Ltmp31:
0x3f8: {  	v1 =	vld [tilespmem:s0+$0x19CC0];
	(pc) =	sbr.rel @p0 .LBB2_65-.Ltmp31, $4  }
0x3f9: {  	v5 =	vadd.f32 v2, v5;
	v6 =	vadd.f32 v3, v6;
	v0 =	vld [tilespmem:s0+$0x19CD0]  }
0x3fa: {  	v7 =	vadd.f32 v4, v7;
	v2 =	vld [tilespmem:s0+$0x19C80];
	v8 =	vadd.f32 v9, v8  }
0x3fb: {  	v5 =	vadd.f32 v10, v5;
	v6 =	vadd.f32 v12, v6;
	v3 =	vld [tilespmem:s0+$0x19C90]  }
0x3fc: {  	s9 =	sadd.s32 $0x200, s9;
	v7 =	vadd.f32 v11, v7;
	v4 =	vld [tilespmem:s0+$0x19CA0];
	v8 =	vadd.f32 v13, v8  }
0x3fd: {  	v9 =	vld [tilespmem:s0+$0x19CB0]  }
0x3fe: {  	v10 =	vld [tilespmem:s0+$0x19CE0]  }
0x3ff: {  	v11 =	vld [tilespmem:s0+$0x19CF0];
	_ =	sdelay $0x1  }
0x400: {  	v2 =	vadd.f32 v2, v5;
	v3 =	vadd.f32 v3, v6  }
0x401: {  	v4 =	vadd.f32 v4, v7;
	v60 =	vadd.f32 v9, v8  }
0x402: {  	v1 =	vadd.f32 v1, v2;
	v0 =	vadd.f32 v0, v3  }
0x403: {  	v61 =	vadd.f32 v10, v4;
	v62 =	vadd.f32 v11, v60;
	_ =	sdelay $0x1  }
0x404: {  	v0 =	vadd.f32 v0, v1;
	v63 =	vadd.f32 v62, v61;
	_ =	sdelay $0x1  }
0x405: {  	s11 =	sadd.s32 $0x1, s11;
	v0 =	vadd.f32 v63, v0  }
0x406: {  	s30 =	sshll.u32 s16, $0x4;
	p0 =	sne.s32 s11, $0x10  }
.Ltmp32:
0x407: {  	s0 =	sadd.s32 s30, s12;
	[tilespmem:$0x1A970] =	vst v0;
	(pc) =	sbr.rel @p0 .LBB2_2-.Ltmp32, $4  }
0x408: {  	[hbm4b:s0+s3] =	stream.linear.scatter [tilespmem:s20], [sflag:$0x5], $0x80, $0x38;
	[tilespmem:$0x1CB80] =	vst v63  }
0x409: {  	_ =	swait.ge [sflag:s18], $0x80  }
0x40a: {  	[sflag:s18] =	ssyncset.done $0x0  }
0x40b: {  	[sflag:s18] =	ssyncadd.s32 $0xFFFFFF80  }
0x40c: {  	s9 =	rddreg [dreg:$0xb]  }
0x40d: {  	s0 =	rddreg [dreg:$0xa];
	s9 =	sadd.s32 $0x1, s9  }
0x40e: {  	p0 =	sne.s32 s9, s0  }
.Ltmp33:
0x40f: {  	_ = 	snop;
	(pc) =	sbr.rel @p0 .LBB2_1-.Ltmp33, $1  }
0x410: {  	_ =	sdelay $0x3  }
0x411: {  	_ =	sfence.sel $0x180000  }
0x412: {  	[bflag:$0x0] =	sbarrier.arrive $0xFFFF  }
0x413: {  	_ =	strace $0x9000004A  }
0x414: {  	s0 =	stileid.u32;
	[bflag:$0x2] =	sbarrier.arrive $0xFFFF  }
0x415: {  	p0 =	sne.s32 s0, $0x0;
	s0 =	rddreg [dreg:$0x4]  }
0x416: {  	s0 =	sadd.s32 @!p0 $0x100000, s0  }
0x417: {  	[sflag:s0] =	ssyncadd.tile.s32 @!p0 $0x1;
	_ =	shalt  }
.Lfunc_end2:
_tile_overlayer_lowered:
.L_overlay_start_2:
0x418: {  	(tag) =	ssettag $0x2  }
0x419: {  	s0 =	rddreg [dreg:$0x0];
	s2 =	stileid.u32  }
0x41a: {  	s1 =	rddreg [dreg:$0x1];
	p0 =	sne.s32 s2, $0x0  }
0x41b: {  	s3 =	rddreg [dreg:$0x2];
	[bflag:$0x3] =	sbarrier.arrive $0xFFFF;
	s2 =	simm.s32 @!p0 $0x1C05  }
0x41c: {  	[timem:s3], [sflag:s2] =	dma.local @!p0 [hbm:s0], s1  }
0x41d: {  	s0 =	simm.s32 @!p0 $0x5  }
0x41e: {  	_ =	swait.ge @!p0 [sflag:s0], s1  }
0x41f: {  	s1 =	ssub.s32 @!p0 $0x0, s1;
	[sflag:s0] =	ssyncset.done @!p0 $0x0  }
0x420: {  	[sflag:s0] =	ssyncadd.s32 @!p0 s1  }
0x421: {  	[bflag:$0x3] =	sbarrier.arrive $0xFFFF  }
0x422: {  	_ =	shalt  }

</sc_bundles>
